<compile_context>
chip_gen: v7x
topology: tpu7x:2x2x1
jax: 0.10.2.dev20260603
libtpu: 0.0.44.dev20260713+nightly
codegen_flags: <defaults>
</compile_context>

<pallas_src>
import functools

import jax
import jax.numpy as jnp
from jax import lax
from jax.experimental import pallas as pl
from jax.experimental.pallas import tpu as pltpu
from jax.experimental.pallas import tpu_sc as plsc

N, E, H = 2048, 16384, 64
W128 = 128
NC, NS = 2, 16
NW = NC * NS
EPW = E // NW
CH = 128
NCH = EPW // CH
HLF = EPW // 2
RPT = N // NS
EB = 2048
NB = E // EB
SD = 128

_mesh = plsc.VectorSubcoreMesh(core_axis_name="c", subcore_axis_name="s", num_cores=NC)



@functools.partial(
    pl.kernel,
    out_type=(jax.ShapeDtypeStruct((E, W128), jnp.float32),
              jax.ShapeDtypeStruct((E, W128), jnp.float32)),
    mesh=_mesh,
    scratch_types=[
        pltpu.VMEM((NCH, CH), jnp.int32),
        pltpu.VMEM((NCH, CH), jnp.int32),
        pltpu.VMEM((HLF, W128), jnp.float32),
        pltpu.VMEM((HLF, W128), jnp.float32),
        pltpu.SemaphoreType.DMA,
    ],
)
def _gather_uv(tab, us3, vs3, u_out, v_out, usv, vsv, urows, vrows, sem):
    wid = lax.axis_index("s") * NC + lax.axis_index("c")
    base = wid * EPW
    pltpu.sync_copy(us3.at[wid], usv)
    pltpu.sync_copy(vs3.at[wid], vsv)
    hch = NCH // 2
    for half in range(2):
        copies = []
        for j in range(hch):
            jj = half * hch + j
            copies.append(pltpu.async_copy(
                tab.at[usv.at[jj]], urows.at[pl.ds(j * CH, CH)], sem))
            copies.append(pltpu.async_copy(
                tab.at[vsv.at[jj]], vrows.at[pl.ds(j * CH, CH)], sem))
        for c in copies:
            c.wait()
        pltpu.sync_copy(urows, u_out.at[pl.ds(base + half * HLF, HLF)])
        pltpu.sync_copy(vrows, v_out.at[pl.ds(base + half * HLF, HLF)])



@functools.partial(
    pl.kernel,
    out_type=jax.ShapeDtypeStruct((NC, N, SD), jnp.float32),
    mesh=_mesh,
    scratch_types=[
        pltpu.VMEM((NCH, CH), jnp.int32),
        pltpu.VMEM((EPW, SD), jnp.float32),
        pltpu.VMEM_SHARED((N, SD), jnp.float32),
        pltpu.SemaphoreType.DMA,
    ],
)
def _segment_sum(ewh3, vs3, zeros_nd, out, vsv, rows, shared, sem):
    cid = lax.axis_index("c")
    sid = lax.axis_index("s")
    wid = sid * NC + cid
    pltpu.sync_copy(vs3.at[wid], vsv)
    pltpu.sync_copy(ewh3.at[wid], rows)
    pltpu.sync_copy(zeros_nd.at[pl.ds(sid * RPT, RPT)], shared.at[pl.ds(sid * RPT, RPT)])
    plsc.subcore_barrier()
    for j in range(NCH):
        pltpu.sync_copy(rows.at[pl.ds(j * CH, CH)], shared.at[vsv.at[j]], add=True)
    plsc.subcore_barrier()
    pltpu.sync_copy(shared.at[pl.ds(sid * RPT, RPT)], out.at[cid, pl.ds(sid * RPT, RPT)])



def _lrelu(x):
    return jnp.where(x >= 0, x, 0.01 * x)


def _tables(nf, wfut, wfvt):
    return jnp.concatenate([nf @ wfut, nf @ wfvt], axis=1)


def _proj_body(nfeat, wnt, bn, efeat, wet, be, wfet, bf0, wfut, wfvt,
               nf0, efw0, tab):
    nf = _lrelu(nfeat[...] @ wnt[...] + bn[...])
    nf0[...] = nf
    ef = _lrelu(efeat[...] @ wet[...] + be[...])
    efw0[...] = ef @ wfet[...] + bf0[...]
    tab[...] = _tables(nf, wfut[...], wfvt[...])


_proj = pl.pallas_call(
    _proj_body,
    out_shape=(jax.ShapeDtypeStruct((N, H), jnp.float32),
               jax.ShapeDtypeStruct((E, H), jnp.float32),
               jax.ShapeDtypeStruct((N, W128), jnp.float32)),
)


def _edge_mid_body(u, v, efw, wat, ba, weot, beo, wfen, bfn, ewh, efwn):
    h = _lrelu(u[:, :H] + v[:, H:] + efw[...])
    att = _lrelu(h @ wat[...] + ba[...])
    w = jnp.exp(att)
    pad = jnp.zeros((EB, SD - H - 1), jnp.float32)
    ewh[...] = jnp.concatenate([w * h, w, pad], axis=1)
    nef = _lrelu(h @ weot[...] + beo[...])
    efwn[...] = nef @ wfen[...] + bfn[...]


def _edge_last_body(u, v, efw, wat, ba, ewh):
    h = _lrelu(u[:, :H] + v[:, H:] + efw[...])
    att = _lrelu(h @ wat[...] + ba[...])
    w = jnp.exp(att)
    pad = jnp.zeros((EB, SD - H - 1), jnp.float32)
    ewh[...] = jnp.concatenate([w * h, w, pad], axis=1)


def _blk(r, c):
    return pl.BlockSpec((r, c), lambda j: (j, 0))


def _wblk(r, c):
    return pl.BlockSpec((r, c), lambda j: (0, 0))


_edge_mid = pl.pallas_call(
    _edge_mid_body,
    grid=(NB,),
    in_specs=[_blk(EB, W128), _blk(EB, W128), _blk(EB, H), _wblk(H, 1), _wblk(1, 1),
              _wblk(H, H), _wblk(1, H), _wblk(H, H), _wblk(1, H)],
    out_specs=(_blk(EB, SD), _blk(EB, H)),
    out_shape=(jax.ShapeDtypeStruct((E, SD), jnp.float32),
               jax.ShapeDtypeStruct((E, H), jnp.float32)),
)

_edge_last = pl.pallas_call(
    _edge_last_body,
    grid=(NB,),
    in_specs=[_blk(EB, W128), _blk(EB, W128), _blk(EB, H), _wblk(H, 1), _wblk(1, 1)],
    out_specs=_blk(EB, SD),
    out_shape=jax.ShapeDtypeStruct((E, SD), jnp.float32),
)


def _node_body(last, parts, nf, wiht, whht, bih, bhh, wfut, wfvt, out, tab):
    num = parts[0] + parts[1]
    ctx = num[:, :H] / jnp.maximum(num[:, H:H + 1], 1e-30)
    gi = ctx @ wiht[...] + bih[...]
    gh = nf[...] @ whht[...] + bhh[...]
    r = jax.nn.sigmoid(gi[:, :H] + gh[:, :H])
    z = jax.nn.sigmoid(gi[:, H:2 * H] + gh[:, H:2 * H])
    n = jnp.tanh(gi[:, 2 * H:] + r * gh[:, 2 * H:])
    o = (1.0 - z) * n + z * nf[...]
    if last:
        out[...] = o
    else:
        o = jnp.maximum(o, 0.0)
        out[...] = o
        tab[...] = _tables(o, wfut[...], wfvt[...])


_node_mid = pl.pallas_call(
    functools.partial(_node_body, False),
    out_shape=(jax.ShapeDtypeStruct((N, H), jnp.float32),
               jax.ShapeDtypeStruct((N, W128), jnp.float32)),
)


def _node_last_body(parts, nf, wiht, whht, bih, bhh, out):
    _node_body(True, parts, nf, wiht, whht, bih, bhh, None, None, out, None)


_node_last = pl.pallas_call(
    _node_last_body,
    out_shape=jax.ShapeDtypeStruct((N, H), jnp.float32),
)


def kernel(node_features, edge_features, us, vs, node_edge_matrix, node_edge_mask,
           W_n, b_n, W_e, b_e, WF, bF, WA, bA, WEo, bEo, W_ih, W_hh, b_ih, b_hh):
    L = WF.shape[0]
    us3 = us.astype(jnp.int32).reshape(NW, NCH, CH)
    vs3 = vs.astype(jnp.int32).reshape(NW, NCH, CH)
    zeros_nd = jnp.zeros((N, SD), jnp.float32)
    wfu = [WF[i, :, :H].T for i in range(L)]
    wfe = [WF[i, :, H:2 * H].T for i in range(L)]
    wfv = [WF[i, :, 2 * H:].T for i in range(L)]
    nf, efw, tab = _proj(node_features, W_n.T, b_n[None], edge_features,
                         W_e.T, b_e[None], wfe[0], bF[0][None], wfu[0], wfv[0])
    for i in range(L):
        u, v = _gather_uv(tab, us3, vs3)
        if i != L - 1:
            ewh, efw = _edge_mid(u, v, efw, WA[i].T, bA[i][None], WEo[i].T,
                                 bEo[i][None], wfe[i + 1], bF[i + 1][None])
        else:
            ewh = _edge_last(u, v, efw, WA[i].T, bA[i][None])
        parts = _segment_sum(ewh.reshape(NW, EPW, SD), vs3, zeros_nd)
        if i != L - 1:
            nf, tab = _node_mid(parts, nf, W_ih[i].T, W_hh[i].T,
                                b_ih[i][None], b_hh[i][None], wfu[i + 1], wfv[i + 1])
        else:
            nf = _node_last(parts, nf, W_ih[i].T, W_hh[i].T,
                            b_ih[i][None], b_hh[i][None])
    return nf

# --- scband reference (transcript-rebuilt; emitter-appended) ---
"""Pipeline reference for scband-mpnnposition-producer-42279658061911 (READ-ONLY COPY).

The authoritative reference and input builder live on the scoring server;
editing this copy changes nothing except your own understanding.
"""

import jax, jax.numpy as jnp
import numpy as np

N, E = 2048, 16384
N_DIM, E_DIM, H = 128, 16, 64
L = 4


def _gru_cell(x, h, W_ih, W_hh, b_ih, b_hh):
    gi = x @ W_ih.T + b_ih
    gh = h @ W_hh.T + b_hh
    i_r, i_z, i_n = jnp.split(gi, 3, axis=1)
    h_r, h_z, h_n = jnp.split(gh, 3, axis=1)
    r = jax.nn.sigmoid(i_r + h_r)
    z = jax.nn.sigmoid(i_z + h_z)
    n = jnp.tanh(i_n + r * h_n)
    return (1.0 - z) * n + z * h


def setup_inputs(seed: int = 0):
    key = jax.random.key(seed)
    ks = jax.random.split(key, 20)
    node_features = jax.random.normal(ks[0], (N, N_DIM), dtype=jnp.float32)
    edge_features = jax.random.normal(ks[1], (E, E_DIM), dtype=jnp.float32)
    us = jax.random.randint(ks[2], (E,), 0, N)
    vs = jax.random.randint(ks[3], (E,), 0, N)
    node_edge_matrix = (vs[None, :] == jnp.arange(N)[:, None]).astype(jnp.float32)
    node_edge_mask = (node_edge_matrix - 1.0) * 1e6
    s = 0.05
    W_n = jax.random.normal(ks[4], (H, N_DIM), dtype=jnp.float32) * s
    b_n = jnp.zeros((H,), dtype=jnp.float32)
    W_e = jax.random.normal(ks[5], (H, E_DIM), dtype=jnp.float32) * s
    b_e = jnp.zeros((H,), dtype=jnp.float32)
    WF = jax.random.normal(ks[6], (L, H, 3 * H), dtype=jnp.float32) * s
    bF = jnp.zeros((L, H), dtype=jnp.float32)
    WA = jax.random.normal(ks[7], (L, 1, H), dtype=jnp.float32) * s
    bA = jnp.zeros((L, 1), dtype=jnp.float32)
    WEo = jax.random.normal(ks[8], (L, H, H), dtype=jnp.float32) * s
    bEo = jnp.zeros((L, H), dtype=jnp.float32)
    W_ih = jax.random.normal(ks[9], (L, 3 * H, H), dtype=jnp.float32) * s
    W_hh = jax.random.normal(ks[10], (L, 3 * H, H), dtype=jnp.float32) * s
    b_ih = jnp.zeros((L, 3 * H), dtype=jnp.float32)
    b_hh = jnp.zeros((L, 3 * H), dtype=jnp.float32)
    return {"node_features": node_features, "edge_features": edge_features, "us": us, "vs": vs,
            "node_edge_matrix": node_edge_matrix, "node_edge_mask": node_edge_mask,
            "W_n": W_n, "b_n": b_n, "W_e": W_e, "b_e": b_e,
            "WF": WF, "bF": bF, "WA": WA, "bA": bA, "WEo": WEo, "bEo": bEo,
            "W_ih": W_ih, "W_hh": W_hh, "b_ih": b_ih, "b_hh": b_hh}


def reference(node_features, edge_features, us, vs, node_edge_matrix, node_edge_mask,
              W_n, b_n, W_e, b_e, WF, bF, WA, bA, WEo, bEo, W_ih, W_hh, b_ih, b_hh):
    nf = jax.nn.leaky_relu(node_features @ W_n.T + b_n)
    ef = jax.nn.leaky_relu(edge_features @ W_e.T + b_e)
    for i in range(L):
        u = jnp.take(nf, us, axis=0)
        v = jnp.take(nf, vs, axis=0)
        hidden = jnp.concatenate([u, ef, v], axis=1)
        hidden = jax.nn.leaky_relu(hidden @ WF[i].T + bF[i])
        att = jax.nn.leaky_relu(hidden @ WA[i].T + bA[i]).reshape(1, -1)
        attention = jax.nn.softmax(att + node_edge_mask, axis=1) * node_edge_matrix
        context = attention @ hidden
        new_ef = jax.nn.leaky_relu(hidden @ WEo[i].T + bEo[i])
        new_nf = _gru_cell(context, nf, W_ih[i], W_hh[i], b_ih[i], b_hh[i])
        if i != L - 1:
            new_nf = jax.nn.relu(new_nf)
        nf = new_nf
        ef = new_ef
    return nf


if False:  # reference __main__ guard neutralized (emitter)
    out = reference(**setup_inputs())
    print(out.shape, out.dtype)

if __name__ == "__main__":
    import jax
    _d = setup_inputs()
    print(jax.jit(kernel)(*tuple(_d.values())))

</pallas_src>

<mosaic_0001>
#map = affine_map<(d0, d1) -> (0, 0, 0)>
#map1 = affine_map<(d0, d1) -> (0, 0)>
module attributes {stable_mosaic.version = 14 : i64} {
  func.func @_segment_sum(%arg0: i32, %arg1: i32, %arg2: memref<32x512x128xf32, #tpu.memory_space<hbm>>, %arg3: memref<32x4x128xi32, #tpu.memory_space<hbm>>, %arg4: memref<2048x128xf32, #tpu.memory_space<hbm>>, %arg5: memref<2x2048x128xf32, #tpu.memory_space<hbm>>, %arg6: memref<4x128xi32, #tpu.memory_space<vmem>>, %arg7: memref<512x128xf32, #tpu.memory_space<vmem>>, %arg8: memref<2048x128xf32, #tpu.memory_space<vmem_shared>>, %arg9: memref<!tpu.dma_semaphore, #tpu.memory_space<semaphore_mem>>) attributes {dimension_semantics = [#tpu.dimension_semantics<core_parallel>, #tpu.dimension_semantics<subcore_parallel>], iteration_bounds = array<i64: 2, 16>, scalar_prefetch = 0 : i64, scratch_operands = 4 : i64, tpu.core_type = #tpu.core_type<sc_vector_subcore>, window_params = [{transform_indices = #map}, {transform_indices = #map}, {transform_indices = #map1}, {transform_indices = #map}]} {
    %mul3A = arith.constant 2 : i32
    %mul3A_0 = arith.muli %arg1, %mul3A : i32
    %add3A = arith.addi %mul3A_0, %arg0 : i32
    "tpu.region"() ({
      %run_scoped3A_13 = tpu.sem_alloc : memref<!tpu.dma_semaphore, #tpu.memory_space<semaphore_mem>>
      %dma_start3A = arith.constant 0 : i32
      %dma_start3A_14 = arith.constant 0 : i32
      %dma_start3A_15 = tpu.memref_slice %arg3[%add3A, %dma_start3A, %dma_start3A_14] : memref<32x4x128xi32, #tpu.memory_space<hbm>> -> memref<1x4x128xi32, #tpu.memory_space<hbm>>
      %dma_start3A_16 = tpu.memref_squeeze %dma_start3A_15 : memref<1x4x128xi32, #tpu.memory_space<hbm>> -> memref<4x128xi32, #tpu.memory_space<hbm>>
      %dma_start3A_17 = arith.constant 0 : i32
      %dma_start3A_18 = arith.constant 0 : i32
      %dma_start3A_19 = tpu.memref_slice %arg3[%add3A, %dma_start3A_17, %dma_start3A_18] : memref<32x4x128xi32, #tpu.memory_space<hbm>> -> memref<1x4x128xi32, #tpu.memory_space<hbm>>
      %dma_start3A_20 = tpu.memref_squeeze %dma_start3A_19 : memref<1x4x128xi32, #tpu.memory_space<hbm>> -> memref<4x128xi32, #tpu.memory_space<hbm>>
      tpu.enqueue_dma source(%dma_start3A_20 : memref<4x128xi32, #tpu.memory_space<hbm>>) target(%arg6 : memref<4x128xi32, #tpu.memory_space<vmem>>) target_semaphore(%run_scoped3A_13 : memref<!tpu.dma_semaphore, #tpu.memory_space<semaphore_mem>>)
      %dma_wait3A = arith.constant 0 : i32
      %dma_wait3A_21 = arith.constant 0 : i32
      %dma_wait3A_22 = tpu.memref_slice %arg3[%add3A, %dma_wait3A, %dma_wait3A_21] : memref<32x4x128xi32, #tpu.memory_space<hbm>> -> memref<1x4x128xi32, #tpu.memory_space<hbm>>
      %dma_wait3A_23 = tpu.memref_squeeze %dma_wait3A_22 : memref<1x4x128xi32, #tpu.memory_space<hbm>> -> memref<4x128xi32, #tpu.memory_space<hbm>>
      %dma_wait3A_24 = arith.constant 0 : i32
      %dma_wait3A_25 = arith.constant 0 : i32
      %dma_wait3A_26 = tpu.memref_slice %arg3[%add3A, %dma_wait3A_24, %dma_wait3A_25] : memref<32x4x128xi32, #tpu.memory_space<hbm>> -> memref<1x4x128xi32, #tpu.memory_space<hbm>>
      %dma_wait3A_27 = tpu.memref_squeeze %dma_wait3A_26 : memref<1x4x128xi32, #tpu.memory_space<hbm>> -> memref<4x128xi32, #tpu.memory_space<hbm>>
      tpu.wait_dma2 semaphore(%run_scoped3A_13 : memref<!tpu.dma_semaphore, #tpu.memory_space<semaphore_mem>>) src(%dma_wait3A_27 : memref<4x128xi32, #tpu.memory_space<hbm>>) dst(%arg6 : memref<4x128xi32, #tpu.memory_space<vmem>>)
      tpu.yield
    }) : () -> ()
    "tpu.region"() ({
      %run_scoped3A_13 = tpu.sem_alloc : memref<!tpu.dma_semaphore, #tpu.memory_space<semaphore_mem>>
      %dma_start3A = arith.constant 0 : i32
      %dma_start3A_14 = arith.constant 0 : i32
      %dma_start3A_15 = tpu.memref_slice %arg2[%add3A, %dma_start3A, %dma_start3A_14] : memref<32x512x128xf32, #tpu.memory_space<hbm>> -> memref<1x512x128xf32, #tpu.memory_space<hbm>>
      %dma_start3A_16 = tpu.memref_squeeze %dma_start3A_15 : memref<1x512x128xf32, #tpu.memory_space<hbm>> -> memref<512x128xf32, #tpu.memory_space<hbm>>
      %dma_start3A_17 = arith.constant 0 : i32
      %dma_start3A_18 = arith.constant 0 : i32
      %dma_start3A_19 = tpu.memref_slice %arg2[%add3A, %dma_start3A_17, %dma_start3A_18] : memref<32x512x128xf32, #tpu.memory_space<hbm>> -> memref<1x512x128xf32, #tpu.memory_space<hbm>>
      %dma_start3A_20 = tpu.memref_squeeze %dma_start3A_19 : memref<1x512x128xf32, #tpu.memory_space<hbm>> -> memref<512x128xf32, #tpu.memory_space<hbm>>
      tpu.enqueue_dma source(%dma_start3A_20 : memref<512x128xf32, #tpu.memory_space<hbm>>) target(%arg7 : memref<512x128xf32, #tpu.memory_space<vmem>>) target_semaphore(%run_scoped3A_13 : memref<!tpu.dma_semaphore, #tpu.memory_space<semaphore_mem>>)
      %dma_wait3A = arith.constant 0 : i32
      %dma_wait3A_21 = arith.constant 0 : i32
      %dma_wait3A_22 = tpu.memref_slice %arg2[%add3A, %dma_wait3A, %dma_wait3A_21] : memref<32x512x128xf32, #tpu.memory_space<hbm>> -> memref<1x512x128xf32, #tpu.memory_space<hbm>>
      %dma_wait3A_23 = tpu.memref_squeeze %dma_wait3A_22 : memref<1x512x128xf32, #tpu.memory_space<hbm>> -> memref<512x128xf32, #tpu.memory_space<hbm>>
      %dma_wait3A_24 = arith.constant 0 : i32
      %dma_wait3A_25 = arith.constant 0 : i32
      %dma_wait3A_26 = tpu.memref_slice %arg2[%add3A, %dma_wait3A_24, %dma_wait3A_25] : memref<32x512x128xf32, #tpu.memory_space<hbm>> -> memref<1x512x128xf32, #tpu.memory_space<hbm>>
      %dma_wait3A_27 = tpu.memref_squeeze %dma_wait3A_26 : memref<1x512x128xf32, #tpu.memory_space<hbm>> -> memref<512x128xf32, #tpu.memory_space<hbm>>
      tpu.wait_dma2 semaphore(%run_scoped3A_13 : memref<!tpu.dma_semaphore, #tpu.memory_space<semaphore_mem>>) src(%dma_wait3A_27 : memref<512x128xf32, #tpu.memory_space<hbm>>) dst(%arg7 : memref<512x128xf32, #tpu.memory_space<vmem>>)
      tpu.yield
    }) : () -> ()
    %mul3A_1 = arith.constant 128 : i32
    %mul3A_2 = arith.muli %arg1, %mul3A_1 : i32
    %mul3A_3 = arith.constant 128 : i32
    %mul3A_4 = arith.muli %arg1, %mul3A_3 : i32
    "tpu.region"() ({
      %run_scoped3A_13 = tpu.sem_alloc : memref<!tpu.dma_semaphore, #tpu.memory_space<semaphore_mem>>
      %dma_start3A = arith.constant 0 : i32
      %dma_start3A_14 = tpu.memref_slice %arg8[%mul3A_4, %dma_start3A] : memref<2048x128xf32, #tpu.memory_space<vmem_shared>> -> memref<128x128xf32, #tpu.memory_space<vmem_shared>>
      %dma_start3A_15 = arith.constant 0 : i32
      %dma_start3A_16 = tpu.memref_slice %arg4[%mul3A_2, %dma_start3A_15] : memref<2048x128xf32, #tpu.memory_space<hbm>> -> memref<128x128xf32, #tpu.memory_space<hbm>>
      tpu.enqueue_dma source(%dma_start3A_16 : memref<128x128xf32, #tpu.memory_space<hbm>>) target(%dma_start3A_14 : memref<128x128xf32, #tpu.memory_space<vmem_shared>>) target_semaphore(%run_scoped3A_13 : memref<!tpu.dma_semaphore, #tpu.memory_space<semaphore_mem>>)
      %dma_wait3A = arith.constant 0 : i32
      %dma_wait3A_17 = tpu.memref_slice %arg8[%mul3A_4, %dma_wait3A] : memref<2048x128xf32, #tpu.memory_space<vmem_shared>> -> memref<128x128xf32, #tpu.memory_space<vmem_shared>>
      %dma_wait3A_18 = arith.constant 0 : i32
      %dma_wait3A_19 = tpu.memref_slice %arg4[%mul3A_2, %dma_wait3A_18] : memref<2048x128xf32, #tpu.memory_space<hbm>> -> memref<128x128xf32, #tpu.memory_space<hbm>>
      tpu.wait_dma2 semaphore(%run_scoped3A_13 : memref<!tpu.dma_semaphore, #tpu.memory_space<semaphore_mem>>) src(%dma_wait3A_19 : memref<128x128xf32, #tpu.memory_space<hbm>>) dst(%dma_wait3A_17 : memref<128x128xf32, #tpu.memory_space<vmem_shared>>)
      tpu.yield
    }) : () -> ()
    %barrier3A = arith.constant 0 : index
    tpu.barrier barrier_id(%barrier3A)
    %run_scoped3A = arith.constant 0 : i32
    "tpu.region"() ({
      %run_scoped3A_13 = tpu.sem_alloc : memref<!tpu.dma_semaphore, #tpu.memory_space<semaphore_mem>>
      %dma_start3A = arith.constant 0 : i32
      %dma_start3A_14 = arith.constant 0 : i32
      %dma_start3A_15 = tpu.memref_slice %arg7[%dma_start3A, %dma_start3A_14] : memref<512x128xf32, #tpu.memory_space<vmem>> -> memref<128x128xf32, #tpu.memory_space<vmem>>
      %dma_start3A_16 = arith.constant 0 : i32
      %dma_start3A_17 = tpu.memref_slice %arg6[%run_scoped3A, %dma_start3A_16] : memref<4x128xi32, #tpu.memory_space<vmem>> -> memref<1x128xi32, #tpu.memory_space<vmem>>
      %dma_start3A_18 = tpu.memref_squeeze %dma_start3A_17 : memref<1x128xi32, #tpu.memory_space<vmem>> -> memref<128xi32, #tpu.memory_space<vmem>>
      %dma_start3A_19 = arith.constant 0 : i32
      %dma_start3A_20 = arith.constant 0 : i32
      %dma_start3A_21 = tpu.memref_slice %arg8[%dma_start3A_19, %dma_start3A_20] : memref<2048x128xf32, #tpu.memory_space<vmem_shared>> -> memref<2048x128xf32, #tpu.memory_space<vmem_shared>>
      tpu.enqueue_indirect_dma source(%dma_start3A_15 : memref<128x128xf32, #tpu.memory_space<vmem>>) target(%dma_start3A_21 : memref<2048x128xf32, #tpu.memory_space<vmem_shared>>) offsets(%dma_start3A_18 : memref<128xi32, #tpu.memory_space<vmem>>) semaphore(%run_scoped3A_13 : memref<!tpu.dma_semaphore, #tpu.memory_space<semaphore_mem>>) {add = true}
      %dma_wait3A = arith.constant 0 : i32
      %dma_wait3A_22 = arith.constant 0 : i32
      %dma_wait3A_23 = tpu.memref_slice %arg7[%dma_wait3A, %dma_wait3A_22] : memref<512x128xf32, #tpu.memory_space<vmem>> -> memref<128x128xf32, #tpu.memory_space<vmem>>
      %dma_wait3A_24 = arith.constant 0 : i32
      %dma_wait3A_25 = tpu.memref_slice %arg6[%run_scoped3A, %dma_wait3A_24] : memref<4x128xi32, #tpu.memory_space<vmem>> -> memref<1x128xi32, #tpu.memory_space<vmem>>
      %dma_wait3A_26 = tpu.memref_squeeze %dma_wait3A_25 : memref<1x128xi32, #tpu.memory_space<vmem>> -> memref<128xi32, #tpu.memory_space<vmem>>
      %dma_wait3A_27 = arith.constant 0 : i32
      %dma_wait3A_28 = arith.constant 0 : i32
      %dma_wait3A_29 = tpu.memref_slice %arg8[%dma_wait3A_27, %dma_wait3A_28] : memref<2048x128xf32, #tpu.memory_space<vmem_shared>> -> memref<2048x128xf32, #tpu.memory_space<vmem_shared>>
      tpu.wait_indirect_dma semaphore(%run_scoped3A_13 : memref<!tpu.dma_semaphore, #tpu.memory_space<semaphore_mem>>) src(%dma_wait3A_23 : memref<128x128xf32, #tpu.memory_space<vmem>>) dst(%dma_wait3A_29 : memref<2048x128xf32, #tpu.memory_space<vmem_shared>>)
      tpu.yield
    }) : () -> ()
    %run_scoped3A_5 = arith.constant 1 : i32
    "tpu.region"() ({
      %run_scoped3A_13 = tpu.sem_alloc : memref<!tpu.dma_semaphore, #tpu.memory_space<semaphore_mem>>
      %dma_start3A = arith.constant 128 : i32
      %dma_start3A_14 = arith.constant 0 : i32
      %dma_start3A_15 = tpu.memref_slice %arg7[%dma_start3A, %dma_start3A_14] : memref<512x128xf32, #tpu.memory_space<vmem>> -> memref<128x128xf32, #tpu.memory_space<vmem>>
      %dma_start3A_16 = arith.constant 0 : i32
      %dma_start3A_17 = tpu.memref_slice %arg6[%run_scoped3A_5, %dma_start3A_16] : memref<4x128xi32, #tpu.memory_space<vmem>> -> memref<1x128xi32, #tpu.memory_space<vmem>>
      %dma_start3A_18 = tpu.memref_squeeze %dma_start3A_17 : memref<1x128xi32, #tpu.memory_space<vmem>> -> memref<128xi32, #tpu.memory_space<vmem>>
      %dma_start3A_19 = arith.constant 0 : i32
      %dma_start3A_20 = arith.constant 0 : i32
      %dma_start3A_21 = tpu.memref_slice %arg8[%dma_start3A_19, %dma_start3A_20] : memref<2048x128xf32, #tpu.memory_space<vmem_shared>> -> memref<2048x128xf32, #tpu.memory_space<vmem_shared>>
      tpu.enqueue_indirect_dma source(%dma_start3A_15 : memref<128x128xf32, #tpu.memory_space<vmem>>) target(%dma_start3A_21 : memref<2048x128xf32, #tpu.memory_space<vmem_shared>>) offsets(%dma_start3A_18 : memref<128xi32, #tpu.memory_space<vmem>>) semaphore(%run_scoped3A_13 : memref<!tpu.dma_semaphore, #tpu.memory_space<semaphore_mem>>) {add = true}
      %dma_wait3A = arith.constant 128 : i32
      %dma_wait3A_22 = arith.constant 0 : i32
      %dma_wait3A_23 = tpu.memref_slice %arg7[%dma_wait3A, %dma_wait3A_22] : memref<512x128xf32, #tpu.memory_space<vmem>> -> memref<128x128xf32, #tpu.memory_space<vmem>>
      %dma_wait3A_24 = arith.constant 0 : i32
      %dma_wait3A_25 = tpu.memref_slice %arg6[%run_scoped3A_5, %dma_wait3A_24] : memref<4x128xi32, #tpu.memory_space<vmem>> -> memref<1x128xi32, #tpu.memory_space<vmem>>
      %dma_wait3A_26 = tpu.memref_squeeze %dma_wait3A_25 : memref<1x128xi32, #tpu.memory_space<vmem>> -> memref<128xi32, #tpu.memory_space<vmem>>
      %dma_wait3A_27 = arith.constant 0 : i32
      %dma_wait3A_28 = arith.constant 0 : i32
      %dma_wait3A_29 = tpu.memref_slice %arg8[%dma_wait3A_27, %dma_wait3A_28] : memref<2048x128xf32, #tpu.memory_space<vmem_shared>> -> memref<2048x128xf32, #tpu.memory_space<vmem_shared>>
      tpu.wait_indirect_dma semaphore(%run_scoped3A_13 : memref<!tpu.dma_semaphore, #tpu.memory_space<semaphore_mem>>) src(%dma_wait3A_23 : memref<128x128xf32, #tpu.memory_space<vmem>>) dst(%dma_wait3A_29 : memref<2048x128xf32, #tpu.memory_space<vmem_shared>>)
      tpu.yield
    }) : () -> ()
    %run_scoped3A_6 = arith.constant 2 : i32
    "tpu.region"() ({
      %run_scoped3A_13 = tpu.sem_alloc : memref<!tpu.dma_semaphore, #tpu.memory_space<semaphore_mem>>
      %dma_start3A = arith.constant 256 : i32
      %dma_start3A_14 = arith.constant 0 : i32
      %dma_start3A_15 = tpu.memref_slice %arg7[%dma_start3A, %dma_start3A_14] : memref<512x128xf32, #tpu.memory_space<vmem>> -> memref<128x128xf32, #tpu.memory_space<vmem>>
      %dma_start3A_16 = arith.constant 0 : i32
      %dma_start3A_17 = tpu.memref_slice %arg6[%run_scoped3A_6, %dma_start3A_16] : memref<4x128xi32, #tpu.memory_space<vmem>> -> memref<1x128xi32, #tpu.memory_space<vmem>>
      %dma_start3A_18 = tpu.memref_squeeze %dma_start3A_17 : memref<1x128xi32, #tpu.memory_space<vmem>> -> memref<128xi32, #tpu.memory_space<vmem>>
      %dma_start3A_19 = arith.constant 0 : i32
      %dma_start3A_20 = arith.constant 0 : i32
      %dma_start3A_21 = tpu.memref_slice %arg8[%dma_start3A_19, %dma_start3A_20] : memref<2048x128xf32, #tpu.memory_space<vmem_shared>> -> memref<2048x128xf32, #tpu.memory_space<vmem_shared>>
      tpu.enqueue_indirect_dma source(%dma_start3A_15 : memref<128x128xf32, #tpu.memory_space<vmem>>) target(%dma_start3A_21 : memref<2048x128xf32, #tpu.memory_space<vmem_shared>>) offsets(%dma_start3A_18 : memref<128xi32, #tpu.memory_space<vmem>>) semaphore(%run_scoped3A_13 : memref<!tpu.dma_semaphore, #tpu.memory_space<semaphore_mem>>) {add = true}
      %dma_wait3A = arith.constant 256 : i32
      %dma_wait3A_22 = arith.constant 0 : i32
      %dma_wait3A_23 = tpu.memref_slice %arg7[%dma_wait3A, %dma_wait3A_22] : memref<512x128xf32, #tpu.memory_space<vmem>> -> memref<128x128xf32, #tpu.memory_space<vmem>>
      %dma_wait3A_24 = arith.constant 0 : i32
      %dma_wait3A_25 = tpu.memref_slice %arg6[%run_scoped3A_6, %dma_wait3A_24] : memref<4x128xi32, #tpu.memory_space<vmem>> -> memref<1x128xi32, #tpu.memory_space<vmem>>
      %dma_wait3A_26 = tpu.memref_squeeze %dma_wait3A_25 : memref<1x128xi32, #tpu.memory_space<vmem>> -> memref<128xi32, #tpu.memory_space<vmem>>
      %dma_wait3A_27 = arith.constant 0 : i32
      %dma_wait3A_28 = arith.constant 0 : i32
      %dma_wait3A_29 = tpu.memref_slice %arg8[%dma_wait3A_27, %dma_wait3A_28] : memref<2048x128xf32, #tpu.memory_space<vmem_shared>> -> memref<2048x128xf32, #tpu.memory_space<vmem_shared>>
      tpu.wait_indirect_dma semaphore(%run_scoped3A_13 : memref<!tpu.dma_semaphore, #tpu.memory_space<semaphore_mem>>) src(%dma_wait3A_23 : memref<128x128xf32, #tpu.memory_space<vmem>>) dst(%dma_wait3A_29 : memref<2048x128xf32, #tpu.memory_space<vmem_shared>>)
      tpu.yield
    }) : () -> ()
    %run_scoped3A_7 = arith.constant 3 : i32
    "tpu.region"() ({
      %run_scoped3A_13 = tpu.sem_alloc : memref<!tpu.dma_semaphore, #tpu.memory_space<semaphore_mem>>
      %dma_start3A = arith.constant 384 : i32
      %dma_start3A_14 = arith.constant 0 : i32
      %dma_start3A_15 = tpu.memref_slice %arg7[%dma_start3A, %dma_start3A_14] : memref<512x128xf32, #tpu.memory_space<vmem>> -> memref<128x128xf32, #tpu.memory_space<vmem>>
      %dma_start3A_16 = arith.constant 0 : i32
      %dma_start3A_17 = tpu.memref_slice %arg6[%run_scoped3A_7, %dma_start3A_16] : memref<4x128xi32, #tpu.memory_space<vmem>> -> memref<1x128xi32, #tpu.memory_space<vmem>>
      %dma_start3A_18 = tpu.memref_squeeze %dma_start3A_17 : memref<1x128xi32, #tpu.memory_space<vmem>> -> memref<128xi32, #tpu.memory_space<vmem>>
      %dma_start3A_19 = arith.constant 0 : i32
      %dma_start3A_20 = arith.constant 0 : i32
      %dma_start3A_21 = tpu.memref_slice %arg8[%dma_start3A_19, %dma_start3A_20] : memref<2048x128xf32, #tpu.memory_space<vmem_shared>> -> memref<2048x128xf32, #tpu.memory_space<vmem_shared>>
      tpu.enqueue_indirect_dma source(%dma_start3A_15 : memref<128x128xf32, #tpu.memory_space<vmem>>) target(%dma_start3A_21 : memref<2048x128xf32, #tpu.memory_space<vmem_shared>>) offsets(%dma_start3A_18 : memref<128xi32, #tpu.memory_space<vmem>>) semaphore(%run_scoped3A_13 : memref<!tpu.dma_semaphore, #tpu.memory_space<semaphore_mem>>) {add = true}
      %dma_wait3A = arith.constant 384 : i32
      %dma_wait3A_22 = arith.constant 0 : i32
      %dma_wait3A_23 = tpu.memref_slice %arg7[%dma_wait3A, %dma_wait3A_22] : memref<512x128xf32, #tpu.memory_space<vmem>> -> memref<128x128xf32, #tpu.memory_space<vmem>>
      %dma_wait3A_24 = arith.constant 0 : i32
      %dma_wait3A_25 = tpu.memref_slice %arg6[%run_scoped3A_7, %dma_wait3A_24] : memref<4x128xi32, #tpu.memory_space<vmem>> -> memref<1x128xi32, #tpu.memory_space<vmem>>
      %dma_wait3A_26 = tpu.memref_squeeze %dma_wait3A_25 : memref<1x128xi32, #tpu.memory_space<vmem>> -> memref<128xi32, #tpu.memory_space<vmem>>
      %dma_wait3A_27 = arith.constant 0 : i32
      %dma_wait3A_28 = arith.constant 0 : i32
      %dma_wait3A_29 = tpu.memref_slice %arg8[%dma_wait3A_27, %dma_wait3A_28] : memref<2048x128xf32, #tpu.memory_space<vmem_shared>> -> memref<2048x128xf32, #tpu.memory_space<vmem_shared>>
      tpu.wait_indirect_dma semaphore(%run_scoped3A_13 : memref<!tpu.dma_semaphore, #tpu.memory_space<semaphore_mem>>) src(%dma_wait3A_23 : memref<128x128xf32, #tpu.memory_space<vmem>>) dst(%dma_wait3A_29 : memref<2048x128xf32, #tpu.memory_space<vmem_shared>>)
      tpu.yield
    }) : () -> ()
    %barrier3A_8 = arith.constant 0 : index
    tpu.barrier barrier_id(%barrier3A_8)
    %mul3A_9 = arith.constant 128 : i32
    %mul3A_10 = arith.muli %arg1, %mul3A_9 : i32
    %mul3A_11 = arith.constant 128 : i32
    %mul3A_12 = arith.muli %arg1, %mul3A_11 : i32
    "tpu.region"() ({
      %run_scoped3A_13 = tpu.sem_alloc : memref<!tpu.dma_semaphore, #tpu.memory_space<semaphore_mem>>
      %dma_start3A = arith.constant 0 : i32
      %dma_start3A_14 = tpu.memref_slice %arg5[%arg0, %mul3A_12, %dma_start3A] : memref<2x2048x128xf32, #tpu.memory_space<hbm>> -> memref<1x128x128xf32, #tpu.memory_space<hbm>>
      %dma_start3A_15 = tpu.memref_squeeze %dma_start3A_14 : memref<1x128x128xf32, #tpu.memory_space<hbm>> -> memref<128x128xf32, #tpu.memory_space<hbm>>
      %dma_start3A_16 = arith.constant 0 : i32
      %dma_start3A_17 = tpu.memref_slice %arg8[%mul3A_10, %dma_start3A_16] : memref<2048x128xf32, #tpu.memory_space<vmem_shared>> -> memref<128x128xf32, #tpu.memory_space<vmem_shared>>
      tpu.enqueue_dma source(%dma_start3A_17 : memref<128x128xf32, #tpu.memory_space<vmem_shared>>) target(%dma_start3A_15 : memref<128x128xf32, #tpu.memory_space<hbm>>) target_semaphore(%run_scoped3A_13 : memref<!tpu.dma_semaphore, #tpu.memory_space<semaphore_mem>>)
      %dma_wait3A = arith.constant 0 : i32
      %dma_wait3A_18 = tpu.memref_slice %arg5[%arg0, %mul3A_12, %dma_wait3A] : memref<2x2048x128xf32, #tpu.memory_space<hbm>> -> memref<1x128x128xf32, #tpu.memory_space<hbm>>
      %dma_wait3A_19 = tpu.memref_squeeze %dma_wait3A_18 : memref<1x128x128xf32, #tpu.memory_space<hbm>> -> memref<128x128xf32, #tpu.memory_space<hbm>>
      %dma_wait3A_20 = arith.constant 0 : i32
      %dma_wait3A_21 = tpu.memref_slice %arg8[%mul3A_10, %dma_wait3A_20] : memref<2048x128xf32, #tpu.memory_space<vmem_shared>> -> memref<128x128xf32, #tpu.memory_space<vmem_shared>>
      tpu.wait_dma2 semaphore(%run_scoped3A_13 : memref<!tpu.dma_semaphore, #tpu.memory_space<semaphore_mem>>) src(%dma_wait3A_21 : memref<128x128xf32, #tpu.memory_space<vmem_shared>>) dst(%dma_wait3A_19 : memref<128x128xf32, #tpu.memory_space<hbm>>)
      tpu.yield
    }) : () -> ()
    return
  }
}

#map = affine_map<(d0, d1) -> (0, 0)>
#map1 = affine_map<(d0, d1) -> (0, 0, 0)>
module attributes {stable_mosaic.version = 14 : i64} {
  func.func @_gather_uv(%arg0: i32, %arg1: i32, %arg2: memref<2048x128xf32, #tpu.memory_space<hbm>>, %arg3: memref<32x4x128xi32, #tpu.memory_space<hbm>>, %arg4: memref<32x4x128xi32, #tpu.memory_space<hbm>>, %arg5: memref<16384x128xf32, #tpu.memory_space<hbm>>, %arg6: memref<16384x128xf32, #tpu.memory_space<hbm>>, %arg7: memref<4x128xi32, #tpu.memory_space<vmem>>, %arg8: memref<4x128xi32, #tpu.memory_space<vmem>>, %arg9: memref<256x128xf32, #tpu.memory_space<vmem>>, %arg10: memref<256x128xf32, #tpu.memory_space<vmem>>, %arg11: memref<!tpu.dma_semaphore, #tpu.memory_space<semaphore_mem>>) attributes {dimension_semantics = [#tpu.dimension_semantics<core_parallel>, #tpu.dimension_semantics<subcore_parallel>], iteration_bounds = array<i64: 2, 16>, scalar_prefetch = 0 : i64, scratch_operands = 5 : i64, tpu.core_type = #tpu.core_type<sc_vector_subcore>, window_params = [{transform_indices = #map}, {transform_indices = #map1}, {transform_indices = #map1}, {transform_indices = #map}, {transform_indices = #map}]} {
    %mul3A = arith.constant 2 : i32
    %mul3A_0 = arith.muli %arg1, %mul3A : i32
    %add3A = arith.addi %mul3A_0, %arg0 : i32
    %mul3A_1 = arith.constant 512 : i32
    %mul3A_2 = arith.muli %add3A, %mul3A_1 : i32
    "tpu.region"() ({
      %run_scoped3A = tpu.sem_alloc : memref<!tpu.dma_semaphore, #tpu.memory_space<semaphore_mem>>
      %dma_start3A_169 = arith.constant 0 : i32
      %dma_start3A_170 = arith.constant 0 : i32
      %dma_start3A_171 = tpu.memref_slice %arg3[%add3A, %dma_start3A_169, %dma_start3A_170] : memref<32x4x128xi32, #tpu.memory_space<hbm>> -> memref<1x4x128xi32, #tpu.memory_space<hbm>>
      %dma_start3A_172 = tpu.memref_squeeze %dma_start3A_171 : memref<1x4x128xi32, #tpu.memory_space<hbm>> -> memref<4x128xi32, #tpu.memory_space<hbm>>
      %dma_start3A_173 = arith.constant 0 : i32
      %dma_start3A_174 = arith.constant 0 : i32
      %dma_start3A_175 = tpu.memref_slice %arg3[%add3A, %dma_start3A_173, %dma_start3A_174] : memref<32x4x128xi32, #tpu.memory_space<hbm>> -> memref<1x4x128xi32, #tpu.memory_space<hbm>>
      %dma_start3A_176 = tpu.memref_squeeze %dma_start3A_175 : memref<1x4x128xi32, #tpu.memory_space<hbm>> -> memref<4x128xi32, #tpu.memory_space<hbm>>
      tpu.enqueue_dma source(%dma_start3A_176 : memref<4x128xi32, #tpu.memory_space<hbm>>) target(%arg7 : memref<4x128xi32, #tpu.memory_space<vmem>>) target_semaphore(%run_scoped3A : memref<!tpu.dma_semaphore, #tpu.memory_space<semaphore_mem>>)
      %dma_wait3A_177 = arith.constant 0 : i32
      %dma_wait3A_178 = arith.constant 0 : i32
      %dma_wait3A_179 = tpu.memref_slice %arg3[%add3A, %dma_wait3A_177, %dma_wait3A_178] : memref<32x4x128xi32, #tpu.memory_space<hbm>> -> memref<1x4x128xi32, #tpu.memory_space<hbm>>
      %dma_wait3A_180 = tpu.memref_squeeze %dma_wait3A_179 : memref<1x4x128xi32, #tpu.memory_space<hbm>> -> memref<4x128xi32, #tpu.memory_space<hbm>>
      %dma_wait3A_181 = arith.constant 0 : i32
      %dma_wait3A_182 = arith.constant 0 : i32
      %dma_wait3A_183 = tpu.memref_slice %arg3[%add3A, %dma_wait3A_181, %dma_wait3A_182] : memref<32x4x128xi32, #tpu.memory_space<hbm>> -> memref<1x4x128xi32, #tpu.memory_space<hbm>>
      %dma_wait3A_184 = tpu.memref_squeeze %dma_wait3A_183 : memref<1x4x128xi32, #tpu.memory_space<hbm>> -> memref<4x128xi32, #tpu.memory_space<hbm>>
      tpu.wait_dma2 semaphore(%run_scoped3A : memref<!tpu.dma_semaphore, #tpu.memory_space<semaphore_mem>>) src(%dma_wait3A_184 : memref<4x128xi32, #tpu.memory_space<hbm>>) dst(%arg7 : memref<4x128xi32, #tpu.memory_space<vmem>>)
      tpu.yield
    }) : () -> ()
    "tpu.region"() ({
      %run_scoped3A = tpu.sem_alloc : memref<!tpu.dma_semaphore, #tpu.memory_space<semaphore_mem>>
      %dma_start3A_169 = arith.constant 0 : i32
      %dma_start3A_170 = arith.constant 0 : i32
      %dma_start3A_171 = tpu.memref_slice %arg4[%add3A, %dma_start3A_169, %dma_start3A_170] : memref<32x4x128xi32, #tpu.memory_space<hbm>> -> memref<1x4x128xi32, #tpu.memory_space<hbm>>
      %dma_start3A_172 = tpu.memref_squeeze %dma_start3A_171 : memref<1x4x128xi32, #tpu.memory_space<hbm>> -> memref<4x128xi32, #tpu.memory_space<hbm>>
      %dma_start3A_173 = arith.constant 0 : i32
      %dma_start3A_174 = arith.constant 0 : i32
      %dma_start3A_175 = tpu.memref_slice %arg4[%add3A, %dma_start3A_173, %dma_start3A_174] : memref<32x4x128xi32, #tpu.memory_space<hbm>> -> memref<1x4x128xi32, #tpu.memory_space<hbm>>
      %dma_start3A_176 = tpu.memref_squeeze %dma_start3A_175 : memref<1x4x128xi32, #tpu.memory_space<hbm>> -> memref<4x128xi32, #tpu.memory_space<hbm>>
      tpu.enqueue_dma source(%dma_start3A_176 : memref<4x128xi32, #tpu.memory_space<hbm>>) target(%arg8 : memref<4x128xi32, #tpu.memory_space<vmem>>) target_semaphore(%run_scoped3A : memref<!tpu.dma_semaphore, #tpu.memory_space<semaphore_mem>>)
      %dma_wait3A_177 = arith.constant 0 : i32
      %dma_wait3A_178 = arith.constant 0 : i32
      %dma_wait3A_179 = tpu.memref_slice %arg4[%add3A, %dma_wait3A_177, %dma_wait3A_178] : memref<32x4x128xi32, #tpu.memory_space<hbm>> -> memref<1x4x128xi32, #tpu.memory_space<hbm>>
      %dma_wait3A_180 = tpu.memref_squeeze %dma_wait3A_179 : memref<1x4x128xi32, #tpu.memory_space<hbm>> -> memref<4x128xi32, #tpu.memory_space<hbm>>
      %dma_wait3A_181 = arith.constant 0 : i32
      %dma_wait3A_182 = arith.constant 0 : i32
      %dma_wait3A_183 = tpu.memref_slice %arg4[%add3A, %dma_wait3A_181, %dma_wait3A_182] : memref<32x4x128xi32, #tpu.memory_space<hbm>> -> memref<1x4x128xi32, #tpu.memory_space<hbm>>
      %dma_wait3A_184 = tpu.memref_squeeze %dma_wait3A_183 : memref<1x4x128xi32, #tpu.memory_space<hbm>> -> memref<4x128xi32, #tpu.memory_space<hbm>>
      tpu.wait_dma2 semaphore(%run_scoped3A : memref<!tpu.dma_semaphore, #tpu.memory_space<semaphore_mem>>) src(%dma_wait3A_184 : memref<4x128xi32, #tpu.memory_space<hbm>>) dst(%arg8 : memref<4x128xi32, #tpu.memory_space<vmem>>)
      tpu.yield
    }) : () -> ()
    %dma_start3A = arith.constant 0 : i32
    %dma_start3A_3 = arith.constant 0 : i32
    %dma_start3A_4 = arith.constant 0 : i32
    %dma_start3A_5 = tpu.memref_slice %arg9[%dma_start3A_3, %dma_start3A_4] : memref<256x128xf32, #tpu.memory_space<vmem>> -> memref<128x128xf32, #tpu.memory_space<vmem>>
    %dma_start3A_6 = arith.constant 0 : i32
    %dma_start3A_7 = tpu.memref_slice %arg7[%dma_start3A, %dma_start3A_6] : memref<4x128xi32, #tpu.memory_space<vmem>> -> memref<1x128xi32, #tpu.memory_space<vmem>>
    %dma_start3A_8 = tpu.memref_squeeze %dma_start3A_7 : memref<1x128xi32, #tpu.memory_space<vmem>> -> memref<128xi32, #tpu.memory_space<vmem>>
    %dma_start3A_9 = arith.constant 0 : i32
    %dma_start3A_10 = arith.constant 0 : i32
    %dma_start3A_11 = tpu.memref_slice %arg2[%dma_start3A_9, %dma_start3A_10] : memref<2048x128xf32, #tpu.memory_space<hbm>> -> memref<2048x128xf32, #tpu.memory_space<hbm>>
    tpu.enqueue_indirect_dma source(%dma_start3A_11 : memref<2048x128xf32, #tpu.memory_space<hbm>>) target(%dma_start3A_5 : memref<128x128xf32, #tpu.memory_space<vmem>>) offsets(%dma_start3A_8 : memref<128xi32, #tpu.memory_space<vmem>>) semaphore(%arg11 : memref<!tpu.dma_semaphore, #tpu.memory_space<semaphore_mem>>)
    %dma_start3A_12 = arith.constant 0 : i32
    %dma_start3A_13 = arith.constant 0 : i32
    %dma_start3A_14 = arith.constant 0 : i32
    %dma_start3A_15 = tpu.memref_slice %arg10[%dma_start3A_13, %dma_start3A_14] : memref<256x128xf32, #tpu.memory_space<vmem>> -> memref<128x128xf32, #tpu.memory_space<vmem>>
    %dma_start3A_16 = arith.constant 0 : i32
    %dma_start3A_17 = tpu.memref_slice %arg8[%dma_start3A_12, %dma_start3A_16] : memref<4x128xi32, #tpu.memory_space<vmem>> -> memref<1x128xi32, #tpu.memory_space<vmem>>
    %dma_start3A_18 = tpu.memref_squeeze %dma_start3A_17 : memref<1x128xi32, #tpu.memory_space<vmem>> -> memref<128xi32, #tpu.memory_space<vmem>>
    %dma_start3A_19 = arith.constant 0 : i32
    %dma_start3A_20 = arith.constant 0 : i32
    %dma_start3A_21 = tpu.memref_slice %arg2[%dma_start3A_19, %dma_start3A_20] : memref<2048x128xf32, #tpu.memory_space<hbm>> -> memref<2048x128xf32, #tpu.memory_space<hbm>>
    tpu.enqueue_indirect_dma source(%dma_start3A_21 : memref<2048x128xf32, #tpu.memory_space<hbm>>) target(%dma_start3A_15 : memref<128x128xf32, #tpu.memory_space<vmem>>) offsets(%dma_start3A_18 : memref<128xi32, #tpu.memory_space<vmem>>) semaphore(%arg11 : memref<!tpu.dma_semaphore, #tpu.memory_space<semaphore_mem>>)
    %dma_start3A_22 = arith.constant 1 : i32
    %dma_start3A_23 = arith.constant 128 : i32
    %dma_start3A_24 = arith.constant 0 : i32
    %dma_start3A_25 = tpu.memref_slice %arg9[%dma_start3A_23, %dma_start3A_24] : memref<256x128xf32, #tpu.memory_space<vmem>> -> memref<128x128xf32, #tpu.memory_space<vmem>>
    %dma_start3A_26 = arith.constant 0 : i32
    %dma_start3A_27 = tpu.memref_slice %arg7[%dma_start3A_22, %dma_start3A_26] : memref<4x128xi32, #tpu.memory_space<vmem>> -> memref<1x128xi32, #tpu.memory_space<vmem>>
    %dma_start3A_28 = tpu.memref_squeeze %dma_start3A_27 : memref<1x128xi32, #tpu.memory_space<vmem>> -> memref<128xi32, #tpu.memory_space<vmem>>
    %dma_start3A_29 = arith.constant 0 : i32
    %dma_start3A_30 = arith.constant 0 : i32
    %dma_start3A_31 = tpu.memref_slice %arg2[%dma_start3A_29, %dma_start3A_30] : memref<2048x128xf32, #tpu.memory_space<hbm>> -> memref<2048x128xf32, #tpu.memory_space<hbm>>
    tpu.enqueue_indirect_dma source(%dma_start3A_31 : memref<2048x128xf32, #tpu.memory_space<hbm>>) target(%dma_start3A_25 : memref<128x128xf32, #tpu.memory_space<vmem>>) offsets(%dma_start3A_28 : memref<128xi32, #tpu.memory_space<vmem>>) semaphore(%arg11 : memref<!tpu.dma_semaphore, #tpu.memory_space<semaphore_mem>>)
    %dma_start3A_32 = arith.constant 1 : i32
    %dma_start3A_33 = arith.constant 128 : i32
    %dma_start3A_34 = arith.constant 0 : i32
    %dma_start3A_35 = tpu.memref_slice %arg10[%dma_start3A_33, %dma_start3A_34] : memref<256x128xf32, #tpu.memory_space<vmem>> -> memref<128x128xf32, #tpu.memory_space<vmem>>
    %dma_start3A_36 = arith.constant 0 : i32
    %dma_start3A_37 = tpu.memref_slice %arg8[%dma_start3A_32, %dma_start3A_36] : memref<4x128xi32, #tpu.memory_space<vmem>> -> memref<1x128xi32, #tpu.memory_space<vmem>>
    %dma_start3A_38 = tpu.memref_squeeze %dma_start3A_37 : memref<1x128xi32, #tpu.memory_space<vmem>> -> memref<128xi32, #tpu.memory_space<vmem>>
    %dma_start3A_39 = arith.constant 0 : i32
    %dma_start3A_40 = arith.constant 0 : i32
    %dma_start3A_41 = tpu.memref_slice %arg2[%dma_start3A_39, %dma_start3A_40] : memref<2048x128xf32, #tpu.memory_space<hbm>> -> memref<2048x128xf32, #tpu.memory_space<hbm>>
    tpu.enqueue_indirect_dma source(%dma_start3A_41 : memref<2048x128xf32, #tpu.memory_space<hbm>>) target(%dma_start3A_35 : memref<128x128xf32, #tpu.memory_space<vmem>>) offsets(%dma_start3A_38 : memref<128xi32, #tpu.memory_space<vmem>>) semaphore(%arg11 : memref<!tpu.dma_semaphore, #tpu.memory_space<semaphore_mem>>)
    %dma_wait3A = arith.constant 0 : i32
    %dma_wait3A_42 = arith.constant 0 : i32
    %dma_wait3A_43 = arith.constant 0 : i32
    %dma_wait3A_44 = tpu.memref_slice %arg9[%dma_wait3A_42, %dma_wait3A_43] : memref<256x128xf32, #tpu.memory_space<vmem>> -> memref<128x128xf32, #tpu.memory_space<vmem>>
    %dma_wait3A_45 = arith.constant 0 : i32
    %dma_wait3A_46 = tpu.memref_slice %arg7[%dma_wait3A, %dma_wait3A_45] : memref<4x128xi32, #tpu.memory_space<vmem>> -> memref<1x128xi32, #tpu.memory_space<vmem>>
    %dma_wait3A_47 = tpu.memref_squeeze %dma_wait3A_46 : memref<1x128xi32, #tpu.memory_space<vmem>> -> memref<128xi32, #tpu.memory_space<vmem>>
    %dma_wait3A_48 = arith.constant 0 : i32
    %dma_wait3A_49 = arith.constant 0 : i32
    %dma_wait3A_50 = tpu.memref_slice %arg2[%dma_wait3A_48, %dma_wait3A_49] : memref<2048x128xf32, #tpu.memory_space<hbm>> -> memref<2048x128xf32, #tpu.memory_space<hbm>>
    tpu.wait_indirect_dma semaphore(%arg11 : memref<!tpu.dma_semaphore, #tpu.memory_space<semaphore_mem>>) src(%dma_wait3A_50 : memref<2048x128xf32, #tpu.memory_space<hbm>>) dst(%dma_wait3A_44 : memref<128x128xf32, #tpu.memory_space<vmem>>)
    %dma_wait3A_51 = arith.constant 0 : i32
    %dma_wait3A_52 = arith.constant 0 : i32
    %dma_wait3A_53 = arith.constant 0 : i32
    %dma_wait3A_54 = tpu.memref_slice %arg10[%dma_wait3A_52, %dma_wait3A_53] : memref<256x128xf32, #tpu.memory_space<vmem>> -> memref<128x128xf32, #tpu.memory_space<vmem>>
    %dma_wait3A_55 = arith.constant 0 : i32
    %dma_wait3A_56 = tpu.memref_slice %arg8[%dma_wait3A_51, %dma_wait3A_55] : memref<4x128xi32, #tpu.memory_space<vmem>> -> memref<1x128xi32, #tpu.memory_space<vmem>>
    %dma_wait3A_57 = tpu.memref_squeeze %dma_wait3A_56 : memref<1x128xi32, #tpu.memory_space<vmem>> -> memref<128xi32, #tpu.memory_space<vmem>>
    %dma_wait3A_58 = arith.constant 0 : i32
    %dma_wait3A_59 = arith.constant 0 : i32
    %dma_wait3A_60 = tpu.memref_slice %arg2[%dma_wait3A_58, %dma_wait3A_59] : memref<2048x128xf32, #tpu.memory_space<hbm>> -> memref<2048x128xf32, #tpu.memory_space<hbm>>
    tpu.wait_indirect_dma semaphore(%arg11 : memref<!tpu.dma_semaphore, #tpu.memory_space<semaphore_mem>>) src(%dma_wait3A_60 : memref<2048x128xf32, #tpu.memory_space<hbm>>) dst(%dma_wait3A_54 : memref<128x128xf32, #tpu.memory_space<vmem>>)
    %dma_wait3A_61 = arith.constant 1 : i32
    %dma_wait3A_62 = arith.constant 128 : i32
    %dma_wait3A_63 = arith.constant 0 : i32
    %dma_wait3A_64 = tpu.memref_slice %arg9[%dma_wait3A_62, %dma_wait3A_63] : memref<256x128xf32, #tpu.memory_space<vmem>> -> memref<128x128xf32, #tpu.memory_space<vmem>>
    %dma_wait3A_65 = arith.constant 0 : i32
    %dma_wait3A_66 = tpu.memref_slice %arg7[%dma_wait3A_61, %dma_wait3A_65] : memref<4x128xi32, #tpu.memory_space<vmem>> -> memref<1x128xi32, #tpu.memory_space<vmem>>
    %dma_wait3A_67 = tpu.memref_squeeze %dma_wait3A_66 : memref<1x128xi32, #tpu.memory_space<vmem>> -> memref<128xi32, #tpu.memory_space<vmem>>
    %dma_wait3A_68 = arith.constant 0 : i32
    %dma_wait3A_69 = arith.constant 0 : i32
    %dma_wait3A_70 = tpu.memref_slice %arg2[%dma_wait3A_68, %dma_wait3A_69] : memref<2048x128xf32, #tpu.memory_space<hbm>> -> memref<2048x128xf32, #tpu.memory_space<hbm>>
    tpu.wait_indirect_dma semaphore(%arg11 : memref<!tpu.dma_semaphore, #tpu.memory_space<semaphore_mem>>) src(%dma_wait3A_70 : memref<2048x128xf32, #tpu.memory_space<hbm>>) dst(%dma_wait3A_64 : memref<128x128xf32, #tpu.memory_space<vmem>>)
    %dma_wait3A_71 = arith.constant 1 : i32
    %dma_wait3A_72 = arith.constant 128 : i32
    %dma_wait3A_73 = arith.constant 0 : i32
    %dma_wait3A_74 = tpu.memref_slice %arg10[%dma_wait3A_72, %dma_wait3A_73] : memref<256x128xf32, #tpu.memory_space<vmem>> -> memref<128x128xf32, #tpu.memory_space<vmem>>
    %dma_wait3A_75 = arith.constant 0 : i32
    %dma_wait3A_76 = tpu.memref_slice %arg8[%dma_wait3A_71, %dma_wait3A_75] : memref<4x128xi32, #tpu.memory_space<vmem>> -> memref<1x128xi32, #tpu.memory_space<vmem>>
    %dma_wait3A_77 = tpu.memref_squeeze %dma_wait3A_76 : memref<1x128xi32, #tpu.memory_space<vmem>> -> memref<128xi32, #tpu.memory_space<vmem>>
    %dma_wait3A_78 = arith.constant 0 : i32
    %dma_wait3A_79 = arith.constant 0 : i32
    %dma_wait3A_80 = tpu.memref_slice %arg2[%dma_wait3A_78, %dma_wait3A_79] : memref<2048x128xf32, #tpu.memory_space<hbm>> -> memref<2048x128xf32, #tpu.memory_space<hbm>>
    tpu.wait_indirect_dma semaphore(%arg11 : memref<!tpu.dma_semaphore, #tpu.memory_space<semaphore_mem>>) src(%dma_wait3A_80 : memref<2048x128xf32, #tpu.memory_space<hbm>>) dst(%dma_wait3A_74 : memref<128x128xf32, #tpu.memory_space<vmem>>)
    %add3A_81 = arith.constant 0 : i32
    %add3A_82 = arith.addi %mul3A_2, %add3A_81 : i32
    "tpu.region"() ({
      %run_scoped3A = tpu.sem_alloc : memref<!tpu.dma_semaphore, #tpu.memory_space<semaphore_mem>>
      %dma_start3A_169 = arith.constant 0 : i32
      %dma_start3A_170 = tpu.memref_slice %arg5[%add3A_82, %dma_start3A_169] : memref<16384x128xf32, #tpu.memory_space<hbm>> -> memref<256x128xf32, #tpu.memory_space<hbm>>
      %dma_start3A_171 = arith.constant 0 : i32
      %dma_start3A_172 = tpu.memref_slice %arg5[%add3A_82, %dma_start3A_171] : memref<16384x128xf32, #tpu.memory_space<hbm>> -> memref<256x128xf32, #tpu.memory_space<hbm>>
      tpu.enqueue_dma source(%arg9 : memref<256x128xf32, #tpu.memory_space<vmem>>) target(%dma_start3A_172 : memref<256x128xf32, #tpu.memory_space<hbm>>) target_semaphore(%run_scoped3A : memref<!tpu.dma_semaphore, #tpu.memory_space<semaphore_mem>>)
      %dma_wait3A_173 = arith.constant 0 : i32
      %dma_wait3A_174 = tpu.memref_slice %arg5[%add3A_82, %dma_wait3A_173] : memref<16384x128xf32, #tpu.memory_space<hbm>> -> memref<256x128xf32, #tpu.memory_space<hbm>>
      %dma_wait3A_175 = arith.constant 0 : i32
      %dma_wait3A_176 = tpu.memref_slice %arg5[%add3A_82, %dma_wait3A_175] : memref<16384x128xf32, #tpu.memory_space<hbm>> -> memref<256x128xf32, #tpu.memory_space<hbm>>
      tpu.wait_dma2 semaphore(%run_scoped3A : memref<!tpu.dma_semaphore, #tpu.memory_space<semaphore_mem>>) src(%arg9 : memref<256x128xf32, #tpu.memory_space<vmem>>) dst(%dma_wait3A_176 : memref<256x128xf32, #tpu.memory_space<hbm>>)
      tpu.yield
    }) : () -> ()
    %add3A_83 = arith.constant 0 : i32
    %add3A_84 = arith.addi %mul3A_2, %add3A_83 : i32
    "tpu.region"() ({
      %run_scoped3A = tpu.sem_alloc : memref<!tpu.dma_semaphore, #tpu.memory_space<semaphore_mem>>
      %dma_start3A_169 = arith.constant 0 : i32
      %dma_start3A_170 = tpu.memref_slice %arg6[%add3A_84, %dma_start3A_169] : memref<16384x128xf32, #tpu.memory_space<hbm>> -> memref<256x128xf32, #tpu.memory_space<hbm>>
      %dma_start3A_171 = arith.constant 0 : i32
      %dma_start3A_172 = tpu.memref_slice %arg6[%add3A_84, %dma_start3A_171] : memref<16384x128xf32, #tpu.memory_space<hbm>> -> memref<256x128xf32, #tpu.memory_space<hbm>>
      tpu.enqueue_dma source(%arg10 : memref<256x128xf32, #tpu.memory_space<vmem>>) target(%dma_start3A_172 : memref<256x128xf32, #tpu.memory_space<hbm>>) target_semaphore(%run_scoped3A : memref<!tpu.dma_semaphore, #tpu.memory_space<semaphore_mem>>)
      %dma_wait3A_173 = arith.constant 0 : i32
      %dma_wait3A_174 = tpu.memref_slice %arg6[%add3A_84, %dma_wait3A_173] : memref<16384x128xf32, #tpu.memory_space<hbm>> -> memref<256x128xf32, #tpu.memory_space<hbm>>
      %dma_wait3A_175 = arith.constant 0 : i32
      %dma_wait3A_176 = tpu.memref_slice %arg6[%add3A_84, %dma_wait3A_175] : memref<16384x128xf32, #tpu.memory_space<hbm>> -> memref<256x128xf32, #tpu.memory_space<hbm>>
      tpu.wait_dma2 semaphore(%run_scoped3A : memref<!tpu.dma_semaphore, #tpu.memory_space<semaphore_mem>>) src(%arg10 : memref<256x128xf32, #tpu.memory_space<vmem>>) dst(%dma_wait3A_176 : memref<256x128xf32, #tpu.memory_space<hbm>>)
      tpu.yield
    }) : () -> ()
    %dma_start3A_85 = arith.constant 2 : i32
    %dma_start3A_86 = arith.constant 0 : i32
    %dma_start3A_87 = arith.constant 0 : i32
    %dma_start3A_88 = tpu.memref_slice %arg9[%dma_start3A_86, %dma_start3A_87] : memref<256x128xf32, #tpu.memory_space<vmem>> -> memref<128x128xf32, #tpu.memory_space<vmem>>
    %dma_start3A_89 = arith.constant 0 : i32
    %dma_start3A_90 = tpu.memref_slice %arg7[%dma_start3A_85, %dma_start3A_89] : memref<4x128xi32, #tpu.memory_space<vmem>> -> memref<1x128xi32, #tpu.memory_space<vmem>>
    %dma_start3A_91 = tpu.memref_squeeze %dma_start3A_90 : memref<1x128xi32, #tpu.memory_space<vmem>> -> memref<128xi32, #tpu.memory_space<vmem>>
    %dma_start3A_92 = arith.constant 0 : i32
    %dma_start3A_93 = arith.constant 0 : i32
    %dma_start3A_94 = tpu.memref_slice %arg2[%dma_start3A_92, %dma_start3A_93] : memref<2048x128xf32, #tpu.memory_space<hbm>> -> memref<2048x128xf32, #tpu.memory_space<hbm>>
    tpu.enqueue_indirect_dma source(%dma_start3A_94 : memref<2048x128xf32, #tpu.memory_space<hbm>>) target(%dma_start3A_88 : memref<128x128xf32, #tpu.memory_space<vmem>>) offsets(%dma_start3A_91 : memref<128xi32, #tpu.memory_space<vmem>>) semaphore(%arg11 : memref<!tpu.dma_semaphore, #tpu.memory_space<semaphore_mem>>)
    %dma_start3A_95 = arith.constant 2 : i32
    %dma_start3A_96 = arith.constant 0 : i32
    %dma_start3A_97 = arith.constant 0 : i32
    %dma_start3A_98 = tpu.memref_slice %arg10[%dma_start3A_96, %dma_start3A_97] : memref<256x128xf32, #tpu.memory_space<vmem>> -> memref<128x128xf32, #tpu.memory_space<vmem>>
    %dma_start3A_99 = arith.constant 0 : i32
    %dma_start3A_100 = tpu.memref_slice %arg8[%dma_start3A_95, %dma_start3A_99] : memref<4x128xi32, #tpu.memory_space<vmem>> -> memref<1x128xi32, #tpu.memory_space<vmem>>
    %dma_start3A_101 = tpu.memref_squeeze %dma_start3A_100 : memref<1x128xi32, #tpu.memory_space<vmem>> -> memref<128xi32, #tpu.memory_space<vmem>>
    %dma_start3A_102 = arith.constant 0 : i32
    %dma_start3A_103 = arith.constant 0 : i32
    %dma_start3A_104 = tpu.memref_slice %arg2[%dma_start3A_102, %dma_start3A_103] : memref<2048x128xf32, #tpu.memory_space<hbm>> -> memref<2048x128xf32, #tpu.memory_space<hbm>>
    tpu.enqueue_indirect_dma source(%dma_start3A_104 : memref<2048x128xf32, #tpu.memory_space<hbm>>) target(%dma_start3A_98 : memref<128x128xf32, #tpu.memory_space<vmem>>) offsets(%dma_start3A_101 : memref<128xi32, #tpu.memory_space<vmem>>) semaphore(%arg11 : memref<!tpu.dma_semaphore, #tpu.memory_space<semaphore_mem>>)
    %dma_start3A_105 = arith.constant 3 : i32
    %dma_start3A_106 = arith.constant 128 : i32
    %dma_start3A_107 = arith.constant 0 : i32
    %dma_start3A_108 = tpu.memref_slice %arg9[%dma_start3A_106, %dma_start3A_107] : memref<256x128xf32, #tpu.memory_space<vmem>> -> memref<128x128xf32, #tpu.memory_space<vmem>>
    %dma_start3A_109 = arith.constant 0 : i32
    %dma_start3A_110 = tpu.memref_slice %arg7[%dma_start3A_105, %dma_start3A_109] : memref<4x128xi32, #tpu.memory_space<vmem>> -> memref<1x128xi32, #tpu.memory_space<vmem>>
    %dma_start3A_111 = tpu.memref_squeeze %dma_start3A_110 : memref<1x128xi32, #tpu.memory_space<vmem>> -> memref<128xi32, #tpu.memory_space<vmem>>
    %dma_start3A_112 = arith.constant 0 : i32
    %dma_start3A_113 = arith.constant 0 : i32
    %dma_start3A_114 = tpu.memref_slice %arg2[%dma_start3A_112, %dma_start3A_113] : memref<2048x128xf32, #tpu.memory_space<hbm>> -> memref<2048x128xf32, #tpu.memory_space<hbm>>
    tpu.enqueue_indirect_dma source(%dma_start3A_114 : memref<2048x128xf32, #tpu.memory_space<hbm>>) target(%dma_start3A_108 : memref<128x128xf32, #tpu.memory_space<vmem>>) offsets(%dma_start3A_111 : memref<128xi32, #tpu.memory_space<vmem>>) semaphore(%arg11 : memref<!tpu.dma_semaphore, #tpu.memory_space<semaphore_mem>>)
    %dma_start3A_115 = arith.constant 3 : i32
    %dma_start3A_116 = arith.constant 128 : i32
    %dma_start3A_117 = arith.constant 0 : i32
    %dma_start3A_118 = tpu.memref_slice %arg10[%dma_start3A_116, %dma_start3A_117] : memref<256x128xf32, #tpu.memory_space<vmem>> -> memref<128x128xf32, #tpu.memory_space<vmem>>
    %dma_start3A_119 = arith.constant 0 : i32
    %dma_start3A_120 = tpu.memref_slice %arg8[%dma_start3A_115, %dma_start3A_119] : memref<4x128xi32, #tpu.memory_space<vmem>> -> memref<1x128xi32, #tpu.memory_space<vmem>>
    %dma_start3A_121 = tpu.memref_squeeze %dma_start3A_120 : memref<1x128xi32, #tpu.memory_space<vmem>> -> memref<128xi32, #tpu.memory_space<vmem>>
    %dma_start3A_122 = arith.constant 0 : i32
    %dma_start3A_123 = arith.constant 0 : i32
    %dma_start3A_124 = tpu.memref_slice %arg2[%dma_start3A_122, %dma_start3A_123] : memref<2048x128xf32, #tpu.memory_space<hbm>> -> memref<2048x128xf32, #tpu.memory_space<hbm>>
    tpu.enqueue_indirect_dma source(%dma_start3A_124 : memref<2048x128xf32, #tpu.memory_space<hbm>>) target(%dma_start3A_118 : memref<128x128xf32, #tpu.memory_space<vmem>>) offsets(%dma_start3A_121 : memref<128xi32, #tpu.memory_space<vmem>>) semaphore(%arg11 : memref<!tpu.dma_semaphore, #tpu.memory_space<semaphore_mem>>)
    %dma_wait3A_125 = arith.constant 2 : i32
    %dma_wait3A_126 = arith.constant 0 : i32
    %dma_wait3A_127 = arith.constant 0 : i32
    %dma_wait3A_128 = tpu.memref_slice %arg9[%dma_wait3A_126, %dma_wait3A_127] : memref<256x128xf32, #tpu.memory_space<vmem>> -> memref<128x128xf32, #tpu.memory_space<vmem>>
    %dma_wait3A_129 = arith.constant 0 : i32
    %dma_wait3A_130 = tpu.memref_slice %arg7[%dma_wait3A_125, %dma_wait3A_129] : memref<4x128xi32, #tpu.memory_space<vmem>> -> memref<1x128xi32, #tpu.memory_space<vmem>>
    %dma_wait3A_131 = tpu.memref_squeeze %dma_wait3A_130 : memref<1x128xi32, #tpu.memory_space<vmem>> -> memref<128xi32, #tpu.memory_space<vmem>>
    %dma_wait3A_132 = arith.constant 0 : i32
    %dma_wait3A_133 = arith.constant 0 : i32
    %dma_wait3A_134 = tpu.memref_slice %arg2[%dma_wait3A_132, %dma_wait3A_133] : memref<2048x128xf32, #tpu.memory_space<hbm>> -> memref<2048x128xf32, #tpu.memory_space<hbm>>
    tpu.wait_indirect_dma semaphore(%arg11 : memref<!tpu.dma_semaphore, #tpu.memory_space<semaphore_mem>>) src(%dma_wait3A_134 : memref<2048x128xf32, #tpu.memory_space<hbm>>) dst(%dma_wait3A_128 : memref<128x128xf32, #tpu.memory_space<vmem>>)
    %dma_wait3A_135 = arith.constant 2 : i32
    %dma_wait3A_136 = arith.constant 0 : i32
    %dma_wait3A_137 = arith.constant 0 : i32
    %dma_wait3A_138 = tpu.memref_slice %arg10[%dma_wait3A_136, %dma_wait3A_137] : memref<256x128xf32, #tpu.memory_space<vmem>> -> memref<128x128xf32, #tpu.memory_space<vmem>>
    %dma_wait3A_139 = arith.constant 0 : i32
    %dma_wait3A_140 = tpu.memref_slice %arg8[%dma_wait3A_135, %dma_wait3A_139] : memref<4x128xi32, #tpu.memory_space<vmem>> -> memref<1x128xi32, #tpu.memory_space<vmem>>
    %dma_wait3A_141 = tpu.memref_squeeze %dma_wait3A_140 : memref<1x128xi32, #tpu.memory_space<vmem>> -> memref<128xi32, #tpu.memory_space<vmem>>
    %dma_wait3A_142 = arith.constant 0 : i32
    %dma_wait3A_143 = arith.constant 0 : i32
    %dma_wait3A_144 = tpu.memref_slice %arg2[%dma_wait3A_142, %dma_wait3A_143] : memref<2048x128xf32, #tpu.memory_space<hbm>> -> memref<2048x128xf32, #tpu.memory_space<hbm>>
    tpu.wait_indirect_dma semaphore(%arg11 : memref<!tpu.dma_semaphore, #tpu.memory_space<semaphore_mem>>) src(%dma_wait3A_144 : memref<2048x128xf32, #tpu.memory_space<hbm>>) dst(%dma_wait3A_138 : memref<128x128xf32, #tpu.memory_space<vmem>>)
    %dma_wait3A_145 = arith.constant 3 : i32
    %dma_wait3A_146 = arith.constant 128 : i32
    %dma_wait3A_147 = arith.constant 0 : i32
    %dma_wait3A_148 = tpu.memref_slice %arg9[%dma_wait3A_146, %dma_wait3A_147] : memref<256x128xf32, #tpu.memory_space<vmem>> -> memref<128x128xf32, #tpu.memory_space<vmem>>
    %dma_wait3A_149 = arith.constant 0 : i32
    %dma_wait3A_150 = tpu.memref_slice %arg7[%dma_wait3A_145, %dma_wait3A_149] : memref<4x128xi32, #tpu.memory_space<vmem>> -> memref<1x128xi32, #tpu.memory_space<vmem>>
    %dma_wait3A_151 = tpu.memref_squeeze %dma_wait3A_150 : memref<1x128xi32, #tpu.memory_space<vmem>> -> memref<128xi32, #tpu.memory_space<vmem>>
    %dma_wait3A_152 = arith.constant 0 : i32
    %dma_wait3A_153 = arith.constant 0 : i32
    %dma_wait3A_154 = tpu.memref_slice %arg2[%dma_wait3A_152, %dma_wait3A_153] : memref<2048x128xf32, #tpu.memory_space<hbm>> -> memref<2048x128xf32, #tpu.memory_space<hbm>>
    tpu.wait_indirect_dma semaphore(%arg11 : memref<!tpu.dma_semaphore, #tpu.memory_space<semaphore_mem>>) src(%dma_wait3A_154 : memref<2048x128xf32, #tpu.memory_space<hbm>>) dst(%dma_wait3A_148 : memref<128x128xf32, #tpu.memory_space<vmem>>)
    %dma_wait3A_155 = arith.constant 3 : i32
    %dma_wait3A_156 = arith.constant 128 : i32
    %dma_wait3A_157 = arith.constant 0 : i32
    %dma_wait3A_158 = tpu.memref_slice %arg10[%dma_wait3A_156, %dma_wait3A_157] : memref<256x128xf32, #tpu.memory_space<vmem>> -> memref<128x128xf32, #tpu.memory_space<vmem>>
    %dma_wait3A_159 = arith.constant 0 : i32
    %dma_wait3A_160 = tpu.memref_slice %arg8[%dma_wait3A_155, %dma_wait3A_159] : memref<4x128xi32, #tpu.memory_space<vmem>> -> memref<1x128xi32, #tpu.memory_space<vmem>>
    %dma_wait3A_161 = tpu.memref_squeeze %dma_wait3A_160 : memref<1x128xi32, #tpu.memory_space<vmem>> -> memref<128xi32, #tpu.memory_space<vmem>>
    %dma_wait3A_162 = arith.constant 0 : i32
    %dma_wait3A_163 = arith.constant 0 : i32
    %dma_wait3A_164 = tpu.memref_slice %arg2[%dma_wait3A_162, %dma_wait3A_163] : memref<2048x128xf32, #tpu.memory_space<hbm>> -> memref<2048x128xf32, #tpu.memory_space<hbm>>
    tpu.wait_indirect_dma semaphore(%arg11 : memref<!tpu.dma_semaphore, #tpu.memory_space<semaphore_mem>>) src(%dma_wait3A_164 : memref<2048x128xf32, #tpu.memory_space<hbm>>) dst(%dma_wait3A_158 : memref<128x128xf32, #tpu.memory_space<vmem>>)
    %add3A_165 = arith.constant 256 : i32
    %add3A_166 = arith.addi %mul3A_2, %add3A_165 : i32
    "tpu.region"() ({
      %run_scoped3A = tpu.sem_alloc : memref<!tpu.dma_semaphore, #tpu.memory_space<semaphore_mem>>
      %dma_start3A_169 = arith.constant 0 : i32
      %dma_start3A_170 = tpu.memref_slice %arg5[%add3A_166, %dma_start3A_169] : memref<16384x128xf32, #tpu.memory_space<hbm>> -> memref<256x128xf32, #tpu.memory_space<hbm>>
      %dma_start3A_171 = arith.constant 0 : i32
      %dma_start3A_172 = tpu.memref_slice %arg5[%add3A_166, %dma_start3A_171] : memref<16384x128xf32, #tpu.memory_space<hbm>> -> memref<256x128xf32, #tpu.memory_space<hbm>>
      tpu.enqueue_dma source(%arg9 : memref<256x128xf32, #tpu.memory_space<vmem>>) target(%dma_start3A_172 : memref<256x128xf32, #tpu.memory_space<hbm>>) target_semaphore(%run_scoped3A : memref<!tpu.dma_semaphore, #tpu.memory_space<semaphore_mem>>)
      %dma_wait3A_173 = arith.constant 0 : i32
      %dma_wait3A_174 = tpu.memref_slice %arg5[%add3A_166, %dma_wait3A_173] : memref<16384x128xf32, #tpu.memory_space<hbm>> -> memref<256x128xf32, #tpu.memory_space<hbm>>
      %dma_wait3A_175 = arith.constant 0 : i32
      %dma_wait3A_176 = tpu.memref_slice %arg5[%add3A_166, %dma_wait3A_175] : memref<16384x128xf32, #tpu.memory_space<hbm>> -> memref<256x128xf32, #tpu.memory_space<hbm>>
      tpu.wait_dma2 semaphore(%run_scoped3A : memref<!tpu.dma_semaphore, #tpu.memory_space<semaphore_mem>>) src(%arg9 : memref<256x128xf32, #tpu.memory_space<vmem>>) dst(%dma_wait3A_176 : memref<256x128xf32, #tpu.memory_space<hbm>>)
      tpu.yield
    }) : () -> ()
    %add3A_167 = arith.constant 256 : i32
    %add3A_168 = arith.addi %mul3A_2, %add3A_167 : i32
    "tpu.region"() ({
      %run_scoped3A = tpu.sem_alloc : memref<!tpu.dma_semaphore, #tpu.memory_space<semaphore_mem>>
      %dma_start3A_169 = arith.constant 0 : i32
      %dma_start3A_170 = tpu.memref_slice %arg6[%add3A_168, %dma_start3A_169] : memref<16384x128xf32, #tpu.memory_space<hbm>> -> memref<256x128xf32, #tpu.memory_space<hbm>>
      %dma_start3A_171 = arith.constant 0 : i32
      %dma_start3A_172 = tpu.memref_slice %arg6[%add3A_168, %dma_start3A_171] : memref<16384x128xf32, #tpu.memory_space<hbm>> -> memref<256x128xf32, #tpu.memory_space<hbm>>
      tpu.enqueue_dma source(%arg10 : memref<256x128xf32, #tpu.memory_space<vmem>>) target(%dma_start3A_172 : memref<256x128xf32, #tpu.memory_space<hbm>>) target_semaphore(%run_scoped3A : memref<!tpu.dma_semaphore, #tpu.memory_space<semaphore_mem>>)
      %dma_wait3A_173 = arith.constant 0 : i32
      %dma_wait3A_174 = tpu.memref_slice %arg6[%add3A_168, %dma_wait3A_173] : memref<16384x128xf32, #tpu.memory_space<hbm>> -> memref<256x128xf32, #tpu.memory_space<hbm>>
      %dma_wait3A_175 = arith.constant 0 : i32
      %dma_wait3A_176 = tpu.memref_slice %arg6[%add3A_168, %dma_wait3A_175] : memref<16384x128xf32, #tpu.memory_space<hbm>> -> memref<256x128xf32, #tpu.memory_space<hbm>>
      tpu.wait_dma2 semaphore(%run_scoped3A : memref<!tpu.dma_semaphore, #tpu.memory_space<semaphore_mem>>) src(%arg10 : memref<256x128xf32, #tpu.memory_space<vmem>>) dst(%dma_wait3A_176 : memref<256x128xf32, #tpu.memory_space<hbm>>)
      tpu.yield
    }) : () -> ()
    return
  }
}

#map = affine_map<(d0, d1) -> (0, 0)>
#map1 = affine_map<(d0, d1) -> (0, 0, 0)>
module attributes {stable_mosaic.version = 14 : i64} {
  func.func @_gather_uv(%arg0: i32, %arg1: i32, %arg2: memref<2048x128xf32, #tpu.memory_space<hbm>>, %arg3: memref<32x4x128xi32, #tpu.memory_space<hbm>>, %arg4: memref<32x4x128xi32, #tpu.memory_space<hbm>>, %arg5: memref<16384x128xf32, #tpu.memory_space<hbm>>, %arg6: memref<16384x128xf32, #tpu.memory_space<hbm>>, %arg7: memref<4x128xi32, #tpu.memory_space<vmem>>, %arg8: memref<4x128xi32, #tpu.memory_space<vmem>>, %arg9: memref<256x128xf32, #tpu.memory_space<vmem>>, %arg10: memref<256x128xf32, #tpu.memory_space<vmem>>, %arg11: memref<!tpu.dma_semaphore, #tpu.memory_space<semaphore_mem>>) attributes {dimension_semantics = [#tpu.dimension_semantics<core_parallel>, #tpu.dimension_semantics<subcore_parallel>], iteration_bounds = array<i64: 2, 16>, scalar_prefetch = 0 : i64, scratch_operands = 5 : i64, tpu.core_type = #tpu.core_type<sc_vector_subcore>, window_params = [{transform_indices = #map}, {transform_indices = #map1}, {transform_indices = #map1}, {transform_indices = #map}, {transform_indices = #map}]} {
    %mul3A = arith.constant 2 : i32
    %mul3A_0 = arith.muli %arg1, %mul3A : i32
    %add3A = arith.addi %mul3A_0, %arg0 : i32
    %mul3A_1 = arith.constant 512 : i32
    %mul3A_2 = arith.muli %add3A, %mul3A_1 : i32
    "tpu.region"() ({
      %run_scoped3A = tpu.sem_alloc : memref<!tpu.dma_semaphore, #tpu.memory_space<semaphore_mem>>
      %dma_start3A_169 = arith.constant 0 : i32
      %dma_start3A_170 = arith.constant 0 : i32
      %dma_start3A_171 = tpu.memref_slice %arg3[%add3A, %dma_start3A_169, %dma_start3A_170] : memref<32x4x128xi32, #tpu.memory_space<hbm>> -> memref<1x4x128xi32, #tpu.memory_space<hbm>>
      %dma_start3A_172 = tpu.memref_squeeze %dma_start3A_171 : memref<1x4x128xi32, #tpu.memory_space<hbm>> -> memref<4x128xi32, #tpu.memory_space<hbm>>
      %dma_start3A_173 = arith.constant 0 : i32
      %dma_start3A_174 = arith.constant 0 : i32
      %dma_start3A_175 = tpu.memref_slice %arg3[%add3A, %dma_start3A_173, %dma_start3A_174] : memref<32x4x128xi32, #tpu.memory_space<hbm>> -> memref<1x4x128xi32, #tpu.memory_space<hbm>>
      %dma_start3A_176 = tpu.memref_squeeze %dma_start3A_175 : memref<1x4x128xi32, #tpu.memory_space<hbm>> -> memref<4x128xi32, #tpu.memory_space<hbm>>
      tpu.enqueue_dma source(%dma_start3A_176 : memref<4x128xi32, #tpu.memory_space<hbm>>) target(%arg7 : memref<4x128xi32, #tpu.memory_space<vmem>>) target_semaphore(%run_scoped3A : memref<!tpu.dma_semaphore, #tpu.memory_space<semaphore_mem>>)
      %dma_wait3A_177 = arith.constant 0 : i32
      %dma_wait3A_178 = arith.constant 0 : i32
      %dma_wait3A_179 = tpu.memref_slice %arg3[%add3A, %dma_wait3A_177, %dma_wait3A_178] : memref<32x4x128xi32, #tpu.memory_space<hbm>> -> memref<1x4x128xi32, #tpu.memory_space<hbm>>
      %dma_wait3A_180 = tpu.memref_squeeze %dma_wait3A_179 : memref<1x4x128xi32, #tpu.memory_space<hbm>> -> memref<4x128xi32, #tpu.memory_space<hbm>>
      %dma_wait3A_181 = arith.constant 0 : i32
      %dma_wait3A_182 = arith.constant 0 : i32
      %dma_wait3A_183 = tpu.memref_slice %arg3[%add3A, %dma_wait3A_181, %dma_wait3A_182] : memref<32x4x128xi32, #tpu.memory_space<hbm>> -> memref<1x4x128xi32, #tpu.memory_space<hbm>>
      %dma_wait3A_184 = tpu.memref_squeeze %dma_wait3A_183 : memref<1x4x128xi32, #tpu.memory_space<hbm>> -> memref<4x128xi32, #tpu.memory_space<hbm>>
      tpu.wait_dma2 semaphore(%run_scoped3A : memref<!tpu.dma_semaphore, #tpu.memory_space<semaphore_mem>>) src(%dma_wait3A_184 : memref<4x128xi32, #tpu.memory_space<hbm>>) dst(%arg7 : memref<4x128xi32, #tpu.memory_space<vmem>>)
      tpu.yield
    }) : () -> ()
    "tpu.region"() ({
      %run_scoped3A = tpu.sem_alloc : memref<!tpu.dma_semaphore, #tpu.memory_space<semaphore_mem>>
      %dma_start3A_169 = arith.constant 0 : i32
      %dma_start3A_170 = arith.constant 0 : i32
      %dma_start3A_171 = tpu.memref_slice %arg4[%add3A, %dma_start3A_169, %dma_start3A_170] : memref<32x4x128xi32, #tpu.memory_space<hbm>> -> memref<1x4x128xi32, #tpu.memory_space<hbm>>
      %dma_start3A_172 = tpu.memref_squeeze %dma_start3A_171 : memref<1x4x128xi32, #tpu.memory_space<hbm>> -> memref<4x128xi32, #tpu.memory_space<hbm>>
      %dma_start3A_173 = arith.constant 0 : i32
      %dma_start3A_174 = arith.constant 0 : i32
      %dma_start3A_175 = tpu.memref_slice %arg4[%add3A, %dma_start3A_173, %dma_start3A_174] : memref<32x4x128xi32, #tpu.memory_space<hbm>> -> memref<1x4x128xi32, #tpu.memory_space<hbm>>
      %dma_start3A_176 = tpu.memref_squeeze %dma_start3A_175 : memref<1x4x128xi32, #tpu.memory_space<hbm>> -> memref<4x128xi32, #tpu.memory_space<hbm>>
      tpu.enqueue_dma source(%dma_start3A_176 : memref<4x128xi32, #tpu.memory_space<hbm>>) target(%arg8 : memref<4x128xi32, #tpu.memory_space<vmem>>) target_semaphore(%run_scoped3A : memref<!tpu.dma_semaphore, #tpu.memory_space<semaphore_mem>>)
      %dma_wait3A_177 = arith.constant 0 : i32
      %dma_wait3A_178 = arith.constant 0 : i32
      %dma_wait3A_179 = tpu.memref_slice %arg4[%add3A, %dma_wait3A_177, %dma_wait3A_178] : memref<32x4x128xi32, #tpu.memory_space<hbm>> -> memref<1x4x128xi32, #tpu.memory_space<hbm>>
      %dma_wait3A_180 = tpu.memref_squeeze %dma_wait3A_179 : memref<1x4x128xi32, #tpu.memory_space<hbm>> -> memref<4x128xi32, #tpu.memory_space<hbm>>
      %dma_wait3A_181 = arith.constant 0 : i32
      %dma_wait3A_182 = arith.constant 0 : i32
      %dma_wait3A_183 = tpu.memref_slice %arg4[%add3A, %dma_wait3A_181, %dma_wait3A_182] : memref<32x4x128xi32, #tpu.memory_space<hbm>> -> memref<1x4x128xi32, #tpu.memory_space<hbm>>
      %dma_wait3A_184 = tpu.memref_squeeze %dma_wait3A_183 : memref<1x4x128xi32, #tpu.memory_space<hbm>> -> memref<4x128xi32, #tpu.memory_space<hbm>>
      tpu.wait_dma2 semaphore(%run_scoped3A : memref<!tpu.dma_semaphore, #tpu.memory_space<semaphore_mem>>) src(%dma_wait3A_184 : memref<4x128xi32, #tpu.memory_space<hbm>>) dst(%arg8 : memref<4x128xi32, #tpu.memory_space<vmem>>)
      tpu.yield
    }) : () -> ()
    %dma_start3A = arith.constant 0 : i32
    %dma_start3A_3 = arith.constant 0 : i32
    %dma_start3A_4 = arith.constant 0 : i32
    %dma_start3A_5 = tpu.memref_slice %arg9[%dma_start3A_3, %dma_start3A_4] : memref<256x128xf32, #tpu.memory_space<vmem>> -> memref<128x128xf32, #tpu.memory_space<vmem>>
    %dma_start3A_6 = arith.constant 0 : i32
    %dma_start3A_7 = tpu.memref_slice %arg7[%dma_start3A, %dma_start3A_6] : memref<4x128xi32, #tpu.memory_space<vmem>> -> memref<1x128xi32, #tpu.memory_space<vmem>>
    %dma_start3A_8 = tpu.memref_squeeze %dma_start3A_7 : memref<1x128xi32, #tpu.memory_space<vmem>> -> memref<128xi32, #tpu.memory_space<vmem>>
    %dma_start3A_9 = arith.constant 0 : i32
    %dma_start3A_10 = arith.constant 0 : i32
    %dma_start3A_11 = tpu.memref_slice %arg2[%dma_start3A_9, %dma_start3A_10] : memref<2048x128xf32, #tpu.memory_space<hbm>> -> memref<2048x128xf32, #tpu.memory_space<hbm>>
    tpu.enqueue_indirect_dma source(%dma_start3A_11 : memref<2048x128xf32, #tpu.memory_space<hbm>>) target(%dma_start3A_5 : memref<128x128xf32, #tpu.memory_space<vmem>>) offsets(%dma_start3A_8 : memref<128xi32, #tpu.memory_space<vmem>>) semaphore(%arg11 : memref<!tpu.dma_semaphore, #tpu.memory_space<semaphore_mem>>)
    %dma_start3A_12 = arith.constant 0 : i32
    %dma_start3A_13 = arith.constant 0 : i32
    %dma_start3A_14 = arith.constant 0 : i32
    %dma_start3A_15 = tpu.memref_slice %arg10[%dma_start3A_13, %dma_start3A_14] : memref<256x128xf32, #tpu.memory_space<vmem>> -> memref<128x128xf32, #tpu.memory_space<vmem>>
    %dma_start3A_16 = arith.constant 0 : i32
    %dma_start3A_17 = tpu.memref_slice %arg8[%dma_start3A_12, %dma_start3A_16] : memref<4x128xi32, #tpu.memory_space<vmem>> -> memref<1x128xi32, #tpu.memory_space<vmem>>
    %dma_start3A_18 = tpu.memref_squeeze %dma_start3A_17 : memref<1x128xi32, #tpu.memory_space<vmem>> -> memref<128xi32, #tpu.memory_space<vmem>>
    %dma_start3A_19 = arith.constant 0 : i32
    %dma_start3A_20 = arith.constant 0 : i32
    %dma_start3A_21 = tpu.memref_slice %arg2[%dma_start3A_19, %dma_start3A_20] : memref<2048x128xf32, #tpu.memory_space<hbm>> -> memref<2048x128xf32, #tpu.memory_space<hbm>>
    tpu.enqueue_indirect_dma source(%dma_start3A_21 : memref<2048x128xf32, #tpu.memory_space<hbm>>) target(%dma_start3A_15 : memref<128x128xf32, #tpu.memory_space<vmem>>) offsets(%dma_start3A_18 : memref<128xi32, #tpu.memory_space<vmem>>) semaphore(%arg11 : memref<!tpu.dma_semaphore, #tpu.memory_space<semaphore_mem>>)
    %dma_start3A_22 = arith.constant 1 : i32
    %dma_start3A_23 = arith.constant 128 : i32
    %dma_start3A_24 = arith.constant 0 : i32
    %dma_start3A_25 = tpu.memref_slice %arg9[%dma_start3A_23, %dma_start3A_24] : memref<256x128xf32, #tpu.memory_space<vmem>> -> memref<128x128xf32, #tpu.memory_space<vmem>>
    %dma_start3A_26 = arith.constant 0 : i32
    %dma_start3A_27 = tpu.memref_slice %arg7[%dma_start3A_22, %dma_start3A_26] : memref<4x128xi32, #tpu.memory_space<vmem>> -> memref<1x128xi32, #tpu.memory_space<vmem>>
    %dma_start3A_28 = tpu.memref_squeeze %dma_start3A_27 : memref<1x128xi32, #tpu.memory_space<vmem>> -> memref<128xi32, #tpu.memory_space<vmem>>
    %dma_start3A_29 = arith.constant 0 : i32
    %dma_start3A_30 = arith.constant 0 : i32
    %dma_start3A_31 = tpu.memref_slice %arg2[%dma_start3A_29, %dma_start3A_30] : memref<2048x128xf32, #tpu.memory_space<hbm>> -> memref<2048x128xf32, #tpu.memory_space<hbm>>
    tpu.enqueue_indirect_dma source(%dma_start3A_31 : memref<2048x128xf32, #tpu.memory_space<hbm>>) target(%dma_start3A_25 : memref<128x128xf32, #tpu.memory_space<vmem>>) offsets(%dma_start3A_28 : memref<128xi32, #tpu.memory_space<vmem>>) semaphore(%arg11 : memref<!tpu.dma_semaphore, #tpu.memory_space<semaphore_mem>>)
    %dma_start3A_32 = arith.constant 1 : i32
    %dma_start3A_33 = arith.constant 128 : i32
    %dma_start3A_34 = arith.constant 0 : i32
    %dma_start3A_35 = tpu.memref_slice %arg10[%dma_start3A_33, %dma_start3A_34] : memref<256x128xf32, #tpu.memory_space<vmem>> -> memref<128x128xf32, #tpu.memory_space<vmem>>
    %dma_start3A_36 = arith.constant 0 : i32
    %dma_start3A_37 = tpu.memref_slice %arg8[%dma_start3A_32, %dma_start3A_36] : memref<4x128xi32, #tpu.memory_space<vmem>> -> memref<1x128xi32, #tpu.memory_space<vmem>>
    %dma_start3A_38 = tpu.memref_squeeze %dma_start3A_37 : memref<1x128xi32, #tpu.memory_space<vmem>> -> memref<128xi32, #tpu.memory_space<vmem>>
    %dma_start3A_39 = arith.constant 0 : i32
    %dma_start3A_40 = arith.constant 0 : i32
    %dma_start3A_41 = tpu.memref_slice %arg2[%dma_start3A_39, %dma_start3A_40] : memref<2048x128xf32, #tpu.memory_space<hbm>> -> memref<2048x128xf32, #tpu.memory_space<hbm>>
    tpu.enqueue_indirect_dma source(%dma_start3A_41 : memref<2048x128xf32, #tpu.memory_space<hbm>>) target(%dma_start3A_35 : memref<128x128xf32, #tpu.memory_space<vmem>>) offsets(%dma_start3A_38 : memref<128xi32, #tpu.memory_space<vmem>>) semaphore(%arg11 : memref<!tpu.dma_semaphore, #tpu.memory_space<semaphore_mem>>)
    %dma_wait3A = arith.constant 0 : i32
    %dma_wait3A_42 = arith.constant 0 : i32
    %dma_wait3A_43 = arith.constant 0 : i32
    %dma_wait3A_44 = tpu.memref_slice %arg9[%dma_wait3A_42, %dma_wait3A_43] : memref<256x128xf32, #tpu.memory_space<vmem>> -> memref<128x128xf32, #tpu.memory_space<vmem>>
    %dma_wait3A_45 = arith.constant 0 : i32
    %dma_wait3A_46 = tpu.memref_slice %arg7[%dma_wait3A, %dma_wait3A_45] : memref<4x128xi32, #tpu.memory_space<vmem>> -> memref<1x128xi32, #tpu.memory_space<vmem>>
    %dma_wait3A_47 = tpu.memref_squeeze %dma_wait3A_46 : memref<1x128xi32, #tpu.memory_space<vmem>> -> memref<128xi32, #tpu.memory_space<vmem>>
    %dma_wait3A_48 = arith.constant 0 : i32
    %dma_wait3A_49 = arith.constant 0 : i32
    %dma_wait3A_50 = tpu.memref_slice %arg2[%dma_wait3A_48, %dma_wait3A_49] : memref<2048x128xf32, #tpu.memory_space<hbm>> -> memref<2048x128xf32, #tpu.memory_space<hbm>>
    tpu.wait_indirect_dma semaphore(%arg11 : memref<!tpu.dma_semaphore, #tpu.memory_space<semaphore_mem>>) src(%dma_wait3A_50 : memref<2048x128xf32, #tpu.memory_space<hbm>>) dst(%dma_wait3A_44 : memref<128x128xf32, #tpu.memory_space<vmem>>)
    %dma_wait3A_51 = arith.constant 0 : i32
    %dma_wait3A_52 = arith.constant 0 : i32
    %dma_wait3A_53 = arith.constant 0 : i32
    %dma_wait3A_54 = tpu.memref_slice %arg10[%dma_wait3A_52, %dma_wait3A_53] : memref<256x128xf32, #tpu.memory_space<vmem>> -> memref<128x128xf32, #tpu.memory_space<vmem>>
    %dma_wait3A_55 = arith.constant 0 : i32
    %dma_wait3A_56 = tpu.memref_slice %arg8[%dma_wait3A_51, %dma_wait3A_55] : memref<4x128xi32, #tpu.memory_space<vmem>> -> memref<1x128xi32, #tpu.memory_space<vmem>>
    %dma_wait3A_57 = tpu.memref_squeeze %dma_wait3A_56 : memref<1x128xi32, #tpu.memory_space<vmem>> -> memref<128xi32, #tpu.memory_space<vmem>>
    %dma_wait3A_58 = arith.constant 0 : i32
    %dma_wait3A_59 = arith.constant 0 : i32
    %dma_wait3A_60 = tpu.memref_slice %arg2[%dma_wait3A_58, %dma_wait3A_59] : memref<2048x128xf32, #tpu.memory_space<hbm>> -> memref<2048x128xf32, #tpu.memory_space<hbm>>
    tpu.wait_indirect_dma semaphore(%arg11 : memref<!tpu.dma_semaphore, #tpu.memory_space<semaphore_mem>>) src(%dma_wait3A_60 : memref<2048x128xf32, #tpu.memory_space<hbm>>) dst(%dma_wait3A_54 : memref<128x128xf32, #tpu.memory_space<vmem>>)
    %dma_wait3A_61 = arith.constant 1 : i32
    %dma_wait3A_62 = arith.constant 128 : i32
    %dma_wait3A_63 = arith.constant 0 : i32
    %dma_wait3A_64 = tpu.memref_slice %arg9[%dma_wait3A_62, %dma_wait3A_63] : memref<256x128xf32, #tpu.memory_space<vmem>> -> memref<128x128xf32, #tpu.memory_space<vmem>>
    %dma_wait3A_65 = arith.constant 0 : i32
    %dma_wait3A_66 = tpu.memref_slice %arg7[%dma_wait3A_61, %dma_wait3A_65] : memref<4x128xi32, #tpu.memory_space<vmem>> -> memref<1x128xi32, #tpu.memory_space<vmem>>
    %dma_wait3A_67 = tpu.memref_squeeze %dma_wait3A_66 : memref<1x128xi32, #tpu.memory_space<vmem>> -> memref<128xi32, #tpu.memory_space<vmem>>
    %dma_wait3A_68 = arith.constant 0 : i32
    %dma_wait3A_69 = arith.constant 0 : i32
    %dma_wait3A_70 = tpu.memref_slice %arg2[%dma_wait3A_68, %dma_wait3A_69] : memref<2048x128xf32, #tpu.memory_space<hbm>> -> memref<2048x128xf32, #tpu.memory_space<hbm>>
    tpu.wait_indirect_dma semaphore(%arg11 : memref<!tpu.dma_semaphore, #tpu.memory_space<semaphore_mem>>) src(%dma_wait3A_70 : memref<2048x128xf32, #tpu.memory_space<hbm>>) dst(%dma_wait3A_64 : memref<128x128xf32, #tpu.memory_space<vmem>>)
    %dma_wait3A_71 = arith.constant 1 : i32
    %dma_wait3A_72 = arith.constant 128 : i32
    %dma_wait3A_73 = arith.constant 0 : i32
    %dma_wait3A_74 = tpu.memref_slice %arg10[%dma_wait3A_72, %dma_wait3A_73] : memref<256x128xf32, #tpu.memory_space<vmem>> -> memref<128x128xf32, #tpu.memory_space<vmem>>
    %dma_wait3A_75 = arith.constant 0 : i32
    %dma_wait3A_76 = tpu.memref_slice %arg8[%dma_wait3A_71, %dma_wait3A_75] : memref<4x128xi32, #tpu.memory_space<vmem>> -> memref<1x128xi32, #tpu.memory_space<vmem>>
    %dma_wait3A_77 = tpu.memref_squeeze %dma_wait3A_76 : memref<1x128xi32, #tpu.memory_space<vmem>> -> memref<128xi32, #tpu.memory_space<vmem>>
    %dma_wait3A_78 = arith.constant 0 : i32
    %dma_wait3A_79 = arith.constant 0 : i32
    %dma_wait3A_80 = tpu.memref_slice %arg2[%dma_wait3A_78, %dma_wait3A_79] : memref<2048x128xf32, #tpu.memory_space<hbm>> -> memref<2048x128xf32, #tpu.memory_space<hbm>>
    tpu.wait_indirect_dma semaphore(%arg11 : memref<!tpu.dma_semaphore, #tpu.memory_space<semaphore_mem>>) src(%dma_wait3A_80 : memref<2048x128xf32, #tpu.memory_space<hbm>>) dst(%dma_wait3A_74 : memref<128x128xf32, #tpu.memory_space<vmem>>)
    %add3A_81 = arith.constant 0 : i32
    %add3A_82 = arith.addi %mul3A_2, %add3A_81 : i32
    "tpu.region"() ({
      %run_scoped3A = tpu.sem_alloc : memref<!tpu.dma_semaphore, #tpu.memory_space<semaphore_mem>>
      %dma_start3A_169 = arith.constant 0 : i32
      %dma_start3A_170 = tpu.memref_slice %arg5[%add3A_82, %dma_start3A_169] : memref<16384x128xf32, #tpu.memory_space<hbm>> -> memref<256x128xf32, #tpu.memory_space<hbm>>
      %dma_start3A_171 = arith.constant 0 : i32
      %dma_start3A_172 = tpu.memref_slice %arg5[%add3A_82, %dma_start3A_171] : memref<16384x128xf32, #tpu.memory_space<hbm>> -> memref<256x128xf32, #tpu.memory_space<hbm>>
      tpu.enqueue_dma source(%arg9 : memref<256x128xf32, #tpu.memory_space<vmem>>) target(%dma_start3A_172 : memref<256x128xf32, #tpu.memory_space<hbm>>) target_semaphore(%run_scoped3A : memref<!tpu.dma_semaphore, #tpu.memory_space<semaphore_mem>>)
      %dma_wait3A_173 = arith.constant 0 : i32
      %dma_wait3A_174 = tpu.memref_slice %arg5[%add3A_82, %dma_wait3A_173] : memref<16384x128xf32, #tpu.memory_space<hbm>> -> memref<256x128xf32, #tpu.memory_space<hbm>>
      %dma_wait3A_175 = arith.constant 0 : i32
      %dma_wait3A_176 = tpu.memref_slice %arg5[%add3A_82, %dma_wait3A_175] : memref<16384x128xf32, #tpu.memory_space<hbm>> -> memref<256x128xf32, #tpu.memory_space<hbm>>
      tpu.wait_dma2 semaphore(%run_scoped3A : memref<!tpu.dma_semaphore, #tpu.memory_space<semaphore_mem>>) src(%arg9 : memref<256x128xf32, #tpu.memory_space<vmem>>) dst(%dma_wait3A_176 : memref<256x128xf32, #tpu.memory_space<hbm>>)
      tpu.yield
    }) : () -> ()
    %add3A_83 = arith.constant 0 : i32
    %add3A_84 = arith.addi %mul3A_2, %add3A_83 : i32
    "tpu.region"() ({
      %run_scoped3A = tpu.sem_alloc : memref<!tpu.dma_semaphore, #tpu.memory_space<semaphore_mem>>
      %dma_start3A_169 = arith.constant 0 : i32
      %dma_start3A_170 = tpu.memref_slice %arg6[%add3A_84, %dma_start3A_169] : memref<16384x128xf32, #tpu.memory_space<hbm>> -> memref<256x128xf32, #tpu.memory_space<hbm>>
      %dma_start3A_171 = arith.constant 0 : i32
      %dma_start3A_172 = tpu.memref_slice %arg6[%add3A_84, %dma_start3A_171] : memref<16384x128xf32, #tpu.memory_space<hbm>> -> memref<256x128xf32, #tpu.memory_space<hbm>>
      tpu.enqueue_dma source(%arg10 : memref<256x128xf32, #tpu.memory_space<vmem>>) target(%dma_start3A_172 : memref<256x128xf32, #tpu.memory_space<hbm>>) target_semaphore(%run_scoped3A : memref<!tpu.dma_semaphore, #tpu.memory_space<semaphore_mem>>)
      %dma_wait3A_173 = arith.constant 0 : i32
      %dma_wait3A_174 = tpu.memref_slice %arg6[%add3A_84, %dma_wait3A_173] : memref<16384x128xf32, #tpu.memory_space<hbm>> -> memref<256x128xf32, #tpu.memory_space<hbm>>
      %dma_wait3A_175 = arith.constant 0 : i32
      %dma_wait3A_176 = tpu.memref_slice %arg6[%add3A_84, %dma_wait3A_175] : memref<16384x128xf32, #tpu.memory_space<hbm>> -> memref<256x128xf32, #tpu.memory_space<hbm>>
      tpu.wait_dma2 semaphore(%run_scoped3A : memref<!tpu.dma_semaphore, #tpu.memory_space<semaphore_mem>>) src(%arg10 : memref<256x128xf32, #tpu.memory_space<vmem>>) dst(%dma_wait3A_176 : memref<256x128xf32, #tpu.memory_space<hbm>>)
      tpu.yield
    }) : () -> ()
    %dma_start3A_85 = arith.constant 2 : i32
    %dma_start3A_86 = arith.constant 0 : i32
    %dma_start3A_87 = arith.constant 0 : i32
    %dma_start3A_88 = tpu.memref_slice %arg9[%dma_start3A_86, %dma_start3A_87] : memref<256x128xf32, #tpu.memory_space<vmem>> -> memref<128x128xf32, #tpu.memory_space<vmem>>
    %dma_start3A_89 = arith.constant 0 : i32
    %dma_start3A_90 = tpu.memref_slice %arg7[%dma_start3A_85, %dma_start3A_89] : memref<4x128xi32, #tpu.memory_space<vmem>> -> memref<1x128xi32, #tpu.memory_space<vmem>>
    %dma_start3A_91 = tpu.memref_squeeze %dma_start3A_90 : memref<1x128xi32, #tpu.memory_space<vmem>> -> memref<128xi32, #tpu.memory_space<vmem>>
    %dma_start3A_92 = arith.constant 0 : i32
    %dma_start3A_93 = arith.constant 0 : i32
    %dma_start3A_94 = tpu.memref_slice %arg2[%dma_start3A_92, %dma_start3A_93] : memref<2048x128xf32, #tpu.memory_space<hbm>> -> memref<2048x128xf32, #tpu.memory_space<hbm>>
    tpu.enqueue_indirect_dma source(%dma_start3A_94 : memref<2048x128xf32, #tpu.memory_space<hbm>>) target(%dma_start3A_88 : memref<128x128xf32, #tpu.memory_space<vmem>>) offsets(%dma_start3A_91 : memref<128xi32, #tpu.memory_space<vmem>>) semaphore(%arg11 : memref<!tpu.dma_semaphore, #tpu.memory_space<semaphore_mem>>)
    %dma_start3A_95 = arith.constant 2 : i32
    %dma_start3A_96 = arith.constant 0 : i32
    %dma_start3A_97 = arith.constant 0 : i32
    %dma_start3A_98 = tpu.memref_slice %arg10[%dma_start3A_96, %dma_start3A_97] : memref<256x128xf32, #tpu.memory_space<vmem>> -> memref<128x128xf32, #tpu.memory_space<vmem>>
    %dma_start3A_99 = arith.constant 0 : i32
    %dma_start3A_100 = tpu.memref_slice %arg8[%dma_start3A_95, %dma_start3A_99] : memref<4x128xi32, #tpu.memory_space<vmem>> -> memref<1x128xi32, #tpu.memory_space<vmem>>
    %dma_start3A_101 = tpu.memref_squeeze %dma_start3A_100 : memref<1x128xi32, #tpu.memory_space<vmem>> -> memref<128xi32, #tpu.memory_space<vmem>>
    %dma_start3A_102 = arith.constant 0 : i32
    %dma_start3A_103 = arith.constant 0 : i32
    %dma_start3A_104 = tpu.memref_slice %arg2[%dma_start3A_102, %dma_start3A_103] : memref<2048x128xf32, #tpu.memory_space<hbm>> -> memref<2048x128xf32, #tpu.memory_space<hbm>>
    tpu.enqueue_indirect_dma source(%dma_start3A_104 : memref<2048x128xf32, #tpu.memory_space<hbm>>) target(%dma_start3A_98 : memref<128x128xf32, #tpu.memory_space<vmem>>) offsets(%dma_start3A_101 : memref<128xi32, #tpu.memory_space<vmem>>) semaphore(%arg11 : memref<!tpu.dma_semaphore, #tpu.memory_space<semaphore_mem>>)
    %dma_start3A_105 = arith.constant 3 : i32
    %dma_start3A_106 = arith.constant 128 : i32
    %dma_start3A_107 = arith.constant 0 : i32
    %dma_start3A_108 = tpu.memref_slice %arg9[%dma_start3A_106, %dma_start3A_107] : memref<256x128xf32, #tpu.memory_space<vmem>> -> memref<128x128xf32, #tpu.memory_space<vmem>>
    %dma_start3A_109 = arith.constant 0 : i32
    %dma_start3A_110 = tpu.memref_slice %arg7[%dma_start3A_105, %dma_start3A_109] : memref<4x128xi32, #tpu.memory_space<vmem>> -> memref<1x128xi32, #tpu.memory_space<vmem>>
    %dma_start3A_111 = tpu.memref_squeeze %dma_start3A_110 : memref<1x128xi32, #tpu.memory_space<vmem>> -> memref<128xi32, #tpu.memory_space<vmem>>
    %dma_start3A_112 = arith.constant 0 : i32
    %dma_start3A_113 = arith.constant 0 : i32
    %dma_start3A_114 = tpu.memref_slice %arg2[%dma_start3A_112, %dma_start3A_113] : memref<2048x128xf32, #tpu.memory_space<hbm>> -> memref<2048x128xf32, #tpu.memory_space<hbm>>
    tpu.enqueue_indirect_dma source(%dma_start3A_114 : memref<2048x128xf32, #tpu.memory_space<hbm>>) target(%dma_start3A_108 : memref<128x128xf32, #tpu.memory_space<vmem>>) offsets(%dma_start3A_111 : memref<128xi32, #tpu.memory_space<vmem>>) semaphore(%arg11 : memref<!tpu.dma_semaphore, #tpu.memory_space<semaphore_mem>>)
    %dma_start3A_115 = arith.constant 3 : i32
    %dma_start3A_116 = arith.constant 128 : i32
    %dma_start3A_117 = arith.constant 0 : i32
    %dma_start3A_118 = tpu.memref_slice %arg10[%dma_start3A_116, %dma_start3A_117] : memref<256x128xf32, #tpu.memory_space<vmem>> -> memref<128x128xf32, #tpu.memory_space<vmem>>
    %dma_start3A_119 = arith.constant 0 : i32
    %dma_start3A_120 = tpu.memref_slice %arg8[%dma_start3A_115, %dma_start3A_119] : memref<4x128xi32, #tpu.memory_space<vmem>> -> memref<1x128xi32, #tpu.memory_space<vmem>>
    %dma_start3A_121 = tpu.memref_squeeze %dma_start3A_120 : memref<1x128xi32, #tpu.memory_space<vmem>> -> memref<128xi32, #tpu.memory_space<vmem>>
    %dma_start3A_122 = arith.constant 0 : i32
    %dma_start3A_123 = arith.constant 0 : i32
    %dma_start3A_124 = tpu.memref_slice %arg2[%dma_start3A_122, %dma_start3A_123] : memref<2048x128xf32, #tpu.memory_space<hbm>> -> memref<2048x128xf32, #tpu.memory_space<hbm>>
    tpu.enqueue_indirect_dma source(%dma_start3A_124 : memref<2048x128xf32, #tpu.memory_space<hbm>>) target(%dma_start3A_118 : memref<128x128xf32, #tpu.memory_space<vmem>>) offsets(%dma_start3A_121 : memref<128xi32, #tpu.memory_space<vmem>>) semaphore(%arg11 : memref<!tpu.dma_semaphore, #tpu.memory_space<semaphore_mem>>)
    %dma_wait3A_125 = arith.constant 2 : i32
    %dma_wait3A_126 = arith.constant 0 : i32
    %dma_wait3A_127 = arith.constant 0 : i32
    %dma_wait3A_128 = tpu.memref_slice %arg9[%dma_wait3A_126, %dma_wait3A_127] : memref<256x128xf32, #tpu.memory_space<vmem>> -> memref<128x128xf32, #tpu.memory_space<vmem>>
    %dma_wait3A_129 = arith.constant 0 : i32
    %dma_wait3A_130 = tpu.memref_slice %arg7[%dma_wait3A_125, %dma_wait3A_129] : memref<4x128xi32, #tpu.memory_space<vmem>> -> memref<1x128xi32, #tpu.memory_space<vmem>>
    %dma_wait3A_131 = tpu.memref_squeeze %dma_wait3A_130 : memref<1x128xi32, #tpu.memory_space<vmem>> -> memref<128xi32, #tpu.memory_space<vmem>>
    %dma_wait3A_132 = arith.constant 0 : i32
    %dma_wait3A_133 = arith.constant 0 : i32
    %dma_wait3A_134 = tpu.memref_slice %arg2[%dma_wait3A_132, %dma_wait3A_133] : memref<2048x128xf32, #tpu.memory_space<hbm>> -> memref<2048x128xf32, #tpu.memory_space<hbm>>
    tpu.wait_indirect_dma semaphore(%arg11 : memref<!tpu.dma_semaphore, #tpu.memory_space<semaphore_mem>>) src(%dma_wait3A_134 : memref<2048x128xf32, #tpu.memory_space<hbm>>) dst(%dma_wait3A_128 : memref<128x128xf32, #tpu.memory_space<vmem>>)
    %dma_wait3A_135 = arith.constant 2 : i32
    %dma_wait3A_136 = arith.constant 0 : i32
    %dma_wait3A_137 = arith.constant 0 : i32
    %dma_wait3A_138 = tpu.memref_slice %arg10[%dma_wait3A_136, %dma_wait3A_137] : memref<256x128xf32, #tpu.memory_space<vmem>> -> memref<128x128xf32, #tpu.memory_space<vmem>>
    %dma_wait3A_139 = arith.constant 0 : i32
    %dma_wait3A_140 = tpu.memref_slice %arg8[%dma_wait3A_135, %dma_wait3A_139] : memref<4x128xi32, #tpu.memory_space<vmem>> -> memref<1x128xi32, #tpu.memory_space<vmem>>
    %dma_wait3A_141 = tpu.memref_squeeze %dma_wait3A_140 : memref<1x128xi32, #tpu.memory_space<vmem>> -> memref<128xi32, #tpu.memory_space<vmem>>
    %dma_wait3A_142 = arith.constant 0 : i32
    %dma_wait3A_143 = arith.constant 0 : i32
    %dma_wait3A_144 = tpu.memref_slice %arg2[%dma_wait3A_142, %dma_wait3A_143] : memref<2048x128xf32, #tpu.memory_space<hbm>> -> memref<2048x128xf32, #tpu.memory_space<hbm>>
    tpu.wait_indirect_dma semaphore(%arg11 : memref<!tpu.dma_semaphore, #tpu.memory_space<semaphore_mem>>) src(%dma_wait3A_144 : memref<2048x128xf32, #tpu.memory_space<hbm>>) dst(%dma_wait3A_138 : memref<128x128xf32, #tpu.memory_space<vmem>>)
    %dma_wait3A_145 = arith.constant 3 : i32
    %dma_wait3A_146 = arith.constant 128 : i32
    %dma_wait3A_147 = arith.constant 0 : i32
    %dma_wait3A_148 = tpu.memref_slice %arg9[%dma_wait3A_146, %dma_wait3A_147] : memref<256x128xf32, #tpu.memory_space<vmem>> -> memref<128x128xf32, #tpu.memory_space<vmem>>
    %dma_wait3A_149 = arith.constant 0 : i32
    %dma_wait3A_150 = tpu.memref_slice %arg7[%dma_wait3A_145, %dma_wait3A_149] : memref<4x128xi32, #tpu.memory_space<vmem>> -> memref<1x128xi32, #tpu.memory_space<vmem>>
    %dma_wait3A_151 = tpu.memref_squeeze %dma_wait3A_150 : memref<1x128xi32, #tpu.memory_space<vmem>> -> memref<128xi32, #tpu.memory_space<vmem>>
    %dma_wait3A_152 = arith.constant 0 : i32
    %dma_wait3A_153 = arith.constant 0 : i32
    %dma_wait3A_154 = tpu.memref_slice %arg2[%dma_wait3A_152, %dma_wait3A_153] : memref<2048x128xf32, #tpu.memory_space<hbm>> -> memref<2048x128xf32, #tpu.memory_space<hbm>>
    tpu.wait_indirect_dma semaphore(%arg11 : memref<!tpu.dma_semaphore, #tpu.memory_space<semaphore_mem>>) src(%dma_wait3A_154 : memref<2048x128xf32, #tpu.memory_space<hbm>>) dst(%dma_wait3A_148 : memref<128x128xf32, #tpu.memory_space<vmem>>)
    %dma_wait3A_155 = arith.constant 3 : i32
    %dma_wait3A_156 = arith.constant 128 : i32
    %dma_wait3A_157 = arith.constant 0 : i32
    %dma_wait3A_158 = tpu.memref_slice %arg10[%dma_wait3A_156, %dma_wait3A_157] : memref<256x128xf32, #tpu.memory_space<vmem>> -> memref<128x128xf32, #tpu.memory_space<vmem>>
    %dma_wait3A_159 = arith.constant 0 : i32
    %dma_wait3A_160 = tpu.memref_slice %arg8[%dma_wait3A_155, %dma_wait3A_159] : memref<4x128xi32, #tpu.memory_space<vmem>> -> memref<1x128xi32, #tpu.memory_space<vmem>>
    %dma_wait3A_161 = tpu.memref_squeeze %dma_wait3A_160 : memref<1x128xi32, #tpu.memory_space<vmem>> -> memref<128xi32, #tpu.memory_space<vmem>>
    %dma_wait3A_162 = arith.constant 0 : i32
    %dma_wait3A_163 = arith.constant 0 : i32
    %dma_wait3A_164 = tpu.memref_slice %arg2[%dma_wait3A_162, %dma_wait3A_163] : memref<2048x128xf32, #tpu.memory_space<hbm>> -> memref<2048x128xf32, #tpu.memory_space<hbm>>
    tpu.wait_indirect_dma semaphore(%arg11 : memref<!tpu.dma_semaphore, #tpu.memory_space<semaphore_mem>>) src(%dma_wait3A_164 : memref<2048x128xf32, #tpu.memory_space<hbm>>) dst(%dma_wait3A_158 : memref<128x128xf32, #tpu.memory_space<vmem>>)
    %add3A_165 = arith.constant 256 : i32
    %add3A_166 = arith.addi %mul3A_2, %add3A_165 : i32
    "tpu.region"() ({
      %run_scoped3A = tpu.sem_alloc : memref<!tpu.dma_semaphore, #tpu.memory_space<semaphore_mem>>
      %dma_start3A_169 = arith.constant 0 : i32
      %dma_start3A_170 = tpu.memref_slice %arg5[%add3A_166, %dma_start3A_169] : memref<16384x128xf32, #tpu.memory_space<hbm>> -> memref<256x128xf32, #tpu.memory_space<hbm>>
      %dma_start3A_171 = arith.constant 0 : i32
      %dma_start3A_172 = tpu.memref_slice %arg5[%add3A_166, %dma_start3A_171] : memref<16384x128xf32, #tpu.memory_space<hbm>> -> memref<256x128xf32, #tpu.memory_space<hbm>>
      tpu.enqueue_dma source(%arg9 : memref<256x128xf32, #tpu.memory_space<vmem>>) target(%dma_start3A_172 : memref<256x128xf32, #tpu.memory_space<hbm>>) target_semaphore(%run_scoped3A : memref<!tpu.dma_semaphore, #tpu.memory_space<semaphore_mem>>)
      %dma_wait3A_173 = arith.constant 0 : i32
      %dma_wait3A_174 = tpu.memref_slice %arg5[%add3A_166, %dma_wait3A_173] : memref<16384x128xf32, #tpu.memory_space<hbm>> -> memref<256x128xf32, #tpu.memory_space<hbm>>
      %dma_wait3A_175 = arith.constant 0 : i32
      %dma_wait3A_176 = tpu.memref_slice %arg5[%add3A_166, %dma_wait3A_175] : memref<16384x128xf32, #tpu.memory_space<hbm>> -> memref<256x128xf32, #tpu.memory_space<hbm>>
      tpu.wait_dma2 semaphore(%run_scoped3A : memref<!tpu.dma_semaphore, #tpu.memory_space<semaphore_mem>>) src(%arg9 : memref<256x128xf32, #tpu.memory_space<vmem>>) dst(%dma_wait3A_176 : memref<256x128xf32, #tpu.memory_space<hbm>>)
      tpu.yield
    }) : () -> ()
    %add3A_167 = arith.constant 256 : i32
    %add3A_168 = arith.addi %mul3A_2, %add3A_167 : i32
    "tpu.region"() ({
      %run_scoped3A = tpu.sem_alloc : memref<!tpu.dma_semaphore, #tpu.memory_space<semaphore_mem>>
      %dma_start3A_169 = arith.constant 0 : i32
      %dma_start3A_170 = tpu.memref_slice %arg6[%add3A_168, %dma_start3A_169] : memref<16384x128xf32, #tpu.memory_space<hbm>> -> memref<256x128xf32, #tpu.memory_space<hbm>>
      %dma_start3A_171 = arith.constant 0 : i32
      %dma_start3A_172 = tpu.memref_slice %arg6[%add3A_168, %dma_start3A_171] : memref<16384x128xf32, #tpu.memory_space<hbm>> -> memref<256x128xf32, #tpu.memory_space<hbm>>
      tpu.enqueue_dma source(%arg10 : memref<256x128xf32, #tpu.memory_space<vmem>>) target(%dma_start3A_172 : memref<256x128xf32, #tpu.memory_space<hbm>>) target_semaphore(%run_scoped3A : memref<!tpu.dma_semaphore, #tpu.memory_space<semaphore_mem>>)
      %dma_wait3A_173 = arith.constant 0 : i32
      %dma_wait3A_174 = tpu.memref_slice %arg6[%add3A_168, %dma_wait3A_173] : memref<16384x128xf32, #tpu.memory_space<hbm>> -> memref<256x128xf32, #tpu.memory_space<hbm>>
      %dma_wait3A_175 = arith.constant 0 : i32
      %dma_wait3A_176 = tpu.memref_slice %arg6[%add3A_168, %dma_wait3A_175] : memref<16384x128xf32, #tpu.memory_space<hbm>> -> memref<256x128xf32, #tpu.memory_space<hbm>>
      tpu.wait_dma2 semaphore(%run_scoped3A : memref<!tpu.dma_semaphore, #tpu.memory_space<semaphore_mem>>) src(%arg10 : memref<256x128xf32, #tpu.memory_space<vmem>>) dst(%dma_wait3A_176 : memref<256x128xf32, #tpu.memory_space<hbm>>)
      tpu.yield
    }) : () -> ()
    return
  }
}

#map = affine_map<(d0, d1) -> (0, 0, 0)>
#map1 = affine_map<(d0, d1) -> (0, 0)>
module attributes {stable_mosaic.version = 14 : i64} {
  func.func @_segment_sum(%arg0: i32, %arg1: i32, %arg2: memref<32x512x128xf32, #tpu.memory_space<hbm>>, %arg3: memref<32x4x128xi32, #tpu.memory_space<hbm>>, %arg4: memref<2048x128xf32, #tpu.memory_space<hbm>>, %arg5: memref<2x2048x128xf32, #tpu.memory_space<hbm>>, %arg6: memref<4x128xi32, #tpu.memory_space<vmem>>, %arg7: memref<512x128xf32, #tpu.memory_space<vmem>>, %arg8: memref<2048x128xf32, #tpu.memory_space<vmem_shared>>, %arg9: memref<!tpu.dma_semaphore, #tpu.memory_space<semaphore_mem>>) attributes {dimension_semantics = [#tpu.dimension_semantics<core_parallel>, #tpu.dimension_semantics<subcore_parallel>], iteration_bounds = array<i64: 2, 16>, scalar_prefetch = 0 : i64, scratch_operands = 4 : i64, tpu.core_type = #tpu.core_type<sc_vector_subcore>, window_params = [{transform_indices = #map}, {transform_indices = #map}, {transform_indices = #map1}, {transform_indices = #map}]} {
    %mul3A = arith.constant 2 : i32
    %mul3A_0 = arith.muli %arg1, %mul3A : i32
    %add3A = arith.addi %mul3A_0, %arg0 : i32
    "tpu.region"() ({
      %run_scoped3A_13 = tpu.sem_alloc : memref<!tpu.dma_semaphore, #tpu.memory_space<semaphore_mem>>
      %dma_start3A = arith.constant 0 : i32
      %dma_start3A_14 = arith.constant 0 : i32
      %dma_start3A_15 = tpu.memref_slice %arg3[%add3A, %dma_start3A, %dma_start3A_14] : memref<32x4x128xi32, #tpu.memory_space<hbm>> -> memref<1x4x128xi32, #tpu.memory_space<hbm>>
      %dma_start3A_16 = tpu.memref_squeeze %dma_start3A_15 : memref<1x4x128xi32, #tpu.memory_space<hbm>> -> memref<4x128xi32, #tpu.memory_space<hbm>>
      %dma_start3A_17 = arith.constant 0 : i32
      %dma_start3A_18 = arith.constant 0 : i32
      %dma_start3A_19 = tpu.memref_slice %arg3[%add3A, %dma_start3A_17, %dma_start3A_18] : memref<32x4x128xi32, #tpu.memory_space<hbm>> -> memref<1x4x128xi32, #tpu.memory_space<hbm>>
      %dma_start3A_20 = tpu.memref_squeeze %dma_start3A_19 : memref<1x4x128xi32, #tpu.memory_space<hbm>> -> memref<4x128xi32, #tpu.memory_space<hbm>>
      tpu.enqueue_dma source(%dma_start3A_20 : memref<4x128xi32, #tpu.memory_space<hbm>>) target(%arg6 : memref<4x128xi32, #tpu.memory_space<vmem>>) target_semaphore(%run_scoped3A_13 : memref<!tpu.dma_semaphore, #tpu.memory_space<semaphore_mem>>)
      %dma_wait3A = arith.constant 0 : i32
      %dma_wait3A_21 = arith.constant 0 : i32
      %dma_wait3A_22 = tpu.memref_slice %arg3[%add3A, %dma_wait3A, %dma_wait3A_21] : memref<32x4x128xi32, #tpu.memory_space<hbm>> -> memref<1x4x128xi32, #tpu.memory_space<hbm>>
      %dma_wait3A_23 = tpu.memref_squeeze %dma_wait3A_22 : memref<1x4x128xi32, #tpu.memory_space<hbm>> -> memref<4x128xi32, #tpu.memory_space<hbm>>
      %dma_wait3A_24 = arith.constant 0 : i32
      %dma_wait3A_25 = arith.constant 0 : i32
      %dma_wait3A_26 = tpu.memref_slice %arg3[%add3A, %dma_wait3A_24, %dma_wait3A_25] : memref<32x4x128xi32, #tpu.memory_space<hbm>> -> memref<1x4x128xi32, #tpu.memory_space<hbm>>
      %dma_wait3A_27 = tpu.memref_squeeze %dma_wait3A_26 : memref<1x4x128xi32, #tpu.memory_space<hbm>> -> memref<4x128xi32, #tpu.memory_space<hbm>>
      tpu.wait_dma2 semaphore(%run_scoped3A_13 : memref<!tpu.dma_semaphore, #tpu.memory_space<semaphore_mem>>) src(%dma_wait3A_27 : memref<4x128xi32, #tpu.memory_space<hbm>>) dst(%arg6 : memref<4x128xi32, #tpu.memory_space<vmem>>)
      tpu.yield
    }) : () -> ()
    "tpu.region"() ({
      %run_scoped3A_13 = tpu.sem_alloc : memref<!tpu.dma_semaphore, #tpu.memory_space<semaphore_mem>>
      %dma_start3A = arith.constant 0 : i32
      %dma_start3A_14 = arith.constant 0 : i32
      %dma_start3A_15 = tpu.memref_slice %arg2[%add3A, %dma_start3A, %dma_start3A_14] : memref<32x512x128xf32, #tpu.memory_space<hbm>> -> memref<1x512x128xf32, #tpu.memory_space<hbm>>
      %dma_start3A_16 = tpu.memref_squeeze %dma_start3A_15 : memref<1x512x128xf32, #tpu.memory_space<hbm>> -> memref<512x128xf32, #tpu.memory_space<hbm>>
      %dma_start3A_17 = arith.constant 0 : i32
      %dma_start3A_18 = arith.constant 0 : i32
      %dma_start3A_19 = tpu.memref_slice %arg2[%add3A, %dma_start3A_17, %dma_start3A_18] : memref<32x512x128xf32, #tpu.memory_space<hbm>> -> memref<1x512x128xf32, #tpu.memory_space<hbm>>
      %dma_start3A_20 = tpu.memref_squeeze %dma_start3A_19 : memref<1x512x128xf32, #tpu.memory_space<hbm>> -> memref<512x128xf32, #tpu.memory_space<hbm>>
      tpu.enqueue_dma source(%dma_start3A_20 : memref<512x128xf32, #tpu.memory_space<hbm>>) target(%arg7 : memref<512x128xf32, #tpu.memory_space<vmem>>) target_semaphore(%run_scoped3A_13 : memref<!tpu.dma_semaphore, #tpu.memory_space<semaphore_mem>>)
      %dma_wait3A = arith.constant 0 : i32
      %dma_wait3A_21 = arith.constant 0 : i32
      %dma_wait3A_22 = tpu.memref_slice %arg2[%add3A, %dma_wait3A, %dma_wait3A_21] : memref<32x512x128xf32, #tpu.memory_space<hbm>> -> memref<1x512x128xf32, #tpu.memory_space<hbm>>
      %dma_wait3A_23 = tpu.memref_squeeze %dma_wait3A_22 : memref<1x512x128xf32, #tpu.memory_space<hbm>> -> memref<512x128xf32, #tpu.memory_space<hbm>>
      %dma_wait3A_24 = arith.constant 0 : i32
      %dma_wait3A_25 = arith.constant 0 : i32
      %dma_wait3A_26 = tpu.memref_slice %arg2[%add3A, %dma_wait3A_24, %dma_wait3A_25] : memref<32x512x128xf32, #tpu.memory_space<hbm>> -> memref<1x512x128xf32, #tpu.memory_space<hbm>>
      %dma_wait3A_27 = tpu.memref_squeeze %dma_wait3A_26 : memref<1x512x128xf32, #tpu.memory_space<hbm>> -> memref<512x128xf32, #tpu.memory_space<hbm>>
      tpu.wait_dma2 semaphore(%run_scoped3A_13 : memref<!tpu.dma_semaphore, #tpu.memory_space<semaphore_mem>>) src(%dma_wait3A_27 : memref<512x128xf32, #tpu.memory_space<hbm>>) dst(%arg7 : memref<512x128xf32, #tpu.memory_space<vmem>>)
      tpu.yield
    }) : () -> ()
    %mul3A_1 = arith.constant 128 : i32
    %mul3A_2 = arith.muli %arg1, %mul3A_1 : i32
    %mul3A_3 = arith.constant 128 : i32
    %mul3A_4 = arith.muli %arg1, %mul3A_3 : i32
    "tpu.region"() ({
      %run_scoped3A_13 = tpu.sem_alloc : memref<!tpu.dma_semaphore, #tpu.memory_space<semaphore_mem>>
      %dma_start3A = arith.constant 0 : i32
      %dma_start3A_14 = tpu.memref_slice %arg8[%mul3A_4, %dma_start3A] : memref<2048x128xf32, #tpu.memory_space<vmem_shared>> -> memref<128x128xf32, #tpu.memory_space<vmem_shared>>
      %dma_start3A_15 = arith.constant 0 : i32
      %dma_start3A_16 = tpu.memref_slice %arg4[%mul3A_2, %dma_start3A_15] : memref<2048x128xf32, #tpu.memory_space<hbm>> -> memref<128x128xf32, #tpu.memory_space<hbm>>
      tpu.enqueue_dma source(%dma_start3A_16 : memref<128x128xf32, #tpu.memory_space<hbm>>) target(%dma_start3A_14 : memref<128x128xf32, #tpu.memory_space<vmem_shared>>) target_semaphore(%run_scoped3A_13 : memref<!tpu.dma_semaphore, #tpu.memory_space<semaphore_mem>>)
      %dma_wait3A = arith.constant 0 : i32
      %dma_wait3A_17 = tpu.memref_slice %arg8[%mul3A_4, %dma_wait3A] : memref<2048x128xf32, #tpu.memory_space<vmem_shared>> -> memref<128x128xf32, #tpu.memory_space<vmem_shared>>
      %dma_wait3A_18 = arith.constant 0 : i32
      %dma_wait3A_19 = tpu.memref_slice %arg4[%mul3A_2, %dma_wait3A_18] : memref<2048x128xf32, #tpu.memory_space<hbm>> -> memref<128x128xf32, #tpu.memory_space<hbm>>
      tpu.wait_dma2 semaphore(%run_scoped3A_13 : memref<!tpu.dma_semaphore, #tpu.memory_space<semaphore_mem>>) src(%dma_wait3A_19 : memref<128x128xf32, #tpu.memory_space<hbm>>) dst(%dma_wait3A_17 : memref<128x128xf32, #tpu.memory_space<vmem_shared>>)
      tpu.yield
    }) : () -> ()
    %barrier3A = arith.constant 0 : index
    tpu.barrier barrier_id(%barrier3A)
    %run_scoped3A = arith.constant 0 : i32
    "tpu.region"() ({
      %run_scoped3A_13 = tpu.sem_alloc : memref<!tpu.dma_semaphore, #tpu.memory_space<semaphore_mem>>
      %dma_start3A = arith.constant 0 : i32
      %dma_start3A_14 = arith.constant 0 : i32
      %dma_start3A_15 = tpu.memref_slice %arg7[%dma_start3A, %dma_start3A_14] : memref<512x128xf32, #tpu.memory_space<vmem>> -> memref<128x128xf32, #tpu.memory_space<vmem>>
      %dma_start3A_16 = arith.constant 0 : i32
      %dma_start3A_17 = tpu.memref_slice %arg6[%run_scoped3A, %dma_start3A_16] : memref<4x128xi32, #tpu.memory_space<vmem>> -> memref<1x128xi32, #tpu.memory_space<vmem>>
      %dma_start3A_18 = tpu.memref_squeeze %dma_start3A_17 : memref<1x128xi32, #tpu.memory_space<vmem>> -> memref<128xi32, #tpu.memory_space<vmem>>
      %dma_start3A_19 = arith.constant 0 : i32
      %dma_start3A_20 = arith.constant 0 : i32
      %dma_start3A_21 = tpu.memref_slice %arg8[%dma_start3A_19, %dma_start3A_20] : memref<2048x128xf32, #tpu.memory_space<vmem_shared>> -> memref<2048x128xf32, #tpu.memory_space<vmem_shared>>
      tpu.enqueue_indirect_dma source(%dma_start3A_15 : memref<128x128xf32, #tpu.memory_space<vmem>>) target(%dma_start3A_21 : memref<2048x128xf32, #tpu.memory_space<vmem_shared>>) offsets(%dma_start3A_18 : memref<128xi32, #tpu.memory_space<vmem>>) semaphore(%run_scoped3A_13 : memref<!tpu.dma_semaphore, #tpu.memory_space<semaphore_mem>>) {add = true}
      %dma_wait3A = arith.constant 0 : i32
      %dma_wait3A_22 = arith.constant 0 : i32
      %dma_wait3A_23 = tpu.memref_slice %arg7[%dma_wait3A, %dma_wait3A_22] : memref<512x128xf32, #tpu.memory_space<vmem>> -> memref<128x128xf32, #tpu.memory_space<vmem>>
      %dma_wait3A_24 = arith.constant 0 : i32
      %dma_wait3A_25 = tpu.memref_slice %arg6[%run_scoped3A, %dma_wait3A_24] : memref<4x128xi32, #tpu.memory_space<vmem>> -> memref<1x128xi32, #tpu.memory_space<vmem>>
      %dma_wait3A_26 = tpu.memref_squeeze %dma_wait3A_25 : memref<1x128xi32, #tpu.memory_space<vmem>> -> memref<128xi32, #tpu.memory_space<vmem>>
      %dma_wait3A_27 = arith.constant 0 : i32
      %dma_wait3A_28 = arith.constant 0 : i32
      %dma_wait3A_29 = tpu.memref_slice %arg8[%dma_wait3A_27, %dma_wait3A_28] : memref<2048x128xf32, #tpu.memory_space<vmem_shared>> -> memref<2048x128xf32, #tpu.memory_space<vmem_shared>>
      tpu.wait_indirect_dma semaphore(%run_scoped3A_13 : memref<!tpu.dma_semaphore, #tpu.memory_space<semaphore_mem>>) src(%dma_wait3A_23 : memref<128x128xf32, #tpu.memory_space<vmem>>) dst(%dma_wait3A_29 : memref<2048x128xf32, #tpu.memory_space<vmem_shared>>)
      tpu.yield
    }) : () -> ()
    %run_scoped3A_5 = arith.constant 1 : i32
    "tpu.region"() ({
      %run_scoped3A_13 = tpu.sem_alloc : memref<!tpu.dma_semaphore, #tpu.memory_space<semaphore_mem>>
      %dma_start3A = arith.constant 128 : i32
      %dma_start3A_14 = arith.constant 0 : i32
      %dma_start3A_15 = tpu.memref_slice %arg7[%dma_start3A, %dma_start3A_14] : memref<512x128xf32, #tpu.memory_space<vmem>> -> memref<128x128xf32, #tpu.memory_space<vmem>>
      %dma_start3A_16 = arith.constant 0 : i32
      %dma_start3A_17 = tpu.memref_slice %arg6[%run_scoped3A_5, %dma_start3A_16] : memref<4x128xi32, #tpu.memory_space<vmem>> -> memref<1x128xi32, #tpu.memory_space<vmem>>
      %dma_start3A_18 = tpu.memref_squeeze %dma_start3A_17 : memref<1x128xi32, #tpu.memory_space<vmem>> -> memref<128xi32, #tpu.memory_space<vmem>>
      %dma_start3A_19 = arith.constant 0 : i32
      %dma_start3A_20 = arith.constant 0 : i32
      %dma_start3A_21 = tpu.memref_slice %arg8[%dma_start3A_19, %dma_start3A_20] : memref<2048x128xf32, #tpu.memory_space<vmem_shared>> -> memref<2048x128xf32, #tpu.memory_space<vmem_shared>>
      tpu.enqueue_indirect_dma source(%dma_start3A_15 : memref<128x128xf32, #tpu.memory_space<vmem>>) target(%dma_start3A_21 : memref<2048x128xf32, #tpu.memory_space<vmem_shared>>) offsets(%dma_start3A_18 : memref<128xi32, #tpu.memory_space<vmem>>) semaphore(%run_scoped3A_13 : memref<!tpu.dma_semaphore, #tpu.memory_space<semaphore_mem>>) {add = true}
      %dma_wait3A = arith.constant 128 : i32
      %dma_wait3A_22 = arith.constant 0 : i32
      %dma_wait3A_23 = tpu.memref_slice %arg7[%dma_wait3A, %dma_wait3A_22] : memref<512x128xf32, #tpu.memory_space<vmem>> -> memref<128x128xf32, #tpu.memory_space<vmem>>
      %dma_wait3A_24 = arith.constant 0 : i32
      %dma_wait3A_25 = tpu.memref_slice %arg6[%run_scoped3A_5, %dma_wait3A_24] : memref<4x128xi32, #tpu.memory_space<vmem>> -> memref<1x128xi32, #tpu.memory_space<vmem>>
      %dma_wait3A_26 = tpu.memref_squeeze %dma_wait3A_25 : memref<1x128xi32, #tpu.memory_space<vmem>> -> memref<128xi32, #tpu.memory_space<vmem>>
      %dma_wait3A_27 = arith.constant 0 : i32
      %dma_wait3A_28 = arith.constant 0 : i32
      %dma_wait3A_29 = tpu.memref_slice %arg8[%dma_wait3A_27, %dma_wait3A_28] : memref<2048x128xf32, #tpu.memory_space<vmem_shared>> -> memref<2048x128xf32, #tpu.memory_space<vmem_shared>>
      tpu.wait_indirect_dma semaphore(%run_scoped3A_13 : memref<!tpu.dma_semaphore, #tpu.memory_space<semaphore_mem>>) src(%dma_wait3A_23 : memref<128x128xf32, #tpu.memory_space<vmem>>) dst(%dma_wait3A_29 : memref<2048x128xf32, #tpu.memory_space<vmem_shared>>)
      tpu.yield
    }) : () -> ()
    %run_scoped3A_6 = arith.constant 2 : i32
    "tpu.region"() ({
      %run_scoped3A_13 = tpu.sem_alloc : memref<!tpu.dma_semaphore, #tpu.memory_space<semaphore_mem>>
      %dma_start3A = arith.constant 256 : i32
      %dma_start3A_14 = arith.constant 0 : i32
      %dma_start3A_15 = tpu.memref_slice %arg7[%dma_start3A, %dma_start3A_14] : memref<512x128xf32, #tpu.memory_space<vmem>> -> memref<128x128xf32, #tpu.memory_space<vmem>>
      %dma_start3A_16 = arith.constant 0 : i32
      %dma_start3A_17 = tpu.memref_slice %arg6[%run_scoped3A_6, %dma_start3A_16] : memref<4x128xi32, #tpu.memory_space<vmem>> -> memref<1x128xi32, #tpu.memory_space<vmem>>
      %dma_start3A_18 = tpu.memref_squeeze %dma_start3A_17 : memref<1x128xi32, #tpu.memory_space<vmem>> -> memref<128xi32, #tpu.memory_space<vmem>>
      %dma_start3A_19 = arith.constant 0 : i32
      %dma_start3A_20 = arith.constant 0 : i32
      %dma_start3A_21 = tpu.memref_slice %arg8[%dma_start3A_19, %dma_start3A_20] : memref<2048x128xf32, #tpu.memory_space<vmem_shared>> -> memref<2048x128xf32, #tpu.memory_space<vmem_shared>>
      tpu.enqueue_indirect_dma source(%dma_start3A_15 : memref<128x128xf32, #tpu.memory_space<vmem>>) target(%dma_start3A_21 : memref<2048x128xf32, #tpu.memory_space<vmem_shared>>) offsets(%dma_start3A_18 : memref<128xi32, #tpu.memory_space<vmem>>) semaphore(%run_scoped3A_13 : memref<!tpu.dma_semaphore, #tpu.memory_space<semaphore_mem>>) {add = true}
      %dma_wait3A = arith.constant 256 : i32
      %dma_wait3A_22 = arith.constant 0 : i32
      %dma_wait3A_23 = tpu.memref_slice %arg7[%dma_wait3A, %dma_wait3A_22] : memref<512x128xf32, #tpu.memory_space<vmem>> -> memref<128x128xf32, #tpu.memory_space<vmem>>
      %dma_wait3A_24 = arith.constant 0 : i32
      %dma_wait3A_25 = tpu.memref_slice %arg6[%run_scoped3A_6, %dma_wait3A_24] : memref<4x128xi32, #tpu.memory_space<vmem>> -> memref<1x128xi32, #tpu.memory_space<vmem>>
      %dma_wait3A_26 = tpu.memref_squeeze %dma_wait3A_25 : memref<1x128xi32, #tpu.memory_space<vmem>> -> memref<128xi32, #tpu.memory_space<vmem>>
      %dma_wait3A_27 = arith.constant 0 : i32
      %dma_wait3A_28 = arith.constant 0 : i32
      %dma_wait3A_29 = tpu.memref_slice %arg8[%dma_wait3A_27, %dma_wait3A_28] : memref<2048x128xf32, #tpu.memory_space<vmem_shared>> -> memref<2048x128xf32, #tpu.memory_space<vmem_shared>>
      tpu.wait_indirect_dma semaphore(%run_scoped3A_13 : memref<!tpu.dma_semaphore, #tpu.memory_space<semaphore_mem>>) src(%dma_wait3A_23 : memref<128x128xf32, #tpu.memory_space<vmem>>) dst(%dma_wait3A_29 : memref<2048x128xf32, #tpu.memory_space<vmem_shared>>)
      tpu.yield
    }) : () -> ()
    %run_scoped3A_7 = arith.constant 3 : i32
    "tpu.region"() ({
      %run_scoped3A_13 = tpu.sem_alloc : memref<!tpu.dma_semaphore, #tpu.memory_space<semaphore_mem>>
      %dma_start3A = arith.constant 384 : i32
      %dma_start3A_14 = arith.constant 0 : i32
      %dma_start3A_15 = tpu.memref_slice %arg7[%dma_start3A, %dma_start3A_14] : memref<512x128xf32, #tpu.memory_space<vmem>> -> memref<128x128xf32, #tpu.memory_space<vmem>>
      %dma_start3A_16 = arith.constant 0 : i32
      %dma_start3A_17 = tpu.memref_slice %arg6[%run_scoped3A_7, %dma_start3A_16] : memref<4x128xi32, #tpu.memory_space<vmem>> -> memref<1x128xi32, #tpu.memory_space<vmem>>
      %dma_start3A_18 = tpu.memref_squeeze %dma_start3A_17 : memref<1x128xi32, #tpu.memory_space<vmem>> -> memref<128xi32, #tpu.memory_space<vmem>>
      %dma_start3A_19 = arith.constant 0 : i32
      %dma_start3A_20 = arith.constant 0 : i32
      %dma_start3A_21 = tpu.memref_slice %arg8[%dma_start3A_19, %dma_start3A_20] : memref<2048x128xf32, #tpu.memory_space<vmem_shared>> -> memref<2048x128xf32, #tpu.memory_space<vmem_shared>>
      tpu.enqueue_indirect_dma source(%dma_start3A_15 : memref<128x128xf32, #tpu.memory_space<vmem>>) target(%dma_start3A_21 : memref<2048x128xf32, #tpu.memory_space<vmem_shared>>) offsets(%dma_start3A_18 : memref<128xi32, #tpu.memory_space<vmem>>) semaphore(%run_scoped3A_13 : memref<!tpu.dma_semaphore, #tpu.memory_space<semaphore_mem>>) {add = true}
      %dma_wait3A = arith.constant 384 : i32
      %dma_wait3A_22 = arith.constant 0 : i32
      %dma_wait3A_23 = tpu.memref_slice %arg7[%dma_wait3A, %dma_wait3A_22] : memref<512x128xf32, #tpu.memory_space<vmem>> -> memref<128x128xf32, #tpu.memory_space<vmem>>
      %dma_wait3A_24 = arith.constant 0 : i32
      %dma_wait3A_25 = tpu.memref_slice %arg6[%run_scoped3A_7, %dma_wait3A_24] : memref<4x128xi32, #tpu.memory_space<vmem>> -> memref<1x128xi32, #tpu.memory_space<vmem>>
      %dma_wait3A_26 = tpu.memref_squeeze %dma_wait3A_25 : memref<1x128xi32, #tpu.memory_space<vmem>> -> memref<128xi32, #tpu.memory_space<vmem>>
      %dma_wait3A_27 = arith.constant 0 : i32
      %dma_wait3A_28 = arith.constant 0 : i32
      %dma_wait3A_29 = tpu.memref_slice %arg8[%dma_wait3A_27, %dma_wait3A_28] : memref<2048x128xf32, #tpu.memory_space<vmem_shared>> -> memref<2048x128xf32, #tpu.memory_space<vmem_shared>>
      tpu.wait_indirect_dma semaphore(%run_scoped3A_13 : memref<!tpu.dma_semaphore, #tpu.memory_space<semaphore_mem>>) src(%dma_wait3A_23 : memref<128x128xf32, #tpu.memory_space<vmem>>) dst(%dma_wait3A_29 : memref<2048x128xf32, #tpu.memory_space<vmem_shared>>)
      tpu.yield
    }) : () -> ()
    %barrier3A_8 = arith.constant 0 : index
    tpu.barrier barrier_id(%barrier3A_8)
    %mul3A_9 = arith.constant 128 : i32
    %mul3A_10 = arith.muli %arg1, %mul3A_9 : i32
    %mul3A_11 = arith.constant 128 : i32
    %mul3A_12 = arith.muli %arg1, %mul3A_11 : i32
    "tpu.region"() ({
      %run_scoped3A_13 = tpu.sem_alloc : memref<!tpu.dma_semaphore, #tpu.memory_space<semaphore_mem>>
      %dma_start3A = arith.constant 0 : i32
      %dma_start3A_14 = tpu.memref_slice %arg5[%arg0, %mul3A_12, %dma_start3A] : memref<2x2048x128xf32, #tpu.memory_space<hbm>> -> memref<1x128x128xf32, #tpu.memory_space<hbm>>
      %dma_start3A_15 = tpu.memref_squeeze %dma_start3A_14 : memref<1x128x128xf32, #tpu.memory_space<hbm>> -> memref<128x128xf32, #tpu.memory_space<hbm>>
      %dma_start3A_16 = arith.constant 0 : i32
      %dma_start3A_17 = tpu.memref_slice %arg8[%mul3A_10, %dma_start3A_16] : memref<2048x128xf32, #tpu.memory_space<vmem_shared>> -> memref<128x128xf32, #tpu.memory_space<vmem_shared>>
      tpu.enqueue_dma source(%dma_start3A_17 : memref<128x128xf32, #tpu.memory_space<vmem_shared>>) target(%dma_start3A_15 : memref<128x128xf32, #tpu.memory_space<hbm>>) target_semaphore(%run_scoped3A_13 : memref<!tpu.dma_semaphore, #tpu.memory_space<semaphore_mem>>)
      %dma_wait3A = arith.constant 0 : i32
      %dma_wait3A_18 = tpu.memref_slice %arg5[%arg0, %mul3A_12, %dma_wait3A] : memref<2x2048x128xf32, #tpu.memory_space<hbm>> -> memref<1x128x128xf32, #tpu.memory_space<hbm>>
      %dma_wait3A_19 = tpu.memref_squeeze %dma_wait3A_18 : memref<1x128x128xf32, #tpu.memory_space<hbm>> -> memref<128x128xf32, #tpu.memory_space<hbm>>
      %dma_wait3A_20 = arith.constant 0 : i32
      %dma_wait3A_21 = tpu.memref_slice %arg8[%mul3A_10, %dma_wait3A_20] : memref<2048x128xf32, #tpu.memory_space<vmem_shared>> -> memref<128x128xf32, #tpu.memory_space<vmem_shared>>
      tpu.wait_dma2 semaphore(%run_scoped3A_13 : memref<!tpu.dma_semaphore, #tpu.memory_space<semaphore_mem>>) src(%dma_wait3A_21 : memref<128x128xf32, #tpu.memory_space<vmem_shared>>) dst(%dma_wait3A_19 : memref<128x128xf32, #tpu.memory_space<hbm>>)
      tpu.yield
    }) : () -> ()
    return
  }
}

#map = affine_map<(d0, d1) -> (0, 0)>
#map1 = affine_map<(d0, d1) -> (0, 0, 0)>
module attributes {stable_mosaic.version = 14 : i64} {
  func.func @_gather_uv(%arg0: i32, %arg1: i32, %arg2: memref<2048x128xf32, #tpu.memory_space<hbm>>, %arg3: memref<32x4x128xi32, #tpu.memory_space<hbm>>, %arg4: memref<32x4x128xi32, #tpu.memory_space<hbm>>, %arg5: memref<16384x128xf32, #tpu.memory_space<hbm>>, %arg6: memref<16384x128xf32, #tpu.memory_space<hbm>>, %arg7: memref<4x128xi32, #tpu.memory_space<vmem>>, %arg8: memref<4x128xi32, #tpu.memory_space<vmem>>, %arg9: memref<256x128xf32, #tpu.memory_space<vmem>>, %arg10: memref<256x128xf32, #tpu.memory_space<vmem>>, %arg11: memref<!tpu.dma_semaphore, #tpu.memory_space<semaphore_mem>>) attributes {dimension_semantics = [#tpu.dimension_semantics<core_parallel>, #tpu.dimension_semantics<subcore_parallel>], iteration_bounds = array<i64: 2, 16>, scalar_prefetch = 0 : i64, scratch_operands = 5 : i64, tpu.core_type = #tpu.core_type<sc_vector_subcore>, window_params = [{transform_indices = #map}, {transform_indices = #map1}, {transform_indices = #map1}, {transform_indices = #map}, {transform_indices = #map}]} {
    %mul3A = arith.constant 2 : i32
    %mul3A_0 = arith.muli %arg1, %mul3A : i32
    %add3A = arith.addi %mul3A_0, %arg0 : i32
    %mul3A_1 = arith.constant 512 : i32
    %mul3A_2 = arith.muli %add3A, %mul3A_1 : i32
    "tpu.region"() ({
      %run_scoped3A = tpu.sem_alloc : memref<!tpu.dma_semaphore, #tpu.memory_space<semaphore_mem>>
      %dma_start3A_169 = arith.constant 0 : i32
      %dma_start3A_170 = arith.constant 0 : i32
      %dma_start3A_171 = tpu.memref_slice %arg3[%add3A, %dma_start3A_169, %dma_start3A_170] : memref<32x4x128xi32, #tpu.memory_space<hbm>> -> memref<1x4x128xi32, #tpu.memory_space<hbm>>
      %dma_start3A_172 = tpu.memref_squeeze %dma_start3A_171 : memref<1x4x128xi32, #tpu.memory_space<hbm>> -> memref<4x128xi32, #tpu.memory_space<hbm>>
      %dma_start3A_173 = arith.constant 0 : i32
      %dma_start3A_174 = arith.constant 0 : i32
      %dma_start3A_175 = tpu.memref_slice %arg3[%add3A, %dma_start3A_173, %dma_start3A_174] : memref<32x4x128xi32, #tpu.memory_space<hbm>> -> memref<1x4x128xi32, #tpu.memory_space<hbm>>
      %dma_start3A_176 = tpu.memref_squeeze %dma_start3A_175 : memref<1x4x128xi32, #tpu.memory_space<hbm>> -> memref<4x128xi32, #tpu.memory_space<hbm>>
      tpu.enqueue_dma source(%dma_start3A_176 : memref<4x128xi32, #tpu.memory_space<hbm>>) target(%arg7 : memref<4x128xi32, #tpu.memory_space<vmem>>) target_semaphore(%run_scoped3A : memref<!tpu.dma_semaphore, #tpu.memory_space<semaphore_mem>>)
      %dma_wait3A_177 = arith.constant 0 : i32
      %dma_wait3A_178 = arith.constant 0 : i32
      %dma_wait3A_179 = tpu.memref_slice %arg3[%add3A, %dma_wait3A_177, %dma_wait3A_178] : memref<32x4x128xi32, #tpu.memory_space<hbm>> -> memref<1x4x128xi32, #tpu.memory_space<hbm>>
      %dma_wait3A_180 = tpu.memref_squeeze %dma_wait3A_179 : memref<1x4x128xi32, #tpu.memory_space<hbm>> -> memref<4x128xi32, #tpu.memory_space<hbm>>
      %dma_wait3A_181 = arith.constant 0 : i32
      %dma_wait3A_182 = arith.constant 0 : i32
      %dma_wait3A_183 = tpu.memref_slice %arg3[%add3A, %dma_wait3A_181, %dma_wait3A_182] : memref<32x4x128xi32, #tpu.memory_space<hbm>> -> memref<1x4x128xi32, #tpu.memory_space<hbm>>
      %dma_wait3A_184 = tpu.memref_squeeze %dma_wait3A_183 : memref<1x4x128xi32, #tpu.memory_space<hbm>> -> memref<4x128xi32, #tpu.memory_space<hbm>>
      tpu.wait_dma2 semaphore(%run_scoped3A : memref<!tpu.dma_semaphore, #tpu.memory_space<semaphore_mem>>) src(%dma_wait3A_184 : memref<4x128xi32, #tpu.memory_space<hbm>>) dst(%arg7 : memref<4x128xi32, #tpu.memory_space<vmem>>)
      tpu.yield
    }) : () -> ()
    "tpu.region"() ({
      %run_scoped3A = tpu.sem_alloc : memref<!tpu.dma_semaphore, #tpu.memory_space<semaphore_mem>>
      %dma_start3A_169 = arith.constant 0 : i32
      %dma_start3A_170 = arith.constant 0 : i32
      %dma_start3A_171 = tpu.memref_slice %arg4[%add3A, %dma_start3A_169, %dma_start3A_170] : memref<32x4x128xi32, #tpu.memory_space<hbm>> -> memref<1x4x128xi32, #tpu.memory_space<hbm>>
      %dma_start3A_172 = tpu.memref_squeeze %dma_start3A_171 : memref<1x4x128xi32, #tpu.memory_space<hbm>> -> memref<4x128xi32, #tpu.memory_space<hbm>>
      %dma_start3A_173 = arith.constant 0 : i32
      %dma_start3A_174 = arith.constant 0 : i32
      %dma_start3A_175 = tpu.memref_slice %arg4[%add3A, %dma_start3A_173, %dma_start3A_174] : memref<32x4x128xi32, #tpu.memory_space<hbm>> -> memref<1x4x128xi32, #tpu.memory_space<hbm>>
      %dma_start3A_176 = tpu.memref_squeeze %dma_start3A_175 : memref<1x4x128xi32, #tpu.memory_space<hbm>> -> memref<4x128xi32, #tpu.memory_space<hbm>>
      tpu.enqueue_dma source(%dma_start3A_176 : memref<4x128xi32, #tpu.memory_space<hbm>>) target(%arg8 : memref<4x128xi32, #tpu.memory_space<vmem>>) target_semaphore(%run_scoped3A : memref<!tpu.dma_semaphore, #tpu.memory_space<semaphore_mem>>)
      %dma_wait3A_177 = arith.constant 0 : i32
      %dma_wait3A_178 = arith.constant 0 : i32
      %dma_wait3A_179 = tpu.memref_slice %arg4[%add3A, %dma_wait3A_177, %dma_wait3A_178] : memref<32x4x128xi32, #tpu.memory_space<hbm>> -> memref<1x4x128xi32, #tpu.memory_space<hbm>>
      %dma_wait3A_180 = tpu.memref_squeeze %dma_wait3A_179 : memref<1x4x128xi32, #tpu.memory_space<hbm>> -> memref<4x128xi32, #tpu.memory_space<hbm>>
      %dma_wait3A_181 = arith.constant 0 : i32
      %dma_wait3A_182 = arith.constant 0 : i32
      %dma_wait3A_183 = tpu.memref_slice %arg4[%add3A, %dma_wait3A_181, %dma_wait3A_182] : memref<32x4x128xi32, #tpu.memory_space<hbm>> -> memref<1x4x128xi32, #tpu.memory_space<hbm>>
      %dma_wait3A_184 = tpu.memref_squeeze %dma_wait3A_183 : memref<1x4x128xi32, #tpu.memory_space<hbm>> -> memref<4x128xi32, #tpu.memory_space<hbm>>
      tpu.wait_dma2 semaphore(%run_scoped3A : memref<!tpu.dma_semaphore, #tpu.memory_space<semaphore_mem>>) src(%dma_wait3A_184 : memref<4x128xi32, #tpu.memory_space<hbm>>) dst(%arg8 : memref<4x128xi32, #tpu.memory_space<vmem>>)
      tpu.yield
    }) : () -> ()
    %dma_start3A = arith.constant 0 : i32
    %dma_start3A_3 = arith.constant 0 : i32
    %dma_start3A_4 = arith.constant 0 : i32
    %dma_start3A_5 = tpu.memref_slice %arg9[%dma_start3A_3, %dma_start3A_4] : memref<256x128xf32, #tpu.memory_space<vmem>> -> memref<128x128xf32, #tpu.memory_space<vmem>>
    %dma_start3A_6 = arith.constant 0 : i32
    %dma_start3A_7 = tpu.memref_slice %arg7[%dma_start3A, %dma_start3A_6] : memref<4x128xi32, #tpu.memory_space<vmem>> -> memref<1x128xi32, #tpu.memory_space<vmem>>
    %dma_start3A_8 = tpu.memref_squeeze %dma_start3A_7 : memref<1x128xi32, #tpu.memory_space<vmem>> -> memref<128xi32, #tpu.memory_space<vmem>>
    %dma_start3A_9 = arith.constant 0 : i32
    %dma_start3A_10 = arith.constant 0 : i32
    %dma_start3A_11 = tpu.memref_slice %arg2[%dma_start3A_9, %dma_start3A_10] : memref<2048x128xf32, #tpu.memory_space<hbm>> -> memref<2048x128xf32, #tpu.memory_space<hbm>>
    tpu.enqueue_indirect_dma source(%dma_start3A_11 : memref<2048x128xf32, #tpu.memory_space<hbm>>) target(%dma_start3A_5 : memref<128x128xf32, #tpu.memory_space<vmem>>) offsets(%dma_start3A_8 : memref<128xi32, #tpu.memory_space<vmem>>) semaphore(%arg11 : memref<!tpu.dma_semaphore, #tpu.memory_space<semaphore_mem>>)
    %dma_start3A_12 = arith.constant 0 : i32
    %dma_start3A_13 = arith.constant 0 : i32
    %dma_start3A_14 = arith.constant 0 : i32
    %dma_start3A_15 = tpu.memref_slice %arg10[%dma_start3A_13, %dma_start3A_14] : memref<256x128xf32, #tpu.memory_space<vmem>> -> memref<128x128xf32, #tpu.memory_space<vmem>>
    %dma_start3A_16 = arith.constant 0 : i32
    %dma_start3A_17 = tpu.memref_slice %arg8[%dma_start3A_12, %dma_start3A_16] : memref<4x128xi32, #tpu.memory_space<vmem>> -> memref<1x128xi32, #tpu.memory_space<vmem>>
    %dma_start3A_18 = tpu.memref_squeeze %dma_start3A_17 : memref<1x128xi32, #tpu.memory_space<vmem>> -> memref<128xi32, #tpu.memory_space<vmem>>
    %dma_start3A_19 = arith.constant 0 : i32
    %dma_start3A_20 = arith.constant 0 : i32
    %dma_start3A_21 = tpu.memref_slice %arg2[%dma_start3A_19, %dma_start3A_20] : memref<2048x128xf32, #tpu.memory_space<hbm>> -> memref<2048x128xf32, #tpu.memory_space<hbm>>
    tpu.enqueue_indirect_dma source(%dma_start3A_21 : memref<2048x128xf32, #tpu.memory_space<hbm>>) target(%dma_start3A_15 : memref<128x128xf32, #tpu.memory_space<vmem>>) offsets(%dma_start3A_18 : memref<128xi32, #tpu.memory_space<vmem>>) semaphore(%arg11 : memref<!tpu.dma_semaphore, #tpu.memory_space<semaphore_mem>>)
    %dma_start3A_22 = arith.constant 1 : i32
    %dma_start3A_23 = arith.constant 128 : i32
    %dma_start3A_24 = arith.constant 0 : i32
    %dma_start3A_25 = tpu.memref_slice %arg9[%dma_start3A_23, %dma_start3A_24] : memref<256x128xf32, #tpu.memory_space<vmem>> -> memref<128x128xf32, #tpu.memory_space<vmem>>
    %dma_start3A_26 = arith.constant 0 : i32
    %dma_start3A_27 = tpu.memref_slice %arg7[%dma_start3A_22, %dma_start3A_26] : memref<4x128xi32, #tpu.memory_space<vmem>> -> memref<1x128xi32, #tpu.memory_space<vmem>>
    %dma_start3A_28 = tpu.memref_squeeze %dma_start3A_27 : memref<1x128xi32, #tpu.memory_space<vmem>> -> memref<128xi32, #tpu.memory_space<vmem>>
    %dma_start3A_29 = arith.constant 0 : i32
    %dma_start3A_30 = arith.constant 0 : i32
    %dma_start3A_31 = tpu.memref_slice %arg2[%dma_start3A_29, %dma_start3A_30] : memref<2048x128xf32, #tpu.memory_space<hbm>> -> memref<2048x128xf32, #tpu.memory_space<hbm>>
    tpu.enqueue_indirect_dma source(%dma_start3A_31 : memref<2048x128xf32, #tpu.memory_space<hbm>>) target(%dma_start3A_25 : memref<128x128xf32, #tpu.memory_space<vmem>>) offsets(%dma_start3A_28 : memref<128xi32, #tpu.memory_space<vmem>>) semaphore(%arg11 : memref<!tpu.dma_semaphore, #tpu.memory_space<semaphore_mem>>)
    %dma_start3A_32 = arith.constant 1 : i32
    %dma_start3A_33 = arith.constant 128 : i32
    %dma_start3A_34 = arith.constant 0 : i32
    %dma_start3A_35 = tpu.memref_slice %arg10[%dma_start3A_33, %dma_start3A_34] : memref<256x128xf32, #tpu.memory_space<vmem>> -> memref<128x128xf32, #tpu.memory_space<vmem>>
    %dma_start3A_36 = arith.constant 0 : i32
    %dma_start3A_37 = tpu.memref_slice %arg8[%dma_start3A_32, %dma_start3A_36] : memref<4x128xi32, #tpu.memory_space<vmem>> -> memref<1x128xi32, #tpu.memory_space<vmem>>
    %dma_start3A_38 = tpu.memref_squeeze %dma_start3A_37 : memref<1x128xi32, #tpu.memory_space<vmem>> -> memref<128xi32, #tpu.memory_space<vmem>>
    %dma_start3A_39 = arith.constant 0 : i32
    %dma_start3A_40 = arith.constant 0 : i32
    %dma_start3A_41 = tpu.memref_slice %arg2[%dma_start3A_39, %dma_start3A_40] : memref<2048x128xf32, #tpu.memory_space<hbm>> -> memref<2048x128xf32, #tpu.memory_space<hbm>>
    tpu.enqueue_indirect_dma source(%dma_start3A_41 : memref<2048x128xf32, #tpu.memory_space<hbm>>) target(%dma_start3A_35 : memref<128x128xf32, #tpu.memory_space<vmem>>) offsets(%dma_start3A_38 : memref<128xi32, #tpu.memory_space<vmem>>) semaphore(%arg11 : memref<!tpu.dma_semaphore, #tpu.memory_space<semaphore_mem>>)
    %dma_wait3A = arith.constant 0 : i32
    %dma_wait3A_42 = arith.constant 0 : i32
    %dma_wait3A_43 = arith.constant 0 : i32
    %dma_wait3A_44 = tpu.memref_slice %arg9[%dma_wait3A_42, %dma_wait3A_43] : memref<256x128xf32, #tpu.memory_space<vmem>> -> memref<128x128xf32, #tpu.memory_space<vmem>>
    %dma_wait3A_45 = arith.constant 0 : i32
    %dma_wait3A_46 = tpu.memref_slice %arg7[%dma_wait3A, %dma_wait3A_45] : memref<4x128xi32, #tpu.memory_space<vmem>> -> memref<1x128xi32, #tpu.memory_space<vmem>>
    %dma_wait3A_47 = tpu.memref_squeeze %dma_wait3A_46 : memref<1x128xi32, #tpu.memory_space<vmem>> -> memref<128xi32, #tpu.memory_space<vmem>>
    %dma_wait3A_48 = arith.constant 0 : i32
    %dma_wait3A_49 = arith.constant 0 : i32
    %dma_wait3A_50 = tpu.memref_slice %arg2[%dma_wait3A_48, %dma_wait3A_49] : memref<2048x128xf32, #tpu.memory_space<hbm>> -> memref<2048x128xf32, #tpu.memory_space<hbm>>
    tpu.wait_indirect_dma semaphore(%arg11 : memref<!tpu.dma_semaphore, #tpu.memory_space<semaphore_mem>>) src(%dma_wait3A_50 : memref<2048x128xf32, #tpu.memory_space<hbm>>) dst(%dma_wait3A_44 : memref<128x128xf32, #tpu.memory_space<vmem>>)
    %dma_wait3A_51 = arith.constant 0 : i32
    %dma_wait3A_52 = arith.constant 0 : i32
    %dma_wait3A_53 = arith.constant 0 : i32
    %dma_wait3A_54 = tpu.memref_slice %arg10[%dma_wait3A_52, %dma_wait3A_53] : memref<256x128xf32, #tpu.memory_space<vmem>> -> memref<128x128xf32, #tpu.memory_space<vmem>>
    %dma_wait3A_55 = arith.constant 0 : i32
    %dma_wait3A_56 = tpu.memref_slice %arg8[%dma_wait3A_51, %dma_wait3A_55] : memref<4x128xi32, #tpu.memory_space<vmem>> -> memref<1x128xi32, #tpu.memory_space<vmem>>
    %dma_wait3A_57 = tpu.memref_squeeze %dma_wait3A_56 : memref<1x128xi32, #tpu.memory_space<vmem>> -> memref<128xi32, #tpu.memory_space<vmem>>
    %dma_wait3A_58 = arith.constant 0 : i32
    %dma_wait3A_59 = arith.constant 0 : i32
    %dma_wait3A_60 = tpu.memref_slice %arg2[%dma_wait3A_58, %dma_wait3A_59] : memref<2048x128xf32, #tpu.memory_space<hbm>> -> memref<2048x128xf32, #tpu.memory_space<hbm>>
    tpu.wait_indirect_dma semaphore(%arg11 : memref<!tpu.dma_semaphore, #tpu.memory_space<semaphore_mem>>) src(%dma_wait3A_60 : memref<2048x128xf32, #tpu.memory_space<hbm>>) dst(%dma_wait3A_54 : memref<128x128xf32, #tpu.memory_space<vmem>>)
    %dma_wait3A_61 = arith.constant 1 : i32
    %dma_wait3A_62 = arith.constant 128 : i32
    %dma_wait3A_63 = arith.constant 0 : i32
    %dma_wait3A_64 = tpu.memref_slice %arg9[%dma_wait3A_62, %dma_wait3A_63] : memref<256x128xf32, #tpu.memory_space<vmem>> -> memref<128x128xf32, #tpu.memory_space<vmem>>
    %dma_wait3A_65 = arith.constant 0 : i32
    %dma_wait3A_66 = tpu.memref_slice %arg7[%dma_wait3A_61, %dma_wait3A_65] : memref<4x128xi32, #tpu.memory_space<vmem>> -> memref<1x128xi32, #tpu.memory_space<vmem>>
    %dma_wait3A_67 = tpu.memref_squeeze %dma_wait3A_66 : memref<1x128xi32, #tpu.memory_space<vmem>> -> memref<128xi32, #tpu.memory_space<vmem>>
    %dma_wait3A_68 = arith.constant 0 : i32
    %dma_wait3A_69 = arith.constant 0 : i32
    %dma_wait3A_70 = tpu.memref_slice %arg2[%dma_wait3A_68, %dma_wait3A_69] : memref<2048x128xf32, #tpu.memory_space<hbm>> -> memref<2048x128xf32, #tpu.memory_space<hbm>>
    tpu.wait_indirect_dma semaphore(%arg11 : memref<!tpu.dma_semaphore, #tpu.memory_space<semaphore_mem>>) src(%dma_wait3A_70 : memref<2048x128xf32, #tpu.memory_space<hbm>>) dst(%dma_wait3A_64 : memref<128x128xf32, #tpu.memory_space<vmem>>)
    %dma_wait3A_71 = arith.constant 1 : i32
    %dma_wait3A_72 = arith.constant 128 : i32
    %dma_wait3A_73 = arith.constant 0 : i32
    %dma_wait3A_74 = tpu.memref_slice %arg10[%dma_wait3A_72, %dma_wait3A_73] : memref<256x128xf32, #tpu.memory_space<vmem>> -> memref<128x128xf32, #tpu.memory_space<vmem>>
    %dma_wait3A_75 = arith.constant 0 : i32
    %dma_wait3A_76 = tpu.memref_slice %arg8[%dma_wait3A_71, %dma_wait3A_75] : memref<4x128xi32, #tpu.memory_space<vmem>> -> memref<1x128xi32, #tpu.memory_space<vmem>>
    %dma_wait3A_77 = tpu.memref_squeeze %dma_wait3A_76 : memref<1x128xi32, #tpu.memory_space<vmem>> -> memref<128xi32, #tpu.memory_space<vmem>>
    %dma_wait3A_78 = arith.constant 0 : i32
    %dma_wait3A_79 = arith.constant 0 : i32
    %dma_wait3A_80 = tpu.memref_slice %arg2[%dma_wait3A_78, %dma_wait3A_79] : memref<2048x128xf32, #tpu.memory_space<hbm>> -> memref<2048x128xf32, #tpu.memory_space<hbm>>
    tpu.wait_indirect_dma semaphore(%arg11 : memref<!tpu.dma_semaphore, #tpu.memory_space<semaphore_mem>>) src(%dma_wait3A_80 : memref<2048x128xf32, #tpu.memory_space<hbm>>) dst(%dma_wait3A_74 : memref<128x128xf32, #tpu.memory_space<vmem>>)
    %add3A_81 = arith.constant 0 : i32
    %add3A_82 = arith.addi %mul3A_2, %add3A_81 : i32
    "tpu.region"() ({
      %run_scoped3A = tpu.sem_alloc : memref<!tpu.dma_semaphore, #tpu.memory_space<semaphore_mem>>
      %dma_start3A_169 = arith.constant 0 : i32
      %dma_start3A_170 = tpu.memref_slice %arg5[%add3A_82, %dma_start3A_169] : memref<16384x128xf32, #tpu.memory_space<hbm>> -> memref<256x128xf32, #tpu.memory_space<hbm>>
      %dma_start3A_171 = arith.constant 0 : i32
      %dma_start3A_172 = tpu.memref_slice %arg5[%add3A_82, %dma_start3A_171] : memref<16384x128xf32, #tpu.memory_space<hbm>> -> memref<256x128xf32, #tpu.memory_space<hbm>>
      tpu.enqueue_dma source(%arg9 : memref<256x128xf32, #tpu.memory_space<vmem>>) target(%dma_start3A_172 : memref<256x128xf32, #tpu.memory_space<hbm>>) target_semaphore(%run_scoped3A : memref<!tpu.dma_semaphore, #tpu.memory_space<semaphore_mem>>)
      %dma_wait3A_173 = arith.constant 0 : i32
      %dma_wait3A_174 = tpu.memref_slice %arg5[%add3A_82, %dma_wait3A_173] : memref<16384x128xf32, #tpu.memory_space<hbm>> -> memref<256x128xf32, #tpu.memory_space<hbm>>
      %dma_wait3A_175 = arith.constant 0 : i32
      %dma_wait3A_176 = tpu.memref_slice %arg5[%add3A_82, %dma_wait3A_175] : memref<16384x128xf32, #tpu.memory_space<hbm>> -> memref<256x128xf32, #tpu.memory_space<hbm>>
      tpu.wait_dma2 semaphore(%run_scoped3A : memref<!tpu.dma_semaphore, #tpu.memory_space<semaphore_mem>>) src(%arg9 : memref<256x128xf32, #tpu.memory_space<vmem>>) dst(%dma_wait3A_176 : memref<256x128xf32, #tpu.memory_space<hbm>>)
      tpu.yield
    }) : () -> ()
    %add3A_83 = arith.constant 0 : i32
    %add3A_84 = arith.addi %mul3A_2, %add3A_83 : i32
    "tpu.region"() ({
      %run_scoped3A = tpu.sem_alloc : memref<!tpu.dma_semaphore, #tpu.memory_space<semaphore_mem>>
      %dma_start3A_169 = arith.constant 0 : i32
      %dma_start3A_170 = tpu.memref_slice %arg6[%add3A_84, %dma_start3A_169] : memref<16384x128xf32, #tpu.memory_space<hbm>> -> memref<256x128xf32, #tpu.memory_space<hbm>>
      %dma_start3A_171 = arith.constant 0 : i32
      %dma_start3A_172 = tpu.memref_slice %arg6[%add3A_84, %dma_start3A_171] : memref<16384x128xf32, #tpu.memory_space<hbm>> -> memref<256x128xf32, #tpu.memory_space<hbm>>
      tpu.enqueue_dma source(%arg10 : memref<256x128xf32, #tpu.memory_space<vmem>>) target(%dma_start3A_172 : memref<256x128xf32, #tpu.memory_space<hbm>>) target_semaphore(%run_scoped3A : memref<!tpu.dma_semaphore, #tpu.memory_space<semaphore_mem>>)
      %dma_wait3A_173 = arith.constant 0 : i32
      %dma_wait3A_174 = tpu.memref_slice %arg6[%add3A_84, %dma_wait3A_173] : memref<16384x128xf32, #tpu.memory_space<hbm>> -> memref<256x128xf32, #tpu.memory_space<hbm>>
      %dma_wait3A_175 = arith.constant 0 : i32
      %dma_wait3A_176 = tpu.memref_slice %arg6[%add3A_84, %dma_wait3A_175] : memref<16384x128xf32, #tpu.memory_space<hbm>> -> memref<256x128xf32, #tpu.memory_space<hbm>>
      tpu.wait_dma2 semaphore(%run_scoped3A : memref<!tpu.dma_semaphore, #tpu.memory_space<semaphore_mem>>) src(%arg10 : memref<256x128xf32, #tpu.memory_space<vmem>>) dst(%dma_wait3A_176 : memref<256x128xf32, #tpu.memory_space<hbm>>)
      tpu.yield
    }) : () -> ()
    %dma_start3A_85 = arith.constant 2 : i32
    %dma_start3A_86 = arith.constant 0 : i32
    %dma_start3A_87 = arith.constant 0 : i32
    %dma_start3A_88 = tpu.memref_slice %arg9[%dma_start3A_86, %dma_start3A_87] : memref<256x128xf32, #tpu.memory_space<vmem>> -> memref<128x128xf32, #tpu.memory_space<vmem>>
    %dma_start3A_89 = arith.constant 0 : i32
    %dma_start3A_90 = tpu.memref_slice %arg7[%dma_start3A_85, %dma_start3A_89] : memref<4x128xi32, #tpu.memory_space<vmem>> -> memref<1x128xi32, #tpu.memory_space<vmem>>
    %dma_start3A_91 = tpu.memref_squeeze %dma_start3A_90 : memref<1x128xi32, #tpu.memory_space<vmem>> -> memref<128xi32, #tpu.memory_space<vmem>>
    %dma_start3A_92 = arith.constant 0 : i32
    %dma_start3A_93 = arith.constant 0 : i32
    %dma_start3A_94 = tpu.memref_slice %arg2[%dma_start3A_92, %dma_start3A_93] : memref<2048x128xf32, #tpu.memory_space<hbm>> -> memref<2048x128xf32, #tpu.memory_space<hbm>>
    tpu.enqueue_indirect_dma source(%dma_start3A_94 : memref<2048x128xf32, #tpu.memory_space<hbm>>) target(%dma_start3A_88 : memref<128x128xf32, #tpu.memory_space<vmem>>) offsets(%dma_start3A_91 : memref<128xi32, #tpu.memory_space<vmem>>) semaphore(%arg11 : memref<!tpu.dma_semaphore, #tpu.memory_space<semaphore_mem>>)
    %dma_start3A_95 = arith.constant 2 : i32
    %dma_start3A_96 = arith.constant 0 : i32
    %dma_start3A_97 = arith.constant 0 : i32
    %dma_start3A_98 = tpu.memref_slice %arg10[%dma_start3A_96, %dma_start3A_97] : memref<256x128xf32, #tpu.memory_space<vmem>> -> memref<128x128xf32, #tpu.memory_space<vmem>>
    %dma_start3A_99 = arith.constant 0 : i32
    %dma_start3A_100 = tpu.memref_slice %arg8[%dma_start3A_95, %dma_start3A_99] : memref<4x128xi32, #tpu.memory_space<vmem>> -> memref<1x128xi32, #tpu.memory_space<vmem>>
    %dma_start3A_101 = tpu.memref_squeeze %dma_start3A_100 : memref<1x128xi32, #tpu.memory_space<vmem>> -> memref<128xi32, #tpu.memory_space<vmem>>
    %dma_start3A_102 = arith.constant 0 : i32
    %dma_start3A_103 = arith.constant 0 : i32
    %dma_start3A_104 = tpu.memref_slice %arg2[%dma_start3A_102, %dma_start3A_103] : memref<2048x128xf32, #tpu.memory_space<hbm>> -> memref<2048x128xf32, #tpu.memory_space<hbm>>
    tpu.enqueue_indirect_dma source(%dma_start3A_104 : memref<2048x128xf32, #tpu.memory_space<hbm>>) target(%dma_start3A_98 : memref<128x128xf32, #tpu.memory_space<vmem>>) offsets(%dma_start3A_101 : memref<128xi32, #tpu.memory_space<vmem>>) semaphore(%arg11 : memref<!tpu.dma_semaphore, #tpu.memory_space<semaphore_mem>>)
    %dma_start3A_105 = arith.constant 3 : i32
    %dma_start3A_106 = arith.constant 128 : i32
    %dma_start3A_107 = arith.constant 0 : i32
    %dma_start3A_108 = tpu.memref_slice %arg9[%dma_start3A_106, %dma_start3A_107] : memref<256x128xf32, #tpu.memory_space<vmem>> -> memref<128x128xf32, #tpu.memory_space<vmem>>
    %dma_start3A_109 = arith.constant 0 : i32
    %dma_start3A_110 = tpu.memref_slice %arg7[%dma_start3A_105, %dma_start3A_109] : memref<4x128xi32, #tpu.memory_space<vmem>> -> memref<1x128xi32, #tpu.memory_space<vmem>>
    %dma_start3A_111 = tpu.memref_squeeze %dma_start3A_110 : memref<1x128xi32, #tpu.memory_space<vmem>> -> memref<128xi32, #tpu.memory_space<vmem>>
    %dma_start3A_112 = arith.constant 0 : i32
    %dma_start3A_113 = arith.constant 0 : i32
    %dma_start3A_114 = tpu.memref_slice %arg2[%dma_start3A_112, %dma_start3A_113] : memref<2048x128xf32, #tpu.memory_space<hbm>> -> memref<2048x128xf32, #tpu.memory_space<hbm>>
    tpu.enqueue_indirect_dma source(%dma_start3A_114 : memref<2048x128xf32, #tpu.memory_space<hbm>>) target(%dma_start3A_108 : memref<128x128xf32, #tpu.memory_space<vmem>>) offsets(%dma_start3A_111 : memref<128xi32, #tpu.memory_space<vmem>>) semaphore(%arg11 : memref<!tpu.dma_semaphore, #tpu.memory_space<semaphore_mem>>)
    %dma_start3A_115 = arith.constant 3 : i32
    %dma_start3A_116 = arith.constant 128 : i32
    %dma_start3A_117 = arith.constant 0 : i32
    %dma_start3A_118 = tpu.memref_slice %arg10[%dma_start3A_116, %dma_start3A_117] : memref<256x128xf32, #tpu.memory_space<vmem>> -> memref<128x128xf32, #tpu.memory_space<vmem>>
    %dma_start3A_119 = arith.constant 0 : i32
    %dma_start3A_120 = tpu.memref_slice %arg8[%dma_start3A_115, %dma_start3A_119] : memref<4x128xi32, #tpu.memory_space<vmem>> -> memref<1x128xi32, #tpu.memory_space<vmem>>
    %dma_start3A_121 = tpu.memref_squeeze %dma_start3A_120 : memref<1x128xi32, #tpu.memory_space<vmem>> -> memref<128xi32, #tpu.memory_space<vmem>>
    %dma_start3A_122 = arith.constant 0 : i32
    %dma_start3A_123 = arith.constant 0 : i32
    %dma_start3A_124 = tpu.memref_slice %arg2[%dma_start3A_122, %dma_start3A_123] : memref<2048x128xf32, #tpu.memory_space<hbm>> -> memref<2048x128xf32, #tpu.memory_space<hbm>>
    tpu.enqueue_indirect_dma source(%dma_start3A_124 : memref<2048x128xf32, #tpu.memory_space<hbm>>) target(%dma_start3A_118 : memref<128x128xf32, #tpu.memory_space<vmem>>) offsets(%dma_start3A_121 : memref<128xi32, #tpu.memory_space<vmem>>) semaphore(%arg11 : memref<!tpu.dma_semaphore, #tpu.memory_space<semaphore_mem>>)
    %dma_wait3A_125 = arith.constant 2 : i32
    %dma_wait3A_126 = arith.constant 0 : i32
    %dma_wait3A_127 = arith.constant 0 : i32
    %dma_wait3A_128 = tpu.memref_slice %arg9[%dma_wait3A_126, %dma_wait3A_127] : memref<256x128xf32, #tpu.memory_space<vmem>> -> memref<128x128xf32, #tpu.memory_space<vmem>>
    %dma_wait3A_129 = arith.constant 0 : i32
    %dma_wait3A_130 = tpu.memref_slice %arg7[%dma_wait3A_125, %dma_wait3A_129] : memref<4x128xi32, #tpu.memory_space<vmem>> -> memref<1x128xi32, #tpu.memory_space<vmem>>
    %dma_wait3A_131 = tpu.memref_squeeze %dma_wait3A_130 : memref<1x128xi32, #tpu.memory_space<vmem>> -> memref<128xi32, #tpu.memory_space<vmem>>
    %dma_wait3A_132 = arith.constant 0 : i32
    %dma_wait3A_133 = arith.constant 0 : i32
    %dma_wait3A_134 = tpu.memref_slice %arg2[%dma_wait3A_132, %dma_wait3A_133] : memref<2048x128xf32, #tpu.memory_space<hbm>> -> memref<2048x128xf32, #tpu.memory_space<hbm>>
    tpu.wait_indirect_dma semaphore(%arg11 : memref<!tpu.dma_semaphore, #tpu.memory_space<semaphore_mem>>) src(%dma_wait3A_134 : memref<2048x128xf32, #tpu.memory_space<hbm>>) dst(%dma_wait3A_128 : memref<128x128xf32, #tpu.memory_space<vmem>>)
    %dma_wait3A_135 = arith.constant 2 : i32
    %dma_wait3A_136 = arith.constant 0 : i32
    %dma_wait3A_137 = arith.constant 0 : i32
    %dma_wait3A_138 = tpu.memref_slice %arg10[%dma_wait3A_136, %dma_wait3A_137] : memref<256x128xf32, #tpu.memory_space<vmem>> -> memref<128x128xf32, #tpu.memory_space<vmem>>
    %dma_wait3A_139 = arith.constant 0 : i32
    %dma_wait3A_140 = tpu.memref_slice %arg8[%dma_wait3A_135, %dma_wait3A_139] : memref<4x128xi32, #tpu.memory_space<vmem>> -> memref<1x128xi32, #tpu.memory_space<vmem>>
    %dma_wait3A_141 = tpu.memref_squeeze %dma_wait3A_140 : memref<1x128xi32, #tpu.memory_space<vmem>> -> memref<128xi32, #tpu.memory_space<vmem>>
    %dma_wait3A_142 = arith.constant 0 : i32
    %dma_wait3A_143 = arith.constant 0 : i32
    %dma_wait3A_144 = tpu.memref_slice %arg2[%dma_wait3A_142, %dma_wait3A_143] : memref<2048x128xf32, #tpu.memory_space<hbm>> -> memref<2048x128xf32, #tpu.memory_space<hbm>>
    tpu.wait_indirect_dma semaphore(%arg11 : memref<!tpu.dma_semaphore, #tpu.memory_space<semaphore_mem>>) src(%dma_wait3A_144 : memref<2048x128xf32, #tpu.memory_space<hbm>>) dst(%dma_wait3A_138 : memref<128x128xf32, #tpu.memory_space<vmem>>)
    %dma_wait3A_145 = arith.constant 3 : i32
    %dma_wait3A_146 = arith.constant 128 : i32
    %dma_wait3A_147 = arith.constant 0 : i32
    %dma_wait3A_148 = tpu.memref_slice %arg9[%dma_wait3A_146, %dma_wait3A_147] : memref<256x128xf32, #tpu.memory_space<vmem>> -> memref<128x128xf32, #tpu.memory_space<vmem>>
    %dma_wait3A_149 = arith.constant 0 : i32
    %dma_wait3A_150 = tpu.memref_slice %arg7[%dma_wait3A_145, %dma_wait3A_149] : memref<4x128xi32, #tpu.memory_space<vmem>> -> memref<1x128xi32, #tpu.memory_space<vmem>>
    %dma_wait3A_151 = tpu.memref_squeeze %dma_wait3A_150 : memref<1x128xi32, #tpu.memory_space<vmem>> -> memref<128xi32, #tpu.memory_space<vmem>>
    %dma_wait3A_152 = arith.constant 0 : i32
    %dma_wait3A_153 = arith.constant 0 : i32
    %dma_wait3A_154 = tpu.memref_slice %arg2[%dma_wait3A_152, %dma_wait3A_153] : memref<2048x128xf32, #tpu.memory_space<hbm>> -> memref<2048x128xf32, #tpu.memory_space<hbm>>
    tpu.wait_indirect_dma semaphore(%arg11 : memref<!tpu.dma_semaphore, #tpu.memory_space<semaphore_mem>>) src(%dma_wait3A_154 : memref<2048x128xf32, #tpu.memory_space<hbm>>) dst(%dma_wait3A_148 : memref<128x128xf32, #tpu.memory_space<vmem>>)
    %dma_wait3A_155 = arith.constant 3 : i32
    %dma_wait3A_156 = arith.constant 128 : i32
    %dma_wait3A_157 = arith.constant 0 : i32
    %dma_wait3A_158 = tpu.memref_slice %arg10[%dma_wait3A_156, %dma_wait3A_157] : memref<256x128xf32, #tpu.memory_space<vmem>> -> memref<128x128xf32, #tpu.memory_space<vmem>>
    %dma_wait3A_159 = arith.constant 0 : i32
    %dma_wait3A_160 = tpu.memref_slice %arg8[%dma_wait3A_155, %dma_wait3A_159] : memref<4x128xi32, #tpu.memory_space<vmem>> -> memref<1x128xi32, #tpu.memory_space<vmem>>
    %dma_wait3A_161 = tpu.memref_squeeze %dma_wait3A_160 : memref<1x128xi32, #tpu.memory_space<vmem>> -> memref<128xi32, #tpu.memory_space<vmem>>
    %dma_wait3A_162 = arith.constant 0 : i32
    %dma_wait3A_163 = arith.constant 0 : i32
    %dma_wait3A_164 = tpu.memref_slice %arg2[%dma_wait3A_162, %dma_wait3A_163] : memref<2048x128xf32, #tpu.memory_space<hbm>> -> memref<2048x128xf32, #tpu.memory_space<hbm>>
    tpu.wait_indirect_dma semaphore(%arg11 : memref<!tpu.dma_semaphore, #tpu.memory_space<semaphore_mem>>) src(%dma_wait3A_164 : memref<2048x128xf32, #tpu.memory_space<hbm>>) dst(%dma_wait3A_158 : memref<128x128xf32, #tpu.memory_space<vmem>>)
    %add3A_165 = arith.constant 256 : i32
    %add3A_166 = arith.addi %mul3A_2, %add3A_165 : i32
    "tpu.region"() ({
      %run_scoped3A = tpu.sem_alloc : memref<!tpu.dma_semaphore, #tpu.memory_space<semaphore_mem>>
      %dma_start3A_169 = arith.constant 0 : i32
      %dma_start3A_170 = tpu.memref_slice %arg5[%add3A_166, %dma_start3A_169] : memref<16384x128xf32, #tpu.memory_space<hbm>> -> memref<256x128xf32, #tpu.memory_space<hbm>>
      %dma_start3A_171 = arith.constant 0 : i32
      %dma_start3A_172 = tpu.memref_slice %arg5[%add3A_166, %dma_start3A_171] : memref<16384x128xf32, #tpu.memory_space<hbm>> -> memref<256x128xf32, #tpu.memory_space<hbm>>
      tpu.enqueue_dma source(%arg9 : memref<256x128xf32, #tpu.memory_space<vmem>>) target(%dma_start3A_172 : memref<256x128xf32, #tpu.memory_space<hbm>>) target_semaphore(%run_scoped3A : memref<!tpu.dma_semaphore, #tpu.memory_space<semaphore_mem>>)
      %dma_wait3A_173 = arith.constant 0 : i32
      %dma_wait3A_174 = tpu.memref_slice %arg5[%add3A_166, %dma_wait3A_173] : memref<16384x128xf32, #tpu.memory_space<hbm>> -> memref<256x128xf32, #tpu.memory_space<hbm>>
      %dma_wait3A_175 = arith.constant 0 : i32
      %dma_wait3A_176 = tpu.memref_slice %arg5[%add3A_166, %dma_wait3A_175] : memref<16384x128xf32, #tpu.memory_space<hbm>> -> memref<256x128xf32, #tpu.memory_space<hbm>>
      tpu.wait_dma2 semaphore(%run_scoped3A : memref<!tpu.dma_semaphore, #tpu.memory_space<semaphore_mem>>) src(%arg9 : memref<256x128xf32, #tpu.memory_space<vmem>>) dst(%dma_wait3A_176 : memref<256x128xf32, #tpu.memory_space<hbm>>)
      tpu.yield
    }) : () -> ()
    %add3A_167 = arith.constant 256 : i32
    %add3A_168 = arith.addi %mul3A_2, %add3A_167 : i32
    "tpu.region"() ({
      %run_scoped3A = tpu.sem_alloc : memref<!tpu.dma_semaphore, #tpu.memory_space<semaphore_mem>>
      %dma_start3A_169 = arith.constant 0 : i32
      %dma_start3A_170 = tpu.memref_slice %arg6[%add3A_168, %dma_start3A_169] : memref<16384x128xf32, #tpu.memory_space<hbm>> -> memref<256x128xf32, #tpu.memory_space<hbm>>
      %dma_start3A_171 = arith.constant 0 : i32
      %dma_start3A_172 = tpu.memref_slice %arg6[%add3A_168, %dma_start3A_171] : memref<16384x128xf32, #tpu.memory_space<hbm>> -> memref<256x128xf32, #tpu.memory_space<hbm>>
      tpu.enqueue_dma source(%arg10 : memref<256x128xf32, #tpu.memory_space<vmem>>) target(%dma_start3A_172 : memref<256x128xf32, #tpu.memory_space<hbm>>) target_semaphore(%run_scoped3A : memref<!tpu.dma_semaphore, #tpu.memory_space<semaphore_mem>>)
      %dma_wait3A_173 = arith.constant 0 : i32
      %dma_wait3A_174 = tpu.memref_slice %arg6[%add3A_168, %dma_wait3A_173] : memref<16384x128xf32, #tpu.memory_space<hbm>> -> memref<256x128xf32, #tpu.memory_space<hbm>>
      %dma_wait3A_175 = arith.constant 0 : i32
      %dma_wait3A_176 = tpu.memref_slice %arg6[%add3A_168, %dma_wait3A_175] : memref<16384x128xf32, #tpu.memory_space<hbm>> -> memref<256x128xf32, #tpu.memory_space<hbm>>
      tpu.wait_dma2 semaphore(%run_scoped3A : memref<!tpu.dma_semaphore, #tpu.memory_space<semaphore_mem>>) src(%arg10 : memref<256x128xf32, #tpu.memory_space<vmem>>) dst(%dma_wait3A_176 : memref<256x128xf32, #tpu.memory_space<hbm>>)
      tpu.yield
    }) : () -> ()
    return
  }
}

#map = affine_map<(d0, d1) -> (0, 0, 0)>
#map1 = affine_map<(d0, d1) -> (0, 0)>
module attributes {stable_mosaic.version = 14 : i64} {
  func.func @_segment_sum(%arg0: i32, %arg1: i32, %arg2: memref<32x512x128xf32, #tpu.memory_space<hbm>>, %arg3: memref<32x4x128xi32, #tpu.memory_space<hbm>>, %arg4: memref<2048x128xf32, #tpu.memory_space<hbm>>, %arg5: memref<2x2048x128xf32, #tpu.memory_space<hbm>>, %arg6: memref<4x128xi32, #tpu.memory_space<vmem>>, %arg7: memref<512x128xf32, #tpu.memory_space<vmem>>, %arg8: memref<2048x128xf32, #tpu.memory_space<vmem_shared>>, %arg9: memref<!tpu.dma_semaphore, #tpu.memory_space<semaphore_mem>>) attributes {dimension_semantics = [#tpu.dimension_semantics<core_parallel>, #tpu.dimension_semantics<subcore_parallel>], iteration_bounds = array<i64: 2, 16>, scalar_prefetch = 0 : i64, scratch_operands = 4 : i64, tpu.core_type = #tpu.core_type<sc_vector_subcore>, window_params = [{transform_indices = #map}, {transform_indices = #map}, {transform_indices = #map1}, {transform_indices = #map}]} {
    %mul3A = arith.constant 2 : i32
    %mul3A_0 = arith.muli %arg1, %mul3A : i32
    %add3A = arith.addi %mul3A_0, %arg0 : i32
    "tpu.region"() ({
      %run_scoped3A_13 = tpu.sem_alloc : memref<!tpu.dma_semaphore, #tpu.memory_space<semaphore_mem>>
      %dma_start3A = arith.constant 0 : i32
      %dma_start3A_14 = arith.constant 0 : i32
      %dma_start3A_15 = tpu.memref_slice %arg3[%add3A, %dma_start3A, %dma_start3A_14] : memref<32x4x128xi32, #tpu.memory_space<hbm>> -> memref<1x4x128xi32, #tpu.memory_space<hbm>>
      %dma_start3A_16 = tpu.memref_squeeze %dma_start3A_15 : memref<1x4x128xi32, #tpu.memory_space<hbm>> -> memref<4x128xi32, #tpu.memory_space<hbm>>
      %dma_start3A_17 = arith.constant 0 : i32
      %dma_start3A_18 = arith.constant 0 : i32
      %dma_start3A_19 = tpu.memref_slice %arg3[%add3A, %dma_start3A_17, %dma_start3A_18] : memref<32x4x128xi32, #tpu.memory_space<hbm>> -> memref<1x4x128xi32, #tpu.memory_space<hbm>>
      %dma_start3A_20 = tpu.memref_squeeze %dma_start3A_19 : memref<1x4x128xi32, #tpu.memory_space<hbm>> -> memref<4x128xi32, #tpu.memory_space<hbm>>
      tpu.enqueue_dma source(%dma_start3A_20 : memref<4x128xi32, #tpu.memory_space<hbm>>) target(%arg6 : memref<4x128xi32, #tpu.memory_space<vmem>>) target_semaphore(%run_scoped3A_13 : memref<!tpu.dma_semaphore, #tpu.memory_space<semaphore_mem>>)
      %dma_wait3A = arith.constant 0 : i32
      %dma_wait3A_21 = arith.constant 0 : i32
      %dma_wait3A_22 = tpu.memref_slice %arg3[%add3A, %dma_wait3A, %dma_wait3A_21] : memref<32x4x128xi32, #tpu.memory_space<hbm>> -> memref<1x4x128xi32, #tpu.memory_space<hbm>>
      %dma_wait3A_23 = tpu.memref_squeeze %dma_wait3A_22 : memref<1x4x128xi32, #tpu.memory_space<hbm>> -> memref<4x128xi32, #tpu.memory_space<hbm>>
      %dma_wait3A_24 = arith.constant 0 : i32
      %dma_wait3A_25 = arith.constant 0 : i32
      %dma_wait3A_26 = tpu.memref_slice %arg3[%add3A, %dma_wait3A_24, %dma_wait3A_25] : memref<32x4x128xi32, #tpu.memory_space<hbm>> -> memref<1x4x128xi32, #tpu.memory_space<hbm>>
      %dma_wait3A_27 = tpu.memref_squeeze %dma_wait3A_26 : memref<1x4x128xi32, #tpu.memory_space<hbm>> -> memref<4x128xi32, #tpu.memory_space<hbm>>
      tpu.wait_dma2 semaphore(%run_scoped3A_13 : memref<!tpu.dma_semaphore, #tpu.memory_space<semaphore_mem>>) src(%dma_wait3A_27 : memref<4x128xi32, #tpu.memory_space<hbm>>) dst(%arg6 : memref<4x128xi32, #tpu.memory_space<vmem>>)
      tpu.yield
    }) : () -> ()
    "tpu.region"() ({
      %run_scoped3A_13 = tpu.sem_alloc : memref<!tpu.dma_semaphore, #tpu.memory_space<semaphore_mem>>
      %dma_start3A = arith.constant 0 : i32
      %dma_start3A_14 = arith.constant 0 : i32
      %dma_start3A_15 = tpu.memref_slice %arg2[%add3A, %dma_start3A, %dma_start3A_14] : memref<32x512x128xf32, #tpu.memory_space<hbm>> -> memref<1x512x128xf32, #tpu.memory_space<hbm>>
      %dma_start3A_16 = tpu.memref_squeeze %dma_start3A_15 : memref<1x512x128xf32, #tpu.memory_space<hbm>> -> memref<512x128xf32, #tpu.memory_space<hbm>>
      %dma_start3A_17 = arith.constant 0 : i32
      %dma_start3A_18 = arith.constant 0 : i32
      %dma_start3A_19 = tpu.memref_slice %arg2[%add3A, %dma_start3A_17, %dma_start3A_18] : memref<32x512x128xf32, #tpu.memory_space<hbm>> -> memref<1x512x128xf32, #tpu.memory_space<hbm>>
      %dma_start3A_20 = tpu.memref_squeeze %dma_start3A_19 : memref<1x512x128xf32, #tpu.memory_space<hbm>> -> memref<512x128xf32, #tpu.memory_space<hbm>>
      tpu.enqueue_dma source(%dma_start3A_20 : memref<512x128xf32, #tpu.memory_space<hbm>>) target(%arg7 : memref<512x128xf32, #tpu.memory_space<vmem>>) target_semaphore(%run_scoped3A_13 : memref<!tpu.dma_semaphore, #tpu.memory_space<semaphore_mem>>)
      %dma_wait3A = arith.constant 0 : i32
      %dma_wait3A_21 = arith.constant 0 : i32
      %dma_wait3A_22 = tpu.memref_slice %arg2[%add3A, %dma_wait3A, %dma_wait3A_21] : memref<32x512x128xf32, #tpu.memory_space<hbm>> -> memref<1x512x128xf32, #tpu.memory_space<hbm>>
      %dma_wait3A_23 = tpu.memref_squeeze %dma_wait3A_22 : memref<1x512x128xf32, #tpu.memory_space<hbm>> -> memref<512x128xf32, #tpu.memory_space<hbm>>
      %dma_wait3A_24 = arith.constant 0 : i32
      %dma_wait3A_25 = arith.constant 0 : i32
      %dma_wait3A_26 = tpu.memref_slice %arg2[%add3A, %dma_wait3A_24, %dma_wait3A_25] : memref<32x512x128xf32, #tpu.memory_space<hbm>> -> memref<1x512x128xf32, #tpu.memory_space<hbm>>
      %dma_wait3A_27 = tpu.memref_squeeze %dma_wait3A_26 : memref<1x512x128xf32, #tpu.memory_space<hbm>> -> memref<512x128xf32, #tpu.memory_space<hbm>>
      tpu.wait_dma2 semaphore(%run_scoped3A_13 : memref<!tpu.dma_semaphore, #tpu.memory_space<semaphore_mem>>) src(%dma_wait3A_27 : memref<512x128xf32, #tpu.memory_space<hbm>>) dst(%arg7 : memref<512x128xf32, #tpu.memory_space<vmem>>)
      tpu.yield
    }) : () -> ()
    %mul3A_1 = arith.constant 128 : i32
    %mul3A_2 = arith.muli %arg1, %mul3A_1 : i32
    %mul3A_3 = arith.constant 128 : i32
    %mul3A_4 = arith.muli %arg1, %mul3A_3 : i32
    "tpu.region"() ({
      %run_scoped3A_13 = tpu.sem_alloc : memref<!tpu.dma_semaphore, #tpu.memory_space<semaphore_mem>>
      %dma_start3A = arith.constant 0 : i32
      %dma_start3A_14 = tpu.memref_slice %arg8[%mul3A_4, %dma_start3A] : memref<2048x128xf32, #tpu.memory_space<vmem_shared>> -> memref<128x128xf32, #tpu.memory_space<vmem_shared>>
      %dma_start3A_15 = arith.constant 0 : i32
      %dma_start3A_16 = tpu.memref_slice %arg4[%mul3A_2, %dma_start3A_15] : memref<2048x128xf32, #tpu.memory_space<hbm>> -> memref<128x128xf32, #tpu.memory_space<hbm>>
      tpu.enqueue_dma source(%dma_start3A_16 : memref<128x128xf32, #tpu.memory_space<hbm>>) target(%dma_start3A_14 : memref<128x128xf32, #tpu.memory_space<vmem_shared>>) target_semaphore(%run_scoped3A_13 : memref<!tpu.dma_semaphore, #tpu.memory_space<semaphore_mem>>)
      %dma_wait3A = arith.constant 0 : i32
      %dma_wait3A_17 = tpu.memref_slice %arg8[%mul3A_4, %dma_wait3A] : memref<2048x128xf32, #tpu.memory_space<vmem_shared>> -> memref<128x128xf32, #tpu.memory_space<vmem_shared>>
      %dma_wait3A_18 = arith.constant 0 : i32
      %dma_wait3A_19 = tpu.memref_slice %arg4[%mul3A_2, %dma_wait3A_18] : memref<2048x128xf32, #tpu.memory_space<hbm>> -> memref<128x128xf32, #tpu.memory_space<hbm>>
      tpu.wait_dma2 semaphore(%run_scoped3A_13 : memref<!tpu.dma_semaphore, #tpu.memory_space<semaphore_mem>>) src(%dma_wait3A_19 : memref<128x128xf32, #tpu.memory_space<hbm>>) dst(%dma_wait3A_17 : memref<128x128xf32, #tpu.memory_space<vmem_shared>>)
      tpu.yield
    }) : () -> ()
    %barrier3A = arith.constant 0 : index
    tpu.barrier barrier_id(%barrier3A)
    %run_scoped3A = arith.constant 0 : i32
    "tpu.region"() ({
      %run_scoped3A_13 = tpu.sem_alloc : memref<!tpu.dma_semaphore, #tpu.memory_space<semaphore_mem>>
      %dma_start3A = arith.constant 0 : i32
      %dma_start3A_14 = arith.constant 0 : i32
      %dma_start3A_15 = tpu.memref_slice %arg7[%dma_start3A, %dma_start3A_14] : memref<512x128xf32, #tpu.memory_space<vmem>> -> memref<128x128xf32, #tpu.memory_space<vmem>>
      %dma_start3A_16 = arith.constant 0 : i32
      %dma_start3A_17 = tpu.memref_slice %arg6[%run_scoped3A, %dma_start3A_16] : memref<4x128xi32, #tpu.memory_space<vmem>> -> memref<1x128xi32, #tpu.memory_space<vmem>>
      %dma_start3A_18 = tpu.memref_squeeze %dma_start3A_17 : memref<1x128xi32, #tpu.memory_space<vmem>> -> memref<128xi32, #tpu.memory_space<vmem>>
      %dma_start3A_19 = arith.constant 0 : i32
      %dma_start3A_20 = arith.constant 0 : i32
      %dma_start3A_21 = tpu.memref_slice %arg8[%dma_start3A_19, %dma_start3A_20] : memref<2048x128xf32, #tpu.memory_space<vmem_shared>> -> memref<2048x128xf32, #tpu.memory_space<vmem_shared>>
      tpu.enqueue_indirect_dma source(%dma_start3A_15 : memref<128x128xf32, #tpu.memory_space<vmem>>) target(%dma_start3A_21 : memref<2048x128xf32, #tpu.memory_space<vmem_shared>>) offsets(%dma_start3A_18 : memref<128xi32, #tpu.memory_space<vmem>>) semaphore(%run_scoped3A_13 : memref<!tpu.dma_semaphore, #tpu.memory_space<semaphore_mem>>) {add = true}
      %dma_wait3A = arith.constant 0 : i32
      %dma_wait3A_22 = arith.constant 0 : i32
      %dma_wait3A_23 = tpu.memref_slice %arg7[%dma_wait3A, %dma_wait3A_22] : memref<512x128xf32, #tpu.memory_space<vmem>> -> memref<128x128xf32, #tpu.memory_space<vmem>>
      %dma_wait3A_24 = arith.constant 0 : i32
      %dma_wait3A_25 = tpu.memref_slice %arg6[%run_scoped3A, %dma_wait3A_24] : memref<4x128xi32, #tpu.memory_space<vmem>> -> memref<1x128xi32, #tpu.memory_space<vmem>>
      %dma_wait3A_26 = tpu.memref_squeeze %dma_wait3A_25 : memref<1x128xi32, #tpu.memory_space<vmem>> -> memref<128xi32, #tpu.memory_space<vmem>>
      %dma_wait3A_27 = arith.constant 0 : i32
      %dma_wait3A_28 = arith.constant 0 : i32
      %dma_wait3A_29 = tpu.memref_slice %arg8[%dma_wait3A_27, %dma_wait3A_28] : memref<2048x128xf32, #tpu.memory_space<vmem_shared>> -> memref<2048x128xf32, #tpu.memory_space<vmem_shared>>
      tpu.wait_indirect_dma semaphore(%run_scoped3A_13 : memref<!tpu.dma_semaphore, #tpu.memory_space<semaphore_mem>>) src(%dma_wait3A_23 : memref<128x128xf32, #tpu.memory_space<vmem>>) dst(%dma_wait3A_29 : memref<2048x128xf32, #tpu.memory_space<vmem_shared>>)
      tpu.yield
    }) : () -> ()
    %run_scoped3A_5 = arith.constant 1 : i32
    "tpu.region"() ({
      %run_scoped3A_13 = tpu.sem_alloc : memref<!tpu.dma_semaphore, #tpu.memory_space<semaphore_mem>>
      %dma_start3A = arith.constant 128 : i32
      %dma_start3A_14 = arith.constant 0 : i32
      %dma_start3A_15 = tpu.memref_slice %arg7[%dma_start3A, %dma_start3A_14] : memref<512x128xf32, #tpu.memory_space<vmem>> -> memref<128x128xf32, #tpu.memory_space<vmem>>
      %dma_start3A_16 = arith.constant 0 : i32
      %dma_start3A_17 = tpu.memref_slice %arg6[%run_scoped3A_5, %dma_start3A_16] : memref<4x128xi32, #tpu.memory_space<vmem>> -> memref<1x128xi32, #tpu.memory_space<vmem>>
      %dma_start3A_18 = tpu.memref_squeeze %dma_start3A_17 : memref<1x128xi32, #tpu.memory_space<vmem>> -> memref<128xi32, #tpu.memory_space<vmem>>
      %dma_start3A_19 = arith.constant 0 : i32
      %dma_start3A_20 = arith.constant 0 : i32
      %dma_start3A_21 = tpu.memref_slice %arg8[%dma_start3A_19, %dma_start3A_20] : memref<2048x128xf32, #tpu.memory_space<vmem_shared>> -> memref<2048x128xf32, #tpu.memory_space<vmem_shared>>
      tpu.enqueue_indirect_dma source(%dma_start3A_15 : memref<128x128xf32, #tpu.memory_space<vmem>>) target(%dma_start3A_21 : memref<2048x128xf32, #tpu.memory_space<vmem_shared>>) offsets(%dma_start3A_18 : memref<128xi32, #tpu.memory_space<vmem>>) semaphore(%run_scoped3A_13 : memref<!tpu.dma_semaphore, #tpu.memory_space<semaphore_mem>>) {add = true}
      %dma_wait3A = arith.constant 128 : i32
      %dma_wait3A_22 = arith.constant 0 : i32
      %dma_wait3A_23 = tpu.memref_slice %arg7[%dma_wait3A, %dma_wait3A_22] : memref<512x128xf32, #tpu.memory_space<vmem>> -> memref<128x128xf32, #tpu.memory_space<vmem>>
      %dma_wait3A_24 = arith.constant 0 : i32
      %dma_wait3A_25 = tpu.memref_slice %arg6[%run_scoped3A_5, %dma_wait3A_24] : memref<4x128xi32, #tpu.memory_space<vmem>> -> memref<1x128xi32, #tpu.memory_space<vmem>>
      %dma_wait3A_26 = tpu.memref_squeeze %dma_wait3A_25 : memref<1x128xi32, #tpu.memory_space<vmem>> -> memref<128xi32, #tpu.memory_space<vmem>>
      %dma_wait3A_27 = arith.constant 0 : i32
      %dma_wait3A_28 = arith.constant 0 : i32
      %dma_wait3A_29 = tpu.memref_slice %arg8[%dma_wait3A_27, %dma_wait3A_28] : memref<2048x128xf32, #tpu.memory_space<vmem_shared>> -> memref<2048x128xf32, #tpu.memory_space<vmem_shared>>
      tpu.wait_indirect_dma semaphore(%run_scoped3A_13 : memref<!tpu.dma_semaphore, #tpu.memory_space<semaphore_mem>>) src(%dma_wait3A_23 : memref<128x128xf32, #tpu.memory_space<vmem>>) dst(%dma_wait3A_29 : memref<2048x128xf32, #tpu.memory_space<vmem_shared>>)
      tpu.yield
    }) : () -> ()
    %run_scoped3A_6 = arith.constant 2 : i32
    "tpu.region"() ({
      %run_scoped3A_13 = tpu.sem_alloc : memref<!tpu.dma_semaphore, #tpu.memory_space<semaphore_mem>>
      %dma_start3A = arith.constant 256 : i32
      %dma_start3A_14 = arith.constant 0 : i32
      %dma_start3A_15 = tpu.memref_slice %arg7[%dma_start3A, %dma_start3A_14] : memref<512x128xf32, #tpu.memory_space<vmem>> -> memref<128x128xf32, #tpu.memory_space<vmem>>
      %dma_start3A_16 = arith.constant 0 : i32
      %dma_start3A_17 = tpu.memref_slice %arg6[%run_scoped3A_6, %dma_start3A_16] : memref<4x128xi32, #tpu.memory_space<vmem>> -> memref<1x128xi32, #tpu.memory_space<vmem>>
      %dma_start3A_18 = tpu.memref_squeeze %dma_start3A_17 : memref<1x128xi32, #tpu.memory_space<vmem>> -> memref<128xi32, #tpu.memory_space<vmem>>
      %dma_start3A_19 = arith.constant 0 : i32
      %dma_start3A_20 = arith.constant 0 : i32
      %dma_start3A_21 = tpu.memref_slice %arg8[%dma_start3A_19, %dma_start3A_20] : memref<2048x128xf32, #tpu.memory_space<vmem_shared>> -> memref<2048x128xf32, #tpu.memory_space<vmem_shared>>
      tpu.enqueue_indirect_dma source(%dma_start3A_15 : memref<128x128xf32, #tpu.memory_space<vmem>>) target(%dma_start3A_21 : memref<2048x128xf32, #tpu.memory_space<vmem_shared>>) offsets(%dma_start3A_18 : memref<128xi32, #tpu.memory_space<vmem>>) semaphore(%run_scoped3A_13 : memref<!tpu.dma_semaphore, #tpu.memory_space<semaphore_mem>>) {add = true}
      %dma_wait3A = arith.constant 256 : i32
      %dma_wait3A_22 = arith.constant 0 : i32
      %dma_wait3A_23 = tpu.memref_slice %arg7[%dma_wait3A, %dma_wait3A_22] : memref<512x128xf32, #tpu.memory_space<vmem>> -> memref<128x128xf32, #tpu.memory_space<vmem>>
      %dma_wait3A_24 = arith.constant 0 : i32
      %dma_wait3A_25 = tpu.memref_slice %arg6[%run_scoped3A_6, %dma_wait3A_24] : memref<4x128xi32, #tpu.memory_space<vmem>> -> memref<1x128xi32, #tpu.memory_space<vmem>>
      %dma_wait3A_26 = tpu.memref_squeeze %dma_wait3A_25 : memref<1x128xi32, #tpu.memory_space<vmem>> -> memref<128xi32, #tpu.memory_space<vmem>>
      %dma_wait3A_27 = arith.constant 0 : i32
      %dma_wait3A_28 = arith.constant 0 : i32
      %dma_wait3A_29 = tpu.memref_slice %arg8[%dma_wait3A_27, %dma_wait3A_28] : memref<2048x128xf32, #tpu.memory_space<vmem_shared>> -> memref<2048x128xf32, #tpu.memory_space<vmem_shared>>
      tpu.wait_indirect_dma semaphore(%run_scoped3A_13 : memref<!tpu.dma_semaphore, #tpu.memory_space<semaphore_mem>>) src(%dma_wait3A_23 : memref<128x128xf32, #tpu.memory_space<vmem>>) dst(%dma_wait3A_29 : memref<2048x128xf32, #tpu.memory_space<vmem_shared>>)
      tpu.yield
    }) : () -> ()
    %run_scoped3A_7 = arith.constant 3 : i32
    "tpu.region"() ({
      %run_scoped3A_13 = tpu.sem_alloc : memref<!tpu.dma_semaphore, #tpu.memory_space<semaphore_mem>>
      %dma_start3A = arith.constant 384 : i32
      %dma_start3A_14 = arith.constant 0 : i32
      %dma_start3A_15 = tpu.memref_slice %arg7[%dma_start3A, %dma_start3A_14] : memref<512x128xf32, #tpu.memory_space<vmem>> -> memref<128x128xf32, #tpu.memory_space<vmem>>
      %dma_start3A_16 = arith.constant 0 : i32
      %dma_start3A_17 = tpu.memref_slice %arg6[%run_scoped3A_7, %dma_start3A_16] : memref<4x128xi32, #tpu.memory_space<vmem>> -> memref<1x128xi32, #tpu.memory_space<vmem>>
      %dma_start3A_18 = tpu.memref_squeeze %dma_start3A_17 : memref<1x128xi32, #tpu.memory_space<vmem>> -> memref<128xi32, #tpu.memory_space<vmem>>
      %dma_start3A_19 = arith.constant 0 : i32
      %dma_start3A_20 = arith.constant 0 : i32
      %dma_start3A_21 = tpu.memref_slice %arg8[%dma_start3A_19, %dma_start3A_20] : memref<2048x128xf32, #tpu.memory_space<vmem_shared>> -> memref<2048x128xf32, #tpu.memory_space<vmem_shared>>
      tpu.enqueue_indirect_dma source(%dma_start3A_15 : memref<128x128xf32, #tpu.memory_space<vmem>>) target(%dma_start3A_21 : memref<2048x128xf32, #tpu.memory_space<vmem_shared>>) offsets(%dma_start3A_18 : memref<128xi32, #tpu.memory_space<vmem>>) semaphore(%run_scoped3A_13 : memref<!tpu.dma_semaphore, #tpu.memory_space<semaphore_mem>>) {add = true}
      %dma_wait3A = arith.constant 384 : i32
      %dma_wait3A_22 = arith.constant 0 : i32
      %dma_wait3A_23 = tpu.memref_slice %arg7[%dma_wait3A, %dma_wait3A_22] : memref<512x128xf32, #tpu.memory_space<vmem>> -> memref<128x128xf32, #tpu.memory_space<vmem>>
      %dma_wait3A_24 = arith.constant 0 : i32
      %dma_wait3A_25 = tpu.memref_slice %arg6[%run_scoped3A_7, %dma_wait3A_24] : memref<4x128xi32, #tpu.memory_space<vmem>> -> memref<1x128xi32, #tpu.memory_space<vmem>>
      %dma_wait3A_26 = tpu.memref_squeeze %dma_wait3A_25 : memref<1x128xi32, #tpu.memory_space<vmem>> -> memref<128xi32, #tpu.memory_space<vmem>>
      %dma_wait3A_27 = arith.constant 0 : i32
      %dma_wait3A_28 = arith.constant 0 : i32
      %dma_wait3A_29 = tpu.memref_slice %arg8[%dma_wait3A_27, %dma_wait3A_28] : memref<2048x128xf32, #tpu.memory_space<vmem_shared>> -> memref<2048x128xf32, #tpu.memory_space<vmem_shared>>
      tpu.wait_indirect_dma semaphore(%run_scoped3A_13 : memref<!tpu.dma_semaphore, #tpu.memory_space<semaphore_mem>>) src(%dma_wait3A_23 : memref<128x128xf32, #tpu.memory_space<vmem>>) dst(%dma_wait3A_29 : memref<2048x128xf32, #tpu.memory_space<vmem_shared>>)
      tpu.yield
    }) : () -> ()
    %barrier3A_8 = arith.constant 0 : index
    tpu.barrier barrier_id(%barrier3A_8)
    %mul3A_9 = arith.constant 128 : i32
    %mul3A_10 = arith.muli %arg1, %mul3A_9 : i32
    %mul3A_11 = arith.constant 128 : i32
    %mul3A_12 = arith.muli %arg1, %mul3A_11 : i32
    "tpu.region"() ({
      %run_scoped3A_13 = tpu.sem_alloc : memref<!tpu.dma_semaphore, #tpu.memory_space<semaphore_mem>>
      %dma_start3A = arith.constant 0 : i32
      %dma_start3A_14 = tpu.memref_slice %arg5[%arg0, %mul3A_12, %dma_start3A] : memref<2x2048x128xf32, #tpu.memory_space<hbm>> -> memref<1x128x128xf32, #tpu.memory_space<hbm>>
      %dma_start3A_15 = tpu.memref_squeeze %dma_start3A_14 : memref<1x128x128xf32, #tpu.memory_space<hbm>> -> memref<128x128xf32, #tpu.memory_space<hbm>>
      %dma_start3A_16 = arith.constant 0 : i32
      %dma_start3A_17 = tpu.memref_slice %arg8[%mul3A_10, %dma_start3A_16] : memref<2048x128xf32, #tpu.memory_space<vmem_shared>> -> memref<128x128xf32, #tpu.memory_space<vmem_shared>>
      tpu.enqueue_dma source(%dma_start3A_17 : memref<128x128xf32, #tpu.memory_space<vmem_shared>>) target(%dma_start3A_15 : memref<128x128xf32, #tpu.memory_space<hbm>>) target_semaphore(%run_scoped3A_13 : memref<!tpu.dma_semaphore, #tpu.memory_space<semaphore_mem>>)
      %dma_wait3A = arith.constant 0 : i32
      %dma_wait3A_18 = tpu.memref_slice %arg5[%arg0, %mul3A_12, %dma_wait3A] : memref<2x2048x128xf32, #tpu.memory_space<hbm>> -> memref<1x128x128xf32, #tpu.memory_space<hbm>>
      %dma_wait3A_19 = tpu.memref_squeeze %dma_wait3A_18 : memref<1x128x128xf32, #tpu.memory_space<hbm>> -> memref<128x128xf32, #tpu.memory_space<hbm>>
      %dma_wait3A_20 = arith.constant 0 : i32
      %dma_wait3A_21 = tpu.memref_slice %arg8[%mul3A_10, %dma_wait3A_20] : memref<2048x128xf32, #tpu.memory_space<vmem_shared>> -> memref<128x128xf32, #tpu.memory_space<vmem_shared>>
      tpu.wait_dma2 semaphore(%run_scoped3A_13 : memref<!tpu.dma_semaphore, #tpu.memory_space<semaphore_mem>>) src(%dma_wait3A_21 : memref<128x128xf32, #tpu.memory_space<vmem_shared>>) dst(%dma_wait3A_19 : memref<128x128xf32, #tpu.memory_space<hbm>>)
      tpu.yield
    }) : () -> ()
    return
  }
}

#map = affine_map<(d0, d1) -> (0, 0)>
#map1 = affine_map<(d0, d1) -> (0, 0, 0)>
module attributes {stable_mosaic.version = 14 : i64} {
  func.func @_gather_uv(%arg0: i32, %arg1: i32, %arg2: memref<2048x128xf32, #tpu.memory_space<hbm>>, %arg3: memref<32x4x128xi32, #tpu.memory_space<hbm>>, %arg4: memref<32x4x128xi32, #tpu.memory_space<hbm>>, %arg5: memref<16384x128xf32, #tpu.memory_space<hbm>>, %arg6: memref<16384x128xf32, #tpu.memory_space<hbm>>, %arg7: memref<4x128xi32, #tpu.memory_space<vmem>>, %arg8: memref<4x128xi32, #tpu.memory_space<vmem>>, %arg9: memref<256x128xf32, #tpu.memory_space<vmem>>, %arg10: memref<256x128xf32, #tpu.memory_space<vmem>>, %arg11: memref<!tpu.dma_semaphore, #tpu.memory_space<semaphore_mem>>) attributes {dimension_semantics = [#tpu.dimension_semantics<core_parallel>, #tpu.dimension_semantics<subcore_parallel>], iteration_bounds = array<i64: 2, 16>, scalar_prefetch = 0 : i64, scratch_operands = 5 : i64, tpu.core_type = #tpu.core_type<sc_vector_subcore>, window_params = [{transform_indices = #map}, {transform_indices = #map1}, {transform_indices = #map1}, {transform_indices = #map}, {transform_indices = #map}]} {
    %mul3A = arith.constant 2 : i32
    %mul3A_0 = arith.muli %arg1, %mul3A : i32
    %add3A = arith.addi %mul3A_0, %arg0 : i32
    %mul3A_1 = arith.constant 512 : i32
    %mul3A_2 = arith.muli %add3A, %mul3A_1 : i32
    "tpu.region"() ({
      %run_scoped3A = tpu.sem_alloc : memref<!tpu.dma_semaphore, #tpu.memory_space<semaphore_mem>>
      %dma_start3A_169 = arith.constant 0 : i32
      %dma_start3A_170 = arith.constant 0 : i32
      %dma_start3A_171 = tpu.memref_slice %arg3[%add3A, %dma_start3A_169, %dma_start3A_170] : memref<32x4x128xi32, #tpu.memory_space<hbm>> -> memref<1x4x128xi32, #tpu.memory_space<hbm>>
      %dma_start3A_172 = tpu.memref_squeeze %dma_start3A_171 : memref<1x4x128xi32, #tpu.memory_space<hbm>> -> memref<4x128xi32, #tpu.memory_space<hbm>>
      %dma_start3A_173 = arith.constant 0 : i32
      %dma_start3A_174 = arith.constant 0 : i32
      %dma_start3A_175 = tpu.memref_slice %arg3[%add3A, %dma_start3A_173, %dma_start3A_174] : memref<32x4x128xi32, #tpu.memory_space<hbm>> -> memref<1x4x128xi32, #tpu.memory_space<hbm>>
      %dma_start3A_176 = tpu.memref_squeeze %dma_start3A_175 : memref<1x4x128xi32, #tpu.memory_space<hbm>> -> memref<4x128xi32, #tpu.memory_space<hbm>>
      tpu.enqueue_dma source(%dma_start3A_176 : memref<4x128xi32, #tpu.memory_space<hbm>>) target(%arg7 : memref<4x128xi32, #tpu.memory_space<vmem>>) target_semaphore(%run_scoped3A : memref<!tpu.dma_semaphore, #tpu.memory_space<semaphore_mem>>)
      %dma_wait3A_177 = arith.constant 0 : i32
      %dma_wait3A_178 = arith.constant 0 : i32
      %dma_wait3A_179 = tpu.memref_slice %arg3[%add3A, %dma_wait3A_177, %dma_wait3A_178] : memref<32x4x128xi32, #tpu.memory_space<hbm>> -> memref<1x4x128xi32, #tpu.memory_space<hbm>>
      %dma_wait3A_180 = tpu.memref_squeeze %dma_wait3A_179 : memref<1x4x128xi32, #tpu.memory_space<hbm>> -> memref<4x128xi32, #tpu.memory_space<hbm>>
      %dma_wait3A_181 = arith.constant 0 : i32
      %dma_wait3A_182 = arith.constant 0 : i32
      %dma_wait3A_183 = tpu.memref_slice %arg3[%add3A, %dma_wait3A_181, %dma_wait3A_182] : memref<32x4x128xi32, #tpu.memory_space<hbm>> -> memref<1x4x128xi32, #tpu.memory_space<hbm>>
      %dma_wait3A_184 = tpu.memref_squeeze %dma_wait3A_183 : memref<1x4x128xi32, #tpu.memory_space<hbm>> -> memref<4x128xi32, #tpu.memory_space<hbm>>
      tpu.wait_dma2 semaphore(%run_scoped3A : memref<!tpu.dma_semaphore, #tpu.memory_space<semaphore_mem>>) src(%dma_wait3A_184 : memref<4x128xi32, #tpu.memory_space<hbm>>) dst(%arg7 : memref<4x128xi32, #tpu.memory_space<vmem>>)
      tpu.yield
    }) : () -> ()
    "tpu.region"() ({
      %run_scoped3A = tpu.sem_alloc : memref<!tpu.dma_semaphore, #tpu.memory_space<semaphore_mem>>
      %dma_start3A_169 = arith.constant 0 : i32
      %dma_start3A_170 = arith.constant 0 : i32
      %dma_start3A_171 = tpu.memref_slice %arg4[%add3A, %dma_start3A_169, %dma_start3A_170] : memref<32x4x128xi32, #tpu.memory_space<hbm>> -> memref<1x4x128xi32, #tpu.memory_space<hbm>>
      %dma_start3A_172 = tpu.memref_squeeze %dma_start3A_171 : memref<1x4x128xi32, #tpu.memory_space<hbm>> -> memref<4x128xi32, #tpu.memory_space<hbm>>
      %dma_start3A_173 = arith.constant 0 : i32
      %dma_start3A_174 = arith.constant 0 : i32
      %dma_start3A_175 = tpu.memref_slice %arg4[%add3A, %dma_start3A_173, %dma_start3A_174] : memref<32x4x128xi32, #tpu.memory_space<hbm>> -> memref<1x4x128xi32, #tpu.memory_space<hbm>>
      %dma_start3A_176 = tpu.memref_squeeze %dma_start3A_175 : memref<1x4x128xi32, #tpu.memory_space<hbm>> -> memref<4x128xi32, #tpu.memory_space<hbm>>
      tpu.enqueue_dma source(%dma_start3A_176 : memref<4x128xi32, #tpu.memory_space<hbm>>) target(%arg8 : memref<4x128xi32, #tpu.memory_space<vmem>>) target_semaphore(%run_scoped3A : memref<!tpu.dma_semaphore, #tpu.memory_space<semaphore_mem>>)
      %dma_wait3A_177 = arith.constant 0 : i32
      %dma_wait3A_178 = arith.constant 0 : i32
      %dma_wait3A_179 = tpu.memref_slice %arg4[%add3A, %dma_wait3A_177, %dma_wait3A_178] : memref<32x4x128xi32, #tpu.memory_space<hbm>> -> memref<1x4x128xi32, #tpu.memory_space<hbm>>
      %dma_wait3A_180 = tpu.memref_squeeze %dma_wait3A_179 : memref<1x4x128xi32, #tpu.memory_space<hbm>> -> memref<4x128xi32, #tpu.memory_space<hbm>>
      %dma_wait3A_181 = arith.constant 0 : i32
      %dma_wait3A_182 = arith.constant 0 : i32
      %dma_wait3A_183 = tpu.memref_slice %arg4[%add3A, %dma_wait3A_181, %dma_wait3A_182] : memref<32x4x128xi32, #tpu.memory_space<hbm>> -> memref<1x4x128xi32, #tpu.memory_space<hbm>>
      %dma_wait3A_184 = tpu.memref_squeeze %dma_wait3A_183 : memref<1x4x128xi32, #tpu.memory_space<hbm>> -> memref<4x128xi32, #tpu.memory_space<hbm>>
      tpu.wait_dma2 semaphore(%run_scoped3A : memref<!tpu.dma_semaphore, #tpu.memory_space<semaphore_mem>>) src(%dma_wait3A_184 : memref<4x128xi32, #tpu.memory_space<hbm>>) dst(%arg8 : memref<4x128xi32, #tpu.memory_space<vmem>>)
      tpu.yield
    }) : () -> ()
    %dma_start3A = arith.constant 0 : i32
    %dma_start3A_3 = arith.constant 0 : i32
    %dma_start3A_4 = arith.constant 0 : i32
    %dma_start3A_5 = tpu.memref_slice %arg9[%dma_start3A_3, %dma_start3A_4] : memref<256x128xf32, #tpu.memory_space<vmem>> -> memref<128x128xf32, #tpu.memory_space<vmem>>
    %dma_start3A_6 = arith.constant 0 : i32
    %dma_start3A_7 = tpu.memref_slice %arg7[%dma_start3A, %dma_start3A_6] : memref<4x128xi32, #tpu.memory_space<vmem>> -> memref<1x128xi32, #tpu.memory_space<vmem>>
    %dma_start3A_8 = tpu.memref_squeeze %dma_start3A_7 : memref<1x128xi32, #tpu.memory_space<vmem>> -> memref<128xi32, #tpu.memory_space<vmem>>
    %dma_start3A_9 = arith.constant 0 : i32
    %dma_start3A_10 = arith.constant 0 : i32
    %dma_start3A_11 = tpu.memref_slice %arg2[%dma_start3A_9, %dma_start3A_10] : memref<2048x128xf32, #tpu.memory_space<hbm>> -> memref<2048x128xf32, #tpu.memory_space<hbm>>
    tpu.enqueue_indirect_dma source(%dma_start3A_11 : memref<2048x128xf32, #tpu.memory_space<hbm>>) target(%dma_start3A_5 : memref<128x128xf32, #tpu.memory_space<vmem>>) offsets(%dma_start3A_8 : memref<128xi32, #tpu.memory_space<vmem>>) semaphore(%arg11 : memref<!tpu.dma_semaphore, #tpu.memory_space<semaphore_mem>>)
    %dma_start3A_12 = arith.constant 0 : i32
    %dma_start3A_13 = arith.constant 0 : i32
    %dma_start3A_14 = arith.constant 0 : i32
    %dma_start3A_15 = tpu.memref_slice %arg10[%dma_start3A_13, %dma_start3A_14] : memref<256x128xf32, #tpu.memory_space<vmem>> -> memref<128x128xf32, #tpu.memory_space<vmem>>
    %dma_start3A_16 = arith.constant 0 : i32
    %dma_start3A_17 = tpu.memref_slice %arg8[%dma_start3A_12, %dma_start3A_16] : memref<4x128xi32, #tpu.memory_space<vmem>> -> memref<1x128xi32, #tpu.memory_space<vmem>>
    %dma_start3A_18 = tpu.memref_squeeze %dma_start3A_17 : memref<1x128xi32, #tpu.memory_space<vmem>> -> memref<128xi32, #tpu.memory_space<vmem>>
    %dma_start3A_19 = arith.constant 0 : i32
    %dma_start3A_20 = arith.constant 0 : i32
    %dma_start3A_21 = tpu.memref_slice %arg2[%dma_start3A_19, %dma_start3A_20] : memref<2048x128xf32, #tpu.memory_space<hbm>> -> memref<2048x128xf32, #tpu.memory_space<hbm>>
    tpu.enqueue_indirect_dma source(%dma_start3A_21 : memref<2048x128xf32, #tpu.memory_space<hbm>>) target(%dma_start3A_15 : memref<128x128xf32, #tpu.memory_space<vmem>>) offsets(%dma_start3A_18 : memref<128xi32, #tpu.memory_space<vmem>>) semaphore(%arg11 : memref<!tpu.dma_semaphore, #tpu.memory_space<semaphore_mem>>)
    %dma_start3A_22 = arith.constant 1 : i32
    %dma_start3A_23 = arith.constant 128 : i32
    %dma_start3A_24 = arith.constant 0 : i32
    %dma_start3A_25 = tpu.memref_slice %arg9[%dma_start3A_23, %dma_start3A_24] : memref<256x128xf32, #tpu.memory_space<vmem>> -> memref<128x128xf32, #tpu.memory_space<vmem>>
    %dma_start3A_26 = arith.constant 0 : i32
    %dma_start3A_27 = tpu.memref_slice %arg7[%dma_start3A_22, %dma_start3A_26] : memref<4x128xi32, #tpu.memory_space<vmem>> -> memref<1x128xi32, #tpu.memory_space<vmem>>
    %dma_start3A_28 = tpu.memref_squeeze %dma_start3A_27 : memref<1x128xi32, #tpu.memory_space<vmem>> -> memref<128xi32, #tpu.memory_space<vmem>>
    %dma_start3A_29 = arith.constant 0 : i32
    %dma_start3A_30 = arith.constant 0 : i32
    %dma_start3A_31 = tpu.memref_slice %arg2[%dma_start3A_29, %dma_start3A_30] : memref<2048x128xf32, #tpu.memory_space<hbm>> -> memref<2048x128xf32, #tpu.memory_space<hbm>>
    tpu.enqueue_indirect_dma source(%dma_start3A_31 : memref<2048x128xf32, #tpu.memory_space<hbm>>) target(%dma_start3A_25 : memref<128x128xf32, #tpu.memory_space<vmem>>) offsets(%dma_start3A_28 : memref<128xi32, #tpu.memory_space<vmem>>) semaphore(%arg11 : memref<!tpu.dma_semaphore, #tpu.memory_space<semaphore_mem>>)
    %dma_start3A_32 = arith.constant 1 : i32
    %dma_start3A_33 = arith.constant 128 : i32
    %dma_start3A_34 = arith.constant 0 : i32
    %dma_start3A_35 = tpu.memref_slice %arg10[%dma_start3A_33, %dma_start3A_34] : memref<256x128xf32, #tpu.memory_space<vmem>> -> memref<128x128xf32, #tpu.memory_space<vmem>>
    %dma_start3A_36 = arith.constant 0 : i32
    %dma_start3A_37 = tpu.memref_slice %arg8[%dma_start3A_32, %dma_start3A_36] : memref<4x128xi32, #tpu.memory_space<vmem>> -> memref<1x128xi32, #tpu.memory_space<vmem>>
    %dma_start3A_38 = tpu.memref_squeeze %dma_start3A_37 : memref<1x128xi32, #tpu.memory_space<vmem>> -> memref<128xi32, #tpu.memory_space<vmem>>
    %dma_start3A_39 = arith.constant 0 : i32
    %dma_start3A_40 = arith.constant 0 : i32
    %dma_start3A_41 = tpu.memref_slice %arg2[%dma_start3A_39, %dma_start3A_40] : memref<2048x128xf32, #tpu.memory_space<hbm>> -> memref<2048x128xf32, #tpu.memory_space<hbm>>
    tpu.enqueue_indirect_dma source(%dma_start3A_41 : memref<2048x128xf32, #tpu.memory_space<hbm>>) target(%dma_start3A_35 : memref<128x128xf32, #tpu.memory_space<vmem>>) offsets(%dma_start3A_38 : memref<128xi32, #tpu.memory_space<vmem>>) semaphore(%arg11 : memref<!tpu.dma_semaphore, #tpu.memory_space<semaphore_mem>>)
    %dma_wait3A = arith.constant 0 : i32
    %dma_wait3A_42 = arith.constant 0 : i32
    %dma_wait3A_43 = arith.constant 0 : i32
    %dma_wait3A_44 = tpu.memref_slice %arg9[%dma_wait3A_42, %dma_wait3A_43] : memref<256x128xf32, #tpu.memory_space<vmem>> -> memref<128x128xf32, #tpu.memory_space<vmem>>
    %dma_wait3A_45 = arith.constant 0 : i32
    %dma_wait3A_46 = tpu.memref_slice %arg7[%dma_wait3A, %dma_wait3A_45] : memref<4x128xi32, #tpu.memory_space<vmem>> -> memref<1x128xi32, #tpu.memory_space<vmem>>
    %dma_wait3A_47 = tpu.memref_squeeze %dma_wait3A_46 : memref<1x128xi32, #tpu.memory_space<vmem>> -> memref<128xi32, #tpu.memory_space<vmem>>
    %dma_wait3A_48 = arith.constant 0 : i32
    %dma_wait3A_49 = arith.constant 0 : i32
    %dma_wait3A_50 = tpu.memref_slice %arg2[%dma_wait3A_48, %dma_wait3A_49] : memref<2048x128xf32, #tpu.memory_space<hbm>> -> memref<2048x128xf32, #tpu.memory_space<hbm>>
    tpu.wait_indirect_dma semaphore(%arg11 : memref<!tpu.dma_semaphore, #tpu.memory_space<semaphore_mem>>) src(%dma_wait3A_50 : memref<2048x128xf32, #tpu.memory_space<hbm>>) dst(%dma_wait3A_44 : memref<128x128xf32, #tpu.memory_space<vmem>>)
    %dma_wait3A_51 = arith.constant 0 : i32
    %dma_wait3A_52 = arith.constant 0 : i32
    %dma_wait3A_53 = arith.constant 0 : i32
    %dma_wait3A_54 = tpu.memref_slice %arg10[%dma_wait3A_52, %dma_wait3A_53] : memref<256x128xf32, #tpu.memory_space<vmem>> -> memref<128x128xf32, #tpu.memory_space<vmem>>
    %dma_wait3A_55 = arith.constant 0 : i32
    %dma_wait3A_56 = tpu.memref_slice %arg8[%dma_wait3A_51, %dma_wait3A_55] : memref<4x128xi32, #tpu.memory_space<vmem>> -> memref<1x128xi32, #tpu.memory_space<vmem>>
    %dma_wait3A_57 = tpu.memref_squeeze %dma_wait3A_56 : memref<1x128xi32, #tpu.memory_space<vmem>> -> memref<128xi32, #tpu.memory_space<vmem>>
    %dma_wait3A_58 = arith.constant 0 : i32
    %dma_wait3A_59 = arith.constant 0 : i32
    %dma_wait3A_60 = tpu.memref_slice %arg2[%dma_wait3A_58, %dma_wait3A_59] : memref<2048x128xf32, #tpu.memory_space<hbm>> -> memref<2048x128xf32, #tpu.memory_space<hbm>>
    tpu.wait_indirect_dma semaphore(%arg11 : memref<!tpu.dma_semaphore, #tpu.memory_space<semaphore_mem>>) src(%dma_wait3A_60 : memref<2048x128xf32, #tpu.memory_space<hbm>>) dst(%dma_wait3A_54 : memref<128x128xf32, #tpu.memory_space<vmem>>)
    %dma_wait3A_61 = arith.constant 1 : i32
    %dma_wait3A_62 = arith.constant 128 : i32
    %dma_wait3A_63 = arith.constant 0 : i32
    %dma_wait3A_64 = tpu.memref_slice %arg9[%dma_wait3A_62, %dma_wait3A_63] : memref<256x128xf32, #tpu.memory_space<vmem>> -> memref<128x128xf32, #tpu.memory_space<vmem>>
    %dma_wait3A_65 = arith.constant 0 : i32
    %dma_wait3A_66 = tpu.memref_slice %arg7[%dma_wait3A_61, %dma_wait3A_65] : memref<4x128xi32, #tpu.memory_space<vmem>> -> memref<1x128xi32, #tpu.memory_space<vmem>>
    %dma_wait3A_67 = tpu.memref_squeeze %dma_wait3A_66 : memref<1x128xi32, #tpu.memory_space<vmem>> -> memref<128xi32, #tpu.memory_space<vmem>>
    %dma_wait3A_68 = arith.constant 0 : i32
    %dma_wait3A_69 = arith.constant 0 : i32
    %dma_wait3A_70 = tpu.memref_slice %arg2[%dma_wait3A_68, %dma_wait3A_69] : memref<2048x128xf32, #tpu.memory_space<hbm>> -> memref<2048x128xf32, #tpu.memory_space<hbm>>
    tpu.wait_indirect_dma semaphore(%arg11 : memref<!tpu.dma_semaphore, #tpu.memory_space<semaphore_mem>>) src(%dma_wait3A_70 : memref<2048x128xf32, #tpu.memory_space<hbm>>) dst(%dma_wait3A_64 : memref<128x128xf32, #tpu.memory_space<vmem>>)
    %dma_wait3A_71 = arith.constant 1 : i32
    %dma_wait3A_72 = arith.constant 128 : i32
    %dma_wait3A_73 = arith.constant 0 : i32
    %dma_wait3A_74 = tpu.memref_slice %arg10[%dma_wait3A_72, %dma_wait3A_73] : memref<256x128xf32, #tpu.memory_space<vmem>> -> memref<128x128xf32, #tpu.memory_space<vmem>>
    %dma_wait3A_75 = arith.constant 0 : i32
    %dma_wait3A_76 = tpu.memref_slice %arg8[%dma_wait3A_71, %dma_wait3A_75] : memref<4x128xi32, #tpu.memory_space<vmem>> -> memref<1x128xi32, #tpu.memory_space<vmem>>
    %dma_wait3A_77 = tpu.memref_squeeze %dma_wait3A_76 : memref<1x128xi32, #tpu.memory_space<vmem>> -> memref<128xi32, #tpu.memory_space<vmem>>
    %dma_wait3A_78 = arith.constant 0 : i32
    %dma_wait3A_79 = arith.constant 0 : i32
    %dma_wait3A_80 = tpu.memref_slice %arg2[%dma_wait3A_78, %dma_wait3A_79] : memref<2048x128xf32, #tpu.memory_space<hbm>> -> memref<2048x128xf32, #tpu.memory_space<hbm>>
    tpu.wait_indirect_dma semaphore(%arg11 : memref<!tpu.dma_semaphore, #tpu.memory_space<semaphore_mem>>) src(%dma_wait3A_80 : memref<2048x128xf32, #tpu.memory_space<hbm>>) dst(%dma_wait3A_74 : memref<128x128xf32, #tpu.memory_space<vmem>>)
    %add3A_81 = arith.constant 0 : i32
    %add3A_82 = arith.addi %mul3A_2, %add3A_81 : i32
    "tpu.region"() ({
      %run_scoped3A = tpu.sem_alloc : memref<!tpu.dma_semaphore, #tpu.memory_space<semaphore_mem>>
      %dma_start3A_169 = arith.constant 0 : i32
      %dma_start3A_170 = tpu.memref_slice %arg5[%add3A_82, %dma_start3A_169] : memref<16384x128xf32, #tpu.memory_space<hbm>> -> memref<256x128xf32, #tpu.memory_space<hbm>>
      %dma_start3A_171 = arith.constant 0 : i32
      %dma_start3A_172 = tpu.memref_slice %arg5[%add3A_82, %dma_start3A_171] : memref<16384x128xf32, #tpu.memory_space<hbm>> -> memref<256x128xf32, #tpu.memory_space<hbm>>
      tpu.enqueue_dma source(%arg9 : memref<256x128xf32, #tpu.memory_space<vmem>>) target(%dma_start3A_172 : memref<256x128xf32, #tpu.memory_space<hbm>>) target_semaphore(%run_scoped3A : memref<!tpu.dma_semaphore, #tpu.memory_space<semaphore_mem>>)
      %dma_wait3A_173 = arith.constant 0 : i32
      %dma_wait3A_174 = tpu.memref_slice %arg5[%add3A_82, %dma_wait3A_173] : memref<16384x128xf32, #tpu.memory_space<hbm>> -> memref<256x128xf32, #tpu.memory_space<hbm>>
      %dma_wait3A_175 = arith.constant 0 : i32
      %dma_wait3A_176 = tpu.memref_slice %arg5[%add3A_82, %dma_wait3A_175] : memref<16384x128xf32, #tpu.memory_space<hbm>> -> memref<256x128xf32, #tpu.memory_space<hbm>>
      tpu.wait_dma2 semaphore(%run_scoped3A : memref<!tpu.dma_semaphore, #tpu.memory_space<semaphore_mem>>) src(%arg9 : memref<256x128xf32, #tpu.memory_space<vmem>>) dst(%dma_wait3A_176 : memref<256x128xf32, #tpu.memory_space<hbm>>)
      tpu.yield
    }) : () -> ()
    %add3A_83 = arith.constant 0 : i32
    %add3A_84 = arith.addi %mul3A_2, %add3A_83 : i32
    "tpu.region"() ({
      %run_scoped3A = tpu.sem_alloc : memref<!tpu.dma_semaphore, #tpu.memory_space<semaphore_mem>>
      %dma_start3A_169 = arith.constant 0 : i32
      %dma_start3A_170 = tpu.memref_slice %arg6[%add3A_84, %dma_start3A_169] : memref<16384x128xf32, #tpu.memory_space<hbm>> -> memref<256x128xf32, #tpu.memory_space<hbm>>
      %dma_start3A_171 = arith.constant 0 : i32
      %dma_start3A_172 = tpu.memref_slice %arg6[%add3A_84, %dma_start3A_171] : memref<16384x128xf32, #tpu.memory_space<hbm>> -> memref<256x128xf32, #tpu.memory_space<hbm>>
      tpu.enqueue_dma source(%arg10 : memref<256x128xf32, #tpu.memory_space<vmem>>) target(%dma_start3A_172 : memref<256x128xf32, #tpu.memory_space<hbm>>) target_semaphore(%run_scoped3A : memref<!tpu.dma_semaphore, #tpu.memory_space<semaphore_mem>>)
      %dma_wait3A_173 = arith.constant 0 : i32
      %dma_wait3A_174 = tpu.memref_slice %arg6[%add3A_84, %dma_wait3A_173] : memref<16384x128xf32, #tpu.memory_space<hbm>> -> memref<256x128xf32, #tpu.memory_space<hbm>>
      %dma_wait3A_175 = arith.constant 0 : i32
      %dma_wait3A_176 = tpu.memref_slice %arg6[%add3A_84, %dma_wait3A_175] : memref<16384x128xf32, #tpu.memory_space<hbm>> -> memref<256x128xf32, #tpu.memory_space<hbm>>
      tpu.wait_dma2 semaphore(%run_scoped3A : memref<!tpu.dma_semaphore, #tpu.memory_space<semaphore_mem>>) src(%arg10 : memref<256x128xf32, #tpu.memory_space<vmem>>) dst(%dma_wait3A_176 : memref<256x128xf32, #tpu.memory_space<hbm>>)
      tpu.yield
    }) : () -> ()
    %dma_start3A_85 = arith.constant 2 : i32
    %dma_start3A_86 = arith.constant 0 : i32
    %dma_start3A_87 = arith.constant 0 : i32
    %dma_start3A_88 = tpu.memref_slice %arg9[%dma_start3A_86, %dma_start3A_87] : memref<256x128xf32, #tpu.memory_space<vmem>> -> memref<128x128xf32, #tpu.memory_space<vmem>>
    %dma_start3A_89 = arith.constant 0 : i32
    %dma_start3A_90 = tpu.memref_slice %arg7[%dma_start3A_85, %dma_start3A_89] : memref<4x128xi32, #tpu.memory_space<vmem>> -> memref<1x128xi32, #tpu.memory_space<vmem>>
    %dma_start3A_91 = tpu.memref_squeeze %dma_start3A_90 : memref<1x128xi32, #tpu.memory_space<vmem>> -> memref<128xi32, #tpu.memory_space<vmem>>
    %dma_start3A_92 = arith.constant 0 : i32
    %dma_start3A_93 = arith.constant 0 : i32
    %dma_start3A_94 = tpu.memref_slice %arg2[%dma_start3A_92, %dma_start3A_93] : memref<2048x128xf32, #tpu.memory_space<hbm>> -> memref<2048x128xf32, #tpu.memory_space<hbm>>
    tpu.enqueue_indirect_dma source(%dma_start3A_94 : memref<2048x128xf32, #tpu.memory_space<hbm>>) target(%dma_start3A_88 : memref<128x128xf32, #tpu.memory_space<vmem>>) offsets(%dma_start3A_91 : memref<128xi32, #tpu.memory_space<vmem>>) semaphore(%arg11 : memref<!tpu.dma_semaphore, #tpu.memory_space<semaphore_mem>>)
    %dma_start3A_95 = arith.constant 2 : i32
    %dma_start3A_96 = arith.constant 0 : i32
    %dma_start3A_97 = arith.constant 0 : i32
    %dma_start3A_98 = tpu.memref_slice %arg10[%dma_start3A_96, %dma_start3A_97] : memref<256x128xf32, #tpu.memory_space<vmem>> -> memref<128x128xf32, #tpu.memory_space<vmem>>
    %dma_start3A_99 = arith.constant 0 : i32
    %dma_start3A_100 = tpu.memref_slice %arg8[%dma_start3A_95, %dma_start3A_99] : memref<4x128xi32, #tpu.memory_space<vmem>> -> memref<1x128xi32, #tpu.memory_space<vmem>>
    %dma_start3A_101 = tpu.memref_squeeze %dma_start3A_100 : memref<1x128xi32, #tpu.memory_space<vmem>> -> memref<128xi32, #tpu.memory_space<vmem>>
    %dma_start3A_102 = arith.constant 0 : i32
    %dma_start3A_103 = arith.constant 0 : i32
    %dma_start3A_104 = tpu.memref_slice %arg2[%dma_start3A_102, %dma_start3A_103] : memref<2048x128xf32, #tpu.memory_space<hbm>> -> memref<2048x128xf32, #tpu.memory_space<hbm>>
    tpu.enqueue_indirect_dma source(%dma_start3A_104 : memref<2048x128xf32, #tpu.memory_space<hbm>>) target(%dma_start3A_98 : memref<128x128xf32, #tpu.memory_space<vmem>>) offsets(%dma_start3A_101 : memref<128xi32, #tpu.memory_space<vmem>>) semaphore(%arg11 : memref<!tpu.dma_semaphore, #tpu.memory_space<semaphore_mem>>)
    %dma_start3A_105 = arith.constant 3 : i32
    %dma_start3A_106 = arith.constant 128 : i32
    %dma_start3A_107 = arith.constant 0 : i32
    %dma_start3A_108 = tpu.memref_slice %arg9[%dma_start3A_106, %dma_start3A_107] : memref<256x128xf32, #tpu.memory_space<vmem>> -> memref<128x128xf32, #tpu.memory_space<vmem>>
    %dma_start3A_109 = arith.constant 0 : i32
    %dma_start3A_110 = tpu.memref_slice %arg7[%dma_start3A_105, %dma_start3A_109] : memref<4x128xi32, #tpu.memory_space<vmem>> -> memref<1x128xi32, #tpu.memory_space<vmem>>
    %dma_start3A_111 = tpu.memref_squeeze %dma_start3A_110 : memref<1x128xi32, #tpu.memory_space<vmem>> -> memref<128xi32, #tpu.memory_space<vmem>>
    %dma_start3A_112 = arith.constant 0 : i32
    %dma_start3A_113 = arith.constant 0 : i32
    %dma_start3A_114 = tpu.memref_slice %arg2[%dma_start3A_112, %dma_start3A_113] : memref<2048x128xf32, #tpu.memory_space<hbm>> -> memref<2048x128xf32, #tpu.memory_space<hbm>>
    tpu.enqueue_indirect_dma source(%dma_start3A_114 : memref<2048x128xf32, #tpu.memory_space<hbm>>) target(%dma_start3A_108 : memref<128x128xf32, #tpu.memory_space<vmem>>) offsets(%dma_start3A_111 : memref<128xi32, #tpu.memory_space<vmem>>) semaphore(%arg11 : memref<!tpu.dma_semaphore, #tpu.memory_space<semaphore_mem>>)
    %dma_start3A_115 = arith.constant 3 : i32
    %dma_start3A_116 = arith.constant 128 : i32
    %dma_start3A_117 = arith.constant 0 : i32
    %dma_start3A_118 = tpu.memref_slice %arg10[%dma_start3A_116, %dma_start3A_117] : memref<256x128xf32, #tpu.memory_space<vmem>> -> memref<128x128xf32, #tpu.memory_space<vmem>>
    %dma_start3A_119 = arith.constant 0 : i32
    %dma_start3A_120 = tpu.memref_slice %arg8[%dma_start3A_115, %dma_start3A_119] : memref<4x128xi32, #tpu.memory_space<vmem>> -> memref<1x128xi32, #tpu.memory_space<vmem>>
    %dma_start3A_121 = tpu.memref_squeeze %dma_start3A_120 : memref<1x128xi32, #tpu.memory_space<vmem>> -> memref<128xi32, #tpu.memory_space<vmem>>
    %dma_start3A_122 = arith.constant 0 : i32
    %dma_start3A_123 = arith.constant 0 : i32
    %dma_start3A_124 = tpu.memref_slice %arg2[%dma_start3A_122, %dma_start3A_123] : memref<2048x128xf32, #tpu.memory_space<hbm>> -> memref<2048x128xf32, #tpu.memory_space<hbm>>
    tpu.enqueue_indirect_dma source(%dma_start3A_124 : memref<2048x128xf32, #tpu.memory_space<hbm>>) target(%dma_start3A_118 : memref<128x128xf32, #tpu.memory_space<vmem>>) offsets(%dma_start3A_121 : memref<128xi32, #tpu.memory_space<vmem>>) semaphore(%arg11 : memref<!tpu.dma_semaphore, #tpu.memory_space<semaphore_mem>>)
    %dma_wait3A_125 = arith.constant 2 : i32
    %dma_wait3A_126 = arith.constant 0 : i32
    %dma_wait3A_127 = arith.constant 0 : i32
    %dma_wait3A_128 = tpu.memref_slice %arg9[%dma_wait3A_126, %dma_wait3A_127] : memref<256x128xf32, #tpu.memory_space<vmem>> -> memref<128x128xf32, #tpu.memory_space<vmem>>
    %dma_wait3A_129 = arith.constant 0 : i32
    %dma_wait3A_130 = tpu.memref_slice %arg7[%dma_wait3A_125, %dma_wait3A_129] : memref<4x128xi32, #tpu.memory_space<vmem>> -> memref<1x128xi32, #tpu.memory_space<vmem>>
    %dma_wait3A_131 = tpu.memref_squeeze %dma_wait3A_130 : memref<1x128xi32, #tpu.memory_space<vmem>> -> memref<128xi32, #tpu.memory_space<vmem>>
    %dma_wait3A_132 = arith.constant 0 : i32
    %dma_wait3A_133 = arith.constant 0 : i32
    %dma_wait3A_134 = tpu.memref_slice %arg2[%dma_wait3A_132, %dma_wait3A_133] : memref<2048x128xf32, #tpu.memory_space<hbm>> -> memref<2048x128xf32, #tpu.memory_space<hbm>>
    tpu.wait_indirect_dma semaphore(%arg11 : memref<!tpu.dma_semaphore, #tpu.memory_space<semaphore_mem>>) src(%dma_wait3A_134 : memref<2048x128xf32, #tpu.memory_space<hbm>>) dst(%dma_wait3A_128 : memref<128x128xf32, #tpu.memory_space<vmem>>)
    %dma_wait3A_135 = arith.constant 2 : i32
    %dma_wait3A_136 = arith.constant 0 : i32
    %dma_wait3A_137 = arith.constant 0 : i32
    %dma_wait3A_138 = tpu.memref_slice %arg10[%dma_wait3A_136, %dma_wait3A_137] : memref<256x128xf32, #tpu.memory_space<vmem>> -> memref<128x128xf32, #tpu.memory_space<vmem>>
    %dma_wait3A_139 = arith.constant 0 : i32
    %dma_wait3A_140 = tpu.memref_slice %arg8[%dma_wait3A_135, %dma_wait3A_139] : memref<4x128xi32, #tpu.memory_space<vmem>> -> memref<1x128xi32, #tpu.memory_space<vmem>>
    %dma_wait3A_141 = tpu.memref_squeeze %dma_wait3A_140 : memref<1x128xi32, #tpu.memory_space<vmem>> -> memref<128xi32, #tpu.memory_space<vmem>>
    %dma_wait3A_142 = arith.constant 0 : i32
    %dma_wait3A_143 = arith.constant 0 : i32
    %dma_wait3A_144 = tpu.memref_slice %arg2[%dma_wait3A_142, %dma_wait3A_143] : memref<2048x128xf32, #tpu.memory_space<hbm>> -> memref<2048x128xf32, #tpu.memory_space<hbm>>
    tpu.wait_indirect_dma semaphore(%arg11 : memref<!tpu.dma_semaphore, #tpu.memory_space<semaphore_mem>>) src(%dma_wait3A_144 : memref<2048x128xf32, #tpu.memory_space<hbm>>) dst(%dma_wait3A_138 : memref<128x128xf32, #tpu.memory_space<vmem>>)
    %dma_wait3A_145 = arith.constant 3 : i32
    %dma_wait3A_146 = arith.constant 128 : i32
    %dma_wait3A_147 = arith.constant 0 : i32
    %dma_wait3A_148 = tpu.memref_slice %arg9[%dma_wait3A_146, %dma_wait3A_147] : memref<256x128xf32, #tpu.memory_space<vmem>> -> memref<128x128xf32, #tpu.memory_space<vmem>>
    %dma_wait3A_149 = arith.constant 0 : i32
    %dma_wait3A_150 = tpu.memref_slice %arg7[%dma_wait3A_145, %dma_wait3A_149] : memref<4x128xi32, #tpu.memory_space<vmem>> -> memref<1x128xi32, #tpu.memory_space<vmem>>
    %dma_wait3A_151 = tpu.memref_squeeze %dma_wait3A_150 : memref<1x128xi32, #tpu.memory_space<vmem>> -> memref<128xi32, #tpu.memory_space<vmem>>
    %dma_wait3A_152 = arith.constant 0 : i32
    %dma_wait3A_153 = arith.constant 0 : i32
    %dma_wait3A_154 = tpu.memref_slice %arg2[%dma_wait3A_152, %dma_wait3A_153] : memref<2048x128xf32, #tpu.memory_space<hbm>> -> memref<2048x128xf32, #tpu.memory_space<hbm>>
    tpu.wait_indirect_dma semaphore(%arg11 : memref<!tpu.dma_semaphore, #tpu.memory_space<semaphore_mem>>) src(%dma_wait3A_154 : memref<2048x128xf32, #tpu.memory_space<hbm>>) dst(%dma_wait3A_148 : memref<128x128xf32, #tpu.memory_space<vmem>>)
    %dma_wait3A_155 = arith.constant 3 : i32
    %dma_wait3A_156 = arith.constant 128 : i32
    %dma_wait3A_157 = arith.constant 0 : i32
    %dma_wait3A_158 = tpu.memref_slice %arg10[%dma_wait3A_156, %dma_wait3A_157] : memref<256x128xf32, #tpu.memory_space<vmem>> -> memref<128x128xf32, #tpu.memory_space<vmem>>
    %dma_wait3A_159 = arith.constant 0 : i32
    %dma_wait3A_160 = tpu.memref_slice %arg8[%dma_wait3A_155, %dma_wait3A_159] : memref<4x128xi32, #tpu.memory_space<vmem>> -> memref<1x128xi32, #tpu.memory_space<vmem>>
    %dma_wait3A_161 = tpu.memref_squeeze %dma_wait3A_160 : memref<1x128xi32, #tpu.memory_space<vmem>> -> memref<128xi32, #tpu.memory_space<vmem>>
    %dma_wait3A_162 = arith.constant 0 : i32
    %dma_wait3A_163 = arith.constant 0 : i32
    %dma_wait3A_164 = tpu.memref_slice %arg2[%dma_wait3A_162, %dma_wait3A_163] : memref<2048x128xf32, #tpu.memory_space<hbm>> -> memref<2048x128xf32, #tpu.memory_space<hbm>>
    tpu.wait_indirect_dma semaphore(%arg11 : memref<!tpu.dma_semaphore, #tpu.memory_space<semaphore_mem>>) src(%dma_wait3A_164 : memref<2048x128xf32, #tpu.memory_space<hbm>>) dst(%dma_wait3A_158 : memref<128x128xf32, #tpu.memory_space<vmem>>)
    %add3A_165 = arith.constant 256 : i32
    %add3A_166 = arith.addi %mul3A_2, %add3A_165 : i32
    "tpu.region"() ({
      %run_scoped3A = tpu.sem_alloc : memref<!tpu.dma_semaphore, #tpu.memory_space<semaphore_mem>>
      %dma_start3A_169 = arith.constant 0 : i32
      %dma_start3A_170 = tpu.memref_slice %arg5[%add3A_166, %dma_start3A_169] : memref<16384x128xf32, #tpu.memory_space<hbm>> -> memref<256x128xf32, #tpu.memory_space<hbm>>
      %dma_start3A_171 = arith.constant 0 : i32
      %dma_start3A_172 = tpu.memref_slice %arg5[%add3A_166, %dma_start3A_171] : memref<16384x128xf32, #tpu.memory_space<hbm>> -> memref<256x128xf32, #tpu.memory_space<hbm>>
      tpu.enqueue_dma source(%arg9 : memref<256x128xf32, #tpu.memory_space<vmem>>) target(%dma_start3A_172 : memref<256x128xf32, #tpu.memory_space<hbm>>) target_semaphore(%run_scoped3A : memref<!tpu.dma_semaphore, #tpu.memory_space<semaphore_mem>>)
      %dma_wait3A_173 = arith.constant 0 : i32
      %dma_wait3A_174 = tpu.memref_slice %arg5[%add3A_166, %dma_wait3A_173] : memref<16384x128xf32, #tpu.memory_space<hbm>> -> memref<256x128xf32, #tpu.memory_space<hbm>>
      %dma_wait3A_175 = arith.constant 0 : i32
      %dma_wait3A_176 = tpu.memref_slice %arg5[%add3A_166, %dma_wait3A_175] : memref<16384x128xf32, #tpu.memory_space<hbm>> -> memref<256x128xf32, #tpu.memory_space<hbm>>
      tpu.wait_dma2 semaphore(%run_scoped3A : memref<!tpu.dma_semaphore, #tpu.memory_space<semaphore_mem>>) src(%arg9 : memref<256x128xf32, #tpu.memory_space<vmem>>) dst(%dma_wait3A_176 : memref<256x128xf32, #tpu.memory_space<hbm>>)
      tpu.yield
    }) : () -> ()
    %add3A_167 = arith.constant 256 : i32
    %add3A_168 = arith.addi %mul3A_2, %add3A_167 : i32
    "tpu.region"() ({
      %run_scoped3A = tpu.sem_alloc : memref<!tpu.dma_semaphore, #tpu.memory_space<semaphore_mem>>
      %dma_start3A_169 = arith.constant 0 : i32
      %dma_start3A_170 = tpu.memref_slice %arg6[%add3A_168, %dma_start3A_169] : memref<16384x128xf32, #tpu.memory_space<hbm>> -> memref<256x128xf32, #tpu.memory_space<hbm>>
      %dma_start3A_171 = arith.constant 0 : i32
      %dma_start3A_172 = tpu.memref_slice %arg6[%add3A_168, %dma_start3A_171] : memref<16384x128xf32, #tpu.memory_space<hbm>> -> memref<256x128xf32, #tpu.memory_space<hbm>>
      tpu.enqueue_dma source(%arg10 : memref<256x128xf32, #tpu.memory_space<vmem>>) target(%dma_start3A_172 : memref<256x128xf32, #tpu.memory_space<hbm>>) target_semaphore(%run_scoped3A : memref<!tpu.dma_semaphore, #tpu.memory_space<semaphore_mem>>)
      %dma_wait3A_173 = arith.constant 0 : i32
      %dma_wait3A_174 = tpu.memref_slice %arg6[%add3A_168, %dma_wait3A_173] : memref<16384x128xf32, #tpu.memory_space<hbm>> -> memref<256x128xf32, #tpu.memory_space<hbm>>
      %dma_wait3A_175 = arith.constant 0 : i32
      %dma_wait3A_176 = tpu.memref_slice %arg6[%add3A_168, %dma_wait3A_175] : memref<16384x128xf32, #tpu.memory_space<hbm>> -> memref<256x128xf32, #tpu.memory_space<hbm>>
      tpu.wait_dma2 semaphore(%run_scoped3A : memref<!tpu.dma_semaphore, #tpu.memory_space<semaphore_mem>>) src(%arg10 : memref<256x128xf32, #tpu.memory_space<vmem>>) dst(%dma_wait3A_176 : memref<256x128xf32, #tpu.memory_space<hbm>>)
      tpu.yield
    }) : () -> ()
    return
  }
}

#map = affine_map<(d0, d1) -> (0, 0, 0)>
#map1 = affine_map<(d0, d1) -> (0, 0)>
module attributes {stable_mosaic.version = 14 : i64} {
  func.func @_segment_sum(%arg0: i32, %arg1: i32, %arg2: memref<32x512x128xf32, #tpu.memory_space<hbm>>, %arg3: memref<32x4x128xi32, #tpu.memory_space<hbm>>, %arg4: memref<2048x128xf32, #tpu.memory_space<hbm>>, %arg5: memref<2x2048x128xf32, #tpu.memory_space<hbm>>, %arg6: memref<4x128xi32, #tpu.memory_space<vmem>>, %arg7: memref<512x128xf32, #tpu.memory_space<vmem>>, %arg8: memref<2048x128xf32, #tpu.memory_space<vmem_shared>>, %arg9: memref<!tpu.dma_semaphore, #tpu.memory_space<semaphore_mem>>) attributes {dimension_semantics = [#tpu.dimension_semantics<core_parallel>, #tpu.dimension_semantics<subcore_parallel>], iteration_bounds = array<i64: 2, 16>, scalar_prefetch = 0 : i64, scratch_operands = 4 : i64, tpu.core_type = #tpu.core_type<sc_vector_subcore>, window_params = [{transform_indices = #map}, {transform_indices = #map}, {transform_indices = #map1}, {transform_indices = #map}]} {
    %mul3A = arith.constant 2 : i32
    %mul3A_0 = arith.muli %arg1, %mul3A : i32
    %add3A = arith.addi %mul3A_0, %arg0 : i32
    "tpu.region"() ({
      %run_scoped3A_13 = tpu.sem_alloc : memref<!tpu.dma_semaphore, #tpu.memory_space<semaphore_mem>>
      %dma_start3A = arith.constant 0 : i32
      %dma_start3A_14 = arith.constant 0 : i32
      %dma_start3A_15 = tpu.memref_slice %arg3[%add3A, %dma_start3A, %dma_start3A_14] : memref<32x4x128xi32, #tpu.memory_space<hbm>> -> memref<1x4x128xi32, #tpu.memory_space<hbm>>
      %dma_start3A_16 = tpu.memref_squeeze %dma_start3A_15 : memref<1x4x128xi32, #tpu.memory_space<hbm>> -> memref<4x128xi32, #tpu.memory_space<hbm>>
      %dma_start3A_17 = arith.constant 0 : i32
      %dma_start3A_18 = arith.constant 0 : i32
      %dma_start3A_19 = tpu.memref_slice %arg3[%add3A, %dma_start3A_17, %dma_start3A_18] : memref<32x4x128xi32, #tpu.memory_space<hbm>> -> memref<1x4x128xi32, #tpu.memory_space<hbm>>
      %dma_start3A_20 = tpu.memref_squeeze %dma_start3A_19 : memref<1x4x128xi32, #tpu.memory_space<hbm>> -> memref<4x128xi32, #tpu.memory_space<hbm>>
      tpu.enqueue_dma source(%dma_start3A_20 : memref<4x128xi32, #tpu.memory_space<hbm>>) target(%arg6 : memref<4x128xi32, #tpu.memory_space<vmem>>) target_semaphore(%run_scoped3A_13 : memref<!tpu.dma_semaphore, #tpu.memory_space<semaphore_mem>>)
      %dma_wait3A = arith.constant 0 : i32
      %dma_wait3A_21 = arith.constant 0 : i32
      %dma_wait3A_22 = tpu.memref_slice %arg3[%add3A, %dma_wait3A, %dma_wait3A_21] : memref<32x4x128xi32, #tpu.memory_space<hbm>> -> memref<1x4x128xi32, #tpu.memory_space<hbm>>
      %dma_wait3A_23 = tpu.memref_squeeze %dma_wait3A_22 : memref<1x4x128xi32, #tpu.memory_space<hbm>> -> memref<4x128xi32, #tpu.memory_space<hbm>>
      %dma_wait3A_24 = arith.constant 0 : i32
      %dma_wait3A_25 = arith.constant 0 : i32
      %dma_wait3A_26 = tpu.memref_slice %arg3[%add3A, %dma_wait3A_24, %dma_wait3A_25] : memref<32x4x128xi32, #tpu.memory_space<hbm>> -> memref<1x4x128xi32, #tpu.memory_space<hbm>>
      %dma_wait3A_27 = tpu.memref_squeeze %dma_wait3A_26 : memref<1x4x128xi32, #tpu.memory_space<hbm>> -> memref<4x128xi32, #tpu.memory_space<hbm>>
      tpu.wait_dma2 semaphore(%run_scoped3A_13 : memref<!tpu.dma_semaphore, #tpu.memory_space<semaphore_mem>>) src(%dma_wait3A_27 : memref<4x128xi32, #tpu.memory_space<hbm>>) dst(%arg6 : memref<4x128xi32, #tpu.memory_space<vmem>>)
      tpu.yield
    }) : () -> ()
    "tpu.region"() ({
      %run_scoped3A_13 = tpu.sem_alloc : memref<!tpu.dma_semaphore, #tpu.memory_space<semaphore_mem>>
      %dma_start3A = arith.constant 0 : i32
      %dma_start3A_14 = arith.constant 0 : i32
      %dma_start3A_15 = tpu.memref_slice %arg2[%add3A, %dma_start3A, %dma_start3A_14] : memref<32x512x128xf32, #tpu.memory_space<hbm>> -> memref<1x512x128xf32, #tpu.memory_space<hbm>>
      %dma_start3A_16 = tpu.memref_squeeze %dma_start3A_15 : memref<1x512x128xf32, #tpu.memory_space<hbm>> -> memref<512x128xf32, #tpu.memory_space<hbm>>
      %dma_start3A_17 = arith.constant 0 : i32
      %dma_start3A_18 = arith.constant 0 : i32
      %dma_start3A_19 = tpu.memref_slice %arg2[%add3A, %dma_start3A_17, %dma_start3A_18] : memref<32x512x128xf32, #tpu.memory_space<hbm>> -> memref<1x512x128xf32, #tpu.memory_space<hbm>>
      %dma_start3A_20 = tpu.memref_squeeze %dma_start3A_19 : memref<1x512x128xf32, #tpu.memory_space<hbm>> -> memref<512x128xf32, #tpu.memory_space<hbm>>
      tpu.enqueue_dma source(%dma_start3A_20 : memref<512x128xf32, #tpu.memory_space<hbm>>) target(%arg7 : memref<512x128xf32, #tpu.memory_space<vmem>>) target_semaphore(%run_scoped3A_13 : memref<!tpu.dma_semaphore, #tpu.memory_space<semaphore_mem>>)
      %dma_wait3A = arith.constant 0 : i32
      %dma_wait3A_21 = arith.constant 0 : i32
      %dma_wait3A_22 = tpu.memref_slice %arg2[%add3A, %dma_wait3A, %dma_wait3A_21] : memref<32x512x128xf32, #tpu.memory_space<hbm>> -> memref<1x512x128xf32, #tpu.memory_space<hbm>>
      %dma_wait3A_23 = tpu.memref_squeeze %dma_wait3A_22 : memref<1x512x128xf32, #tpu.memory_space<hbm>> -> memref<512x128xf32, #tpu.memory_space<hbm>>
      %dma_wait3A_24 = arith.constant 0 : i32
      %dma_wait3A_25 = arith.constant 0 : i32
      %dma_wait3A_26 = tpu.memref_slice %arg2[%add3A, %dma_wait3A_24, %dma_wait3A_25] : memref<32x512x128xf32, #tpu.memory_space<hbm>> -> memref<1x512x128xf32, #tpu.memory_space<hbm>>
      %dma_wait3A_27 = tpu.memref_squeeze %dma_wait3A_26 : memref<1x512x128xf32, #tpu.memory_space<hbm>> -> memref<512x128xf32, #tpu.memory_space<hbm>>
      tpu.wait_dma2 semaphore(%run_scoped3A_13 : memref<!tpu.dma_semaphore, #tpu.memory_space<semaphore_mem>>) src(%dma_wait3A_27 : memref<512x128xf32, #tpu.memory_space<hbm>>) dst(%arg7 : memref<512x128xf32, #tpu.memory_space<vmem>>)
      tpu.yield
    }) : () -> ()
    %mul3A_1 = arith.constant 128 : i32
    %mul3A_2 = arith.muli %arg1, %mul3A_1 : i32
    %mul3A_3 = arith.constant 128 : i32
    %mul3A_4 = arith.muli %arg1, %mul3A_3 : i32
    "tpu.region"() ({
      %run_scoped3A_13 = tpu.sem_alloc : memref<!tpu.dma_semaphore, #tpu.memory_space<semaphore_mem>>
      %dma_start3A = arith.constant 0 : i32
      %dma_start3A_14 = tpu.memref_slice %arg8[%mul3A_4, %dma_start3A] : memref<2048x128xf32, #tpu.memory_space<vmem_shared>> -> memref<128x128xf32, #tpu.memory_space<vmem_shared>>
      %dma_start3A_15 = arith.constant 0 : i32
      %dma_start3A_16 = tpu.memref_slice %arg4[%mul3A_2, %dma_start3A_15] : memref<2048x128xf32, #tpu.memory_space<hbm>> -> memref<128x128xf32, #tpu.memory_space<hbm>>
      tpu.enqueue_dma source(%dma_start3A_16 : memref<128x128xf32, #tpu.memory_space<hbm>>) target(%dma_start3A_14 : memref<128x128xf32, #tpu.memory_space<vmem_shared>>) target_semaphore(%run_scoped3A_13 : memref<!tpu.dma_semaphore, #tpu.memory_space<semaphore_mem>>)
      %dma_wait3A = arith.constant 0 : i32
      %dma_wait3A_17 = tpu.memref_slice %arg8[%mul3A_4, %dma_wait3A] : memref<2048x128xf32, #tpu.memory_space<vmem_shared>> -> memref<128x128xf32, #tpu.memory_space<vmem_shared>>
      %dma_wait3A_18 = arith.constant 0 : i32
      %dma_wait3A_19 = tpu.memref_slice %arg4[%mul3A_2, %dma_wait3A_18] : memref<2048x128xf32, #tpu.memory_space<hbm>> -> memref<128x128xf32, #tpu.memory_space<hbm>>
      tpu.wait_dma2 semaphore(%run_scoped3A_13 : memref<!tpu.dma_semaphore, #tpu.memory_space<semaphore_mem>>) src(%dma_wait3A_19 : memref<128x128xf32, #tpu.memory_space<hbm>>) dst(%dma_wait3A_17 : memref<128x128xf32, #tpu.memory_space<vmem_shared>>)
      tpu.yield
    }) : () -> ()
    %barrier3A = arith.constant 0 : index
    tpu.barrier barrier_id(%barrier3A)
    %run_scoped3A = arith.constant 0 : i32
    "tpu.region"() ({
      %run_scoped3A_13 = tpu.sem_alloc : memref<!tpu.dma_semaphore, #tpu.memory_space<semaphore_mem>>
      %dma_start3A = arith.constant 0 : i32
      %dma_start3A_14 = arith.constant 0 : i32
      %dma_start3A_15 = tpu.memref_slice %arg7[%dma_start3A, %dma_start3A_14] : memref<512x128xf32, #tpu.memory_space<vmem>> -> memref<128x128xf32, #tpu.memory_space<vmem>>
      %dma_start3A_16 = arith.constant 0 : i32
      %dma_start3A_17 = tpu.memref_slice %arg6[%run_scoped3A, %dma_start3A_16] : memref<4x128xi32, #tpu.memory_space<vmem>> -> memref<1x128xi32, #tpu.memory_space<vmem>>
      %dma_start3A_18 = tpu.memref_squeeze %dma_start3A_17 : memref<1x128xi32, #tpu.memory_space<vmem>> -> memref<128xi32, #tpu.memory_space<vmem>>
      %dma_start3A_19 = arith.constant 0 : i32
      %dma_start3A_20 = arith.constant 0 : i32
      %dma_start3A_21 = tpu.memref_slice %arg8[%dma_start3A_19, %dma_start3A_20] : memref<2048x128xf32, #tpu.memory_space<vmem_shared>> -> memref<2048x128xf32, #tpu.memory_space<vmem_shared>>
      tpu.enqueue_indirect_dma source(%dma_start3A_15 : memref<128x128xf32, #tpu.memory_space<vmem>>) target(%dma_start3A_21 : memref<2048x128xf32, #tpu.memory_space<vmem_shared>>) offsets(%dma_start3A_18 : memref<128xi32, #tpu.memory_space<vmem>>) semaphore(%run_scoped3A_13 : memref<!tpu.dma_semaphore, #tpu.memory_space<semaphore_mem>>) {add = true}
      %dma_wait3A = arith.constant 0 : i32
      %dma_wait3A_22 = arith.constant 0 : i32
      %dma_wait3A_23 = tpu.memref_slice %arg7[%dma_wait3A, %dma_wait3A_22] : memref<512x128xf32, #tpu.memory_space<vmem>> -> memref<128x128xf32, #tpu.memory_space<vmem>>
      %dma_wait3A_24 = arith.constant 0 : i32
      %dma_wait3A_25 = tpu.memref_slice %arg6[%run_scoped3A, %dma_wait3A_24] : memref<4x128xi32, #tpu.memory_space<vmem>> -> memref<1x128xi32, #tpu.memory_space<vmem>>
      %dma_wait3A_26 = tpu.memref_squeeze %dma_wait3A_25 : memref<1x128xi32, #tpu.memory_space<vmem>> -> memref<128xi32, #tpu.memory_space<vmem>>
      %dma_wait3A_27 = arith.constant 0 : i32
      %dma_wait3A_28 = arith.constant 0 : i32
      %dma_wait3A_29 = tpu.memref_slice %arg8[%dma_wait3A_27, %dma_wait3A_28] : memref<2048x128xf32, #tpu.memory_space<vmem_shared>> -> memref<2048x128xf32, #tpu.memory_space<vmem_shared>>
      tpu.wait_indirect_dma semaphore(%run_scoped3A_13 : memref<!tpu.dma_semaphore, #tpu.memory_space<semaphore_mem>>) src(%dma_wait3A_23 : memref<128x128xf32, #tpu.memory_space<vmem>>) dst(%dma_wait3A_29 : memref<2048x128xf32, #tpu.memory_space<vmem_shared>>)
      tpu.yield
    }) : () -> ()
    %run_scoped3A_5 = arith.constant 1 : i32
    "tpu.region"() ({
      %run_scoped3A_13 = tpu.sem_alloc : memref<!tpu.dma_semaphore, #tpu.memory_space<semaphore_mem>>
      %dma_start3A = arith.constant 128 : i32
      %dma_start3A_14 = arith.constant 0 : i32
      %dma_start3A_15 = tpu.memref_slice %arg7[%dma_start3A, %dma_start3A_14] : memref<512x128xf32, #tpu.memory_space<vmem>> -> memref<128x128xf32, #tpu.memory_space<vmem>>
      %dma_start3A_16 = arith.constant 0 : i32
      %dma_start3A_17 = tpu.memref_slice %arg6[%run_scoped3A_5, %dma_start3A_16] : memref<4x128xi32, #tpu.memory_space<vmem>> -> memref<1x128xi32, #tpu.memory_space<vmem>>
      %dma_start3A_18 = tpu.memref_squeeze %dma_start3A_17 : memref<1x128xi32, #tpu.memory_space<vmem>> -> memref<128xi32, #tpu.memory_space<vmem>>
      %dma_start3A_19 = arith.constant 0 : i32
      %dma_start3A_20 = arith.constant 0 : i32
      %dma_start3A_21 = tpu.memref_slice %arg8[%dma_start3A_19, %dma_start3A_20] : memref<2048x128xf32, #tpu.memory_space<vmem_shared>> -> memref<2048x128xf32, #tpu.memory_space<vmem_shared>>
      tpu.enqueue_indirect_dma source(%dma_start3A_15 : memref<128x128xf32, #tpu.memory_space<vmem>>) target(%dma_start3A_21 : memref<2048x128xf32, #tpu.memory_space<vmem_shared>>) offsets(%dma_start3A_18 : memref<128xi32, #tpu.memory_space<vmem>>) semaphore(%run_scoped3A_13 : memref<!tpu.dma_semaphore, #tpu.memory_space<semaphore_mem>>) {add = true}
      %dma_wait3A = arith.constant 128 : i32
      %dma_wait3A_22 = arith.constant 0 : i32
      %dma_wait3A_23 = tpu.memref_slice %arg7[%dma_wait3A, %dma_wait3A_22] : memref<512x128xf32, #tpu.memory_space<vmem>> -> memref<128x128xf32, #tpu.memory_space<vmem>>
      %dma_wait3A_24 = arith.constant 0 : i32
      %dma_wait3A_25 = tpu.memref_slice %arg6[%run_scoped3A_5, %dma_wait3A_24] : memref<4x128xi32, #tpu.memory_space<vmem>> -> memref<1x128xi32, #tpu.memory_space<vmem>>
      %dma_wait3A_26 = tpu.memref_squeeze %dma_wait3A_25 : memref<1x128xi32, #tpu.memory_space<vmem>> -> memref<128xi32, #tpu.memory_space<vmem>>
      %dma_wait3A_27 = arith.constant 0 : i32
      %dma_wait3A_28 = arith.constant 0 : i32
      %dma_wait3A_29 = tpu.memref_slice %arg8[%dma_wait3A_27, %dma_wait3A_28] : memref<2048x128xf32, #tpu.memory_space<vmem_shared>> -> memref<2048x128xf32, #tpu.memory_space<vmem_shared>>
      tpu.wait_indirect_dma semaphore(%run_scoped3A_13 : memref<!tpu.dma_semaphore, #tpu.memory_space<semaphore_mem>>) src(%dma_wait3A_23 : memref<128x128xf32, #tpu.memory_space<vmem>>) dst(%dma_wait3A_29 : memref<2048x128xf32, #tpu.memory_space<vmem_shared>>)
      tpu.yield
    }) : () -> ()
    %run_scoped3A_6 = arith.constant 2 : i32
    "tpu.region"() ({
      %run_scoped3A_13 = tpu.sem_alloc : memref<!tpu.dma_semaphore, #tpu.memory_space<semaphore_mem>>
      %dma_start3A = arith.constant 256 : i32
      %dma_start3A_14 = arith.constant 0 : i32
      %dma_start3A_15 = tpu.memref_slice %arg7[%dma_start3A, %dma_start3A_14] : memref<512x128xf32, #tpu.memory_space<vmem>> -> memref<128x128xf32, #tpu.memory_space<vmem>>
      %dma_start3A_16 = arith.constant 0 : i32
      %dma_start3A_17 = tpu.memref_slice %arg6[%run_scoped3A_6, %dma_start3A_16] : memref<4x128xi32, #tpu.memory_space<vmem>> -> memref<1x128xi32, #tpu.memory_space<vmem>>
      %dma_start3A_18 = tpu.memref_squeeze %dma_start3A_17 : memref<1x128xi32, #tpu.memory_space<vmem>> -> memref<128xi32, #tpu.memory_space<vmem>>
      %dma_start3A_19 = arith.constant 0 : i32
      %dma_start3A_20 = arith.constant 0 : i32
      %dma_start3A_21 = tpu.memref_slice %arg8[%dma_start3A_19, %dma_start3A_20] : memref<2048x128xf32, #tpu.memory_space<vmem_shared>> -> memref<2048x128xf32, #tpu.memory_space<vmem_shared>>
      tpu.enqueue_indirect_dma source(%dma_start3A_15 : memref<128x128xf32, #tpu.memory_space<vmem>>) target(%dma_start3A_21 : memref<2048x128xf32, #tpu.memory_space<vmem_shared>>) offsets(%dma_start3A_18 : memref<128xi32, #tpu.memory_space<vmem>>) semaphore(%run_scoped3A_13 : memref<!tpu.dma_semaphore, #tpu.memory_space<semaphore_mem>>) {add = true}
      %dma_wait3A = arith.constant 256 : i32
      %dma_wait3A_22 = arith.constant 0 : i32
      %dma_wait3A_23 = tpu.memref_slice %arg7[%dma_wait3A, %dma_wait3A_22] : memref<512x128xf32, #tpu.memory_space<vmem>> -> memref<128x128xf32, #tpu.memory_space<vmem>>
      %dma_wait3A_24 = arith.constant 0 : i32
      %dma_wait3A_25 = tpu.memref_slice %arg6[%run_scoped3A_6, %dma_wait3A_24] : memref<4x128xi32, #tpu.memory_space<vmem>> -> memref<1x128xi32, #tpu.memory_space<vmem>>
      %dma_wait3A_26 = tpu.memref_squeeze %dma_wait3A_25 : memref<1x128xi32, #tpu.memory_space<vmem>> -> memref<128xi32, #tpu.memory_space<vmem>>
      %dma_wait3A_27 = arith.constant 0 : i32
      %dma_wait3A_28 = arith.constant 0 : i32
      %dma_wait3A_29 = tpu.memref_slice %arg8[%dma_wait3A_27, %dma_wait3A_28] : memref<2048x128xf32, #tpu.memory_space<vmem_shared>> -> memref<2048x128xf32, #tpu.memory_space<vmem_shared>>
      tpu.wait_indirect_dma semaphore(%run_scoped3A_13 : memref<!tpu.dma_semaphore, #tpu.memory_space<semaphore_mem>>) src(%dma_wait3A_23 : memref<128x128xf32, #tpu.memory_space<vmem>>) dst(%dma_wait3A_29 : memref<2048x128xf32, #tpu.memory_space<vmem_shared>>)
      tpu.yield
    }) : () -> ()
    %run_scoped3A_7 = arith.constant 3 : i32
    "tpu.region"() ({
      %run_scoped3A_13 = tpu.sem_alloc : memref<!tpu.dma_semaphore, #tpu.memory_space<semaphore_mem>>
      %dma_start3A = arith.constant 384 : i32
      %dma_start3A_14 = arith.constant 0 : i32
      %dma_start3A_15 = tpu.memref_slice %arg7[%dma_start3A, %dma_start3A_14] : memref<512x128xf32, #tpu.memory_space<vmem>> -> memref<128x128xf32, #tpu.memory_space<vmem>>
      %dma_start3A_16 = arith.constant 0 : i32
      %dma_start3A_17 = tpu.memref_slice %arg6[%run_scoped3A_7, %dma_start3A_16] : memref<4x128xi32, #tpu.memory_space<vmem>> -> memref<1x128xi32, #tpu.memory_space<vmem>>
      %dma_start3A_18 = tpu.memref_squeeze %dma_start3A_17 : memref<1x128xi32, #tpu.memory_space<vmem>> -> memref<128xi32, #tpu.memory_space<vmem>>
      %dma_start3A_19 = arith.constant 0 : i32
      %dma_start3A_20 = arith.constant 0 : i32
      %dma_start3A_21 = tpu.memref_slice %arg8[%dma_start3A_19, %dma_start3A_20] : memref<2048x128xf32, #tpu.memory_space<vmem_shared>> -> memref<2048x128xf32, #tpu.memory_space<vmem_shared>>
      tpu.enqueue_indirect_dma source(%dma_start3A_15 : memref<128x128xf32, #tpu.memory_space<vmem>>) target(%dma_start3A_21 : memref<2048x128xf32, #tpu.memory_space<vmem_shared>>) offsets(%dma_start3A_18 : memref<128xi32, #tpu.memory_space<vmem>>) semaphore(%run_scoped3A_13 : memref<!tpu.dma_semaphore, #tpu.memory_space<semaphore_mem>>) {add = true}
      %dma_wait3A = arith.constant 384 : i32
      %dma_wait3A_22 = arith.constant 0 : i32
      %dma_wait3A_23 = tpu.memref_slice %arg7[%dma_wait3A, %dma_wait3A_22] : memref<512x128xf32, #tpu.memory_space<vmem>> -> memref<128x128xf32, #tpu.memory_space<vmem>>
      %dma_wait3A_24 = arith.constant 0 : i32
      %dma_wait3A_25 = tpu.memref_slice %arg6[%run_scoped3A_7, %dma_wait3A_24] : memref<4x128xi32, #tpu.memory_space<vmem>> -> memref<1x128xi32, #tpu.memory_space<vmem>>
      %dma_wait3A_26 = tpu.memref_squeeze %dma_wait3A_25 : memref<1x128xi32, #tpu.memory_space<vmem>> -> memref<128xi32, #tpu.memory_space<vmem>>
      %dma_wait3A_27 = arith.constant 0 : i32
      %dma_wait3A_28 = arith.constant 0 : i32
      %dma_wait3A_29 = tpu.memref_slice %arg8[%dma_wait3A_27, %dma_wait3A_28] : memref<2048x128xf32, #tpu.memory_space<vmem_shared>> -> memref<2048x128xf32, #tpu.memory_space<vmem_shared>>
      tpu.wait_indirect_dma semaphore(%run_scoped3A_13 : memref<!tpu.dma_semaphore, #tpu.memory_space<semaphore_mem>>) src(%dma_wait3A_23 : memref<128x128xf32, #tpu.memory_space<vmem>>) dst(%dma_wait3A_29 : memref<2048x128xf32, #tpu.memory_space<vmem_shared>>)
      tpu.yield
    }) : () -> ()
    %barrier3A_8 = arith.constant 0 : index
    tpu.barrier barrier_id(%barrier3A_8)
    %mul3A_9 = arith.constant 128 : i32
    %mul3A_10 = arith.muli %arg1, %mul3A_9 : i32
    %mul3A_11 = arith.constant 128 : i32
    %mul3A_12 = arith.muli %arg1, %mul3A_11 : i32
    "tpu.region"() ({
      %run_scoped3A_13 = tpu.sem_alloc : memref<!tpu.dma_semaphore, #tpu.memory_space<semaphore_mem>>
      %dma_start3A = arith.constant 0 : i32
      %dma_start3A_14 = tpu.memref_slice %arg5[%arg0, %mul3A_12, %dma_start3A] : memref<2x2048x128xf32, #tpu.memory_space<hbm>> -> memref<1x128x128xf32, #tpu.memory_space<hbm>>
      %dma_start3A_15 = tpu.memref_squeeze %dma_start3A_14 : memref<1x128x128xf32, #tpu.memory_space<hbm>> -> memref<128x128xf32, #tpu.memory_space<hbm>>
      %dma_start3A_16 = arith.constant 0 : i32
      %dma_start3A_17 = tpu.memref_slice %arg8[%mul3A_10, %dma_start3A_16] : memref<2048x128xf32, #tpu.memory_space<vmem_shared>> -> memref<128x128xf32, #tpu.memory_space<vmem_shared>>
      tpu.enqueue_dma source(%dma_start3A_17 : memref<128x128xf32, #tpu.memory_space<vmem_shared>>) target(%dma_start3A_15 : memref<128x128xf32, #tpu.memory_space<hbm>>) target_semaphore(%run_scoped3A_13 : memref<!tpu.dma_semaphore, #tpu.memory_space<semaphore_mem>>)
      %dma_wait3A = arith.constant 0 : i32
      %dma_wait3A_18 = tpu.memref_slice %arg5[%arg0, %mul3A_12, %dma_wait3A] : memref<2x2048x128xf32, #tpu.memory_space<hbm>> -> memref<1x128x128xf32, #tpu.memory_space<hbm>>
      %dma_wait3A_19 = tpu.memref_squeeze %dma_wait3A_18 : memref<1x128x128xf32, #tpu.memory_space<hbm>> -> memref<128x128xf32, #tpu.memory_space<hbm>>
      %dma_wait3A_20 = arith.constant 0 : i32
      %dma_wait3A_21 = tpu.memref_slice %arg8[%mul3A_10, %dma_wait3A_20] : memref<2048x128xf32, #tpu.memory_space<vmem_shared>> -> memref<128x128xf32, #tpu.memory_space<vmem_shared>>
      tpu.wait_dma2 semaphore(%run_scoped3A_13 : memref<!tpu.dma_semaphore, #tpu.memory_space<semaphore_mem>>) src(%dma_wait3A_21 : memref<128x128xf32, #tpu.memory_space<vmem_shared>>) dst(%dma_wait3A_19 : memref<128x128xf32, #tpu.memory_space<hbm>>)
      tpu.yield
    }) : () -> ()
    return
  }
}

module attributes {stable_mosaic.version = 14 : i64} {
  func.func @_proj_body(%arg0: memref<2048x128xf32, #tpu.memory_space<vmem>>, %arg1: memref<128x64xf32, #tpu.memory_space<vmem>>, %arg2: memref<1x64xf32, #tpu.memory_space<vmem>>, %arg3: memref<16384x16xf32, #tpu.memory_space<vmem>>, %arg4: memref<16x64xf32, #tpu.memory_space<vmem>>, %arg5: memref<1x64xf32, #tpu.memory_space<vmem>>, %arg6: memref<64x64xf32, #tpu.memory_space<vmem>>, %arg7: memref<1x64xf32, #tpu.memory_space<vmem>>, %arg8: memref<64x64xf32, #tpu.memory_space<vmem>>, %arg9: memref<64x64xf32, #tpu.memory_space<vmem>>, %arg10: memref<2048x64xf32, #tpu.memory_space<vmem>>, %arg11: memref<16384x64xf32, #tpu.memory_space<vmem>>, %arg12: memref<2048x128xf32, #tpu.memory_space<vmem>>) attributes {dimension_semantics = [], scalar_prefetch = 0 : i64, scratch_operands = 0 : i64, tpu.core_type = #tpu.core_type<tc>} {
    %get3A = arith.constant 0 : index
    %get3A_0 = arith.constant 0 : index
    %get3A_1 = vector.load %arg0[%get3A, %get3A_0] : memref<2048x128xf32, #tpu.memory_space<vmem>>, vector<2048x128xf32>
    %get3A_2 = arith.constant 0 : index
    %get3A_3 = arith.constant 0 : index
    %get3A_4 = vector.load %arg1[%get3A_2, %get3A_3] : memref<128x64xf32, #tpu.memory_space<vmem>>, vector<128x64xf32>
    %dot_general3A = arith.constant dense<0.000000e+00> : vector<2048x64xf32>
    %dot_general3A_5 = tpu.matmul %get3A_1, %get3A_4, %dot_general3A {dimension_numbers = #tpu.dot_dimension_numbers<[1], [0], [0], [1], [0, 0, 1, 1], [], []>, transpose_lhs_hint = false} : vector<2048x128xf32>, vector<128x64xf32>, vector<2048x64xf32> -> vector<2048x64xf32>
    %get3A_6 = arith.constant 0 : index
    %get3A_7 = arith.constant 0 : index
    %get3A_8 = vector.load %arg2[%get3A_6, %get3A_7] : memref<1x64xf32, #tpu.memory_space<vmem>>, vector<1x64xf32>
    %add3A = vector.broadcast %get3A_8 : vector<1x64xf32> to vector<2048x64xf32>
    %add3A_9 = arith.addf %dot_general3A_5, %add3A : vector<2048x64xf32>
    %ge3A = arith.constant 0.000000e+00 : f32
    %ge3A_10 = vector.broadcast %ge3A : f32 to vector<2048x64xf32>
    %ge3A_11 = arith.cmpf oge, %add3A_9, %ge3A_10 : vector<2048x64xf32>
    %mul3A = arith.constant 0.00999999977 : f32
    %mul3A_12 = vector.broadcast %mul3A : f32 to vector<2048x64xf32>
    %mul3A_13 = arith.mulf %mul3A_12, %add3A_9 : vector<2048x64xf32>
    %select_n3A = arith.select %ge3A_11, %add3A_9, %mul3A_13 : vector<2048x64xi1>, vector<2048x64xf32>
    %swap3A = arith.constant 0 : index
    %swap3A_14 = arith.constant 0 : index
    %swap3A_15 = vector.load %arg10[%swap3A, %swap3A_14] : memref<2048x64xf32, #tpu.memory_space<vmem>>, vector<2048x64xf32>
    tpu.vector_store %arg10[%swap3A, %swap3A_14], %select_n3A {strides = array<i32>} : memref<2048x64xf32, #tpu.memory_space<vmem>>, vector<2048x64xf32>,
    %get3A_16 = arith.constant 0 : index
    %get3A_17 = arith.constant 0 : index
    %get3A_18 = vector.load %arg3[%get3A_16, %get3A_17] : memref<16384x16xf32, #tpu.memory_space<vmem>>, vector<16384x16xf32>
    %get3A_19 = arith.constant 0 : index
    %get3A_20 = arith.constant 0 : index
    %get3A_21 = vector.load %arg4[%get3A_19, %get3A_20] : memref<16x64xf32, #tpu.memory_space<vmem>>, vector<16x64xf32>
    %dot_general3A_22 = arith.constant dense<0.000000e+00> : vector<16384x64xf32>
    %dot_general3A_23 = tpu.matmul %get3A_18, %get3A_21, %dot_general3A_22 {dimension_numbers = #tpu.dot_dimension_numbers<[1], [0], [0], [1], [0, 0, 1, 1], [], []>, transpose_lhs_hint = false} : vector<16384x16xf32>, vector<16x64xf32>, vector<16384x64xf32> -> vector<16384x64xf32>
    %get3A_24 = arith.constant 0 : index
    %get3A_25 = arith.constant 0 : index
    %get3A_26 = vector.load %arg5[%get3A_24, %get3A_25] : memref<1x64xf32, #tpu.memory_space<vmem>>, vector<1x64xf32>
    %add3A_27 = vector.broadcast %get3A_26 : vector<1x64xf32> to vector<16384x64xf32>
    %add3A_28 = arith.addf %dot_general3A_23, %add3A_27 : vector<16384x64xf32>
    %ge3A_29 = arith.constant 0.000000e+00 : f32
    %ge3A_30 = vector.broadcast %ge3A_29 : f32 to vector<16384x64xf32>
    %ge3A_31 = arith.cmpf oge, %add3A_28, %ge3A_30 : vector<16384x64xf32>
    %mul3A_32 = arith.constant 0.00999999977 : f32
    %mul3A_33 = vector.broadcast %mul3A_32 : f32 to vector<16384x64xf32>
    %mul3A_34 = arith.mulf %mul3A_33, %add3A_28 : vector<16384x64xf32>
    %select_n3A_35 = arith.select %ge3A_31, %add3A_28, %mul3A_34 : vector<16384x64xi1>, vector<16384x64xf32>
    %get3A_36 = arith.constant 0 : index
    %get3A_37 = arith.constant 0 : index
    %get3A_38 = vector.load %arg6[%get3A_36, %get3A_37] : memref<64x64xf32, #tpu.memory_space<vmem>>, vector<64x64xf32>
    %dot_general3A_39 = arith.constant dense<0.000000e+00> : vector<16384x64xf32>
    %dot_general3A_40 = tpu.matmul %select_n3A_35, %get3A_38, %dot_general3A_39 {dimension_numbers = #tpu.dot_dimension_numbers<[1], [0], [0], [1], [0, 0, 1, 1], [], []>, transpose_lhs_hint = false} : vector<16384x64xf32>, vector<64x64xf32>, vector<16384x64xf32> -> vector<16384x64xf32>
    %get3A_41 = arith.constant 0 : index
    %get3A_42 = arith.constant 0 : index
    %get3A_43 = vector.load %arg7[%get3A_41, %get3A_42] : memref<1x64xf32, #tpu.memory_space<vmem>>, vector<1x64xf32>
    %add3A_44 = vector.broadcast %get3A_43 : vector<1x64xf32> to vector<16384x64xf32>
    %add3A_45 = arith.addf %dot_general3A_40, %add3A_44 : vector<16384x64xf32>
    %swap3A_46 = arith.constant 0 : index
    %swap3A_47 = arith.constant 0 : index
    %swap3A_48 = vector.load %arg11[%swap3A_46, %swap3A_47] : memref<16384x64xf32, #tpu.memory_space<vmem>>, vector<16384x64xf32>
    tpu.vector_store %arg11[%swap3A_46, %swap3A_47], %add3A_45 {strides = array<i32>} : memref<16384x64xf32, #tpu.memory_space<vmem>>, vector<16384x64xf32>,
    %get3A_49 = arith.constant 0 : index
    %get3A_50 = arith.constant 0 : index
    %get3A_51 = vector.load %arg8[%get3A_49, %get3A_50] : memref<64x64xf32, #tpu.memory_space<vmem>>, vector<64x64xf32>
    %get3A_52 = arith.constant 0 : index
    %get3A_53 = arith.constant 0 : index
    %get3A_54 = vector.load %arg9[%get3A_52, %get3A_53] : memref<64x64xf32, #tpu.memory_space<vmem>>, vector<64x64xf32>
    %dot_general3A_55 = arith.constant dense<0.000000e+00> : vector<2048x64xf32>
    %dot_general3A_56 = tpu.matmul %select_n3A, %get3A_51, %dot_general3A_55 {dimension_numbers = #tpu.dot_dimension_numbers<[1], [0], [0], [1], [0, 0, 1, 1], [], []>, transpose_lhs_hint = false} : vector<2048x64xf32>, vector<64x64xf32>, vector<2048x64xf32> -> vector<2048x64xf32>
    %dot_general3A_57 = arith.constant dense<0.000000e+00> : vector<2048x64xf32>
    %dot_general3A_58 = tpu.matmul %select_n3A, %get3A_54, %dot_general3A_57 {dimension_numbers = #tpu.dot_dimension_numbers<[1], [0], [0], [1], [0, 0, 1, 1], [], []>, transpose_lhs_hint = false} : vector<2048x64xf32>, vector<64x64xf32>, vector<2048x64xf32> -> vector<2048x64xf32>
    %concatenate3A = tpu.concatenate %dot_general3A_56, %dot_general3A_58 in 1 : vector<2048x64xf32>, vector<2048x64xf32> -> vector<2048x128xf32>
    %swap3A_59 = arith.constant 0 : index
    %swap3A_60 = arith.constant 0 : index
    %swap3A_61 = vector.load %arg12[%swap3A_59, %swap3A_60] : memref<2048x128xf32, #tpu.memory_space<vmem>>, vector<2048x128xf32>
    tpu.vector_store %arg12[%swap3A_59, %swap3A_60], %concatenate3A {strides = array<i32>} : memref<2048x128xf32, #tpu.memory_space<vmem>>, vector<2048x128xf32>,
    return
  }
}

module attributes {stable_mosaic.version = 14 : i64} {
  func.func @_edge_mid_body(%arg0: i32, %arg1: memref<2048x128xf32, #tpu.memory_space<vmem>>, %arg2: memref<2048x128xf32, #tpu.memory_space<vmem>>, %arg3: memref<2048x64xf32, #tpu.memory_space<vmem>>, %arg4: memref<64x1xf32, #tpu.memory_space<vmem>>, %arg5: memref<1x1xf32, #tpu.memory_space<vmem>>, %arg6: memref<64x64xf32, #tpu.memory_space<vmem>>, %arg7: memref<1x64xf32, #tpu.memory_space<vmem>>, %arg8: memref<64x64xf32, #tpu.memory_space<vmem>>, %arg9: memref<1x64xf32, #tpu.memory_space<vmem>>, %arg10: memref<2048x128xf32, #tpu.memory_space<vmem>>, %arg11: memref<2048x64xf32, #tpu.memory_space<vmem>>) attributes {dimension_semantics = [#tpu.dimension_semantics<arbitrary>], iteration_bounds = array<i64: 8>, scalar_prefetch = 0 : i64, scratch_operands = 0 : i64, tpu.core_type = #tpu.core_type<tc>, window_params = [{transform_indices = @transform_0, window_bounds = array<i64: 2048, 128>}, {transform_indices = @transform_1, window_bounds = array<i64: 2048, 128>}, {transform_indices = @transform_2, window_bounds = array<i64: 2048, 64>}, {pipeline_mode = #tpu.pipeline_mode<synchronous>, transform_indices = @transform_3, window_bounds = array<i64: 64, 1>}, {pipeline_mode = #tpu.pipeline_mode<synchronous>, transform_indices = @transform_4, window_bounds = array<i64: 1, 1>}, {pipeline_mode = #tpu.pipeline_mode<synchronous>, transform_indices = @transform_5, window_bounds = array<i64: 64, 64>}, {pipeline_mode = #tpu.pipeline_mode<synchronous>, transform_indices = @transform_6, window_bounds = array<i64: 1, 64>}, {pipeline_mode = #tpu.pipeline_mode<synchronous>, transform_indices = @transform_7, window_bounds = array<i64: 64, 64>}, {pipeline_mode = #tpu.pipeline_mode<synchronous>, transform_indices = @transform_8, window_bounds = array<i64: 1, 64>}, {transform_indices = @transform_9, window_bounds = array<i64: 2048, 128>}, {transform_indices = @transform_10, window_bounds = array<i64: 2048, 64>}]} {
    %get3A = arith.constant 0 : index
    %get3A_0 = arith.constant 0 : index
    %get3A_1 = vector.load %arg1[%get3A, %get3A_0] : memref<2048x128xf32, #tpu.memory_space<vmem>>, vector<2048x64xf32>
    %get3A_2 = arith.constant 0 : index
    %get3A_3 = arith.constant 64 : index
    %get3A_4 = vector.load %arg2[%get3A_2, %get3A_3] : memref<2048x128xf32, #tpu.memory_space<vmem>>, vector<2048x64xf32>
    %add3A = arith.addf %get3A_1, %get3A_4 : vector<2048x64xf32>
    %get3A_5 = arith.constant 0 : index
    %get3A_6 = arith.constant 0 : index
    %get3A_7 = vector.load %arg3[%get3A_5, %get3A_6] : memref<2048x64xf32, #tpu.memory_space<vmem>>, vector<2048x64xf32>
    %add3A_8 = arith.addf %add3A, %get3A_7 : vector<2048x64xf32>
    %ge3A = arith.constant 0.000000e+00 : f32
    %ge3A_9 = vector.broadcast %ge3A : f32 to vector<2048x64xf32>
    %ge3A_10 = arith.cmpf oge, %add3A_8, %ge3A_9 : vector<2048x64xf32>
    %mul3A = arith.constant 0.00999999977 : f32
    %mul3A_11 = vector.broadcast %mul3A : f32 to vector<2048x64xf32>
    %mul3A_12 = arith.mulf %mul3A_11, %add3A_8 : vector<2048x64xf32>
    %select_n3A = arith.select %ge3A_10, %add3A_8, %mul3A_12 : vector<2048x64xi1>, vector<2048x64xf32>
    %get3A_13 = arith.constant 0 : index
    %get3A_14 = arith.constant 0 : index
    %get3A_15 = vector.load %arg4[%get3A_13, %get3A_14] : memref<64x1xf32, #tpu.memory_space<vmem>>, vector<64x1xf32>
    %dot_general3A = arith.constant dense<0.000000e+00> : vector<2048x1xf32>
    %dot_general3A_16 = tpu.matmul %select_n3A, %get3A_15, %dot_general3A {dimension_numbers = #tpu.dot_dimension_numbers<[1], [0], [0], [1], [0, 0, 1, 1], [], []>, transpose_lhs_hint = false} : vector<2048x64xf32>, vector<64x1xf32>, vector<2048x1xf32> -> vector<2048x1xf32>
    %get3A_17 = arith.constant 0 : index
    %get3A_18 = arith.constant 0 : index
    %get3A_19 = vector.load %arg5[%get3A_17, %get3A_18] : memref<1x1xf32, #tpu.memory_space<vmem>>, vector<1x1xf32>
    %add3A_20 = vector.broadcast %get3A_19 : vector<1x1xf32> to vector<2048x1xf32>
    %add3A_21 = arith.addf %dot_general3A_16, %add3A_20 : vector<2048x1xf32>
    %ge3A_22 = arith.constant 0.000000e+00 : f32
    %ge3A_23 = vector.broadcast %ge3A_22 : f32 to vector<2048x1xf32>
    %ge3A_24 = arith.cmpf oge, %add3A_21, %ge3A_23 : vector<2048x1xf32>
    %mul3A_25 = arith.constant 0.00999999977 : f32
    %mul3A_26 = vector.broadcast %mul3A_25 : f32 to vector<2048x1xf32>
    %mul3A_27 = arith.mulf %mul3A_26, %add3A_21 : vector<2048x1xf32>
    %select_n3A_28 = arith.select %ge3A_24, %add3A_21, %mul3A_27 : vector<2048x1xi1>, vector<2048x1xf32>
    %exp3A = math.exp %select_n3A_28 : vector<2048x1xf32>
    %broadcast_in_dim3A = arith.constant 0.000000e+00 : f32
    %broadcast_in_dim3A_29 = vector.broadcast %broadcast_in_dim3A : f32 to vector<2048x63xf32>
    %mul3A_30 = vector.broadcast %exp3A : vector<2048x1xf32> to vector<2048x64xf32>
    %mul3A_31 = arith.mulf %mul3A_30, %select_n3A : vector<2048x64xf32>
    %concatenate3A = tpu.concatenate %mul3A_31, %exp3A, %broadcast_in_dim3A_29 in 1 : vector<2048x64xf32>, vector<2048x1xf32>, vector<2048x63xf32> -> vector<2048x128xf32>
    %swap3A = arith.constant 0 : index
    %swap3A_32 = arith.constant 0 : index
    %swap3A_33 = vector.load %arg10[%swap3A, %swap3A_32] : memref<2048x128xf32, #tpu.memory_space<vmem>>, vector<2048x128xf32>
    tpu.vector_store %arg10[%swap3A, %swap3A_32], %concatenate3A {strides = array<i32>} : memref<2048x128xf32, #tpu.memory_space<vmem>>, vector<2048x128xf32>,
    %get3A_34 = arith.constant 0 : index
    %get3A_35 = arith.constant 0 : index
    %get3A_36 = vector.load %arg6[%get3A_34, %get3A_35] : memref<64x64xf32, #tpu.memory_space<vmem>>, vector<64x64xf32>
    %dot_general3A_37 = arith.constant dense<0.000000e+00> : vector<2048x64xf32>
    %dot_general3A_38 = tpu.matmul %select_n3A, %get3A_36, %dot_general3A_37 {dimension_numbers = #tpu.dot_dimension_numbers<[1], [0], [0], [1], [0, 0, 1, 1], [], []>, transpose_lhs_hint = false} : vector<2048x64xf32>, vector<64x64xf32>, vector<2048x64xf32> -> vector<2048x64xf32>
    %get3A_39 = arith.constant 0 : index
    %get3A_40 = arith.constant 0 : index
    %get3A_41 = vector.load %arg7[%get3A_39, %get3A_40] : memref<1x64xf32, #tpu.memory_space<vmem>>, vector<1x64xf32>
    %add3A_42 = vector.broadcast %get3A_41 : vector<1x64xf32> to vector<2048x64xf32>
    %add3A_43 = arith.addf %dot_general3A_38, %add3A_42 : vector<2048x64xf32>
    %ge3A_44 = arith.constant 0.000000e+00 : f32
    %ge3A_45 = vector.broadcast %ge3A_44 : f32 to vector<2048x64xf32>
    %ge3A_46 = arith.cmpf oge, %add3A_43, %ge3A_45 : vector<2048x64xf32>
    %mul3A_47 = arith.constant 0.00999999977 : f32
    %mul3A_48 = vector.broadcast %mul3A_47 : f32 to vector<2048x64xf32>
    %mul3A_49 = arith.mulf %mul3A_48, %add3A_43 : vector<2048x64xf32>
    %select_n3A_50 = arith.select %ge3A_46, %add3A_43, %mul3A_49 : vector<2048x64xi1>, vector<2048x64xf32>
    %get3A_51 = arith.constant 0 : index
    %get3A_52 = arith.constant 0 : index
    %get3A_53 = vector.load %arg8[%get3A_51, %get3A_52] : memref<64x64xf32, #tpu.memory_space<vmem>>, vector<64x64xf32>
    %dot_general3A_54 = arith.constant dense<0.000000e+00> : vector<2048x64xf32>
    %dot_general3A_55 = tpu.matmul %select_n3A_50, %get3A_53, %dot_general3A_54 {dimension_numbers = #tpu.dot_dimension_numbers<[1], [0], [0], [1], [0, 0, 1, 1], [], []>, transpose_lhs_hint = false} : vector<2048x64xf32>, vector<64x64xf32>, vector<2048x64xf32> -> vector<2048x64xf32>
    %get3A_56 = arith.constant 0 : index
    %get3A_57 = arith.constant 0 : index
    %get3A_58 = vector.load %arg9[%get3A_56, %get3A_57] : memref<1x64xf32, #tpu.memory_space<vmem>>, vector<1x64xf32>
    %add3A_59 = vector.broadcast %get3A_58 : vector<1x64xf32> to vector<2048x64xf32>
    %add3A_60 = arith.addf %dot_general3A_55, %add3A_59 : vector<2048x64xf32>
    %swap3A_61 = arith.constant 0 : index
    %swap3A_62 = arith.constant 0 : index
    %swap3A_63 = vector.load %arg11[%swap3A_61, %swap3A_62] : memref<2048x64xf32, #tpu.memory_space<vmem>>, vector<2048x64xf32>
    tpu.vector_store %arg11[%swap3A_61, %swap3A_62], %add3A_60 {strides = array<i32>} : memref<2048x64xf32, #tpu.memory_space<vmem>>, vector<2048x64xf32>,
    return
  }
  func.func @transform_0(%arg0: i32) -> (i32, i32) {
    %c0_i32 = arith.constant 0 : i32
    %c0_i32_0 = arith.constant 0 : i32
    return %arg0, %c0_i32 : i32, i32
  }
  func.func @transform_1(%arg0: i32) -> (i32, i32) {
    %c0_i32 = arith.constant 0 : i32
    %c0_i32_0 = arith.constant 0 : i32
    return %arg0, %c0_i32 : i32, i32
  }
  func.func @transform_2(%arg0: i32) -> (i32, i32) {
    %c0_i32 = arith.constant 0 : i32
    %c0_i32_0 = arith.constant 0 : i32
    return %arg0, %c0_i32 : i32, i32
  }
  func.func @transform_3(%arg0: i32) -> (i32, i32) {
    %c0_i32 = arith.constant 0 : i32
    %c0_i32_0 = arith.constant 0 : i32
    %c0_i32_1 = arith.constant 0 : i32
    return %c0_i32, %c0_i32_0 : i32, i32
  }
  func.func @transform_4(%arg0: i32) -> (i32, i32) {
    %c0_i32 = arith.constant 0 : i32
    %c0_i32_0 = arith.constant 0 : i32
    %c0_i32_1 = arith.constant 0 : i32
    return %c0_i32, %c0_i32_0 : i32, i32
  }
  func.func @transform_5(%arg0: i32) -> (i32, i32) {
    %c0_i32 = arith.constant 0 : i32
    %c0_i32_0 = arith.constant 0 : i32
    %c0_i32_1 = arith.constant 0 : i32
    return %c0_i32, %c0_i32_0 : i32, i32
  }
  func.func @transform_6(%arg0: i32) -> (i32, i32) {
    %c0_i32 = arith.constant 0 : i32
    %c0_i32_0 = arith.constant 0 : i32
    %c0_i32_1 = arith.constant 0 : i32
    return %c0_i32, %c0_i32_0 : i32, i32
  }
  func.func @transform_7(%arg0: i32) -> (i32, i32) {
    %c0_i32 = arith.constant 0 : i32
    %c0_i32_0 = arith.constant 0 : i32
    %c0_i32_1 = arith.constant 0 : i32
    return %c0_i32, %c0_i32_0 : i32, i32
  }
  func.func @transform_8(%arg0: i32) -> (i32, i32) {
    %c0_i32 = arith.constant 0 : i32
    %c0_i32_0 = arith.constant 0 : i32
    %c0_i32_1 = arith.constant 0 : i32
    return %c0_i32, %c0_i32_0 : i32, i32
  }
  func.func @transform_9(%arg0: i32) -> (i32, i32) {
    %c0_i32 = arith.constant 0 : i32
    %c0_i32_0 = arith.constant 0 : i32
    return %arg0, %c0_i32 : i32, i32
  }
  func.func @transform_10(%arg0: i32) -> (i32, i32) {
    %c0_i32 = arith.constant 0 : i32
    %c0_i32_0 = arith.constant 0 : i32
    return %arg0, %c0_i32 : i32, i32
  }
}

module attributes {stable_mosaic.version = 14 : i64} {
  func.func @_edge_last_body(%arg0: i32, %arg1: memref<2048x128xf32, #tpu.memory_space<vmem>>, %arg2: memref<2048x128xf32, #tpu.memory_space<vmem>>, %arg3: memref<2048x64xf32, #tpu.memory_space<vmem>>, %arg4: memref<64x1xf32, #tpu.memory_space<vmem>>, %arg5: memref<1x1xf32, #tpu.memory_space<vmem>>, %arg6: memref<2048x128xf32, #tpu.memory_space<vmem>>) attributes {dimension_semantics = [#tpu.dimension_semantics<arbitrary>], iteration_bounds = array<i64: 8>, scalar_prefetch = 0 : i64, scratch_operands = 0 : i64, tpu.core_type = #tpu.core_type<tc>, window_params = [{transform_indices = @transform_0, window_bounds = array<i64: 2048, 128>}, {transform_indices = @transform_1, window_bounds = array<i64: 2048, 128>}, {transform_indices = @transform_2, window_bounds = array<i64: 2048, 64>}, {pipeline_mode = #tpu.pipeline_mode<synchronous>, transform_indices = @transform_3, window_bounds = array<i64: 64, 1>}, {pipeline_mode = #tpu.pipeline_mode<synchronous>, transform_indices = @transform_4, window_bounds = array<i64: 1, 1>}, {transform_indices = @transform_5, window_bounds = array<i64: 2048, 128>}]} {
    %get3A = arith.constant 0 : index
    %get3A_0 = arith.constant 0 : index
    %get3A_1 = vector.load %arg1[%get3A, %get3A_0] : memref<2048x128xf32, #tpu.memory_space<vmem>>, vector<2048x64xf32>
    %get3A_2 = arith.constant 0 : index
    %get3A_3 = arith.constant 64 : index
    %get3A_4 = vector.load %arg2[%get3A_2, %get3A_3] : memref<2048x128xf32, #tpu.memory_space<vmem>>, vector<2048x64xf32>
    %add3A = arith.addf %get3A_1, %get3A_4 : vector<2048x64xf32>
    %get3A_5 = arith.constant 0 : index
    %get3A_6 = arith.constant 0 : index
    %get3A_7 = vector.load %arg3[%get3A_5, %get3A_6] : memref<2048x64xf32, #tpu.memory_space<vmem>>, vector<2048x64xf32>
    %add3A_8 = arith.addf %add3A, %get3A_7 : vector<2048x64xf32>
    %ge3A = arith.constant 0.000000e+00 : f32
    %ge3A_9 = vector.broadcast %ge3A : f32 to vector<2048x64xf32>
    %ge3A_10 = arith.cmpf oge, %add3A_8, %ge3A_9 : vector<2048x64xf32>
    %mul3A = arith.constant 0.00999999977 : f32
    %mul3A_11 = vector.broadcast %mul3A : f32 to vector<2048x64xf32>
    %mul3A_12 = arith.mulf %mul3A_11, %add3A_8 : vector<2048x64xf32>
    %select_n3A = arith.select %ge3A_10, %add3A_8, %mul3A_12 : vector<2048x64xi1>, vector<2048x64xf32>
    %get3A_13 = arith.constant 0 : index
    %get3A_14 = arith.constant 0 : index
    %get3A_15 = vector.load %arg4[%get3A_13, %get3A_14] : memref<64x1xf32, #tpu.memory_space<vmem>>, vector<64x1xf32>
    %dot_general3A = arith.constant dense<0.000000e+00> : vector<2048x1xf32>
    %dot_general3A_16 = tpu.matmul %select_n3A, %get3A_15, %dot_general3A {dimension_numbers = #tpu.dot_dimension_numbers<[1], [0], [0], [1], [0, 0, 1, 1], [], []>, transpose_lhs_hint = false} : vector<2048x64xf32>, vector<64x1xf32>, vector<2048x1xf32> -> vector<2048x1xf32>
    %get3A_17 = arith.constant 0 : index
    %get3A_18 = arith.constant 0 : index
    %get3A_19 = vector.load %arg5[%get3A_17, %get3A_18] : memref<1x1xf32, #tpu.memory_space<vmem>>, vector<1x1xf32>
    %add3A_20 = vector.broadcast %get3A_19 : vector<1x1xf32> to vector<2048x1xf32>
    %add3A_21 = arith.addf %dot_general3A_16, %add3A_20 : vector<2048x1xf32>
    %ge3A_22 = arith.constant 0.000000e+00 : f32
    %ge3A_23 = vector.broadcast %ge3A_22 : f32 to vector<2048x1xf32>
    %ge3A_24 = arith.cmpf oge, %add3A_21, %ge3A_23 : vector<2048x1xf32>
    %mul3A_25 = arith.constant 0.00999999977 : f32
    %mul3A_26 = vector.broadcast %mul3A_25 : f32 to vector<2048x1xf32>
    %mul3A_27 = arith.mulf %mul3A_26, %add3A_21 : vector<2048x1xf32>
    %select_n3A_28 = arith.select %ge3A_24, %add3A_21, %mul3A_27 : vector<2048x1xi1>, vector<2048x1xf32>
    %exp3A = math.exp %select_n3A_28 : vector<2048x1xf32>
    %broadcast_in_dim3A = arith.constant 0.000000e+00 : f32
    %broadcast_in_dim3A_29 = vector.broadcast %broadcast_in_dim3A : f32 to vector<2048x63xf32>
    %mul3A_30 = vector.broadcast %exp3A : vector<2048x1xf32> to vector<2048x64xf32>
    %mul3A_31 = arith.mulf %mul3A_30, %select_n3A : vector<2048x64xf32>
    %concatenate3A = tpu.concatenate %mul3A_31, %exp3A, %broadcast_in_dim3A_29 in 1 : vector<2048x64xf32>, vector<2048x1xf32>, vector<2048x63xf32> -> vector<2048x128xf32>
    %swap3A = arith.constant 0 : index
    %swap3A_32 = arith.constant 0 : index
    %swap3A_33 = vector.load %arg6[%swap3A, %swap3A_32] : memref<2048x128xf32, #tpu.memory_space<vmem>>, vector<2048x128xf32>
    tpu.vector_store %arg6[%swap3A, %swap3A_32], %concatenate3A {strides = array<i32>} : memref<2048x128xf32, #tpu.memory_space<vmem>>, vector<2048x128xf32>,
    return
  }
  func.func @transform_0(%arg0: i32) -> (i32, i32) {
    %c0_i32 = arith.constant 0 : i32
    %c0_i32_0 = arith.constant 0 : i32
    return %arg0, %c0_i32 : i32, i32
  }
  func.func @transform_1(%arg0: i32) -> (i32, i32) {
    %c0_i32 = arith.constant 0 : i32
    %c0_i32_0 = arith.constant 0 : i32
    return %arg0, %c0_i32 : i32, i32
  }
  func.func @transform_2(%arg0: i32) -> (i32, i32) {
    %c0_i32 = arith.constant 0 : i32
    %c0_i32_0 = arith.constant 0 : i32
    return %arg0, %c0_i32 : i32, i32
  }
  func.func @transform_3(%arg0: i32) -> (i32, i32) {
    %c0_i32 = arith.constant 0 : i32
    %c0_i32_0 = arith.constant 0 : i32
    %c0_i32_1 = arith.constant 0 : i32
    return %c0_i32, %c0_i32_0 : i32, i32
  }
  func.func @transform_4(%arg0: i32) -> (i32, i32) {
    %c0_i32 = arith.constant 0 : i32
    %c0_i32_0 = arith.constant 0 : i32
    %c0_i32_1 = arith.constant 0 : i32
    return %c0_i32, %c0_i32_0 : i32, i32
  }
  func.func @transform_5(%arg0: i32) -> (i32, i32) {
    %c0_i32 = arith.constant 0 : i32
    %c0_i32_0 = arith.constant 0 : i32
    return %arg0, %c0_i32 : i32, i32
  }
}

module attributes {stable_mosaic.version = 14 : i64} {
  func.func @_node_body(%arg0: memref<2x2048x128xf32, #tpu.memory_space<vmem>>, %arg1: memref<2048x64xf32, #tpu.memory_space<vmem>>, %arg2: memref<64x192xf32, #tpu.memory_space<vmem>>, %arg3: memref<64x192xf32, #tpu.memory_space<vmem>>, %arg4: memref<1x192xf32, #tpu.memory_space<vmem>>, %arg5: memref<1x192xf32, #tpu.memory_space<vmem>>, %arg6: memref<64x64xf32, #tpu.memory_space<vmem>>, %arg7: memref<64x64xf32, #tpu.memory_space<vmem>>, %arg8: memref<2048x64xf32, #tpu.memory_space<vmem>>, %arg9: memref<2048x128xf32, #tpu.memory_space<vmem>>) attributes {dimension_semantics = [], scalar_prefetch = 0 : i64, scratch_operands = 0 : i64, tpu.core_type = #tpu.core_type<tc>} {
    %get3A = arith.constant 0 : index
    %get3A_0 = arith.constant 0 : index
    %get3A_1 = arith.constant 0 : index
    %get3A_2 = vector.load %arg0[%get3A, %get3A_0, %get3A_1] : memref<2x2048x128xf32, #tpu.memory_space<vmem>>, vector<1x2048x128xf32>
    %get3A_3 = vector.shape_cast %get3A_2 : vector<1x2048x128xf32> to vector<2048x128xf32>
    %get3A_4 = arith.constant 1 : index
    %get3A_5 = arith.constant 0 : index
    %get3A_6 = arith.constant 0 : index
    %get3A_7 = vector.load %arg0[%get3A_4, %get3A_5, %get3A_6] : memref<2x2048x128xf32, #tpu.memory_space<vmem>>, vector<1x2048x128xf32>
    %get3A_8 = vector.shape_cast %get3A_7 : vector<1x2048x128xf32> to vector<2048x128xf32>
    %add3A = arith.addf %get3A_3, %get3A_8 : vector<2048x128xf32>
    %slice3A = vector.extract_strided_slice %add3A {offsets = [0, 0], sizes = [2048, 64], strides = [1, 1]} : vector<2048x128xf32> to vector<2048x64xf32>
    %slice3A_9 = vector.extract_strided_slice %add3A {offsets = [0, 64], sizes = [2048, 1], strides = [1, 1]} : vector<2048x128xf32> to vector<2048x1xf32>
    %max3A = arith.constant 1.000000e-30 : f32
    %max3A_10 = vector.broadcast %max3A : f32 to vector<2048x1xf32>
    %max3A_11 = arith.maximumf %slice3A_9, %max3A_10 : vector<2048x1xf32>
    %div3A = vector.broadcast %max3A_11 : vector<2048x1xf32> to vector<2048x64xf32>
    %div3A_12 = arith.divf %slice3A, %div3A : vector<2048x64xf32>
    %get3A_13 = arith.constant 0 : index
    %get3A_14 = arith.constant 0 : index
    %get3A_15 = vector.load %arg2[%get3A_13, %get3A_14] : memref<64x192xf32, #tpu.memory_space<vmem>>, vector<64x192xf32>
    %dot_general3A = arith.constant dense<0.000000e+00> : vector<2048x192xf32>
    %dot_general3A_16 = tpu.matmul %div3A_12, %get3A_15, %dot_general3A {dimension_numbers = #tpu.dot_dimension_numbers<[1], [0], [0], [1], [0, 0, 1, 1], [], []>, transpose_lhs_hint = false} : vector<2048x64xf32>, vector<64x192xf32>, vector<2048x192xf32> -> vector<2048x192xf32>
    %get3A_17 = arith.constant 0 : index
    %get3A_18 = arith.constant 0 : index
    %get3A_19 = vector.load %arg4[%get3A_17, %get3A_18] : memref<1x192xf32, #tpu.memory_space<vmem>>, vector<1x192xf32>
    %add3A_20 = vector.broadcast %get3A_19 : vector<1x192xf32> to vector<2048x192xf32>
    %add3A_21 = arith.addf %dot_general3A_16, %add3A_20 : vector<2048x192xf32>
    %get3A_22 = arith.constant 0 : index
    %get3A_23 = arith.constant 0 : index
    %get3A_24 = vector.load %arg1[%get3A_22, %get3A_23] : memref<2048x64xf32, #tpu.memory_space<vmem>>, vector<2048x64xf32>
    %get3A_25 = arith.constant 0 : index
    %get3A_26 = arith.constant 0 : index
    %get3A_27 = vector.load %arg3[%get3A_25, %get3A_26] : memref<64x192xf32, #tpu.memory_space<vmem>>, vector<64x192xf32>
    %dot_general3A_28 = arith.constant dense<0.000000e+00> : vector<2048x192xf32>
    %dot_general3A_29 = tpu.matmul %get3A_24, %get3A_27, %dot_general3A_28 {dimension_numbers = #tpu.dot_dimension_numbers<[1], [0], [0], [1], [0, 0, 1, 1], [], []>, transpose_lhs_hint = false} : vector<2048x64xf32>, vector<64x192xf32>, vector<2048x192xf32> -> vector<2048x192xf32>
    %get3A_30 = arith.constant 0 : index
    %get3A_31 = arith.constant 0 : index
    %get3A_32 = vector.load %arg5[%get3A_30, %get3A_31] : memref<1x192xf32, #tpu.memory_space<vmem>>, vector<1x192xf32>
    %add3A_33 = vector.broadcast %get3A_32 : vector<1x192xf32> to vector<2048x192xf32>
    %add3A_34 = arith.addf %dot_general3A_29, %add3A_33 : vector<2048x192xf32>
    %slice3A_35 = vector.extract_strided_slice %add3A_21 {offsets = [0, 0], sizes = [2048, 64], strides = [1, 1]} : vector<2048x192xf32> to vector<2048x64xf32>
    %slice3A_36 = vector.extract_strided_slice %add3A_34 {offsets = [0, 0], sizes = [2048, 64], strides = [1, 1]} : vector<2048x192xf32> to vector<2048x64xf32>
    %add3A_37 = arith.addf %slice3A_35, %slice3A_36 : vector<2048x64xf32>
    %logistic3A = arith.negf %add3A_37 : vector<2048x64xf32>
    %logistic3A_38 = math.exp %logistic3A : vector<2048x64xf32>
    %logistic3A_39 = arith.constant 1.000000e+00 : f32
    %logistic3A_40 = vector.broadcast %logistic3A_39 : f32 to vector<2048x64xf32>
    %logistic3A_41 = arith.addf %logistic3A_40, %logistic3A_38 : vector<2048x64xf32>
    %logistic3A_42 = arith.divf %logistic3A_40, %logistic3A_41 : vector<2048x64xf32>
    %slice3A_43 = vector.extract_strided_slice %add3A_21 {offsets = [0, 64], sizes = [2048, 64], strides = [1, 1]} : vector<2048x192xf32> to vector<2048x64xf32>
    %slice3A_44 = vector.extract_strided_slice %add3A_34 {offsets = [0, 64], sizes = [2048, 64], strides = [1, 1]} : vector<2048x192xf32> to vector<2048x64xf32>
    %add3A_45 = arith.addf %slice3A_43, %slice3A_44 : vector<2048x64xf32>
    %logistic3A_46 = arith.negf %add3A_45 : vector<2048x64xf32>
    %logistic3A_47 = math.exp %logistic3A_46 : vector<2048x64xf32>
    %logistic3A_48 = arith.constant 1.000000e+00 : f32
    %logistic3A_49 = vector.broadcast %logistic3A_48 : f32 to vector<2048x64xf32>
    %logistic3A_50 = arith.addf %logistic3A_49, %logistic3A_47 : vector<2048x64xf32>
    %logistic3A_51 = arith.divf %logistic3A_49, %logistic3A_50 : vector<2048x64xf32>
    %slice3A_52 = vector.extract_strided_slice %add3A_21 {offsets = [0, 128], sizes = [2048, 64], strides = [1, 1]} : vector<2048x192xf32> to vector<2048x64xf32>
    %slice3A_53 = vector.extract_strided_slice %add3A_34 {offsets = [0, 128], sizes = [2048, 64], strides = [1, 1]} : vector<2048x192xf32> to vector<2048x64xf32>
    %mul3A = arith.mulf %logistic3A_42, %slice3A_53 : vector<2048x64xf32>
    %add3A_54 = arith.addf %slice3A_52, %mul3A : vector<2048x64xf32>
    %tanh3A = math.tanh %add3A_54 : vector<2048x64xf32>
    %sub3A = arith.constant 1.000000e+00 : f32
    %sub3A_55 = vector.broadcast %sub3A : f32 to vector<2048x64xf32>
    %sub3A_56 = arith.subf %sub3A_55, %logistic3A_51 : vector<2048x64xf32>
    %mul3A_57 = arith.mulf %sub3A_56, %tanh3A : vector<2048x64xf32>
    %get3A_58 = arith.constant 0 : index
    %get3A_59 = arith.constant 0 : index
    %get3A_60 = vector.load %arg1[%get3A_58, %get3A_59] : memref<2048x64xf32, #tpu.memory_space<vmem>>, vector<2048x64xf32>
    %mul3A_61 = arith.mulf %logistic3A_51, %get3A_60 : vector<2048x64xf32>
    %add3A_62 = arith.addf %mul3A_57, %mul3A_61 : vector<2048x64xf32>
    %max3A_63 = arith.constant 0.000000e+00 : f32
    %max3A_64 = vector.broadcast %max3A_63 : f32 to vector<2048x64xf32>
    %max3A_65 = arith.maximumf %add3A_62, %max3A_64 : vector<2048x64xf32>
    %swap3A = arith.constant 0 : index
    %swap3A_66 = arith.constant 0 : index
    %swap3A_67 = vector.load %arg8[%swap3A, %swap3A_66] : memref<2048x64xf32, #tpu.memory_space<vmem>>, vector<2048x64xf32>
    tpu.vector_store %arg8[%swap3A, %swap3A_66], %max3A_65 {strides = array<i32>} : memref<2048x64xf32, #tpu.memory_space<vmem>>, vector<2048x64xf32>,
    %get3A_68 = arith.constant 0 : index
    %get3A_69 = arith.constant 0 : index
    %get3A_70 = vector.load %arg6[%get3A_68, %get3A_69] : memref<64x64xf32, #tpu.memory_space<vmem>>, vector<64x64xf32>
    %get3A_71 = arith.constant 0 : index
    %get3A_72 = arith.constant 0 : index
    %get3A_73 = vector.load %arg7[%get3A_71, %get3A_72] : memref<64x64xf32, #tpu.memory_space<vmem>>, vector<64x64xf32>
    %dot_general3A_74 = arith.constant dense<0.000000e+00> : vector<2048x64xf32>
    %dot_general3A_75 = tpu.matmul %max3A_65, %get3A_70, %dot_general3A_74 {dimension_numbers = #tpu.dot_dimension_numbers<[1], [0], [0], [1], [0, 0, 1, 1], [], []>, transpose_lhs_hint = false} : vector<2048x64xf32>, vector<64x64xf32>, vector<2048x64xf32> -> vector<2048x64xf32>
    %dot_general3A_76 = arith.constant dense<0.000000e+00> : vector<2048x64xf32>
    %dot_general3A_77 = tpu.matmul %max3A_65, %get3A_73, %dot_general3A_76 {dimension_numbers = #tpu.dot_dimension_numbers<[1], [0], [0], [1], [0, 0, 1, 1], [], []>, transpose_lhs_hint = false} : vector<2048x64xf32>, vector<64x64xf32>, vector<2048x64xf32> -> vector<2048x64xf32>
    %concatenate3A = tpu.concatenate %dot_general3A_75, %dot_general3A_77 in 1 : vector<2048x64xf32>, vector<2048x64xf32> -> vector<2048x128xf32>
    %swap3A_78 = arith.constant 0 : index
    %swap3A_79 = arith.constant 0 : index
    %swap3A_80 = vector.load %arg9[%swap3A_78, %swap3A_79] : memref<2048x128xf32, #tpu.memory_space<vmem>>, vector<2048x128xf32>
    tpu.vector_store %arg9[%swap3A_78, %swap3A_79], %concatenate3A {strides = array<i32>} : memref<2048x128xf32, #tpu.memory_space<vmem>>, vector<2048x128xf32>,
    return
  }
}

module attributes {stable_mosaic.version = 14 : i64} {
  func.func @_node_last_body(%arg0: memref<2x2048x128xf32, #tpu.memory_space<vmem>>, %arg1: memref<2048x64xf32, #tpu.memory_space<vmem>>, %arg2: memref<64x192xf32, #tpu.memory_space<vmem>>, %arg3: memref<64x192xf32, #tpu.memory_space<vmem>>, %arg4: memref<1x192xf32, #tpu.memory_space<vmem>>, %arg5: memref<1x192xf32, #tpu.memory_space<vmem>>, %arg6: memref<2048x64xf32, #tpu.memory_space<vmem>>) attributes {dimension_semantics = [], scalar_prefetch = 0 : i64, scratch_operands = 0 : i64, tpu.core_type = #tpu.core_type<tc>} {
    %get3A = arith.constant 0 : index
    %get3A_0 = arith.constant 0 : index
    %get3A_1 = arith.constant 0 : index
    %get3A_2 = vector.load %arg0[%get3A, %get3A_0, %get3A_1] : memref<2x2048x128xf32, #tpu.memory_space<vmem>>, vector<1x2048x128xf32>
    %get3A_3 = vector.shape_cast %get3A_2 : vector<1x2048x128xf32> to vector<2048x128xf32>
    %get3A_4 = arith.constant 1 : index
    %get3A_5 = arith.constant 0 : index
    %get3A_6 = arith.constant 0 : index
    %get3A_7 = vector.load %arg0[%get3A_4, %get3A_5, %get3A_6] : memref<2x2048x128xf32, #tpu.memory_space<vmem>>, vector<1x2048x128xf32>
    %get3A_8 = vector.shape_cast %get3A_7 : vector<1x2048x128xf32> to vector<2048x128xf32>
    %add3A = arith.addf %get3A_3, %get3A_8 : vector<2048x128xf32>
    %slice3A = vector.extract_strided_slice %add3A {offsets = [0, 0], sizes = [2048, 64], strides = [1, 1]} : vector<2048x128xf32> to vector<2048x64xf32>
    %slice3A_9 = vector.extract_strided_slice %add3A {offsets = [0, 64], sizes = [2048, 1], strides = [1, 1]} : vector<2048x128xf32> to vector<2048x1xf32>
    %max3A = arith.constant 1.000000e-30 : f32
    %max3A_10 = vector.broadcast %max3A : f32 to vector<2048x1xf32>
    %max3A_11 = arith.maximumf %slice3A_9, %max3A_10 : vector<2048x1xf32>
    %div3A = vector.broadcast %max3A_11 : vector<2048x1xf32> to vector<2048x64xf32>
    %div3A_12 = arith.divf %slice3A, %div3A : vector<2048x64xf32>
    %get3A_13 = arith.constant 0 : index
    %get3A_14 = arith.constant 0 : index
    %get3A_15 = vector.load %arg2[%get3A_13, %get3A_14] : memref<64x192xf32, #tpu.memory_space<vmem>>, vector<64x192xf32>
    %dot_general3A = arith.constant dense<0.000000e+00> : vector<2048x192xf32>
    %dot_general3A_16 = tpu.matmul %div3A_12, %get3A_15, %dot_general3A {dimension_numbers = #tpu.dot_dimension_numbers<[1], [0], [0], [1], [0, 0, 1, 1], [], []>, transpose_lhs_hint = false} : vector<2048x64xf32>, vector<64x192xf32>, vector<2048x192xf32> -> vector<2048x192xf32>
    %get3A_17 = arith.constant 0 : index
    %get3A_18 = arith.constant 0 : index
    %get3A_19 = vector.load %arg4[%get3A_17, %get3A_18] : memref<1x192xf32, #tpu.memory_space<vmem>>, vector<1x192xf32>
    %add3A_20 = vector.broadcast %get3A_19 : vector<1x192xf32> to vector<2048x192xf32>
    %add3A_21 = arith.addf %dot_general3A_16, %add3A_20 : vector<2048x192xf32>
    %get3A_22 = arith.constant 0 : index
    %get3A_23 = arith.constant 0 : index
    %get3A_24 = vector.load %arg1[%get3A_22, %get3A_23] : memref<2048x64xf32, #tpu.memory_space<vmem>>, vector<2048x64xf32>
    %get3A_25 = arith.constant 0 : index
    %get3A_26 = arith.constant 0 : index
    %get3A_27 = vector.load %arg3[%get3A_25, %get3A_26] : memref<64x192xf32, #tpu.memory_space<vmem>>, vector<64x192xf32>
    %dot_general3A_28 = arith.constant dense<0.000000e+00> : vector<2048x192xf32>
    %dot_general3A_29 = tpu.matmul %get3A_24, %get3A_27, %dot_general3A_28 {dimension_numbers = #tpu.dot_dimension_numbers<[1], [0], [0], [1], [0, 0, 1, 1], [], []>, transpose_lhs_hint = false} : vector<2048x64xf32>, vector<64x192xf32>, vector<2048x192xf32> -> vector<2048x192xf32>
    %get3A_30 = arith.constant 0 : index
    %get3A_31 = arith.constant 0 : index
    %get3A_32 = vector.load %arg5[%get3A_30, %get3A_31] : memref<1x192xf32, #tpu.memory_space<vmem>>, vector<1x192xf32>
    %add3A_33 = vector.broadcast %get3A_32 : vector<1x192xf32> to vector<2048x192xf32>
    %add3A_34 = arith.addf %dot_general3A_29, %add3A_33 : vector<2048x192xf32>
    %slice3A_35 = vector.extract_strided_slice %add3A_21 {offsets = [0, 0], sizes = [2048, 64], strides = [1, 1]} : vector<2048x192xf32> to vector<2048x64xf32>
    %slice3A_36 = vector.extract_strided_slice %add3A_34 {offsets = [0, 0], sizes = [2048, 64], strides = [1, 1]} : vector<2048x192xf32> to vector<2048x64xf32>
    %add3A_37 = arith.addf %slice3A_35, %slice3A_36 : vector<2048x64xf32>
    %logistic3A = arith.negf %add3A_37 : vector<2048x64xf32>
    %logistic3A_38 = math.exp %logistic3A : vector<2048x64xf32>
    %logistic3A_39 = arith.constant 1.000000e+00 : f32
    %logistic3A_40 = vector.broadcast %logistic3A_39 : f32 to vector<2048x64xf32>
    %logistic3A_41 = arith.addf %logistic3A_40, %logistic3A_38 : vector<2048x64xf32>
    %logistic3A_42 = arith.divf %logistic3A_40, %logistic3A_41 : vector<2048x64xf32>
    %slice3A_43 = vector.extract_strided_slice %add3A_21 {offsets = [0, 64], sizes = [2048, 64], strides = [1, 1]} : vector<2048x192xf32> to vector<2048x64xf32>
    %slice3A_44 = vector.extract_strided_slice %add3A_34 {offsets = [0, 64], sizes = [2048, 64], strides = [1, 1]} : vector<2048x192xf32> to vector<2048x64xf32>
    %add3A_45 = arith.addf %slice3A_43, %slice3A_44 : vector<2048x64xf32>
    %logistic3A_46 = arith.negf %add3A_45 : vector<2048x64xf32>
    %logistic3A_47 = math.exp %logistic3A_46 : vector<2048x64xf32>
    %logistic3A_48 = arith.constant 1.000000e+00 : f32
    %logistic3A_49 = vector.broadcast %logistic3A_48 : f32 to vector<2048x64xf32>
    %logistic3A_50 = arith.addf %logistic3A_49, %logistic3A_47 : vector<2048x64xf32>
    %logistic3A_51 = arith.divf %logistic3A_49, %logistic3A_50 : vector<2048x64xf32>
    %slice3A_52 = vector.extract_strided_slice %add3A_21 {offsets = [0, 128], sizes = [2048, 64], strides = [1, 1]} : vector<2048x192xf32> to vector<2048x64xf32>
    %slice3A_53 = vector.extract_strided_slice %add3A_34 {offsets = [0, 128], sizes = [2048, 64], strides = [1, 1]} : vector<2048x192xf32> to vector<2048x64xf32>
    %mul3A = arith.mulf %logistic3A_42, %slice3A_53 : vector<2048x64xf32>
    %add3A_54 = arith.addf %slice3A_52, %mul3A : vector<2048x64xf32>
    %tanh3A = math.tanh %add3A_54 : vector<2048x64xf32>
    %sub3A = arith.constant 1.000000e+00 : f32
    %sub3A_55 = vector.broadcast %sub3A : f32 to vector<2048x64xf32>
    %sub3A_56 = arith.subf %sub3A_55, %logistic3A_51 : vector<2048x64xf32>
    %mul3A_57 = arith.mulf %sub3A_56, %tanh3A : vector<2048x64xf32>
    %get3A_58 = arith.constant 0 : index
    %get3A_59 = arith.constant 0 : index
    %get3A_60 = vector.load %arg1[%get3A_58, %get3A_59] : memref<2048x64xf32, #tpu.memory_space<vmem>>, vector<2048x64xf32>
    %mul3A_61 = arith.mulf %logistic3A_51, %get3A_60 : vector<2048x64xf32>
    %add3A_62 = arith.addf %mul3A_57, %mul3A_61 : vector<2048x64xf32>
    %swap3A = arith.constant 0 : index
    %swap3A_63 = arith.constant 0 : index
    %swap3A_64 = vector.load %arg6[%swap3A, %swap3A_63] : memref<2048x64xf32, #tpu.memory_space<vmem>>, vector<2048x64xf32>
    tpu.vector_store %arg6[%swap3A, %swap3A_63], %add3A_62 {strides = array<i32>} : memref<2048x64xf32, #tpu.memory_space<vmem>>, vector<2048x64xf32>,
    return
  }
}

</mosaic_0001>

<sc_bundles>
// kernel: kernel.19.cloned.1.call-start
scs
__scs_entry_jumppad:
0x0: {  	(pc) =	sbr.rel $0x88, $3  }
0x1: {  	(tag) =	ssettag $0x0;
	lr =	simm.s32 $0x1  }
0x2: {  	[smem:$0x3F8F] =	sst lr;
	_ =	strace $0xD0000000  }
0x3: {  	_ = 	snop  }
0x4: {  	_ = 	snop  }
0x5: {  	_ = 	snop  }
0x6: {  	_ = 	snop  }
0x7: {  	_ = 	snop  }
__scs_overlays_trampoline_lowered:
0x8: {  	[smem:$0x3F9E] =	sst s0  }
0x9: {  	[smem:$0x3F9F] =	sst s1  }
0xa: {  	[smem:$0x3FA0] =	sst s2  }
0xb: {  	[smem:$0x3FA1] =	sst s3  }
0xc: {  	[smem:$0x3FA2] =	sst s4  }
0xd: {  	[smem:$0x3FA3] =	sst s5  }
0xe: {  	[smem:$0x3FA4] =	sst s6  }
0xf: {  	[smem:$0x3FA5] =	sst s7  }
0x10: {  	[smem:$0x3FA6] =	sst s8  }
0x11: {  	[smem:$0x3FA7] =	sst s9;
	s0 =	simm.s32 @!p0 $0x0  }
0x12: {  	s1 =	sld [smem:$0x3F8D];
	s0 =	simm.s32 @p0 $0x1  }
0x13: {  	[smem:$0x3FA8] =	sst s0;
	s0 =	simm.s32 @!p1 $0x0  }
0x14: {  	s2 =	sld [smem:$0x3F8C];
	s0 =	simm.s32 @p1 $0x1  }
0x15: {  	[smem:$0x3FA9] =	sst s0;
	s0 =	simm.s32 @!p2 $0x0  }
0x16: {  	s3 =	sld [smem:$0x3FDB];
	s0 =	simm.s32 @p2 $0x1  }
0x17: {  	s4 =	simm.s32 $0x1BF5;
	[smem:$0x3FAB] =	sst s0  }
0x18: {  	s0 =	sld [smem:$0x3F8E];
	_ =	swait.ge [sflag:s4], $0x0  }
0x19: {  	s7 =	sld [smem:$0x3F8F]  }
0x1a: {  	s8 =	sadd.s32 $0xFFFFE003, lr  }
0x1b: {  	s9 =	sadd.s32 $0xFFFFFEF7, lr;
	s5 =	simm.s32 $0xFFFFFFFF;
	p2 =	slt.u32 s8, $0xFFFFF086  }
0x1c: {  	p1 =	slt.u32 s9, $0xF7A;
	s5 =	simm.s32 @!p2 $0x0  }
0x1d: {  	s5 =	simm.s32 @p1 $0x1;
	p0 =	seq.s32 s7, s2  }
0x1e: {  	s7 =	smul.u32 @!p0 $0xF7A, s2;
	p2 =	seq.s32 @!p0 s5, $0x0  }
0x1f: {  	s9 =	smul.u32 $0xF7A, s1;
	s8 =	simm.s32 @!p0 $0x1BF5;
	p2 =	por !p2, p0  }
0x20: {  	[sflag:s8] =	ssyncset.s32 @!p0 $0xFFFFF086;
	s6 =	sadd.s32 @!p0 s3, s7;
	s7 =	simm.s32 @!p0 $0x108  }
0x21: {  	s3 =	sadd.s32 s3, s9;
	s6 =	sadd.s32 @!p0 $0x88, s6;
	s7 =	simm.s32 @p2 $0x1082  }
0x22: {  	[simem:s7], [sflag:s8] =	dma.local @!p0 [hbm:s6], $0xF7A  }
0x23: {  	s9 =	sor.u32 $0xD0000000, s2;
	s6 =	simm.s32 $0x108;
	_ =	swait.ge @!p0 [sflag:s8], $0x0  }
0x24: {  	s3 =	sadd.s32 $0x88, s3;
	s6 =	simm.s32 @!p1 $0x1082;
	[sflag:s4] =	ssyncset.s32 $0xFFFFF086  }
0x25: {  	[simem:s6], [sflag:s4] =	dma.local [hbm:s3], $0xF7A  }
0x26: {  	[smem:$0x3F8F] =	sst s1;
	(tag) =	ssettag s2;
	_ =	strace s9  }
0x27: {  	s1 =	sld [smem:$0x3F9F]  }
0x28: {  	s2 =	sld [smem:$0x3FA0]  }
0x29: {  	s4 =	sld [smem:$0x3FA2]  }
0x2a: {  	p0 =	seq.s32 s5, $0x0;
	s5 =	sld [smem:$0x3FA3]  }
0x2b: {  	s6 =	sld [smem:$0x3FA4]  }
0x2c: {  	s7 =	sld [smem:$0x3FA5]  }
0x2d: {  	s3 =	simm.s32 $0x108;
	s8 =	sld [smem:$0x3FA6]  }
0x2e: {  	s3 =	simm.s32 @!p0 $0x1082;
	s9 =	sld [smem:$0x3FA7]  }
0x2f: {  	lr =	sadd.s32 s0, s3;
	s0 =	sld [smem:$0x3F9E]  }
0x30: {  	s3 =	sld [smem:$0x3FA1]  }
0x31: {  	[smem:$0x3FAA] =	sst s10  }
0x32: {  	s10 =	sld [smem:$0x3FA8];
	_ =	sdelay $0x3  }
0x33: {  	p0 =	seq.s32 s10, $0x1;
	s10 =	sld [smem:$0x3FAA];
	_ =	sdelay $0x3  }
0x34: {  	[smem:$0x3FAA] =	sst s10  }
0x35: {  	s10 =	sld [smem:$0x3FA9];
	_ =	sdelay $0x3  }
0x36: {  	p1 =	seq.s32 s10, $0x1;
	s10 =	sld [smem:$0x3FAA];
	_ =	sdelay $0x3  }
0x37: {  	[smem:$0x3FAA] =	sst s10  }
0x38: {  	s10 =	sld [smem:$0x3FAB]  }
0x39: {  	_ = 	snop;
	(pc) =	sbr.ind lr, $3  }
0x3a: {  	_ = 	snop  }
0x3b: {  	_ = 	snop  }
0x3c: {  	p2 =	seq.s32 s10, $0x1;
	s10 =	sld [smem:$0x3FAA]  }
0x3d: {  	_ =	shalt  }
0x3e: {  	_ =	shalt  }
0x3f: {  	_ =	shalt  }
0x40: {  	_ =	shalt  }
0x41: {  	_ =	shalt  }
0x42: {  	_ =	shalt  }
0x43: {  	_ =	shalt  }
0x44: {  	_ =	shalt  }
0x45: {  	_ =	shalt  }
0x46: {  	_ =	shalt  }
0x47: {  	_ =	shalt  }
0x48: {  	_ =	shalt  }
0x49: {  	_ =	shalt  }
0x4a: {  	_ =	shalt  }
0x4b: {  	_ =	shalt  }
0x4c: {  	_ =	shalt  }
0x4d: {  	_ =	shalt  }
0x4e: {  	_ =	shalt  }
0x4f: {  	_ =	shalt  }
0x50: {  	_ =	shalt  }
0x51: {  	_ =	shalt  }
0x52: {  	_ =	shalt  }
0x53: {  	_ =	shalt  }
0x54: {  	_ =	shalt  }
0x55: {  	_ =	shalt  }
0x56: {  	_ =	shalt  }
0x57: {  	_ =	shalt  }
0x58: {  	_ =	shalt  }
0x59: {  	_ =	shalt  }
0x5a: {  	_ =	shalt  }
0x5b: {  	_ =	shalt  }
0x5c: {  	_ =	shalt  }
0x5d: {  	_ =	shalt  }
0x5e: {  	_ =	shalt  }
0x5f: {  	_ =	shalt  }
0x60: {  	_ =	shalt  }
0x61: {  	_ =	shalt  }
0x62: {  	_ =	shalt  }
0x63: {  	_ =	shalt  }
0x64: {  	_ =	shalt  }
0x65: {  	_ =	shalt  }
0x66: {  	_ =	shalt  }
0x67: {  	_ =	shalt  }
0x68: {  	_ =	shalt  }
0x69: {  	_ =	shalt  }
0x6a: {  	_ =	shalt  }
0x6b: {  	_ =	shalt  }
0x6c: {  	_ =	shalt  }
0x6d: {  	_ =	shalt  }
0x6e: {  	_ =	shalt  }
0x6f: {  	_ =	shalt  }
0x70: {  	_ =	shalt  }
0x71: {  	_ =	shalt  }
0x72: {  	_ =	shalt  }
0x73: {  	_ =	shalt  }
0x74: {  	_ =	shalt  }
0x75: {  	_ =	shalt  }
0x76: {  	_ =	shalt  }
0x77: {  	_ =	shalt  }
0x78: {  	_ =	shalt  }
0x79: {  	_ =	shalt  }
0x7a: {  	_ =	shalt  }
0x7b: {  	_ =	shalt  }
0x7c: {  	_ =	shalt  }
0x7d: {  	_ =	shalt  }
0x7e: {  	_ =	shalt  }
0x7f: {  	_ =	shalt  }
0x80: {  	_ =	shalt  }
0x81: {  	_ =	shalt  }
0x82: {  	_ =	shalt  }
0x83: {  	_ =	shalt  }
0x84: {  	_ =	shalt  }
0x85: {  	_ =	shalt  }
0x86: {  	_ =	shalt  }
0x87: {  	_ =	shalt  }
.Lfunc_end0:
.L_simem_size_0:
called_computation_lowered:
.L_overlay_start_0:
0x88: {  	s2 =	sld [smem:$0x3FD9]  }
0x89: {  	s3 =	sld [smem:$0x3FFE];
	_ =	sdelay $0x1  }
0x8a: {  	s1 =	srdreg.scid  }
0x8b: {  	s0 =	sand.u32 $0x1, s1  }
0x8c: {  	s17 =	sshll.u32 s0, $0xA;
	s2 =	sadd.s32 s3, s2  }
0x8d: {  	s2 =	sadd.s32 s2, s17  }
0x8e: {  	[smem:$0x3FB6] =	sst s2  }
0x8f: {  	_ = 	snop  }
0x90: {  	s2 =	sld [smem:$0x3FC7]  }
0x91: {  	s18 =	sld [smem:$0x3FC6];
	(tm) =	ssettm $0x1  }
0x92: {  	s4 =	sld [smem:$0x3FFB];
	_ =	sdelay $0x3  }
0x93: {  	_ =	strace s4  }
0x94: {  	s4 =	sld [smem:$0x3FFC];
	_ =	sdelay $0x3  }
0x95: {  	_ =	strace s4  }
0x96: {  	s4 =	sld [smem:$0x3FFD];
	_ =	sdelay $0x3  }
0x97: {  	_ =	strace s4  }
0x98: {  	_ =	strace $0x8FFFFFFF  }
0x99: {  	s19 =	sld [smem:$0x3FDB];
	_ =	sdelay $0x1  }
0x9a: {  	s5 =	simm.s32 $_scs_section_size  }
0x9b: {  	s6 =	simm.s32 $_size__tile_overlayer_lowered;
	s7 =	simm.s32 $_tile_overlayer_lowered  }
0x9c: {  	s22 =	simm.s32 $0x1BFF;
	s21 =	sshll.u32 s7, $0x1;
	s4 =	sadd.s32 s5, s19  }
0x9d: {  	s8 =	simm.s32 $0x0;
	s20 =	sshll.u32 s6, $0x1;
	s6 =	sadd.s32 s21, s4  }
0x9e: {  	[timem:s8], [sflag:s22] =	dma.local [hbm:s6], s20  }
0x9f: {  	_ =	swait.ge [sflag:s22], s20  }
0xa0: {  	s5 =	ssub.s32 $0x0, s20;
	[sflag:s22] =	ssyncset.done $0x0  }
0xa1: {  	[sflag:s22] =	ssyncadd.s32 s5;
	_ =	sdelay $0x1  }
0xa2: {  	s23 =	simm.s32 $0x1B8B  }
0xa3: {  	_ =	swait.ge [sflag:s23], $0x1  }
0xa4: {  	[sflag:s23] =	ssyncset.done $0x0  }
0xa5: {  	s25 =	simm.s32 $0x1B8E;
	s24 =	sld [smem:$0x3FFE];
	[sflag:s23] =	ssyncadd.s32 $0xFFFFFFFF  }
0xa6: {  	s26 =	simm.s32 $execute0_lowered;
	[smem:$0x3FD2] =	sst s25  }
0xa7: {  	s6 =	sshll.u32 s26, $0x1;
	_ =	strace $0x80000046;
	[dreg:$0x1] =	wrdreg $0xFFFFFFFF  }
0xa8: {  	s28 =	simm.s32 $_size_execute0_lowered;
	s4 =	sadd.s32 s4, s6;
	[dreg:$0x0] =	wrdreg $0x0  }
0xa9: {  	s6 =	sshll.u32 s28, $0x1;
	[dreg:$0x2] =	wrdreg s4  }
0xaa: {  	[dreg:$0x3] =	wrdreg s6  }
0xab: {  	[dreg:$0x4] =	wrdreg $0xC0  }
0xac: {  	_ =	task [dreg:s8], $0x5FFFF  }
0xad: {  	[dreg:$0x1] =	wrdreg $0xFFFFFFFF  }
0xae: {  	[dreg:$0x0] =	wrdreg $0x60  }
0xaf: {  	[dreg:$0x2] =	wrdreg s24  }
0xb0: {  	[dreg:$0x3] =	wrdreg s2  }
0xb1: {  	[dreg:$0x4] =	wrdreg s18  }
0xb2: {  	[dreg:$0x5] =	wrdreg $0x9  }
0xb3: {  	_ =	task.clear_ibuf [dreg:s8], $0x6FFFF;
	_ =	strace $0x90000046  }
0xb4: {  	s29 =	simm.s32 $0x9;
	_ =	strace $0x80000048  }
0xb5: {  	_ =	swait.ge [sflag:s29], $0x1  }
0xb6: {  	[sflag:s29] =	ssyncadd.s32 $0xFFFFFFFF  }
0xb7: {  	_ =	strace $0x90000048  }
0xb8: {  	_ =	sfence  }
0xb9: {  	s30 =	sld [smem:$0x0];
	_ =	sdelay $0x2  }
0xba: {  	s31 =	sshll.u32 s1, $0xD;
	s1 =	sshrl.u32 s1, $0x2  }
0xbb: {  	s3 =	sand.u32 $0x4000, s31;
	s1 =	sadd.s32 s1, s30  }
0xbc: {  	s0 =	sor.u32 s3, s0;
	s1 =	sshll.u32 s1, $0x11  }
0xbd: {  	s0 =	sor.u32 s1, s0  }
0xbe: {  	s0 =	sadd.s32 $0x8F2B, s0  }
0xbf: {  	[sflag:s0] =	ssyncadd.remote.s32 $0x1  }
0xc0: {  	_ =	sfence.sel $0xFFFF  }
0xc1: {  	[dreg:$0x0] =	wrdreg $0xFFFFFFFF;
	(pc) =	sbr.abs _section_cstart, $3  }
0xc2: {  	[dreg:$0x1] =	wrdreg $0xFFFFFFFF  }
0xc3: {  	_ =	task.clear_ibuf [dreg:s8], $0x2FFFF;
	_ =	strace $0x9FFFFFFF  }
0xc4: {  	(tm) =	ssettm $0x7FFFFFFF  }
0xc5: {  	_ =	shalt  }
tec
execute0_lowered:
.L_overlay_start_1:
0x0: {  	(tag) =	ssettag $0x1  }
0x1: {  	s16 =	rddreg [dreg:$0x0];
	s1 =	srdreg.scid  }
0x2: {  	s3 =	rddreg [dreg:$0x1];
	s0 =	stileid.u32;
	s21 =	sand.u32 $0x1, s1  }
0x3: {  	s5 =	rddreg [dreg:$0x2];
	s4 =	sshll.u32 s0, $0xA;
	s6 =	sshll.u32 s21, $0x9  }
0x4: {  	s2 =	simm.s32 $0x0;
	s1 =	rddreg [dreg:$0x3];
	s15 =	sor.u32 s6, s4  }
0x5: {  	[smem:$0x7FF] =	sst s2;
	s6 =	sshrl.u32 s15, $0x3  }
0x6: {  	_ =	strace $0x80000047;
	s4 =	sadd.s32 s3, s6;
	s3 =	simm.s32 $0x2  }
0x7: {  	[tilespmem:s2], [sflag:$0x2] =	stream.linear.gather [hbm4b:s4+s2], $0x200, $0x38;
	[tilespmem:$0x10400] =	vst v63  }
0x8: {  	_ =	swait.ge [sflag:s3], $0x200  }
0x9: {  	[sflag:s3] =	ssyncset.done $0x0  }
0xa: {  	s5 =	sadd.s32 s5, s6;
	s6 =	simm.s32 $0x200;
	[sflag:s3] =	ssyncadd.s32 $0xFFFFFE00  }
0xb: {  	[tilespmem:s6], [sflag:$0x2] =	stream.linear.gather [hbm4b:s5+s2], $0x200, $0x38;
	[tilespmem:$0x10400] =	vst v63  }
0xc: {  	_ =	swait.ge [sflag:s3], $0x200  }
0xd: {  	s8 =	simm.s32 $0x80;
	[sflag:s3] =	ssyncset.done $0x0  }
0xe: {  	s9 =	simm.s32 $0x400;
	s7 =	sadd.s32 $0x8A00, s16;
	[sflag:s3] =	ssyncadd.s32 $0xFFFFFE00  }
0xf: {  	[tilespmem:s9], [sflag:$0x1] =	stream.indirect.gather [hbm4b:s7+s8], $0x80, s2, s8, $0xb8;
	[tilespmem:$0x10400] =	vst v63  }
0x10: {  	s10 =	simm.s32 $0x8400  }
0x11: {  	[tilespmem:s10], [sflag:$0x1] =	stream.indirect.gather [hbm4b:s7+s8], $0x80, s6, s8, $0xb8;
	[tilespmem:$0x10400] =	vst v63  }
0x12: {  	s11 =	simm.s32 $0x4400  }
0x13: {  	[tilespmem:s11], [sflag:$0x1] =	stream.indirect.gather [hbm4b:s7+s8], $0x80, s8, s8, $0xb8;
	[tilespmem:$0x10400] =	vst v63  }
0x14: {  	s12 =	simm.s32 $0x280;
	s13 =	simm.s32 $0xC400;
	s14 =	simm.s32 $0x1  }
0x15: {  	[tilespmem:s13], [sflag:$0x1] =	stream.indirect.gather [hbm4b:s7+s8], $0x80, s12, s8, $0xb8;
	[tilespmem:$0x10400] =	vst v63  }
0x16: {  	_ =	swait.ge [sflag:s14], $0x4000  }
0x17: {  	[sflag:s14] =	ssyncset.done $0x0  }
0x18: {  	[sflag:s14] =	ssyncadd.s32 $0xFFFFC000  }
0x19: {  	_ =	swait.ge [sflag:s14], $0x4000  }
0x1a: {  	[sflag:s14] =	ssyncset.done $0x0  }
0x1b: {  	[sflag:s14] =	ssyncadd.s32 $0xFFFFC000  }
0x1c: {  	_ =	swait.ge [sflag:s14], $0x4000  }
0x1d: {  	[sflag:s14] =	ssyncset.done $0x0  }
0x1e: {  	[sflag:s14] =	ssyncadd.s32 $0xFFFFC000  }
0x1f: {  	_ =	swait.ge [sflag:s14], $0x4000  }
0x20: {  	s22 =	sadd.s32 $0x50A00, s16;
	s23 =	sshll.u32 s15, $0x4;
	[sflag:s14] =	ssyncset.done $0x0  }
0x21: {  	s15 =	sadd.s32 s22, s23;
	[sflag:s14] =	ssyncadd.s32 $0xFFFFC000  }
0x22: {  	[hbm4b:s15+s2] =	stream.linear.scatter [tilespmem:s9], [sflag:$0x2], $0x8000, $0x38;
	[tilespmem:$0x10400] =	vst v63  }
0x23: {  	_ =	swait.ge [sflag:s3], $0x8000  }
0x24: {  	s24 =	sadd.s32 $0x90A00, s16;
	[sflag:s3] =	ssyncset.done $0x0  }
0x25: {  	s16 =	sadd.s32 s24, s23;
	[sflag:s3] =	ssyncadd.s32 $0xFFFF8000  }
0x26: {  	[hbm4b:s16+s2] =	stream.linear.scatter [tilespmem:s10], [sflag:$0x2], $0x8000, $0x38;
	[tilespmem:$0x10400] =	vst v63  }
0x27: {  	_ =	swait.ge [sflag:s3], $0x8000  }
0x28: {  	[sflag:s3] =	ssyncset.done $0x0  }
0x29: {  	s17 =	simm.s32 $0x100;
	[sflag:s3] =	ssyncadd.s32 $0xFFFF8000  }
0x2a: {  	[tilespmem:s9], [sflag:$0x1] =	stream.indirect.gather [hbm4b:s7+s8], $0x80, s17, s8, $0xb8;
	[tilespmem:$0x10400] =	vst v63  }
0x2b: {  	s18 =	simm.s32 $0x300  }
0x2c: {  	[tilespmem:s10], [sflag:$0x1] =	stream.indirect.gather [hbm4b:s7+s8], $0x80, s18, s8, $0xb8;
	[tilespmem:$0x10400] =	vst v63  }
0x2d: {  	s19 =	simm.s32 $0x180  }
0x2e: {  	[tilespmem:s11], [sflag:$0x1] =	stream.indirect.gather [hbm4b:s7+s8], $0x80, s19, s8, $0xb8;
	[tilespmem:$0x10400] =	vst v63  }
0x2f: {  	s20 =	simm.s32 $0x380  }
0x30: {  	[tilespmem:s13], [sflag:$0x1] =	stream.indirect.gather [hbm4b:s7+s8], $0x80, s20, s8, $0xb8;
	[tilespmem:$0x10400] =	vst v63  }
0x31: {  	_ =	swait.ge [sflag:s14], $0x4000  }
0x32: {  	[sflag:s14] =	ssyncset.done $0x0  }
0x33: {  	[sflag:s14] =	ssyncadd.s32 $0xFFFFC000  }
0x34: {  	_ =	swait.ge [sflag:s14], $0x4000  }
0x35: {  	[sflag:s14] =	ssyncset.done $0x0  }
0x36: {  	[sflag:s14] =	ssyncadd.s32 $0xFFFFC000  }
0x37: {  	_ =	swait.ge [sflag:s14], $0x4000  }
0x38: {  	[sflag:s14] =	ssyncset.done $0x0  }
0x39: {  	s25 =	ssub.s32 $0x2, s21;
	[sflag:s14] =	ssyncadd.s32 $0xFFFFC000  }
0x3a: {  	s30 =	sshrl.u32 s25, $0x1;
	_ =	swait.ge [sflag:s14], $0x4000  }
0x3b: {  	s25 =	ssub.s32 s25, s30;
	s23 =	sor.u32 $0x1000, s23;
	[sflag:s14] =	ssyncset.done $0x0  }
0x3c: {  	s31 =	smax.u32 s25, $0x1;
	s21 =	sadd.s32 s22, s23;
	[sflag:s14] =	ssyncadd.s32 $0xFFFFC000  }
0x3d: {  	[hbm4b:s21+s2] =	stream.linear.scatter [tilespmem:s9], [sflag:$0x2], $0x8000, $0x38;
	[tilespmem:$0x10400] =	vst v63  }
0x3e: {  	p0 =	sne.s32 s31, $0x1;
	_ =	swait.ge [sflag:s3], $0x8000  }
.Ltmp0:
0x3f: {  	[sflag:s3] =	ssyncset.done $0x0;
	(pc) =	sbr.rel @!p0 .LBB2_2-.Ltmp0, $4  }
0x40: {  	s22 =	sadd.s32 s24, s23;
	[sflag:s3] =	ssyncadd.s32 $0xFFFF8000  }
0x41: {  	[hbm4b:s22+s2] =	stream.linear.scatter [tilespmem:s10], [sflag:$0x2], $0x8000, $0x38;
	[tilespmem:$0x10400] =	vst v63  }
0x42: {  	_ =	swait.ge [sflag:s3], $0x8000  }
0x43: {  	s23 =	sadd.s32 $0xFFFFFFFF, s31;
	[sflag:s3] =	ssyncset.done $0x0  }
.LBB2_1:
0x44: {  	p0 =	sne.s32 s23, $0x1;
	s23 =	sadd.s32 $0xFFFFFFFF, s23;
	[sflag:s3] =	ssyncadd.s32 $0xFFFF8000  }
0x45: {  	[tilespmem:s2], [sflag:$0x2] =	stream.linear.gather [hbm4b:s4+s2], $0x200, $0x38;
	[tilespmem:$0x10400] =	vst v63  }
0x46: {  	_ =	swait.ge [sflag:s3], $0x200  }
0x47: {  	[sflag:s3] =	ssyncset.done $0x0  }
0x48: {  	[sflag:s3] =	ssyncadd.s32 $0xFFFFFE00  }
0x49: {  	[tilespmem:s6], [sflag:$0x2] =	stream.linear.gather [hbm4b:s5+s2], $0x200, $0x38;
	[tilespmem:$0x10400] =	vst v63  }
0x4a: {  	_ =	swait.ge [sflag:s3], $0x200  }
0x4b: {  	[sflag:s3] =	ssyncset.done $0x0  }
0x4c: {  	[sflag:s3] =	ssyncadd.s32 $0xFFFFFE00  }
0x4d: {  	[tilespmem:s9], [sflag:$0x1] =	stream.indirect.gather [hbm4b:s7+s8], $0x80, s2, s8, $0xb8;
	[tilespmem:$0x10400] =	vst v63  }
0x4e: {  	_ = 	snop  }
0x4f: {  	[tilespmem:s10], [sflag:$0x1] =	stream.indirect.gather [hbm4b:s7+s8], $0x80, s6, s8, $0xb8;
	[tilespmem:$0x10400] =	vst v63  }
0x50: {  	_ = 	snop  }
0x51: {  	[tilespmem:s11], [sflag:$0x1] =	stream.indirect.gather [hbm4b:s7+s8], $0x80, s8, s8, $0xb8;
	[tilespmem:$0x10400] =	vst v63  }
0x52: {  	_ = 	snop  }
0x53: {  	[tilespmem:s13], [sflag:$0x1] =	stream.indirect.gather [hbm4b:s7+s8], $0x80, s12, s8, $0xb8;
	[tilespmem:$0x10400] =	vst v63  }
0x54: {  	_ =	swait.ge [sflag:s14], $0x4000  }
0x55: {  	[sflag:s14] =	ssyncset.done $0x0  }
0x56: {  	[sflag:s14] =	ssyncadd.s32 $0xFFFFC000  }
0x57: {  	_ =	swait.ge [sflag:s14], $0x4000  }
0x58: {  	[sflag:s14] =	ssyncset.done $0x0  }
0x59: {  	[sflag:s14] =	ssyncadd.s32 $0xFFFFC000  }
0x5a: {  	_ =	swait.ge [sflag:s14], $0x4000  }
0x5b: {  	[sflag:s14] =	ssyncset.done $0x0  }
0x5c: {  	[sflag:s14] =	ssyncadd.s32 $0xFFFFC000  }
0x5d: {  	_ =	swait.ge [sflag:s14], $0x4000  }
0x5e: {  	[sflag:s14] =	ssyncset.done $0x0  }
0x5f: {  	[sflag:s14] =	ssyncadd.s32 $0xFFFFC000  }
0x60: {  	[hbm4b:s15+s2] =	stream.linear.scatter [tilespmem:s9], [sflag:$0x2], $0x8000, $0x38;
	[tilespmem:$0x10400] =	vst v63  }
0x61: {  	_ =	swait.ge [sflag:s3], $0x8000  }
0x62: {  	[sflag:s3] =	ssyncset.done $0x0  }
0x63: {  	[sflag:s3] =	ssyncadd.s32 $0xFFFF8000  }
0x64: {  	[hbm4b:s16+s2] =	stream.linear.scatter [tilespmem:s10], [sflag:$0x2], $0x8000, $0x38;
	[tilespmem:$0x10400] =	vst v63  }
0x65: {  	_ =	swait.ge [sflag:s3], $0x8000  }
0x66: {  	[sflag:s3] =	ssyncset.done $0x0  }
0x67: {  	[sflag:s3] =	ssyncadd.s32 $0xFFFF8000  }
0x68: {  	[tilespmem:s9], [sflag:$0x1] =	stream.indirect.gather [hbm4b:s7+s8], $0x80, s17, s8, $0xb8;
	[tilespmem:$0x10400] =	vst v63  }
0x69: {  	_ = 	snop  }
0x6a: {  	[tilespmem:s10], [sflag:$0x1] =	stream.indirect.gather [hbm4b:s7+s8], $0x80, s18, s8, $0xb8;
	[tilespmem:$0x10400] =	vst v63  }
0x6b: {  	_ = 	snop  }
0x6c: {  	[tilespmem:s11], [sflag:$0x1] =	stream.indirect.gather [hbm4b:s7+s8], $0x80, s19, s8, $0xb8;
	[tilespmem:$0x10400] =	vst v63  }
0x6d: {  	_ = 	snop  }
0x6e: {  	[tilespmem:s13], [sflag:$0x1] =	stream.indirect.gather [hbm4b:s7+s8], $0x80, s20, s8, $0xb8;
	[tilespmem:$0x10400] =	vst v63  }
0x6f: {  	_ =	swait.ge [sflag:s14], $0x4000  }
0x70: {  	[sflag:s14] =	ssyncset.done $0x0  }
0x71: {  	[sflag:s14] =	ssyncadd.s32 $0xFFFFC000  }
0x72: {  	_ =	swait.ge [sflag:s14], $0x4000  }
0x73: {  	[sflag:s14] =	ssyncset.done $0x0  }
0x74: {  	[sflag:s14] =	ssyncadd.s32 $0xFFFFC000  }
0x75: {  	_ =	swait.ge [sflag:s14], $0x4000  }
0x76: {  	[sflag:s14] =	ssyncset.done $0x0  }
0x77: {  	[sflag:s14] =	ssyncadd.s32 $0xFFFFC000  }
0x78: {  	_ =	swait.ge [sflag:s14], $0x4000  }
0x79: {  	[sflag:s14] =	ssyncset.done $0x0  }
0x7a: {  	[sflag:s14] =	ssyncadd.s32 $0xFFFFC000  }
0x7b: {  	[hbm4b:s21+s2] =	stream.linear.scatter [tilespmem:s9], [sflag:$0x2], $0x8000, $0x38;
	[tilespmem:$0x10400] =	vst v63  }
0x7c: {  	_ =	swait.ge [sflag:s3], $0x8000  }
.Ltmp1:
0x7d: {  	[sflag:s3] =	ssyncset.done $0x0;
	(pc) =	sbr.rel @p0 .LBB2_1-.Ltmp1, $4  }
0x7e: {  	[sflag:s3] =	ssyncadd.s32 $0xFFFF8000  }
0x7f: {  	[hbm4b:s22+s2] =	stream.linear.scatter [tilespmem:s10], [sflag:$0x2], $0x8000, $0x38;
	[tilespmem:$0x10400] =	vst v63  }
0x80: {  	_ =	swait.ge [sflag:s3], $0x8000  }
0x81: {  	[sflag:s3] =	ssyncset.done $0x0  }
.LBB2_2:
0x82: {  	[sflag:s3] =	ssyncadd.s32 $0xFFFF8000  }
0x83: {  	_ =	sfence.sel $0x180000  }
0x84: {  	[bflag:$0x0] =	sbarrier.arrive $0xFFFF  }
0x85: {  	p0 =	sne.s32 s0, $0x0;
	_ =	strace $0x90000047  }
0x86: {  	s0 =	sadd.s32 @!p0 $0x100000, s1;
	[bflag:$0x2] =	sbarrier.arrive $0xFFFF  }
0x87: {  	[sflag:s0] =	ssyncadd.tile.s32 @!p0 $0x1;
	_ =	shalt  }
.Lfunc_end2:
_tile_overlayer_lowered:
.L_overlay_start_2:
0x88: {  	(tag) =	ssettag $0x2  }
0x89: {  	s0 =	rddreg [dreg:$0x0];
	s2 =	stileid.u32  }
0x8a: {  	s1 =	rddreg [dreg:$0x1];
	p0 =	sne.s32 s2, $0x0  }
0x8b: {  	s3 =	rddreg [dreg:$0x2];
	[bflag:$0x3] =	sbarrier.arrive $0xFFFF;
	s2 =	simm.s32 @!p0 $0x1C02  }
0x8c: {  	[timem:s3], [sflag:s2] =	dma.local @!p0 [hbm:s0], s1  }
0x8d: {  	s0 =	simm.s32 @!p0 $0x2  }
0x8e: {  	_ =	swait.ge @!p0 [sflag:s0], s1  }
0x8f: {  	s1 =	ssub.s32 @!p0 $0x0, s1;
	[sflag:s0] =	ssyncset.done @!p0 $0x0  }
0x90: {  	[sflag:s0] =	ssyncadd.s32 @!p0 s1  }
0x91: {  	[bflag:$0x3] =	sbarrier.arrive $0xFFFF  }
0x92: {  	_ =	shalt  }

// kernel: kernel.22.cloned.1.call-start
scs
__scs_entry_jumppad:
0x0: {  	(pc) =	sbr.rel $0x88, $3  }
0x1: {  	(tag) =	ssettag $0x0;
	lr =	simm.s32 $0x1  }
0x2: {  	[smem:$0x3F8F] =	sst lr;
	_ =	strace $0xD0000000  }
0x3: {  	_ = 	snop  }
0x4: {  	_ = 	snop  }
0x5: {  	_ = 	snop  }
0x6: {  	_ = 	snop  }
0x7: {  	_ = 	snop  }
__scs_overlays_trampoline_lowered:
0x8: {  	[smem:$0x3F9E] =	sst s0  }
0x9: {  	[smem:$0x3F9F] =	sst s1  }
0xa: {  	[smem:$0x3FA0] =	sst s2  }
0xb: {  	[smem:$0x3FA1] =	sst s3  }
0xc: {  	[smem:$0x3FA2] =	sst s4  }
0xd: {  	[smem:$0x3FA3] =	sst s5  }
0xe: {  	[smem:$0x3FA4] =	sst s6  }
0xf: {  	[smem:$0x3FA5] =	sst s7  }
0x10: {  	[smem:$0x3FA6] =	sst s8  }
0x11: {  	[smem:$0x3FA7] =	sst s9;
	s0 =	simm.s32 @!p0 $0x0  }
0x12: {  	s1 =	sld [smem:$0x3F8D];
	s0 =	simm.s32 @p0 $0x1  }
0x13: {  	[smem:$0x3FA8] =	sst s0;
	s0 =	simm.s32 @!p1 $0x0  }
0x14: {  	s2 =	sld [smem:$0x3F8C];
	s0 =	simm.s32 @p1 $0x1  }
0x15: {  	[smem:$0x3FA9] =	sst s0;
	s0 =	simm.s32 @!p2 $0x0  }
0x16: {  	s3 =	sld [smem:$0x3FDB];
	s0 =	simm.s32 @p2 $0x1  }
0x17: {  	s4 =	simm.s32 $0x1BF5;
	[smem:$0x3FAB] =	sst s0  }
0x18: {  	s0 =	sld [smem:$0x3F8E];
	_ =	swait.ge [sflag:s4], $0x0  }
0x19: {  	s7 =	sld [smem:$0x3F8F]  }
0x1a: {  	s8 =	sadd.s32 $0xFFFFE003, lr  }
0x1b: {  	s9 =	sadd.s32 $0xFFFFFEF7, lr;
	s5 =	simm.s32 $0xFFFFFFFF;
	p2 =	slt.u32 s8, $0xFFFFF086  }
0x1c: {  	p1 =	slt.u32 s9, $0xF7A;
	s5 =	simm.s32 @!p2 $0x0  }
0x1d: {  	s5 =	simm.s32 @p1 $0x1;
	p0 =	seq.s32 s7, s2  }
0x1e: {  	s7 =	smul.u32 @!p0 $0xF7A, s2;
	p2 =	seq.s32 @!p0 s5, $0x0  }
0x1f: {  	s9 =	smul.u32 $0xF7A, s1;
	s8 =	simm.s32 @!p0 $0x1BF5;
	p2 =	por !p2, p0  }
0x20: {  	[sflag:s8] =	ssyncset.s32 @!p0 $0xFFFFF086;
	s6 =	sadd.s32 @!p0 s3, s7;
	s7 =	simm.s32 @!p0 $0x108  }
0x21: {  	s3 =	sadd.s32 s3, s9;
	s6 =	sadd.s32 @!p0 $0x88, s6;
	s7 =	simm.s32 @p2 $0x1082  }
0x22: {  	[simem:s7], [sflag:s8] =	dma.local @!p0 [hbm:s6], $0xF7A  }
0x23: {  	s9 =	sor.u32 $0xD0000000, s2;
	s6 =	simm.s32 $0x108;
	_ =	swait.ge @!p0 [sflag:s8], $0x0  }
0x24: {  	s3 =	sadd.s32 $0x88, s3;
	s6 =	simm.s32 @!p1 $0x1082;
	[sflag:s4] =	ssyncset.s32 $0xFFFFF086  }
0x25: {  	[simem:s6], [sflag:s4] =	dma.local [hbm:s3], $0xF7A  }
0x26: {  	[smem:$0x3F8F] =	sst s1;
	(tag) =	ssettag s2;
	_ =	strace s9  }
0x27: {  	s1 =	sld [smem:$0x3F9F]  }
0x28: {  	s2 =	sld [smem:$0x3FA0]  }
0x29: {  	s4 =	sld [smem:$0x3FA2]  }
0x2a: {  	p0 =	seq.s32 s5, $0x0;
	s5 =	sld [smem:$0x3FA3]  }
0x2b: {  	s6 =	sld [smem:$0x3FA4]  }
0x2c: {  	s7 =	sld [smem:$0x3FA5]  }
0x2d: {  	s3 =	simm.s32 $0x108;
	s8 =	sld [smem:$0x3FA6]  }
0x2e: {  	s3 =	simm.s32 @!p0 $0x1082;
	s9 =	sld [smem:$0x3FA7]  }
0x2f: {  	lr =	sadd.s32 s0, s3;
	s0 =	sld [smem:$0x3F9E]  }
0x30: {  	s3 =	sld [smem:$0x3FA1]  }
0x31: {  	[smem:$0x3FAA] =	sst s10  }
0x32: {  	s10 =	sld [smem:$0x3FA8];
	_ =	sdelay $0x3  }
0x33: {  	p0 =	seq.s32 s10, $0x1;
	s10 =	sld [smem:$0x3FAA];
	_ =	sdelay $0x3  }
0x34: {  	[smem:$0x3FAA] =	sst s10  }
0x35: {  	s10 =	sld [smem:$0x3FA9];
	_ =	sdelay $0x3  }
0x36: {  	p1 =	seq.s32 s10, $0x1;
	s10 =	sld [smem:$0x3FAA];
	_ =	sdelay $0x3  }
0x37: {  	[smem:$0x3FAA] =	sst s10  }
0x38: {  	s10 =	sld [smem:$0x3FAB]  }
0x39: {  	_ = 	snop;
	(pc) =	sbr.ind lr, $3  }
0x3a: {  	_ = 	snop  }
0x3b: {  	_ = 	snop  }
0x3c: {  	p2 =	seq.s32 s10, $0x1;
	s10 =	sld [smem:$0x3FAA]  }
0x3d: {  	_ =	shalt  }
0x3e: {  	_ =	shalt  }
0x3f: {  	_ =	shalt  }
0x40: {  	_ =	shalt  }
0x41: {  	_ =	shalt  }
0x42: {  	_ =	shalt  }
0x43: {  	_ =	shalt  }
0x44: {  	_ =	shalt  }
0x45: {  	_ =	shalt  }
0x46: {  	_ =	shalt  }
0x47: {  	_ =	shalt  }
0x48: {  	_ =	shalt  }
0x49: {  	_ =	shalt  }
0x4a: {  	_ =	shalt  }
0x4b: {  	_ =	shalt  }
0x4c: {  	_ =	shalt  }
0x4d: {  	_ =	shalt  }
0x4e: {  	_ =	shalt  }
0x4f: {  	_ =	shalt  }
0x50: {  	_ =	shalt  }
0x51: {  	_ =	shalt  }
0x52: {  	_ =	shalt  }
0x53: {  	_ =	shalt  }
0x54: {  	_ =	shalt  }
0x55: {  	_ =	shalt  }
0x56: {  	_ =	shalt  }
0x57: {  	_ =	shalt  }
0x58: {  	_ =	shalt  }
0x59: {  	_ =	shalt  }
0x5a: {  	_ =	shalt  }
0x5b: {  	_ =	shalt  }
0x5c: {  	_ =	shalt  }
0x5d: {  	_ =	shalt  }
0x5e: {  	_ =	shalt  }
0x5f: {  	_ =	shalt  }
0x60: {  	_ =	shalt  }
0x61: {  	_ =	shalt  }
0x62: {  	_ =	shalt  }
0x63: {  	_ =	shalt  }
0x64: {  	_ =	shalt  }
0x65: {  	_ =	shalt  }
0x66: {  	_ =	shalt  }
0x67: {  	_ =	shalt  }
0x68: {  	_ =	shalt  }
0x69: {  	_ =	shalt  }
0x6a: {  	_ =	shalt  }
0x6b: {  	_ =	shalt  }
0x6c: {  	_ =	shalt  }
0x6d: {  	_ =	shalt  }
0x6e: {  	_ =	shalt  }
0x6f: {  	_ =	shalt  }
0x70: {  	_ =	shalt  }
0x71: {  	_ =	shalt  }
0x72: {  	_ =	shalt  }
0x73: {  	_ =	shalt  }
0x74: {  	_ =	shalt  }
0x75: {  	_ =	shalt  }
0x76: {  	_ =	shalt  }
0x77: {  	_ =	shalt  }
0x78: {  	_ =	shalt  }
0x79: {  	_ =	shalt  }
0x7a: {  	_ =	shalt  }
0x7b: {  	_ =	shalt  }
0x7c: {  	_ =	shalt  }
0x7d: {  	_ =	shalt  }
0x7e: {  	_ =	shalt  }
0x7f: {  	_ =	shalt  }
0x80: {  	_ =	shalt  }
0x81: {  	_ =	shalt  }
0x82: {  	_ =	shalt  }
0x83: {  	_ =	shalt  }
0x84: {  	_ =	shalt  }
0x85: {  	_ =	shalt  }
0x86: {  	_ =	shalt  }
0x87: {  	_ =	shalt  }
.Lfunc_end0:
.L_simem_size_0:
called_computation.1_lowered:
.L_overlay_start_0:
0x88: {  	s2 =	sld [smem:$0x3FD9]  }
0x89: {  	s3 =	sld [smem:$0x3FFE];
	_ =	sdelay $0x1  }
0x8a: {  	s1 =	srdreg.scid  }
0x8b: {  	s0 =	sand.u32 $0x1, s1  }
0x8c: {  	s17 =	sshll.u32 s0, $0xA;
	s2 =	sadd.s32 s3, s2  }
0x8d: {  	s2 =	sadd.s32 s2, s17  }
0x8e: {  	[smem:$0x3FB6] =	sst s2  }
0x8f: {  	_ = 	snop  }
0x90: {  	s2 =	sld [smem:$0x3FC6];
	(tm) =	ssettm $0x1  }
0x91: {  	s18 =	sld [smem:$0x3FFB];
	_ =	sdelay $0x3  }
0x92: {  	_ =	strace s18  }
0x93: {  	s3 =	sld [smem:$0x3FFC];
	_ =	sdelay $0x3  }
0x94: {  	_ =	strace s3  }
0x95: {  	s3 =	sld [smem:$0x3FFD];
	_ =	sdelay $0x3  }
0x96: {  	_ =	strace s3  }
0x97: {  	_ =	strace $0x8FFFFFFF  }
0x98: {  	s19 =	sld [smem:$0x3FDB];
	_ =	sdelay $0x1  }
0x99: {  	s4 =	simm.s32 $_scs_section_size  }
0x9a: {  	s5 =	simm.s32 $_size__tile_overlayer_lowered;
	s6 =	simm.s32 $_tile_overlayer_lowered  }
0x9b: {  	s22 =	simm.s32 $0x1BFF;
	s21 =	sshll.u32 s6, $0x1;
	s3 =	sadd.s32 s4, s19  }
0x9c: {  	s7 =	simm.s32 $0x0;
	s20 =	sshll.u32 s5, $0x1;
	s5 =	sadd.s32 s21, s3  }
0x9d: {  	[timem:s7], [sflag:s22] =	dma.local [hbm:s5], s20  }
0x9e: {  	_ =	swait.ge [sflag:s22], s20  }
0x9f: {  	s4 =	ssub.s32 $0x0, s20;
	[sflag:s22] =	ssyncset.done $0x0  }
0xa0: {  	[sflag:s22] =	ssyncadd.s32 s4;
	_ =	sdelay $0x1  }
0xa1: {  	s23 =	simm.s32 $0x1B8B  }
0xa2: {  	_ =	swait.ge [sflag:s23], $0x1  }
0xa3: {  	[sflag:s23] =	ssyncset.done $0x0  }
0xa4: {  	s25 =	simm.s32 $0x1B8E;
	s24 =	sld [smem:$0x3FFE];
	[sflag:s23] =	ssyncadd.s32 $0xFFFFFFFF  }
0xa5: {  	s26 =	simm.s32 $execute0_lowered;
	[smem:$0x3FD2] =	sst s25  }
0xa6: {  	s5 =	sshll.u32 s26, $0x1;
	_ =	strace $0x80000049;
	[dreg:$0x1] =	wrdreg $0xFFFFFFFF  }
0xa7: {  	s28 =	simm.s32 $_size_execute0_lowered;
	s3 =	sadd.s32 s3, s5;
	[dreg:$0x0] =	wrdreg $0x0  }
0xa8: {  	s5 =	sshll.u32 s28, $0x1;
	[dreg:$0x2] =	wrdreg s3  }
0xa9: {  	[dreg:$0x3] =	wrdreg s5  }
0xaa: {  	[dreg:$0x4] =	wrdreg $0xC0  }
0xab: {  	_ =	task [dreg:s7], $0x5FFFF  }
0xac: {  	[dreg:$0x1] =	wrdreg $0xFFFFFFFF  }
0xad: {  	[dreg:$0x0] =	wrdreg $0x60  }
0xae: {  	[dreg:$0x2] =	wrdreg s24  }
0xaf: {  	[dreg:$0x3] =	wrdreg s2  }
0xb0: {  	[dreg:$0x4] =	wrdreg $0x102000  }
0xb1: {  	[dreg:$0x5] =	wrdreg $0x9  }
0xb2: {  	_ =	task.clear_ibuf [dreg:s7], $0x6FFFF;
	_ =	strace $0x90000049  }
0xb3: {  	s29 =	simm.s32 $0x9;
	_ =	strace $0x8000004B  }
0xb4: {  	_ =	swait.ge [sflag:s29], $0x1  }
0xb5: {  	[sflag:s29] =	ssyncadd.s32 $0xFFFFFFFF  }
0xb6: {  	_ =	strace $0x9000004B  }
0xb7: {  	_ =	sfence  }
0xb8: {  	s30 =	sld [smem:$0x0];
	_ =	sdelay $0x2  }
0xb9: {  	s31 =	sshll.u32 s1, $0xD;
	s1 =	sshrl.u32 s1, $0x2  }
0xba: {  	s3 =	sand.u32 $0x4000, s31;
	s1 =	sadd.s32 s1, s30  }
0xbb: {  	s0 =	sor.u32 s3, s0;
	s1 =	sshll.u32 s1, $0x11  }
0xbc: {  	s0 =	sor.u32 s1, s0  }
0xbd: {  	s0 =	sadd.s32 $0x8F2B, s0  }
0xbe: {  	[sflag:s0] =	ssyncadd.remote.s32 $0x1  }
0xbf: {  	_ =	sfence.sel $0xFFFF  }
0xc0: {  	[dreg:$0x0] =	wrdreg $0xFFFFFFFF;
	(pc) =	sbr.abs _section_cstart, $3  }
0xc1: {  	[dreg:$0x1] =	wrdreg $0xFFFFFFFF  }
0xc2: {  	_ =	task.clear_ibuf [dreg:s7], $0x2FFFF;
	_ =	strace $0x9FFFFFFF  }
0xc3: {  	(tm) =	ssettm $0x7FFFFFFF  }
tec
execute0_lowered:
.L_overlay_start_1:
0x0: {  	(tag) =	ssettag $0x1  }
0x1: {  	s8 =	rddreg [dreg:$0x0]  }
0x2: {  	s4 =	rddreg [dreg:$0x1]  }
0x3: {  	s2 =	rddreg [dreg:$0x2]  }
0x4: {  	s5 =	srdreg.scid;
	s1 =	stileid.u32  }
0x5: {  	s3 =	simm.s32 $0x0;
	s17 =	sand.u32 $0x1, s5;
	s28 =	sshll.u32 s1, $0x1  }
0x6: {  	[smem:$0x7FF] =	sst s3;
	s5 =	sor.u32 s17, s28  }
0x7: {  	s0 =	rddreg [dreg:$0x3];
	_ =	strace $0x8000004A;
	s6 =	sshll.u32 s5, $0x6  }
0x8: {  	s7 =	sshll.u32 s5, $0xD;
	s5 =	sadd.s32 s4, s6;
	s4 =	simm.s32 $0x1  }
0x9: {  	[tilespmem:s3], [sflag:$0x1] =	stream.linear.gather [hbm4b:s5+s3], $0x200, $0x38;
	[tilespmem:$0x14200] =	vst v63  }
0xa: {  	s9 =	sshll.u32 s1, $0xB;
	_ =	swait.ge [sflag:s4], $0x200  }
0xb: {  	s10 =	sshll.u32 s1, $0xE;
	s29 =	sadd.s32 s7, s8;
	[sflag:s4] =	ssyncset.done $0x0  }
0xc: {  	s7 =	simm.s32 $0x200;
	s6 =	sadd.s32 $0x8A00, s29;
	[sflag:s4] =	ssyncadd.s32 $0xFFFFFE00  }
0xd: {  	[tilespmem:s7], [sflag:$0x1] =	stream.linear.gather [hbm4b:s6+s3], $0x10000, $0x38;
	[tilespmem:$0x14200] =	vst v63  }
0xe: {  	s30 =	sshll.u32 s1, $0x6;
	s18 =	sadd.s32 s9, s8;
	_ =	swait.ge [sflag:s4], $0x10000  }
0xf: {  	s10 =	sadd.s32 s10, s2;
	s9 =	sor.u32 $0x1C01, s30;
	[sflag:s4] =	ssyncset.done $0x0  }
0x10: {  	s10 =	sshrl.u32 s10, $0x3;
	s8 =	sadd.s32 $0x88A00, s18;
	[sflag:s4] =	ssyncadd.s32 $0xFFFF0000  }
0x11: {  	[spmem:s10], [sflag:s9] =	dma.local [hbm:s8], $0x800  }
0x12: {  	_ =	swait.ge [sflag:s4], $0x800  }
0x13: {  	[sflag:s4] =	ssyncset.done $0x0  }
0x14: {  	[sflag:s4] =	ssyncadd.s32 $0xFFFFF800  }
0x15: {  	s11 =	simm.s32 $0x80;
	[bflag:$0x0] =	sbarrier.arrive $0xFFFF  }
0x16: {  	[spmem:s2] =	stream.indirect.scatter.add.f32 [tilespmem:s7], [sflag:$0x1], $0x80, s3, s11, $0xb8;
	[tilespmem:$0x14200] =	vst v63  }
0x17: {  	_ =	swait.ge [sflag:s4], $0x4000  }
0x18: {  	[sflag:s4] =	ssyncset.done $0x0  }
0x19: {  	s12 =	simm.s32 $0x4200;
	[sflag:s4] =	ssyncadd.s32 $0xFFFFC000  }
0x1a: {  	[spmem:s2] =	stream.indirect.scatter.add.f32 [tilespmem:s12], [sflag:$0x1], $0x80, s11, s11, $0xb8;
	[tilespmem:$0x14200] =	vst v63  }
0x1b: {  	_ =	swait.ge [sflag:s4], $0x4000  }
0x1c: {  	[sflag:s4] =	ssyncset.done $0x0  }
0x1d: {  	s13 =	simm.s32 $0x100;
	s14 =	simm.s32 $0x8200;
	[sflag:s4] =	ssyncadd.s32 $0xFFFFC000  }
0x1e: {  	[spmem:s2] =	stream.indirect.scatter.add.f32 [tilespmem:s14], [sflag:$0x1], $0x80, s13, s11, $0xb8;
	[tilespmem:$0x14200] =	vst v63  }
0x1f: {  	s19 =	ssub.s32 $0x2, s17;
	_ =	swait.ge [sflag:s4], $0x4000  }
0x20: {  	s15 =	simm.s32 $0x180;
	s20 =	sshrl.u32 s19, $0x1;
	[sflag:s4] =	ssyncset.done $0x0  }
0x21: {  	s16 =	simm.s32 $0xC200;
	s19 =	ssub.s32 s19, s20;
	[sflag:s4] =	ssyncadd.s32 $0xFFFFC000  }
0x22: {  	[spmem:s2] =	stream.indirect.scatter.add.f32 [tilespmem:s16], [sflag:$0x1], $0x80, s15, s11, $0xb8;
	[tilespmem:$0x14200] =	vst v63  }
0x23: {  	s31 =	smax.u32 s19, $0x1;
	_ =	swait.ge [sflag:s4], $0x4000  }
0x24: {  	s17 =	sshll.u32 s17, $0xF;
	p0 =	sne.s32 s31, $0x1;
	[sflag:s4] =	ssyncset.done $0x0  }
.Ltmp0:
0x25: {  	s17 =	sadd.s32 s17, s18;
	[sflag:s4] =	ssyncadd.s32 $0xFFFFC000;
	(pc) =	sbr.rel @!p0 .LBB2_2-.Ltmp0, $4  }
0x26: {  	s17 =	sadd.s32 $0x90A00, s17;
	[bflag:$0x0] =	sbarrier.arrive $0xFFFF  }
0x27: {  	[hbm:s17], [sflag:s9] =	dma.local [spmem:s10], $0x800  }
0x28: {  	_ =	swait.ge [sflag:s4], $0x800  }
0x29: {  	s18 =	sadd.s32 $0xFFFFFFFF, s31;
	[sflag:s4] =	ssyncset.done $0x0  }
.LBB2_1:
0x2a: {  	p0 =	sne.s32 s18, $0x1;
	s18 =	sadd.s32 $0xFFFFFFFF, s18;
	[sflag:s4] =	ssyncadd.s32 $0xFFFFF800  }
0x2b: {  	[tilespmem:s3], [sflag:$0x1] =	stream.linear.gather [hbm4b:s5+s3], $0x200, $0x38;
	[tilespmem:$0x14200] =	vst v63  }
0x2c: {  	_ =	swait.ge [sflag:s4], $0x200  }
0x2d: {  	[sflag:s4] =	ssyncset.done $0x0  }
0x2e: {  	[sflag:s4] =	ssyncadd.s32 $0xFFFFFE00  }
0x2f: {  	[tilespmem:s7], [sflag:$0x1] =	stream.linear.gather [hbm4b:s6+s3], $0x10000, $0x38;
	[tilespmem:$0x14200] =	vst v63  }
0x30: {  	_ =	swait.ge [sflag:s4], $0x10000  }
0x31: {  	[sflag:s4] =	ssyncset.done $0x0  }
0x32: {  	[sflag:s4] =	ssyncadd.s32 $0xFFFF0000  }
0x33: {  	[spmem:s10], [sflag:s9] =	dma.local [hbm:s8], $0x800  }
0x34: {  	_ =	swait.ge [sflag:s4], $0x800  }
0x35: {  	[sflag:s4] =	ssyncset.done $0x0  }
0x36: {  	[sflag:s4] =	ssyncadd.s32 $0xFFFFF800  }
0x37: {  	[bflag:$0x0] =	sbarrier.arrive $0xFFFF  }
0x38: {  	[spmem:s2] =	stream.indirect.scatter.add.f32 [tilespmem:s7], [sflag:$0x1], $0x80, s3, s11, $0xb8;
	[tilespmem:$0x14200] =	vst v63  }
0x39: {  	_ =	swait.ge [sflag:s4], $0x4000  }
0x3a: {  	[sflag:s4] =	ssyncset.done $0x0  }
0x3b: {  	[sflag:s4] =	ssyncadd.s32 $0xFFFFC000  }
0x3c: {  	[spmem:s2] =	stream.indirect.scatter.add.f32 [tilespmem:s12], [sflag:$0x1], $0x80, s11, s11, $0xb8;
	[tilespmem:$0x14200] =	vst v63  }
0x3d: {  	_ =	swait.ge [sflag:s4], $0x4000  }
0x3e: {  	[sflag:s4] =	ssyncset.done $0x0  }
0x3f: {  	[sflag:s4] =	ssyncadd.s32 $0xFFFFC000  }
0x40: {  	[spmem:s2] =	stream.indirect.scatter.add.f32 [tilespmem:s14], [sflag:$0x1], $0x80, s13, s11, $0xb8;
	[tilespmem:$0x14200] =	vst v63  }
0x41: {  	_ =	swait.ge [sflag:s4], $0x4000  }
0x42: {  	[sflag:s4] =	ssyncset.done $0x0  }
0x43: {  	[sflag:s4] =	ssyncadd.s32 $0xFFFFC000  }
0x44: {  	[spmem:s2] =	stream.indirect.scatter.add.f32 [tilespmem:s16], [sflag:$0x1], $0x80, s15, s11, $0xb8;
	[tilespmem:$0x14200] =	vst v63  }
0x45: {  	_ =	swait.ge [sflag:s4], $0x4000  }
0x46: {  	[sflag:s4] =	ssyncset.done $0x0  }
.Ltmp1:
0x47: {  	[sflag:s4] =	ssyncadd.s32 $0xFFFFC000;
	(pc) =	sbr.rel @p0 .LBB2_1-.Ltmp1, $4  }
0x48: {  	[bflag:$0x0] =	sbarrier.arrive $0xFFFF  }
0x49: {  	[hbm:s17], [sflag:s9] =	dma.local [spmem:s10], $0x800  }
0x4a: {  	_ =	swait.ge [sflag:s4], $0x800  }
0x4b: {  	[sflag:s4] =	ssyncset.done $0x0  }
.LBB2_2:
0x4c: {  	[sflag:s4] =	ssyncadd.s32 $0xFFFFF800  }
0x4d: {  	_ =	sfence.sel $0x180000  }
0x4e: {  	[bflag:$0x0] =	sbarrier.arrive $0xFFFF  }
0x4f: {  	p0 =	sne.s32 s1, $0x0;
	_ =	strace $0x9000004A  }
0x50: {  	s0 =	sadd.s32 @!p0 $0x100000, s0;
	[bflag:$0x2] =	sbarrier.arrive $0xFFFF  }
0x51: {  	[sflag:s0] =	ssyncadd.tile.s32 @!p0 $0x1;
	_ =	shalt  }
.Lfunc_end2:
_tile_overlayer_lowered:
.L_overlay_start_2:
0x52: {  	(tag) =	ssettag $0x2  }
0x53: {  	s0 =	rddreg [dreg:$0x0];
	s2 =	stileid.u32  }
0x54: {  	s1 =	rddreg [dreg:$0x1];
	p0 =	sne.s32 s2, $0x0  }
0x55: {  	s3 =	rddreg [dreg:$0x2];
	[bflag:$0x3] =	sbarrier.arrive $0xFFFF;
	s2 =	simm.s32 @!p0 $0x1C01  }
0x56: {  	[timem:s3], [sflag:s2] =	dma.local @!p0 [hbm:s0], s1  }
0x57: {  	s0 =	simm.s32 @!p0 $0x1  }
0x58: {  	_ =	swait.ge @!p0 [sflag:s0], s1  }
0x59: {  	s1 =	ssub.s32 @!p0 $0x0, s1;
	[sflag:s0] =	ssyncset.done @!p0 $0x0  }
0x5a: {  	[sflag:s0] =	ssyncadd.s32 @!p0 s1  }
0x5b: {  	[bflag:$0x3] =	sbarrier.arrive $0xFFFF  }
0x5c: {  	_ =	shalt  }

// kernel: kernel.25.cloned.1.call-start
scs
__scs_entry_jumppad:
0x0: {  	(pc) =	sbr.rel $0x88, $3  }
0x1: {  	(tag) =	ssettag $0x0;
	lr =	simm.s32 $0x1  }
0x2: {  	[smem:$0x3F8F] =	sst lr;
	_ =	strace $0xD0000000  }
0x3: {  	_ = 	snop  }
0x4: {  	_ = 	snop  }
0x5: {  	_ = 	snop  }
0x6: {  	_ = 	snop  }
0x7: {  	_ = 	snop  }
__scs_overlays_trampoline_lowered:
0x8: {  	[smem:$0x3F9E] =	sst s0  }
0x9: {  	[smem:$0x3F9F] =	sst s1  }
0xa: {  	[smem:$0x3FA0] =	sst s2  }
0xb: {  	[smem:$0x3FA1] =	sst s3  }
0xc: {  	[smem:$0x3FA2] =	sst s4  }
0xd: {  	[smem:$0x3FA3] =	sst s5  }
0xe: {  	[smem:$0x3FA4] =	sst s6  }
0xf: {  	[smem:$0x3FA5] =	sst s7  }
0x10: {  	[smem:$0x3FA6] =	sst s8  }
0x11: {  	[smem:$0x3FA7] =	sst s9;
	s0 =	simm.s32 @!p0 $0x0  }
0x12: {  	s1 =	sld [smem:$0x3F8D];
	s0 =	simm.s32 @p0 $0x1  }
0x13: {  	[smem:$0x3FA8] =	sst s0;
	s0 =	simm.s32 @!p1 $0x0  }
0x14: {  	s2 =	sld [smem:$0x3F8C];
	s0 =	simm.s32 @p1 $0x1  }
0x15: {  	[smem:$0x3FA9] =	sst s0;
	s0 =	simm.s32 @!p2 $0x0  }
0x16: {  	s3 =	sld [smem:$0x3FDB];
	s0 =	simm.s32 @p2 $0x1  }
0x17: {  	s4 =	simm.s32 $0x1BF5;
	[smem:$0x3FAB] =	sst s0  }
0x18: {  	s0 =	sld [smem:$0x3F8E];
	_ =	swait.ge [sflag:s4], $0x0  }
0x19: {  	s7 =	sld [smem:$0x3F8F]  }
0x1a: {  	s8 =	sadd.s32 $0xFFFFE003, lr  }
0x1b: {  	s9 =	sadd.s32 $0xFFFFFEF7, lr;
	s5 =	simm.s32 $0xFFFFFFFF;
	p2 =	slt.u32 s8, $0xFFFFF086  }
0x1c: {  	p1 =	slt.u32 s9, $0xF7A;
	s5 =	simm.s32 @!p2 $0x0  }
0x1d: {  	s5 =	simm.s32 @p1 $0x1;
	p0 =	seq.s32 s7, s2  }
0x1e: {  	s7 =	smul.u32 @!p0 $0xF7A, s2;
	p2 =	seq.s32 @!p0 s5, $0x0  }
0x1f: {  	s9 =	smul.u32 $0xF7A, s1;
	s8 =	simm.s32 @!p0 $0x1BF5;
	p2 =	por !p2, p0  }
0x20: {  	[sflag:s8] =	ssyncset.s32 @!p0 $0xFFFFF086;
	s6 =	sadd.s32 @!p0 s3, s7;
	s7 =	simm.s32 @!p0 $0x108  }
0x21: {  	s3 =	sadd.s32 s3, s9;
	s6 =	sadd.s32 @!p0 $0x88, s6;
	s7 =	simm.s32 @p2 $0x1082  }
0x22: {  	[simem:s7], [sflag:s8] =	dma.local @!p0 [hbm:s6], $0xF7A  }
0x23: {  	s9 =	sor.u32 $0xD0000000, s2;
	s6 =	simm.s32 $0x108;
	_ =	swait.ge @!p0 [sflag:s8], $0x0  }
0x24: {  	s3 =	sadd.s32 $0x88, s3;
	s6 =	simm.s32 @!p1 $0x1082;
	[sflag:s4] =	ssyncset.s32 $0xFFFFF086  }
0x25: {  	[simem:s6], [sflag:s4] =	dma.local [hbm:s3], $0xF7A  }
0x26: {  	[smem:$0x3F8F] =	sst s1;
	(tag) =	ssettag s2;
	_ =	strace s9  }
0x27: {  	s1 =	sld [smem:$0x3F9F]  }
0x28: {  	s2 =	sld [smem:$0x3FA0]  }
0x29: {  	s4 =	sld [smem:$0x3FA2]  }
0x2a: {  	p0 =	seq.s32 s5, $0x0;
	s5 =	sld [smem:$0x3FA3]  }
0x2b: {  	s6 =	sld [smem:$0x3FA4]  }
0x2c: {  	s7 =	sld [smem:$0x3FA5]  }
0x2d: {  	s3 =	simm.s32 $0x108;
	s8 =	sld [smem:$0x3FA6]  }
0x2e: {  	s3 =	simm.s32 @!p0 $0x1082;
	s9 =	sld [smem:$0x3FA7]  }
0x2f: {  	lr =	sadd.s32 s0, s3;
	s0 =	sld [smem:$0x3F9E]  }
0x30: {  	s3 =	sld [smem:$0x3FA1]  }
0x31: {  	[smem:$0x3FAA] =	sst s10  }
0x32: {  	s10 =	sld [smem:$0x3FA8];
	_ =	sdelay $0x3  }
0x33: {  	p0 =	seq.s32 s10, $0x1;
	s10 =	sld [smem:$0x3FAA];
	_ =	sdelay $0x3  }
0x34: {  	[smem:$0x3FAA] =	sst s10  }
0x35: {  	s10 =	sld [smem:$0x3FA9];
	_ =	sdelay $0x3  }
0x36: {  	p1 =	seq.s32 s10, $0x1;
	s10 =	sld [smem:$0x3FAA];
	_ =	sdelay $0x3  }
0x37: {  	[smem:$0x3FAA] =	sst s10  }
0x38: {  	s10 =	sld [smem:$0x3FAB]  }
0x39: {  	_ = 	snop;
	(pc) =	sbr.ind lr, $3  }
0x3a: {  	_ = 	snop  }
0x3b: {  	_ = 	snop  }
0x3c: {  	p2 =	seq.s32 s10, $0x1;
	s10 =	sld [smem:$0x3FAA]  }
0x3d: {  	_ =	shalt  }
0x3e: {  	_ =	shalt  }
0x3f: {  	_ =	shalt  }
0x40: {  	_ =	shalt  }
0x41: {  	_ =	shalt  }
0x42: {  	_ =	shalt  }
0x43: {  	_ =	shalt  }
0x44: {  	_ =	shalt  }
0x45: {  	_ =	shalt  }
0x46: {  	_ =	shalt  }
0x47: {  	_ =	shalt  }
0x48: {  	_ =	shalt  }
0x49: {  	_ =	shalt  }
0x4a: {  	_ =	shalt  }
0x4b: {  	_ =	shalt  }
0x4c: {  	_ =	shalt  }
0x4d: {  	_ =	shalt  }
0x4e: {  	_ =	shalt  }
0x4f: {  	_ =	shalt  }
0x50: {  	_ =	shalt  }
0x51: {  	_ =	shalt  }
0x52: {  	_ =	shalt  }
0x53: {  	_ =	shalt  }
0x54: {  	_ =	shalt  }
0x55: {  	_ =	shalt  }
0x56: {  	_ =	shalt  }
0x57: {  	_ =	shalt  }
0x58: {  	_ =	shalt  }
0x59: {  	_ =	shalt  }
0x5a: {  	_ =	shalt  }
0x5b: {  	_ =	shalt  }
0x5c: {  	_ =	shalt  }
0x5d: {  	_ =	shalt  }
0x5e: {  	_ =	shalt  }
0x5f: {  	_ =	shalt  }
0x60: {  	_ =	shalt  }
0x61: {  	_ =	shalt  }
0x62: {  	_ =	shalt  }
0x63: {  	_ =	shalt  }
0x64: {  	_ =	shalt  }
0x65: {  	_ =	shalt  }
0x66: {  	_ =	shalt  }
0x67: {  	_ =	shalt  }
0x68: {  	_ =	shalt  }
0x69: {  	_ =	shalt  }
0x6a: {  	_ =	shalt  }
0x6b: {  	_ =	shalt  }
0x6c: {  	_ =	shalt  }
0x6d: {  	_ =	shalt  }
0x6e: {  	_ =	shalt  }
0x6f: {  	_ =	shalt  }
0x70: {  	_ =	shalt  }
0x71: {  	_ =	shalt  }
0x72: {  	_ =	shalt  }
0x73: {  	_ =	shalt  }
0x74: {  	_ =	shalt  }
0x75: {  	_ =	shalt  }
0x76: {  	_ =	shalt  }
0x77: {  	_ =	shalt  }
0x78: {  	_ =	shalt  }
0x79: {  	_ =	shalt  }
0x7a: {  	_ =	shalt  }
0x7b: {  	_ =	shalt  }
0x7c: {  	_ =	shalt  }
0x7d: {  	_ =	shalt  }
0x7e: {  	_ =	shalt  }
0x7f: {  	_ =	shalt  }
0x80: {  	_ =	shalt  }
0x81: {  	_ =	shalt  }
0x82: {  	_ =	shalt  }
0x83: {  	_ =	shalt  }
0x84: {  	_ =	shalt  }
0x85: {  	_ =	shalt  }
0x86: {  	_ =	shalt  }
0x87: {  	_ =	shalt  }
.Lfunc_end0:
.L_simem_size_0:
called_computation.2_lowered:
.L_overlay_start_0:
0x88: {  	s2 =	sld [smem:$0x3FD9]  }
0x89: {  	s3 =	sld [smem:$0x3FFE];
	_ =	sdelay $0x1  }
0x8a: {  	s1 =	srdreg.scid  }
0x8b: {  	s0 =	sand.u32 $0x1, s1  }
0x8c: {  	s17 =	sshll.u32 s0, $0xA;
	s2 =	sadd.s32 s3, s2  }
0x8d: {  	s2 =	sadd.s32 s2, s17  }
0x8e: {  	[smem:$0x3FB6] =	sst s2  }
0x8f: {  	_ = 	snop  }
0x90: {  	s2 =	sld [smem:$0x3FC7]  }
0x91: {  	s18 =	sld [smem:$0x3FC6];
	(tm) =	ssettm $0x1  }
0x92: {  	s4 =	sld [smem:$0x3FFB];
	_ =	sdelay $0x3  }
0x93: {  	_ =	strace s4  }
0x94: {  	s4 =	sld [smem:$0x3FFC];
	_ =	sdelay $0x3  }
0x95: {  	_ =	strace s4  }
0x96: {  	s4 =	sld [smem:$0x3FFD];
	_ =	sdelay $0x3  }
0x97: {  	_ =	strace s4  }
0x98: {  	_ =	strace $0x8FFFFFFF  }
0x99: {  	s19 =	sld [smem:$0x3FDB];
	_ =	sdelay $0x1  }
0x9a: {  	s5 =	simm.s32 $_scs_section_size  }
0x9b: {  	s6 =	simm.s32 $_size__tile_overlayer_lowered;
	s7 =	simm.s32 $_tile_overlayer_lowered  }
0x9c: {  	s22 =	simm.s32 $0x1BFF;
	s21 =	sshll.u32 s7, $0x1;
	s4 =	sadd.s32 s5, s19  }
0x9d: {  	s8 =	simm.s32 $0x0;
	s20 =	sshll.u32 s6, $0x1;
	s6 =	sadd.s32 s21, s4  }
0x9e: {  	[timem:s8], [sflag:s22] =	dma.local [hbm:s6], s20  }
0x9f: {  	_ =	swait.ge [sflag:s22], s20  }
0xa0: {  	s5 =	ssub.s32 $0x0, s20;
	[sflag:s22] =	ssyncset.done $0x0  }
0xa1: {  	[sflag:s22] =	ssyncadd.s32 s5;
	_ =	sdelay $0x1  }
0xa2: {  	s23 =	simm.s32 $0x1B8B  }
0xa3: {  	_ =	swait.ge [sflag:s23], $0x1  }
0xa4: {  	[sflag:s23] =	ssyncset.done $0x0  }
0xa5: {  	s25 =	simm.s32 $0x1B8E;
	s24 =	sld [smem:$0x3FFE];
	[sflag:s23] =	ssyncadd.s32 $0xFFFFFFFF  }
0xa6: {  	s26 =	simm.s32 $execute0_lowered;
	[smem:$0x3FD2] =	sst s25  }
0xa7: {  	s6 =	sshll.u32 s26, $0x1;
	_ =	strace $0x8000004C;
	[dreg:$0x1] =	wrdreg $0xFFFFFFFF  }
0xa8: {  	s28 =	simm.s32 $_size_execute0_lowered;
	s4 =	sadd.s32 s4, s6;
	[dreg:$0x0] =	wrdreg $0x0  }
0xa9: {  	s6 =	sshll.u32 s28, $0x1;
	[dreg:$0x2] =	wrdreg s4  }
0xaa: {  	[dreg:$0x3] =	wrdreg s6  }
0xab: {  	[dreg:$0x4] =	wrdreg $0xC0  }
0xac: {  	_ =	task [dreg:s8], $0x5FFFF  }
0xad: {  	[dreg:$0x1] =	wrdreg $0xFFFFFFFF  }
0xae: {  	[dreg:$0x0] =	wrdreg $0x60  }
0xaf: {  	[dreg:$0x2] =	wrdreg s24  }
0xb0: {  	[dreg:$0x3] =	wrdreg s2  }
0xb1: {  	[dreg:$0x4] =	wrdreg s18  }
0xb2: {  	[dreg:$0x5] =	wrdreg $0x9  }
0xb3: {  	_ =	task.clear_ibuf [dreg:s8], $0x6FFFF;
	_ =	strace $0x9000004C  }
0xb4: {  	s29 =	simm.s32 $0x9;
	_ =	strace $0x8000004E  }
0xb5: {  	_ =	swait.ge [sflag:s29], $0x1  }
0xb6: {  	[sflag:s29] =	ssyncadd.s32 $0xFFFFFFFF  }
0xb7: {  	_ =	strace $0x9000004E  }
0xb8: {  	_ =	sfence  }
0xb9: {  	s30 =	sld [smem:$0x0];
	_ =	sdelay $0x2  }
0xba: {  	s31 =	sshll.u32 s1, $0xD;
	s1 =	sshrl.u32 s1, $0x2  }
0xbb: {  	s3 =	sand.u32 $0x4000, s31;
	s1 =	sadd.s32 s1, s30  }
0xbc: {  	s0 =	sor.u32 s3, s0;
	s1 =	sshll.u32 s1, $0x11  }
0xbd: {  	s0 =	sor.u32 s1, s0  }
0xbe: {  	s0 =	sadd.s32 $0x8F2B, s0  }
0xbf: {  	[sflag:s0] =	ssyncadd.remote.s32 $0x1  }
0xc0: {  	_ =	sfence.sel $0xFFFF  }
0xc1: {  	[dreg:$0x0] =	wrdreg $0xFFFFFFFF;
	(pc) =	sbr.abs _section_cstart, $3  }
0xc2: {  	[dreg:$0x1] =	wrdreg $0xFFFFFFFF  }
0xc3: {  	_ =	task.clear_ibuf [dreg:s8], $0x2FFFF;
	_ =	strace $0x9FFFFFFF  }
0xc4: {  	(tm) =	ssettm $0x7FFFFFFF  }
0xc5: {  	_ =	shalt  }
tec
execute0_lowered:
.L_overlay_start_1:
0x0: {  	(tag) =	ssettag $0x1  }
0x1: {  	s16 =	rddreg [dreg:$0x0];
	s1 =	srdreg.scid  }
0x2: {  	s3 =	rddreg [dreg:$0x1];
	s0 =	stileid.u32;
	s21 =	sand.u32 $0x1, s1  }
0x3: {  	s5 =	rddreg [dreg:$0x2];
	s4 =	sshll.u32 s0, $0xA;
	s6 =	sshll.u32 s21, $0x9  }
0x4: {  	s2 =	simm.s32 $0x0;
	s1 =	rddreg [dreg:$0x3];
	s15 =	sor.u32 s6, s4  }
0x5: {  	[smem:$0x7FF] =	sst s2;
	s6 =	sshrl.u32 s15, $0x3  }
0x6: {  	_ =	strace $0x8000004D;
	s4 =	sadd.s32 s3, s6;
	s3 =	simm.s32 $0x2  }
0x7: {  	[tilespmem:s2], [sflag:$0x2] =	stream.linear.gather [hbm4b:s4+s2], $0x200, $0x38;
	[tilespmem:$0x10400] =	vst v63  }
0x8: {  	_ =	swait.ge [sflag:s3], $0x200  }
0x9: {  	[sflag:s3] =	ssyncset.done $0x0  }
0xa: {  	s5 =	sadd.s32 s5, s6;
	s6 =	simm.s32 $0x200;
	[sflag:s3] =	ssyncadd.s32 $0xFFFFFE00  }
0xb: {  	[tilespmem:s6], [sflag:$0x2] =	stream.linear.gather [hbm4b:s5+s2], $0x200, $0x38;
	[tilespmem:$0x10400] =	vst v63  }
0xc: {  	_ =	swait.ge [sflag:s3], $0x200  }
0xd: {  	s8 =	simm.s32 $0x80;
	[sflag:s3] =	ssyncset.done $0x0  }
0xe: {  	s9 =	simm.s32 $0x400;
	s7 =	sadd.s32 $0x8A00, s16;
	[sflag:s3] =	ssyncadd.s32 $0xFFFFFE00  }
0xf: {  	[tilespmem:s9], [sflag:$0x1] =	stream.indirect.gather [hbm4b:s7+s8], $0x80, s2, s8, $0xb8;
	[tilespmem:$0x10400] =	vst v63  }
0x10: {  	s10 =	simm.s32 $0x8400  }
0x11: {  	[tilespmem:s10], [sflag:$0x1] =	stream.indirect.gather [hbm4b:s7+s8], $0x80, s6, s8, $0xb8;
	[tilespmem:$0x10400] =	vst v63  }
0x12: {  	s11 =	simm.s32 $0x4400  }
0x13: {  	[tilespmem:s11], [sflag:$0x1] =	stream.indirect.gather [hbm4b:s7+s8], $0x80, s8, s8, $0xb8;
	[tilespmem:$0x10400] =	vst v63  }
0x14: {  	s12 =	simm.s32 $0x280;
	s13 =	simm.s32 $0xC400;
	s14 =	simm.s32 $0x1  }
0x15: {  	[tilespmem:s13], [sflag:$0x1] =	stream.indirect.gather [hbm4b:s7+s8], $0x80, s12, s8, $0xb8;
	[tilespmem:$0x10400] =	vst v63  }
0x16: {  	_ =	swait.ge [sflag:s14], $0x4000  }
0x17: {  	[sflag:s14] =	ssyncset.done $0x0  }
0x18: {  	[sflag:s14] =	ssyncadd.s32 $0xFFFFC000  }
0x19: {  	_ =	swait.ge [sflag:s14], $0x4000  }
0x1a: {  	[sflag:s14] =	ssyncset.done $0x0  }
0x1b: {  	[sflag:s14] =	ssyncadd.s32 $0xFFFFC000  }
0x1c: {  	_ =	swait.ge [sflag:s14], $0x4000  }
0x1d: {  	[sflag:s14] =	ssyncset.done $0x0  }
0x1e: {  	[sflag:s14] =	ssyncadd.s32 $0xFFFFC000  }
0x1f: {  	_ =	swait.ge [sflag:s14], $0x4000  }
0x20: {  	s22 =	sadd.s32 $0x90A00, s16;
	s23 =	sshll.u32 s15, $0x4;
	[sflag:s14] =	ssyncset.done $0x0  }
0x21: {  	s15 =	sadd.s32 s22, s23;
	[sflag:s14] =	ssyncadd.s32 $0xFFFFC000  }
0x22: {  	[hbm4b:s15+s2] =	stream.linear.scatter [tilespmem:s9], [sflag:$0x2], $0x8000, $0x38;
	[tilespmem:$0x10400] =	vst v63  }
0x23: {  	_ =	swait.ge [sflag:s3], $0x8000  }
0x24: {  	s24 =	sadd.s32 $0xD1000, s16;
	[sflag:s3] =	ssyncset.done $0x0  }
0x25: {  	s16 =	sadd.s32 s24, s23;
	[sflag:s3] =	ssyncadd.s32 $0xFFFF8000  }
0x26: {  	[hbm4b:s16+s2] =	stream.linear.scatter [tilespmem:s10], [sflag:$0x2], $0x8000, $0x38;
	[tilespmem:$0x10400] =	vst v63  }
0x27: {  	_ =	swait.ge [sflag:s3], $0x8000  }
0x28: {  	[sflag:s3] =	ssyncset.done $0x0  }
0x29: {  	s17 =	simm.s32 $0x100;
	[sflag:s3] =	ssyncadd.s32 $0xFFFF8000  }
0x2a: {  	[tilespmem:s9], [sflag:$0x1] =	stream.indirect.gather [hbm4b:s7+s8], $0x80, s17, s8, $0xb8;
	[tilespmem:$0x10400] =	vst v63  }
0x2b: {  	s18 =	simm.s32 $0x300  }
0x2c: {  	[tilespmem:s10], [sflag:$0x1] =	stream.indirect.gather [hbm4b:s7+s8], $0x80, s18, s8, $0xb8;
	[tilespmem:$0x10400] =	vst v63  }
0x2d: {  	s19 =	simm.s32 $0x180  }
0x2e: {  	[tilespmem:s11], [sflag:$0x1] =	stream.indirect.gather [hbm4b:s7+s8], $0x80, s19, s8, $0xb8;
	[tilespmem:$0x10400] =	vst v63  }
0x2f: {  	s20 =	simm.s32 $0x380  }
0x30: {  	[tilespmem:s13], [sflag:$0x1] =	stream.indirect.gather [hbm4b:s7+s8], $0x80, s20, s8, $0xb8;
	[tilespmem:$0x10400] =	vst v63  }
0x31: {  	_ =	swait.ge [sflag:s14], $0x4000  }
0x32: {  	[sflag:s14] =	ssyncset.done $0x0  }
0x33: {  	[sflag:s14] =	ssyncadd.s32 $0xFFFFC000  }
0x34: {  	_ =	swait.ge [sflag:s14], $0x4000  }
0x35: {  	[sflag:s14] =	ssyncset.done $0x0  }
0x36: {  	[sflag:s14] =	ssyncadd.s32 $0xFFFFC000  }
0x37: {  	_ =	swait.ge [sflag:s14], $0x4000  }
0x38: {  	[sflag:s14] =	ssyncset.done $0x0  }
0x39: {  	s25 =	ssub.s32 $0x2, s21;
	[sflag:s14] =	ssyncadd.s32 $0xFFFFC000  }
0x3a: {  	s30 =	sshrl.u32 s25, $0x1;
	_ =	swait.ge [sflag:s14], $0x4000  }
0x3b: {  	s25 =	ssub.s32 s25, s30;
	s23 =	sor.u32 $0x1000, s23;
	[sflag:s14] =	ssyncset.done $0x0  }
0x3c: {  	s31 =	smax.u32 s25, $0x1;
	s21 =	sadd.s32 s22, s23;
	[sflag:s14] =	ssyncadd.s32 $0xFFFFC000  }
0x3d: {  	[hbm4b:s21+s2] =	stream.linear.scatter [tilespmem:s9], [sflag:$0x2], $0x8000, $0x38;
	[tilespmem:$0x10400] =	vst v63  }
0x3e: {  	p0 =	sne.s32 s31, $0x1;
	_ =	swait.ge [sflag:s3], $0x8000  }
.Ltmp0:
0x3f: {  	[sflag:s3] =	ssyncset.done $0x0;
	(pc) =	sbr.rel @!p0 .LBB2_2-.Ltmp0, $4  }
0x40: {  	s22 =	sadd.s32 s24, s23;
	[sflag:s3] =	ssyncadd.s32 $0xFFFF8000  }
0x41: {  	[hbm4b:s22+s2] =	stream.linear.scatter [tilespmem:s10], [sflag:$0x2], $0x8000, $0x38;
	[tilespmem:$0x10400] =	vst v63  }
0x42: {  	_ =	swait.ge [sflag:s3], $0x8000  }
0x43: {  	s23 =	sadd.s32 $0xFFFFFFFF, s31;
	[sflag:s3] =	ssyncset.done $0x0  }
.LBB2_1:
0x44: {  	p0 =	sne.s32 s23, $0x1;
	s23 =	sadd.s32 $0xFFFFFFFF, s23;
	[sflag:s3] =	ssyncadd.s32 $0xFFFF8000  }
0x45: {  	[tilespmem:s2], [sflag:$0x2] =	stream.linear.gather [hbm4b:s4+s2], $0x200, $0x38;
	[tilespmem:$0x10400] =	vst v63  }
0x46: {  	_ =	swait.ge [sflag:s3], $0x200  }
0x47: {  	[sflag:s3] =	ssyncset.done $0x0  }
0x48: {  	[sflag:s3] =	ssyncadd.s32 $0xFFFFFE00  }
0x49: {  	[tilespmem:s6], [sflag:$0x2] =	stream.linear.gather [hbm4b:s5+s2], $0x200, $0x38;
	[tilespmem:$0x10400] =	vst v63  }
0x4a: {  	_ =	swait.ge [sflag:s3], $0x200  }
0x4b: {  	[sflag:s3] =	ssyncset.done $0x0  }
0x4c: {  	[sflag:s3] =	ssyncadd.s32 $0xFFFFFE00  }
0x4d: {  	[tilespmem:s9], [sflag:$0x1] =	stream.indirect.gather [hbm4b:s7+s8], $0x80, s2, s8, $0xb8;
	[tilespmem:$0x10400] =	vst v63  }
0x4e: {  	_ = 	snop  }
0x4f: {  	[tilespmem:s10], [sflag:$0x1] =	stream.indirect.gather [hbm4b:s7+s8], $0x80, s6, s8, $0xb8;
	[tilespmem:$0x10400] =	vst v63  }
0x50: {  	_ = 	snop  }
0x51: {  	[tilespmem:s11], [sflag:$0x1] =	stream.indirect.gather [hbm4b:s7+s8], $0x80, s8, s8, $0xb8;
	[tilespmem:$0x10400] =	vst v63  }
0x52: {  	_ = 	snop  }
0x53: {  	[tilespmem:s13], [sflag:$0x1] =	stream.indirect.gather [hbm4b:s7+s8], $0x80, s12, s8, $0xb8;
	[tilespmem:$0x10400] =	vst v63  }
0x54: {  	_ =	swait.ge [sflag:s14], $0x4000  }
0x55: {  	[sflag:s14] =	ssyncset.done $0x0  }
0x56: {  	[sflag:s14] =	ssyncadd.s32 $0xFFFFC000  }
0x57: {  	_ =	swait.ge [sflag:s14], $0x4000  }
0x58: {  	[sflag:s14] =	ssyncset.done $0x0  }
0x59: {  	[sflag:s14] =	ssyncadd.s32 $0xFFFFC000  }
0x5a: {  	_ =	swait.ge [sflag:s14], $0x4000  }
0x5b: {  	[sflag:s14] =	ssyncset.done $0x0  }
0x5c: {  	[sflag:s14] =	ssyncadd.s32 $0xFFFFC000  }
0x5d: {  	_ =	swait.ge [sflag:s14], $0x4000  }
0x5e: {  	[sflag:s14] =	ssyncset.done $0x0  }
0x5f: {  	[sflag:s14] =	ssyncadd.s32 $0xFFFFC000  }
0x60: {  	[hbm4b:s15+s2] =	stream.linear.scatter [tilespmem:s9], [sflag:$0x2], $0x8000, $0x38;
	[tilespmem:$0x10400] =	vst v63  }
0x61: {  	_ =	swait.ge [sflag:s3], $0x8000  }
0x62: {  	[sflag:s3] =	ssyncset.done $0x0  }
0x63: {  	[sflag:s3] =	ssyncadd.s32 $0xFFFF8000  }
0x64: {  	[hbm4b:s16+s2] =	stream.linear.scatter [tilespmem:s10], [sflag:$0x2], $0x8000, $0x38;
	[tilespmem:$0x10400] =	vst v63  }
0x65: {  	_ =	swait.ge [sflag:s3], $0x8000  }
0x66: {  	[sflag:s3] =	ssyncset.done $0x0  }
0x67: {  	[sflag:s3] =	ssyncadd.s32 $0xFFFF8000  }
0x68: {  	[tilespmem:s9], [sflag:$0x1] =	stream.indirect.gather [hbm4b:s7+s8], $0x80, s17, s8, $0xb8;
	[tilespmem:$0x10400] =	vst v63  }
0x69: {  	_ = 	snop  }
0x6a: {  	[tilespmem:s10], [sflag:$0x1] =	stream.indirect.gather [hbm4b:s7+s8], $0x80, s18, s8, $0xb8;
	[tilespmem:$0x10400] =	vst v63  }
0x6b: {  	_ = 	snop  }
0x6c: {  	[tilespmem:s11], [sflag:$0x1] =	stream.indirect.gather [hbm4b:s7+s8], $0x80, s19, s8, $0xb8;
	[tilespmem:$0x10400] =	vst v63  }
0x6d: {  	_ = 	snop  }
0x6e: {  	[tilespmem:s13], [sflag:$0x1] =	stream.indirect.gather [hbm4b:s7+s8], $0x80, s20, s8, $0xb8;
	[tilespmem:$0x10400] =	vst v63  }
0x6f: {  	_ =	swait.ge [sflag:s14], $0x4000  }
0x70: {  	[sflag:s14] =	ssyncset.done $0x0  }
0x71: {  	[sflag:s14] =	ssyncadd.s32 $0xFFFFC000  }
0x72: {  	_ =	swait.ge [sflag:s14], $0x4000  }
0x73: {  	[sflag:s14] =	ssyncset.done $0x0  }
0x74: {  	[sflag:s14] =	ssyncadd.s32 $0xFFFFC000  }
0x75: {  	_ =	swait.ge [sflag:s14], $0x4000  }
0x76: {  	[sflag:s14] =	ssyncset.done $0x0  }
0x77: {  	[sflag:s14] =	ssyncadd.s32 $0xFFFFC000  }
0x78: {  	_ =	swait.ge [sflag:s14], $0x4000  }
0x79: {  	[sflag:s14] =	ssyncset.done $0x0  }
0x7a: {  	[sflag:s14] =	ssyncadd.s32 $0xFFFFC000  }
0x7b: {  	[hbm4b:s21+s2] =	stream.linear.scatter [tilespmem:s9], [sflag:$0x2], $0x8000, $0x38;
	[tilespmem:$0x10400] =	vst v63  }
0x7c: {  	_ =	swait.ge [sflag:s3], $0x8000  }
.Ltmp1:
0x7d: {  	[sflag:s3] =	ssyncset.done $0x0;
	(pc) =	sbr.rel @p0 .LBB2_1-.Ltmp1, $4  }
0x7e: {  	[sflag:s3] =	ssyncadd.s32 $0xFFFF8000  }
0x7f: {  	[hbm4b:s22+s2] =	stream.linear.scatter [tilespmem:s10], [sflag:$0x2], $0x8000, $0x38;
	[tilespmem:$0x10400] =	vst v63  }
0x80: {  	_ =	swait.ge [sflag:s3], $0x8000  }
0x81: {  	[sflag:s3] =	ssyncset.done $0x0  }
.LBB2_2:
0x82: {  	[sflag:s3] =	ssyncadd.s32 $0xFFFF8000  }
0x83: {  	_ =	sfence.sel $0x180000  }
0x84: {  	[bflag:$0x0] =	sbarrier.arrive $0xFFFF  }
0x85: {  	p0 =	sne.s32 s0, $0x0;
	_ =	strace $0x9000004D  }
0x86: {  	s0 =	sadd.s32 @!p0 $0x100000, s1;
	[bflag:$0x2] =	sbarrier.arrive $0xFFFF  }
0x87: {  	[sflag:s0] =	ssyncadd.tile.s32 @!p0 $0x1;
	_ =	shalt  }
.Lfunc_end2:
_tile_overlayer_lowered:
.L_overlay_start_2:
0x88: {  	(tag) =	ssettag $0x2  }
0x89: {  	s0 =	rddreg [dreg:$0x0];
	s2 =	stileid.u32  }
0x8a: {  	s1 =	rddreg [dreg:$0x1];
	p0 =	sne.s32 s2, $0x0  }
0x8b: {  	s3 =	rddreg [dreg:$0x2];
	[bflag:$0x3] =	sbarrier.arrive $0xFFFF;
	s2 =	simm.s32 @!p0 $0x1C02  }
0x8c: {  	[timem:s3], [sflag:s2] =	dma.local @!p0 [hbm:s0], s1  }
0x8d: {  	s0 =	simm.s32 @!p0 $0x2  }
0x8e: {  	_ =	swait.ge @!p0 [sflag:s0], s1  }
0x8f: {  	s1 =	ssub.s32 @!p0 $0x0, s1;
	[sflag:s0] =	ssyncset.done @!p0 $0x0  }
0x90: {  	[sflag:s0] =	ssyncadd.s32 @!p0 s1  }
0x91: {  	[bflag:$0x3] =	sbarrier.arrive $0xFFFF  }
0x92: {  	_ =	shalt  }

// kernel: kernel.28.cloned.1.call-start
scs
__scs_entry_jumppad:
0x0: {  	(pc) =	sbr.rel $0x88, $3  }
0x1: {  	(tag) =	ssettag $0x0;
	lr =	simm.s32 $0x1  }
0x2: {  	[smem:$0x3F8F] =	sst lr;
	_ =	strace $0xD0000000  }
0x3: {  	_ = 	snop  }
0x4: {  	_ = 	snop  }
0x5: {  	_ = 	snop  }
0x6: {  	_ = 	snop  }
0x7: {  	_ = 	snop  }
__scs_overlays_trampoline_lowered:
0x8: {  	[smem:$0x3F9E] =	sst s0  }
0x9: {  	[smem:$0x3F9F] =	sst s1  }
0xa: {  	[smem:$0x3FA0] =	sst s2  }
0xb: {  	[smem:$0x3FA1] =	sst s3  }
0xc: {  	[smem:$0x3FA2] =	sst s4  }
0xd: {  	[smem:$0x3FA3] =	sst s5  }
0xe: {  	[smem:$0x3FA4] =	sst s6  }
0xf: {  	[smem:$0x3FA5] =	sst s7  }
0x10: {  	[smem:$0x3FA6] =	sst s8  }
0x11: {  	[smem:$0x3FA7] =	sst s9;
	s0 =	simm.s32 @!p0 $0x0  }
0x12: {  	s1 =	sld [smem:$0x3F8D];
	s0 =	simm.s32 @p0 $0x1  }
0x13: {  	[smem:$0x3FA8] =	sst s0;
	s0 =	simm.s32 @!p1 $0x0  }
0x14: {  	s2 =	sld [smem:$0x3F8C];
	s0 =	simm.s32 @p1 $0x1  }
0x15: {  	[smem:$0x3FA9] =	sst s0;
	s0 =	simm.s32 @!p2 $0x0  }
0x16: {  	s3 =	sld [smem:$0x3FDB];
	s0 =	simm.s32 @p2 $0x1  }
0x17: {  	s4 =	simm.s32 $0x1BF5;
	[smem:$0x3FAB] =	sst s0  }
0x18: {  	s0 =	sld [smem:$0x3F8E];
	_ =	swait.ge [sflag:s4], $0x0  }
0x19: {  	s7 =	sld [smem:$0x3F8F]  }
0x1a: {  	s8 =	sadd.s32 $0xFFFFE003, lr  }
0x1b: {  	s9 =	sadd.s32 $0xFFFFFEF7, lr;
	s5 =	simm.s32 $0xFFFFFFFF;
	p2 =	slt.u32 s8, $0xFFFFF086  }
0x1c: {  	p1 =	slt.u32 s9, $0xF7A;
	s5 =	simm.s32 @!p2 $0x0  }
0x1d: {  	s5 =	simm.s32 @p1 $0x1;
	p0 =	seq.s32 s7, s2  }
0x1e: {  	s7 =	smul.u32 @!p0 $0xF7A, s2;
	p2 =	seq.s32 @!p0 s5, $0x0  }
0x1f: {  	s9 =	smul.u32 $0xF7A, s1;
	s8 =	simm.s32 @!p0 $0x1BF5;
	p2 =	por !p2, p0  }
0x20: {  	[sflag:s8] =	ssyncset.s32 @!p0 $0xFFFFF086;
	s6 =	sadd.s32 @!p0 s3, s7;
	s7 =	simm.s32 @!p0 $0x108  }
0x21: {  	s3 =	sadd.s32 s3, s9;
	s6 =	sadd.s32 @!p0 $0x88, s6;
	s7 =	simm.s32 @p2 $0x1082  }
0x22: {  	[simem:s7], [sflag:s8] =	dma.local @!p0 [hbm:s6], $0xF7A  }
0x23: {  	s9 =	sor.u32 $0xD0000000, s2;
	s6 =	simm.s32 $0x108;
	_ =	swait.ge @!p0 [sflag:s8], $0x0  }
0x24: {  	s3 =	sadd.s32 $0x88, s3;
	s6 =	simm.s32 @!p1 $0x1082;
	[sflag:s4] =	ssyncset.s32 $0xFFFFF086  }
0x25: {  	[simem:s6], [sflag:s4] =	dma.local [hbm:s3], $0xF7A  }
0x26: {  	[smem:$0x3F8F] =	sst s1;
	(tag) =	ssettag s2;
	_ =	strace s9  }
0x27: {  	s1 =	sld [smem:$0x3F9F]  }
0x28: {  	s2 =	sld [smem:$0x3FA0]  }
0x29: {  	s4 =	sld [smem:$0x3FA2]  }
0x2a: {  	p0 =	seq.s32 s5, $0x0;
	s5 =	sld [smem:$0x3FA3]  }
0x2b: {  	s6 =	sld [smem:$0x3FA4]  }
0x2c: {  	s7 =	sld [smem:$0x3FA5]  }
0x2d: {  	s3 =	simm.s32 $0x108;
	s8 =	sld [smem:$0x3FA6]  }
0x2e: {  	s3 =	simm.s32 @!p0 $0x1082;
	s9 =	sld [smem:$0x3FA7]  }
0x2f: {  	lr =	sadd.s32 s0, s3;
	s0 =	sld [smem:$0x3F9E]  }
0x30: {  	s3 =	sld [smem:$0x3FA1]  }
0x31: {  	[smem:$0x3FAA] =	sst s10  }
0x32: {  	s10 =	sld [smem:$0x3FA8];
	_ =	sdelay $0x3  }
0x33: {  	p0 =	seq.s32 s10, $0x1;
	s10 =	sld [smem:$0x3FAA];
	_ =	sdelay $0x3  }
0x34: {  	[smem:$0x3FAA] =	sst s10  }
0x35: {  	s10 =	sld [smem:$0x3FA9];
	_ =	sdelay $0x3  }
0x36: {  	p1 =	seq.s32 s10, $0x1;
	s10 =	sld [smem:$0x3FAA];
	_ =	sdelay $0x3  }
0x37: {  	[smem:$0x3FAA] =	sst s10  }
0x38: {  	s10 =	sld [smem:$0x3FAB]  }
0x39: {  	_ = 	snop;
	(pc) =	sbr.ind lr, $3  }
0x3a: {  	_ = 	snop  }
0x3b: {  	_ = 	snop  }
0x3c: {  	p2 =	seq.s32 s10, $0x1;
	s10 =	sld [smem:$0x3FAA]  }
0x3d: {  	_ =	shalt  }
0x3e: {  	_ =	shalt  }
0x3f: {  	_ =	shalt  }
0x40: {  	_ =	shalt  }
0x41: {  	_ =	shalt  }
0x42: {  	_ =	shalt  }
0x43: {  	_ =	shalt  }
0x44: {  	_ =	shalt  }
0x45: {  	_ =	shalt  }
0x46: {  	_ =	shalt  }
0x47: {  	_ =	shalt  }
0x48: {  	_ =	shalt  }
0x49: {  	_ =	shalt  }
0x4a: {  	_ =	shalt  }
0x4b: {  	_ =	shalt  }
0x4c: {  	_ =	shalt  }
0x4d: {  	_ =	shalt  }
0x4e: {  	_ =	shalt  }
0x4f: {  	_ =	shalt  }
0x50: {  	_ =	shalt  }
0x51: {  	_ =	shalt  }
0x52: {  	_ =	shalt  }
0x53: {  	_ =	shalt  }
0x54: {  	_ =	shalt  }
0x55: {  	_ =	shalt  }
0x56: {  	_ =	shalt  }
0x57: {  	_ =	shalt  }
0x58: {  	_ =	shalt  }
0x59: {  	_ =	shalt  }
0x5a: {  	_ =	shalt  }
0x5b: {  	_ =	shalt  }
0x5c: {  	_ =	shalt  }
0x5d: {  	_ =	shalt  }
0x5e: {  	_ =	shalt  }
0x5f: {  	_ =	shalt  }
0x60: {  	_ =	shalt  }
0x61: {  	_ =	shalt  }
0x62: {  	_ =	shalt  }
0x63: {  	_ =	shalt  }
0x64: {  	_ =	shalt  }
0x65: {  	_ =	shalt  }
0x66: {  	_ =	shalt  }
0x67: {  	_ =	shalt  }
0x68: {  	_ =	shalt  }
0x69: {  	_ =	shalt  }
0x6a: {  	_ =	shalt  }
0x6b: {  	_ =	shalt  }
0x6c: {  	_ =	shalt  }
0x6d: {  	_ =	shalt  }
0x6e: {  	_ =	shalt  }
0x6f: {  	_ =	shalt  }
0x70: {  	_ =	shalt  }
0x71: {  	_ =	shalt  }
0x72: {  	_ =	shalt  }
0x73: {  	_ =	shalt  }
0x74: {  	_ =	shalt  }
0x75: {  	_ =	shalt  }
0x76: {  	_ =	shalt  }
0x77: {  	_ =	shalt  }
0x78: {  	_ =	shalt  }
0x79: {  	_ =	shalt  }
0x7a: {  	_ =	shalt  }
0x7b: {  	_ =	shalt  }
0x7c: {  	_ =	shalt  }
0x7d: {  	_ =	shalt  }
0x7e: {  	_ =	shalt  }
0x7f: {  	_ =	shalt  }
0x80: {  	_ =	shalt  }
0x81: {  	_ =	shalt  }
0x82: {  	_ =	shalt  }
0x83: {  	_ =	shalt  }
0x84: {  	_ =	shalt  }
0x85: {  	_ =	shalt  }
0x86: {  	_ =	shalt  }
0x87: {  	_ =	shalt  }
.Lfunc_end0:
.L_simem_size_0:
called_computation.3_lowered:
.L_overlay_start_0:
0x88: {  	s2 =	sld [smem:$0x3FD9]  }
0x89: {  	s3 =	sld [smem:$0x3FFE];
	_ =	sdelay $0x1  }
0x8a: {  	s1 =	srdreg.scid  }
0x8b: {  	s0 =	sand.u32 $0x1, s1  }
0x8c: {  	s17 =	sshll.u32 s0, $0xA;
	s2 =	sadd.s32 s3, s2  }
0x8d: {  	s2 =	sadd.s32 s2, s17  }
0x8e: {  	[smem:$0x3FB6] =	sst s2  }
0x8f: {  	_ = 	snop  }
0x90: {  	s2 =	sld [smem:$0x3FC6];
	(tm) =	ssettm $0x1  }
0x91: {  	s18 =	sld [smem:$0x3FFB];
	_ =	sdelay $0x3  }
0x92: {  	_ =	strace s18  }
0x93: {  	s3 =	sld [smem:$0x3FFC];
	_ =	sdelay $0x3  }
0x94: {  	_ =	strace s3  }
0x95: {  	s3 =	sld [smem:$0x3FFD];
	_ =	sdelay $0x3  }
0x96: {  	_ =	strace s3  }
0x97: {  	_ =	strace $0x8FFFFFFF  }
0x98: {  	s19 =	sld [smem:$0x3FDB];
	_ =	sdelay $0x1  }
0x99: {  	s4 =	simm.s32 $_scs_section_size  }
0x9a: {  	s5 =	simm.s32 $_size__tile_overlayer_lowered;
	s6 =	simm.s32 $_tile_overlayer_lowered  }
0x9b: {  	s22 =	simm.s32 $0x1BFF;
	s21 =	sshll.u32 s6, $0x1;
	s3 =	sadd.s32 s4, s19  }
0x9c: {  	s7 =	simm.s32 $0x0;
	s20 =	sshll.u32 s5, $0x1;
	s5 =	sadd.s32 s21, s3  }
0x9d: {  	[timem:s7], [sflag:s22] =	dma.local [hbm:s5], s20  }
0x9e: {  	_ =	swait.ge [sflag:s22], s20  }
0x9f: {  	s4 =	ssub.s32 $0x0, s20;
	[sflag:s22] =	ssyncset.done $0x0  }
0xa0: {  	[sflag:s22] =	ssyncadd.s32 s4;
	_ =	sdelay $0x1  }
0xa1: {  	s23 =	simm.s32 $0x1B8B  }
0xa2: {  	_ =	swait.ge [sflag:s23], $0x1  }
0xa3: {  	[sflag:s23] =	ssyncset.done $0x0  }
0xa4: {  	s25 =	simm.s32 $0x1B8E;
	s24 =	sld [smem:$0x3FFE];
	[sflag:s23] =	ssyncadd.s32 $0xFFFFFFFF  }
0xa5: {  	s26 =	simm.s32 $execute0_lowered;
	[smem:$0x3FD2] =	sst s25  }
0xa6: {  	s5 =	sshll.u32 s26, $0x1;
	_ =	strace $0x8000004F;
	[dreg:$0x1] =	wrdreg $0xFFFFFFFF  }
0xa7: {  	s28 =	simm.s32 $_size_execute0_lowered;
	s3 =	sadd.s32 s3, s5;
	[dreg:$0x0] =	wrdreg $0x0  }
0xa8: {  	s5 =	sshll.u32 s28, $0x1;
	[dreg:$0x2] =	wrdreg s3  }
0xa9: {  	[dreg:$0x3] =	wrdreg s5  }
0xaa: {  	[dreg:$0x4] =	wrdreg $0xC0  }
0xab: {  	_ =	task [dreg:s7], $0x5FFFF  }
0xac: {  	[dreg:$0x1] =	wrdreg $0xFFFFFFFF  }
0xad: {  	[dreg:$0x0] =	wrdreg $0x60  }
0xae: {  	[dreg:$0x2] =	wrdreg s24  }
0xaf: {  	[dreg:$0x3] =	wrdreg s2  }
0xb0: {  	[dreg:$0x4] =	wrdreg $0x102000  }
0xb1: {  	[dreg:$0x5] =	wrdreg $0x9  }
0xb2: {  	_ =	task.clear_ibuf [dreg:s7], $0x6FFFF;
	_ =	strace $0x9000004F  }
0xb3: {  	s29 =	simm.s32 $0x9;
	_ =	strace $0x80000051  }
0xb4: {  	_ =	swait.ge [sflag:s29], $0x1  }
0xb5: {  	[sflag:s29] =	ssyncadd.s32 $0xFFFFFFFF  }
0xb6: {  	_ =	strace $0x90000051  }
0xb7: {  	_ =	sfence  }
0xb8: {  	s30 =	sld [smem:$0x0];
	_ =	sdelay $0x2  }
0xb9: {  	s31 =	sshll.u32 s1, $0xD;
	s1 =	sshrl.u32 s1, $0x2  }
0xba: {  	s3 =	sand.u32 $0x4000, s31;
	s1 =	sadd.s32 s1, s30  }
0xbb: {  	s0 =	sor.u32 s3, s0;
	s1 =	sshll.u32 s1, $0x11  }
0xbc: {  	s0 =	sor.u32 s1, s0  }
0xbd: {  	s0 =	sadd.s32 $0x8F2B, s0  }
0xbe: {  	[sflag:s0] =	ssyncadd.remote.s32 $0x1  }
0xbf: {  	_ =	sfence.sel $0xFFFF  }
0xc0: {  	[dreg:$0x0] =	wrdreg $0xFFFFFFFF;
	(pc) =	sbr.abs _section_cstart, $3  }
0xc1: {  	[dreg:$0x1] =	wrdreg $0xFFFFFFFF  }
0xc2: {  	_ =	task.clear_ibuf [dreg:s7], $0x2FFFF;
	_ =	strace $0x9FFFFFFF  }
0xc3: {  	(tm) =	ssettm $0x7FFFFFFF  }
tec
execute0_lowered:
.L_overlay_start_1:
0x0: {  	(tag) =	ssettag $0x1  }
0x1: {  	s8 =	rddreg [dreg:$0x0]  }
0x2: {  	s4 =	rddreg [dreg:$0x1]  }
0x3: {  	s2 =	rddreg [dreg:$0x2]  }
0x4: {  	s5 =	srdreg.scid;
	s1 =	stileid.u32  }
0x5: {  	s3 =	simm.s32 $0x0;
	s17 =	sand.u32 $0x1, s5;
	s28 =	sshll.u32 s1, $0x1  }
0x6: {  	[smem:$0x7FF] =	sst s3;
	s5 =	sor.u32 s17, s28  }
0x7: {  	s0 =	rddreg [dreg:$0x3];
	_ =	strace $0x80000050;
	s6 =	sshll.u32 s5, $0x6  }
0x8: {  	s7 =	sshll.u32 s5, $0xD;
	s5 =	sadd.s32 s4, s6;
	s4 =	simm.s32 $0x1  }
0x9: {  	[tilespmem:s3], [sflag:$0x1] =	stream.linear.gather [hbm4b:s5+s3], $0x200, $0x38;
	[tilespmem:$0x14200] =	vst v63  }
0xa: {  	s9 =	sshll.u32 s1, $0xB;
	_ =	swait.ge [sflag:s4], $0x200  }
0xb: {  	s10 =	sshll.u32 s1, $0xE;
	s29 =	sadd.s32 s7, s8;
	[sflag:s4] =	ssyncset.done $0x0  }
0xc: {  	s7 =	simm.s32 $0x200;
	s6 =	sadd.s32 $0x90A00, s29;
	[sflag:s4] =	ssyncadd.s32 $0xFFFFFE00  }
0xd: {  	[tilespmem:s7], [sflag:$0x1] =	stream.linear.gather [hbm4b:s6+s3], $0x10000, $0x38;
	[tilespmem:$0x14200] =	vst v63  }
0xe: {  	s30 =	sshll.u32 s1, $0x6;
	s18 =	sadd.s32 s9, s8;
	_ =	swait.ge [sflag:s4], $0x10000  }
0xf: {  	s10 =	sadd.s32 s10, s2;
	s9 =	sor.u32 $0x1C01, s30;
	[sflag:s4] =	ssyncset.done $0x0  }
0x10: {  	s10 =	sshrl.u32 s10, $0x3;
	s8 =	sadd.s32 $0x88A00, s18;
	[sflag:s4] =	ssyncadd.s32 $0xFFFF0000  }
0x11: {  	[spmem:s10], [sflag:s9] =	dma.local [hbm:s8], $0x800  }
0x12: {  	_ =	swait.ge [sflag:s4], $0x800  }
0x13: {  	[sflag:s4] =	ssyncset.done $0x0  }
0x14: {  	[sflag:s4] =	ssyncadd.s32 $0xFFFFF800  }
0x15: {  	s11 =	simm.s32 $0x80;
	[bflag:$0x0] =	sbarrier.arrive $0xFFFF  }
0x16: {  	[spmem:s2] =	stream.indirect.scatter.add.f32 [tilespmem:s7], [sflag:$0x1], $0x80, s3, s11, $0xb8;
	[tilespmem:$0x14200] =	vst v63  }
0x17: {  	_ =	swait.ge [sflag:s4], $0x4000  }
0x18: {  	[sflag:s4] =	ssyncset.done $0x0  }
0x19: {  	s12 =	simm.s32 $0x4200;
	[sflag:s4] =	ssyncadd.s32 $0xFFFFC000  }
0x1a: {  	[spmem:s2] =	stream.indirect.scatter.add.f32 [tilespmem:s12], [sflag:$0x1], $0x80, s11, s11, $0xb8;
	[tilespmem:$0x14200] =	vst v63  }
0x1b: {  	_ =	swait.ge [sflag:s4], $0x4000  }
0x1c: {  	[sflag:s4] =	ssyncset.done $0x0  }
0x1d: {  	s13 =	simm.s32 $0x100;
	s14 =	simm.s32 $0x8200;
	[sflag:s4] =	ssyncadd.s32 $0xFFFFC000  }
0x1e: {  	[spmem:s2] =	stream.indirect.scatter.add.f32 [tilespmem:s14], [sflag:$0x1], $0x80, s13, s11, $0xb8;
	[tilespmem:$0x14200] =	vst v63  }
0x1f: {  	s19 =	ssub.s32 $0x2, s17;
	_ =	swait.ge [sflag:s4], $0x4000  }
0x20: {  	s15 =	simm.s32 $0x180;
	s20 =	sshrl.u32 s19, $0x1;
	[sflag:s4] =	ssyncset.done $0x0  }
0x21: {  	s16 =	simm.s32 $0xC200;
	s19 =	ssub.s32 s19, s20;
	[sflag:s4] =	ssyncadd.s32 $0xFFFFC000  }
0x22: {  	[spmem:s2] =	stream.indirect.scatter.add.f32 [tilespmem:s16], [sflag:$0x1], $0x80, s15, s11, $0xb8;
	[tilespmem:$0x14200] =	vst v63  }
0x23: {  	s31 =	smax.u32 s19, $0x1;
	_ =	swait.ge [sflag:s4], $0x4000  }
0x24: {  	s17 =	sshll.u32 s17, $0xF;
	p0 =	sne.s32 s31, $0x1;
	[sflag:s4] =	ssyncset.done $0x0  }
.Ltmp0:
0x25: {  	s17 =	sadd.s32 s17, s18;
	[sflag:s4] =	ssyncadd.s32 $0xFFFFC000;
	(pc) =	sbr.rel @!p0 .LBB2_2-.Ltmp0, $4  }
0x26: {  	s17 =	sadd.s32 $0x48A00, s17;
	[bflag:$0x0] =	sbarrier.arrive $0xFFFF  }
0x27: {  	[hbm:s17], [sflag:s9] =	dma.local [spmem:s10], $0x800  }
0x28: {  	_ =	swait.ge [sflag:s4], $0x800  }
0x29: {  	s18 =	sadd.s32 $0xFFFFFFFF, s31;
	[sflag:s4] =	ssyncset.done $0x0  }
.LBB2_1:
0x2a: {  	p0 =	sne.s32 s18, $0x1;
	s18 =	sadd.s32 $0xFFFFFFFF, s18;
	[sflag:s4] =	ssyncadd.s32 $0xFFFFF800  }
0x2b: {  	[tilespmem:s3], [sflag:$0x1] =	stream.linear.gather [hbm4b:s5+s3], $0x200, $0x38;
	[tilespmem:$0x14200] =	vst v63  }
0x2c: {  	_ =	swait.ge [sflag:s4], $0x200  }
0x2d: {  	[sflag:s4] =	ssyncset.done $0x0  }
0x2e: {  	[sflag:s4] =	ssyncadd.s32 $0xFFFFFE00  }
0x2f: {  	[tilespmem:s7], [sflag:$0x1] =	stream.linear.gather [hbm4b:s6+s3], $0x10000, $0x38;
	[tilespmem:$0x14200] =	vst v63  }
0x30: {  	_ =	swait.ge [sflag:s4], $0x10000  }
0x31: {  	[sflag:s4] =	ssyncset.done $0x0  }
0x32: {  	[sflag:s4] =	ssyncadd.s32 $0xFFFF0000  }
0x33: {  	[spmem:s10], [sflag:s9] =	dma.local [hbm:s8], $0x800  }
0x34: {  	_ =	swait.ge [sflag:s4], $0x800  }
0x35: {  	[sflag:s4] =	ssyncset.done $0x0  }
0x36: {  	[sflag:s4] =	ssyncadd.s32 $0xFFFFF800  }
0x37: {  	[bflag:$0x0] =	sbarrier.arrive $0xFFFF  }
0x38: {  	[spmem:s2] =	stream.indirect.scatter.add.f32 [tilespmem:s7], [sflag:$0x1], $0x80, s3, s11, $0xb8;
	[tilespmem:$0x14200] =	vst v63  }
0x39: {  	_ =	swait.ge [sflag:s4], $0x4000  }
0x3a: {  	[sflag:s4] =	ssyncset.done $0x0  }
0x3b: {  	[sflag:s4] =	ssyncadd.s32 $0xFFFFC000  }
0x3c: {  	[spmem:s2] =	stream.indirect.scatter.add.f32 [tilespmem:s12], [sflag:$0x1], $0x80, s11, s11, $0xb8;
	[tilespmem:$0x14200] =	vst v63  }
0x3d: {  	_ =	swait.ge [sflag:s4], $0x4000  }
0x3e: {  	[sflag:s4] =	ssyncset.done $0x0  }
0x3f: {  	[sflag:s4] =	ssyncadd.s32 $0xFFFFC000  }
0x40: {  	[spmem:s2] =	stream.indirect.scatter.add.f32 [tilespmem:s14], [sflag:$0x1], $0x80, s13, s11, $0xb8;
	[tilespmem:$0x14200] =	vst v63  }
0x41: {  	_ =	swait.ge [sflag:s4], $0x4000  }
0x42: {  	[sflag:s4] =	ssyncset.done $0x0  }
0x43: {  	[sflag:s4] =	ssyncadd.s32 $0xFFFFC000  }
0x44: {  	[spmem:s2] =	stream.indirect.scatter.add.f32 [tilespmem:s16], [sflag:$0x1], $0x80, s15, s11, $0xb8;
	[tilespmem:$0x14200] =	vst v63  }
0x45: {  	_ =	swait.ge [sflag:s4], $0x4000  }
0x46: {  	[sflag:s4] =	ssyncset.done $0x0  }
.Ltmp1:
0x47: {  	[sflag:s4] =	ssyncadd.s32 $0xFFFFC000;
	(pc) =	sbr.rel @p0 .LBB2_1-.Ltmp1, $4  }
0x48: {  	[bflag:$0x0] =	sbarrier.arrive $0xFFFF  }
0x49: {  	[hbm:s17], [sflag:s9] =	dma.local [spmem:s10], $0x800  }
0x4a: {  	_ =	swait.ge [sflag:s4], $0x800  }
0x4b: {  	[sflag:s4] =	ssyncset.done $0x0  }
.LBB2_2:
0x4c: {  	[sflag:s4] =	ssyncadd.s32 $0xFFFFF800  }
0x4d: {  	_ =	sfence.sel $0x180000  }
0x4e: {  	[bflag:$0x0] =	sbarrier.arrive $0xFFFF  }
0x4f: {  	p0 =	sne.s32 s1, $0x0;
	_ =	strace $0x90000050  }
0x50: {  	s0 =	sadd.s32 @!p0 $0x100000, s0;
	[bflag:$0x2] =	sbarrier.arrive $0xFFFF  }
0x51: {  	[sflag:s0] =	ssyncadd.tile.s32 @!p0 $0x1;
	_ =	shalt  }
.Lfunc_end2:
_tile_overlayer_lowered:
.L_overlay_start_2:
0x52: {  	(tag) =	ssettag $0x2  }
0x53: {  	s0 =	rddreg [dreg:$0x0];
	s2 =	stileid.u32  }
0x54: {  	s1 =	rddreg [dreg:$0x1];
	p0 =	sne.s32 s2, $0x0  }
0x55: {  	s3 =	rddreg [dreg:$0x2];
	[bflag:$0x3] =	sbarrier.arrive $0xFFFF;
	s2 =	simm.s32 @!p0 $0x1C01  }
0x56: {  	[timem:s3], [sflag:s2] =	dma.local @!p0 [hbm:s0], s1  }
0x57: {  	s0 =	simm.s32 @!p0 $0x1  }
0x58: {  	_ =	swait.ge @!p0 [sflag:s0], s1  }
0x59: {  	s1 =	ssub.s32 @!p0 $0x0, s1;
	[sflag:s0] =	ssyncset.done @!p0 $0x0  }
0x5a: {  	[sflag:s0] =	ssyncadd.s32 @!p0 s1  }
0x5b: {  	[bflag:$0x3] =	sbarrier.arrive $0xFFFF  }
0x5c: {  	_ =	shalt  }

// kernel: kernel.31.cloned.1.call-start
scs
__scs_entry_jumppad:
0x0: {  	(pc) =	sbr.rel $0x88, $3  }
0x1: {  	(tag) =	ssettag $0x0;
	lr =	simm.s32 $0x1  }
0x2: {  	[smem:$0x3F8F] =	sst lr;
	_ =	strace $0xD0000000  }
0x3: {  	_ = 	snop  }
0x4: {  	_ = 	snop  }
0x5: {  	_ = 	snop  }
0x6: {  	_ = 	snop  }
0x7: {  	_ = 	snop  }
__scs_overlays_trampoline_lowered:
0x8: {  	[smem:$0x3F9E] =	sst s0  }
0x9: {  	[smem:$0x3F9F] =	sst s1  }
0xa: {  	[smem:$0x3FA0] =	sst s2  }
0xb: {  	[smem:$0x3FA1] =	sst s3  }
0xc: {  	[smem:$0x3FA2] =	sst s4  }
0xd: {  	[smem:$0x3FA3] =	sst s5  }
0xe: {  	[smem:$0x3FA4] =	sst s6  }
0xf: {  	[smem:$0x3FA5] =	sst s7  }
0x10: {  	[smem:$0x3FA6] =	sst s8  }
0x11: {  	[smem:$0x3FA7] =	sst s9;
	s0 =	simm.s32 @!p0 $0x0  }
0x12: {  	s1 =	sld [smem:$0x3F8D];
	s0 =	simm.s32 @p0 $0x1  }
0x13: {  	[smem:$0x3FA8] =	sst s0;
	s0 =	simm.s32 @!p1 $0x0  }
0x14: {  	s2 =	sld [smem:$0x3F8C];
	s0 =	simm.s32 @p1 $0x1  }
0x15: {  	[smem:$0x3FA9] =	sst s0;
	s0 =	simm.s32 @!p2 $0x0  }
0x16: {  	s3 =	sld [smem:$0x3FDB];
	s0 =	simm.s32 @p2 $0x1  }
0x17: {  	s4 =	simm.s32 $0x1BF5;
	[smem:$0x3FAB] =	sst s0  }
0x18: {  	s0 =	sld [smem:$0x3F8E];
	_ =	swait.ge [sflag:s4], $0x0  }
0x19: {  	s7 =	sld [smem:$0x3F8F]  }
0x1a: {  	s8 =	sadd.s32 $0xFFFFE003, lr  }
0x1b: {  	s9 =	sadd.s32 $0xFFFFFEF7, lr;
	s5 =	simm.s32 $0xFFFFFFFF;
	p2 =	slt.u32 s8, $0xFFFFF086  }
0x1c: {  	p1 =	slt.u32 s9, $0xF7A;
	s5 =	simm.s32 @!p2 $0x0  }
0x1d: {  	s5 =	simm.s32 @p1 $0x1;
	p0 =	seq.s32 s7, s2  }
0x1e: {  	s7 =	smul.u32 @!p0 $0xF7A, s2;
	p2 =	seq.s32 @!p0 s5, $0x0  }
0x1f: {  	s9 =	smul.u32 $0xF7A, s1;
	s8 =	simm.s32 @!p0 $0x1BF5;
	p2 =	por !p2, p0  }
0x20: {  	[sflag:s8] =	ssyncset.s32 @!p0 $0xFFFFF086;
	s6 =	sadd.s32 @!p0 s3, s7;
	s7 =	simm.s32 @!p0 $0x108  }
0x21: {  	s3 =	sadd.s32 s3, s9;
	s6 =	sadd.s32 @!p0 $0x88, s6;
	s7 =	simm.s32 @p2 $0x1082  }
0x22: {  	[simem:s7], [sflag:s8] =	dma.local @!p0 [hbm:s6], $0xF7A  }
0x23: {  	s9 =	sor.u32 $0xD0000000, s2;
	s6 =	simm.s32 $0x108;
	_ =	swait.ge @!p0 [sflag:s8], $0x0  }
0x24: {  	s3 =	sadd.s32 $0x88, s3;
	s6 =	simm.s32 @!p1 $0x1082;
	[sflag:s4] =	ssyncset.s32 $0xFFFFF086  }
0x25: {  	[simem:s6], [sflag:s4] =	dma.local [hbm:s3], $0xF7A  }
0x26: {  	[smem:$0x3F8F] =	sst s1;
	(tag) =	ssettag s2;
	_ =	strace s9  }
0x27: {  	s1 =	sld [smem:$0x3F9F]  }
0x28: {  	s2 =	sld [smem:$0x3FA0]  }
0x29: {  	s4 =	sld [smem:$0x3FA2]  }
0x2a: {  	p0 =	seq.s32 s5, $0x0;
	s5 =	sld [smem:$0x3FA3]  }
0x2b: {  	s6 =	sld [smem:$0x3FA4]  }
0x2c: {  	s7 =	sld [smem:$0x3FA5]  }
0x2d: {  	s3 =	simm.s32 $0x108;
	s8 =	sld [smem:$0x3FA6]  }
0x2e: {  	s3 =	simm.s32 @!p0 $0x1082;
	s9 =	sld [smem:$0x3FA7]  }
0x2f: {  	lr =	sadd.s32 s0, s3;
	s0 =	sld [smem:$0x3F9E]  }
0x30: {  	s3 =	sld [smem:$0x3FA1]  }
0x31: {  	[smem:$0x3FAA] =	sst s10  }
0x32: {  	s10 =	sld [smem:$0x3FA8];
	_ =	sdelay $0x3  }
0x33: {  	p0 =	seq.s32 s10, $0x1;
	s10 =	sld [smem:$0x3FAA];
	_ =	sdelay $0x3  }
0x34: {  	[smem:$0x3FAA] =	sst s10  }
0x35: {  	s10 =	sld [smem:$0x3FA9];
	_ =	sdelay $0x3  }
0x36: {  	p1 =	seq.s32 s10, $0x1;
	s10 =	sld [smem:$0x3FAA];
	_ =	sdelay $0x3  }
0x37: {  	[smem:$0x3FAA] =	sst s10  }
0x38: {  	s10 =	sld [smem:$0x3FAB]  }
0x39: {  	_ = 	snop;
	(pc) =	sbr.ind lr, $3  }
0x3a: {  	_ = 	snop  }
0x3b: {  	_ = 	snop  }
0x3c: {  	p2 =	seq.s32 s10, $0x1;
	s10 =	sld [smem:$0x3FAA]  }
0x3d: {  	_ =	shalt  }
0x3e: {  	_ =	shalt  }
0x3f: {  	_ =	shalt  }
0x40: {  	_ =	shalt  }
0x41: {  	_ =	shalt  }
0x42: {  	_ =	shalt  }
0x43: {  	_ =	shalt  }
0x44: {  	_ =	shalt  }
0x45: {  	_ =	shalt  }
0x46: {  	_ =	shalt  }
0x47: {  	_ =	shalt  }
0x48: {  	_ =	shalt  }
0x49: {  	_ =	shalt  }
0x4a: {  	_ =	shalt  }
0x4b: {  	_ =	shalt  }
0x4c: {  	_ =	shalt  }
0x4d: {  	_ =	shalt  }
0x4e: {  	_ =	shalt  }
0x4f: {  	_ =	shalt  }
0x50: {  	_ =	shalt  }
0x51: {  	_ =	shalt  }
0x52: {  	_ =	shalt  }
0x53: {  	_ =	shalt  }
0x54: {  	_ =	shalt  }
0x55: {  	_ =	shalt  }
0x56: {  	_ =	shalt  }
0x57: {  	_ =	shalt  }
0x58: {  	_ =	shalt  }
0x59: {  	_ =	shalt  }
0x5a: {  	_ =	shalt  }
0x5b: {  	_ =	shalt  }
0x5c: {  	_ =	shalt  }
0x5d: {  	_ =	shalt  }
0x5e: {  	_ =	shalt  }
0x5f: {  	_ =	shalt  }
0x60: {  	_ =	shalt  }
0x61: {  	_ =	shalt  }
0x62: {  	_ =	shalt  }
0x63: {  	_ =	shalt  }
0x64: {  	_ =	shalt  }
0x65: {  	_ =	shalt  }
0x66: {  	_ =	shalt  }
0x67: {  	_ =	shalt  }
0x68: {  	_ =	shalt  }
0x69: {  	_ =	shalt  }
0x6a: {  	_ =	shalt  }
0x6b: {  	_ =	shalt  }
0x6c: {  	_ =	shalt  }
0x6d: {  	_ =	shalt  }
0x6e: {  	_ =	shalt  }
0x6f: {  	_ =	shalt  }
0x70: {  	_ =	shalt  }
0x71: {  	_ =	shalt  }
0x72: {  	_ =	shalt  }
0x73: {  	_ =	shalt  }
0x74: {  	_ =	shalt  }
0x75: {  	_ =	shalt  }
0x76: {  	_ =	shalt  }
0x77: {  	_ =	shalt  }
0x78: {  	_ =	shalt  }
0x79: {  	_ =	shalt  }
0x7a: {  	_ =	shalt  }
0x7b: {  	_ =	shalt  }
0x7c: {  	_ =	shalt  }
0x7d: {  	_ =	shalt  }
0x7e: {  	_ =	shalt  }
0x7f: {  	_ =	shalt  }
0x80: {  	_ =	shalt  }
0x81: {  	_ =	shalt  }
0x82: {  	_ =	shalt  }
0x83: {  	_ =	shalt  }
0x84: {  	_ =	shalt  }
0x85: {  	_ =	shalt  }
0x86: {  	_ =	shalt  }
0x87: {  	_ =	shalt  }
.Lfunc_end0:
.L_simem_size_0:
called_computation.4_lowered:
.L_overlay_start_0:
0x88: {  	s2 =	sld [smem:$0x3FD9]  }
0x89: {  	s3 =	sld [smem:$0x3FFE];
	_ =	sdelay $0x1  }
0x8a: {  	s1 =	srdreg.scid  }
0x8b: {  	s0 =	sand.u32 $0x1, s1  }
0x8c: {  	s17 =	sshll.u32 s0, $0xA;
	s2 =	sadd.s32 s3, s2  }
0x8d: {  	s2 =	sadd.s32 s2, s17  }
0x8e: {  	[smem:$0x3FB6] =	sst s2  }
0x8f: {  	_ = 	snop  }
0x90: {  	s2 =	sld [smem:$0x3FC7]  }
0x91: {  	s18 =	sld [smem:$0x3FC6];
	(tm) =	ssettm $0x1  }
0x92: {  	s4 =	sld [smem:$0x3FFB];
	_ =	sdelay $0x3  }
0x93: {  	_ =	strace s4  }
0x94: {  	s4 =	sld [smem:$0x3FFC];
	_ =	sdelay $0x3  }
0x95: {  	_ =	strace s4  }
0x96: {  	s4 =	sld [smem:$0x3FFD];
	_ =	sdelay $0x3  }
0x97: {  	_ =	strace s4  }
0x98: {  	_ =	strace $0x8FFFFFFF  }
0x99: {  	s19 =	sld [smem:$0x3FDB];
	_ =	sdelay $0x1  }
0x9a: {  	s5 =	simm.s32 $_scs_section_size  }
0x9b: {  	s6 =	simm.s32 $_size__tile_overlayer_lowered;
	s7 =	simm.s32 $_tile_overlayer_lowered  }
0x9c: {  	s22 =	simm.s32 $0x1BFF;
	s21 =	sshll.u32 s7, $0x1;
	s4 =	sadd.s32 s5, s19  }
0x9d: {  	s8 =	simm.s32 $0x0;
	s20 =	sshll.u32 s6, $0x1;
	s6 =	sadd.s32 s21, s4  }
0x9e: {  	[timem:s8], [sflag:s22] =	dma.local [hbm:s6], s20  }
0x9f: {  	_ =	swait.ge [sflag:s22], s20  }
0xa0: {  	s5 =	ssub.s32 $0x0, s20;
	[sflag:s22] =	ssyncset.done $0x0  }
0xa1: {  	[sflag:s22] =	ssyncadd.s32 s5;
	_ =	sdelay $0x1  }
0xa2: {  	s23 =	simm.s32 $0x1B8B  }
0xa3: {  	_ =	swait.ge [sflag:s23], $0x1  }
0xa4: {  	[sflag:s23] =	ssyncset.done $0x0  }
0xa5: {  	s25 =	simm.s32 $0x1B8E;
	s24 =	sld [smem:$0x3FFE];
	[sflag:s23] =	ssyncadd.s32 $0xFFFFFFFF  }
0xa6: {  	s26 =	simm.s32 $execute0_lowered;
	[smem:$0x3FD2] =	sst s25  }
0xa7: {  	s6 =	sshll.u32 s26, $0x1;
	_ =	strace $0x80000052;
	[dreg:$0x1] =	wrdreg $0xFFFFFFFF  }
0xa8: {  	s28 =	simm.s32 $_size_execute0_lowered;
	s4 =	sadd.s32 s4, s6;
	[dreg:$0x0] =	wrdreg $0x0  }
0xa9: {  	s6 =	sshll.u32 s28, $0x1;
	[dreg:$0x2] =	wrdreg s4  }
0xaa: {  	[dreg:$0x3] =	wrdreg s6  }
0xab: {  	[dreg:$0x4] =	wrdreg $0xC0  }
0xac: {  	_ =	task [dreg:s8], $0x5FFFF  }
0xad: {  	[dreg:$0x1] =	wrdreg $0xFFFFFFFF  }
0xae: {  	[dreg:$0x0] =	wrdreg $0x60  }
0xaf: {  	[dreg:$0x2] =	wrdreg s24  }
0xb0: {  	[dreg:$0x3] =	wrdreg s2  }
0xb1: {  	[dreg:$0x4] =	wrdreg s18  }
0xb2: {  	[dreg:$0x5] =	wrdreg $0x9  }
0xb3: {  	_ =	task.clear_ibuf [dreg:s8], $0x6FFFF;
	_ =	strace $0x90000052  }
0xb4: {  	s29 =	simm.s32 $0x9;
	_ =	strace $0x80000054  }
0xb5: {  	_ =	swait.ge [sflag:s29], $0x1  }
0xb6: {  	[sflag:s29] =	ssyncadd.s32 $0xFFFFFFFF  }
0xb7: {  	_ =	strace $0x90000054  }
0xb8: {  	_ =	sfence  }
0xb9: {  	s30 =	sld [smem:$0x0];
	_ =	sdelay $0x2  }
0xba: {  	s31 =	sshll.u32 s1, $0xD;
	s1 =	sshrl.u32 s1, $0x2  }
0xbb: {  	s3 =	sand.u32 $0x4000, s31;
	s1 =	sadd.s32 s1, s30  }
0xbc: {  	s0 =	sor.u32 s3, s0;
	s1 =	sshll.u32 s1, $0x11  }
0xbd: {  	s0 =	sor.u32 s1, s0  }
0xbe: {  	s0 =	sadd.s32 $0x8F2B, s0  }
0xbf: {  	[sflag:s0] =	ssyncadd.remote.s32 $0x1  }
0xc0: {  	_ =	sfence.sel $0xFFFF  }
0xc1: {  	[dreg:$0x0] =	wrdreg $0xFFFFFFFF;
	(pc) =	sbr.abs _section_cstart, $3  }
0xc2: {  	[dreg:$0x1] =	wrdreg $0xFFFFFFFF  }
0xc3: {  	_ =	task.clear_ibuf [dreg:s8], $0x2FFFF;
	_ =	strace $0x9FFFFFFF  }
0xc4: {  	(tm) =	ssettm $0x7FFFFFFF  }
0xc5: {  	_ =	shalt  }
tec
execute0_lowered:
.L_overlay_start_1:
0x0: {  	(tag) =	ssettag $0x1  }
0x1: {  	s16 =	rddreg [dreg:$0x0];
	s1 =	srdreg.scid  }
0x2: {  	s3 =	rddreg [dreg:$0x1];
	s0 =	stileid.u32;
	s21 =	sand.u32 $0x1, s1  }
0x3: {  	s5 =	rddreg [dreg:$0x2];
	s4 =	sshll.u32 s0, $0xA;
	s6 =	sshll.u32 s21, $0x9  }
0x4: {  	s2 =	simm.s32 $0x0;
	s1 =	rddreg [dreg:$0x3];
	s15 =	sor.u32 s6, s4  }
0x5: {  	[smem:$0x7FF] =	sst s2;
	s6 =	sshrl.u32 s15, $0x3  }
0x6: {  	_ =	strace $0x80000053;
	s4 =	sadd.s32 s3, s6;
	s3 =	simm.s32 $0x2  }
0x7: {  	[tilespmem:s2], [sflag:$0x2] =	stream.linear.gather [hbm4b:s4+s2], $0x200, $0x38;
	[tilespmem:$0x10400] =	vst v63  }
0x8: {  	_ =	swait.ge [sflag:s3], $0x200  }
0x9: {  	[sflag:s3] =	ssyncset.done $0x0  }
0xa: {  	s5 =	sadd.s32 s5, s6;
	s6 =	simm.s32 $0x200;
	[sflag:s3] =	ssyncadd.s32 $0xFFFFFE00  }
0xb: {  	[tilespmem:s6], [sflag:$0x2] =	stream.linear.gather [hbm4b:s5+s2], $0x200, $0x38;
	[tilespmem:$0x10400] =	vst v63  }
0xc: {  	_ =	swait.ge [sflag:s3], $0x200  }
0xd: {  	s8 =	simm.s32 $0x80;
	[sflag:s3] =	ssyncset.done $0x0  }
0xe: {  	s9 =	simm.s32 $0x400;
	s7 =	sadd.s32 $0x48A00, s16;
	[sflag:s3] =	ssyncadd.s32 $0xFFFFFE00  }
0xf: {  	[tilespmem:s9], [sflag:$0x1] =	stream.indirect.gather [hbm4b:s7+s8], $0x80, s2, s8, $0xb8;
	[tilespmem:$0x10400] =	vst v63  }
0x10: {  	s10 =	simm.s32 $0x8400  }
0x11: {  	[tilespmem:s10], [sflag:$0x1] =	stream.indirect.gather [hbm4b:s7+s8], $0x80, s6, s8, $0xb8;
	[tilespmem:$0x10400] =	vst v63  }
0x12: {  	s11 =	simm.s32 $0x4400  }
0x13: {  	[tilespmem:s11], [sflag:$0x1] =	stream.indirect.gather [hbm4b:s7+s8], $0x80, s8, s8, $0xb8;
	[tilespmem:$0x10400] =	vst v63  }
0x14: {  	s12 =	simm.s32 $0x280;
	s13 =	simm.s32 $0xC400;
	s14 =	simm.s32 $0x1  }
0x15: {  	[tilespmem:s13], [sflag:$0x1] =	stream.indirect.gather [hbm4b:s7+s8], $0x80, s12, s8, $0xb8;
	[tilespmem:$0x10400] =	vst v63  }
0x16: {  	_ =	swait.ge [sflag:s14], $0x4000  }
0x17: {  	[sflag:s14] =	ssyncset.done $0x0  }
0x18: {  	[sflag:s14] =	ssyncadd.s32 $0xFFFFC000  }
0x19: {  	_ =	swait.ge [sflag:s14], $0x4000  }
0x1a: {  	[sflag:s14] =	ssyncset.done $0x0  }
0x1b: {  	[sflag:s14] =	ssyncadd.s32 $0xFFFFC000  }
0x1c: {  	_ =	swait.ge [sflag:s14], $0x4000  }
0x1d: {  	[sflag:s14] =	ssyncset.done $0x0  }
0x1e: {  	[sflag:s14] =	ssyncadd.s32 $0xFFFFC000  }
0x1f: {  	_ =	swait.ge [sflag:s14], $0x4000  }
0x20: {  	s22 =	sadd.s32 $0x90A00, s16;
	s23 =	sshll.u32 s15, $0x4;
	[sflag:s14] =	ssyncset.done $0x0  }
0x21: {  	s15 =	sadd.s32 s22, s23;
	[sflag:s14] =	ssyncadd.s32 $0xFFFFC000  }
0x22: {  	[hbm4b:s15+s2] =	stream.linear.scatter [tilespmem:s9], [sflag:$0x2], $0x8000, $0x38;
	[tilespmem:$0x10400] =	vst v63  }
0x23: {  	_ =	swait.ge [sflag:s3], $0x8000  }
0x24: {  	s24 =	sadd.s32 $0xD1000, s16;
	[sflag:s3] =	ssyncset.done $0x0  }
0x25: {  	s16 =	sadd.s32 s24, s23;
	[sflag:s3] =	ssyncadd.s32 $0xFFFF8000  }
0x26: {  	[hbm4b:s16+s2] =	stream.linear.scatter [tilespmem:s10], [sflag:$0x2], $0x8000, $0x38;
	[tilespmem:$0x10400] =	vst v63  }
0x27: {  	_ =	swait.ge [sflag:s3], $0x8000  }
0x28: {  	[sflag:s3] =	ssyncset.done $0x0  }
0x29: {  	s17 =	simm.s32 $0x100;
	[sflag:s3] =	ssyncadd.s32 $0xFFFF8000  }
0x2a: {  	[tilespmem:s9], [sflag:$0x1] =	stream.indirect.gather [hbm4b:s7+s8], $0x80, s17, s8, $0xb8;
	[tilespmem:$0x10400] =	vst v63  }
0x2b: {  	s18 =	simm.s32 $0x300  }
0x2c: {  	[tilespmem:s10], [sflag:$0x1] =	stream.indirect.gather [hbm4b:s7+s8], $0x80, s18, s8, $0xb8;
	[tilespmem:$0x10400] =	vst v63  }
0x2d: {  	s19 =	simm.s32 $0x180  }
0x2e: {  	[tilespmem:s11], [sflag:$0x1] =	stream.indirect.gather [hbm4b:s7+s8], $0x80, s19, s8, $0xb8;
	[tilespmem:$0x10400] =	vst v63  }
0x2f: {  	s20 =	simm.s32 $0x380  }
0x30: {  	[tilespmem:s13], [sflag:$0x1] =	stream.indirect.gather [hbm4b:s7+s8], $0x80, s20, s8, $0xb8;
	[tilespmem:$0x10400] =	vst v63  }
0x31: {  	_ =	swait.ge [sflag:s14], $0x4000  }
0x32: {  	[sflag:s14] =	ssyncset.done $0x0  }
0x33: {  	[sflag:s14] =	ssyncadd.s32 $0xFFFFC000  }
0x34: {  	_ =	swait.ge [sflag:s14], $0x4000  }
0x35: {  	[sflag:s14] =	ssyncset.done $0x0  }
0x36: {  	[sflag:s14] =	ssyncadd.s32 $0xFFFFC000  }
0x37: {  	_ =	swait.ge [sflag:s14], $0x4000  }
0x38: {  	[sflag:s14] =	ssyncset.done $0x0  }
0x39: {  	s25 =	ssub.s32 $0x2, s21;
	[sflag:s14] =	ssyncadd.s32 $0xFFFFC000  }
0x3a: {  	s30 =	sshrl.u32 s25, $0x1;
	_ =	swait.ge [sflag:s14], $0x4000  }
0x3b: {  	s25 =	ssub.s32 s25, s30;
	s23 =	sor.u32 $0x1000, s23;
	[sflag:s14] =	ssyncset.done $0x0  }
0x3c: {  	s31 =	smax.u32 s25, $0x1;
	s21 =	sadd.s32 s22, s23;
	[sflag:s14] =	ssyncadd.s32 $0xFFFFC000  }
0x3d: {  	[hbm4b:s21+s2] =	stream.linear.scatter [tilespmem:s9], [sflag:$0x2], $0x8000, $0x38;
	[tilespmem:$0x10400] =	vst v63  }
0x3e: {  	p0 =	sne.s32 s31, $0x1;
	_ =	swait.ge [sflag:s3], $0x8000  }
.Ltmp0:
0x3f: {  	[sflag:s3] =	ssyncset.done $0x0;
	(pc) =	sbr.rel @!p0 .LBB2_2-.Ltmp0, $4  }
0x40: {  	s22 =	sadd.s32 s24, s23;
	[sflag:s3] =	ssyncadd.s32 $0xFFFF8000  }
0x41: {  	[hbm4b:s22+s2] =	stream.linear.scatter [tilespmem:s10], [sflag:$0x2], $0x8000, $0x38;
	[tilespmem:$0x10400] =	vst v63  }
0x42: {  	_ =	swait.ge [sflag:s3], $0x8000  }
0x43: {  	s23 =	sadd.s32 $0xFFFFFFFF, s31;
	[sflag:s3] =	ssyncset.done $0x0  }
.LBB2_1:
0x44: {  	p0 =	sne.s32 s23, $0x1;
	s23 =	sadd.s32 $0xFFFFFFFF, s23;
	[sflag:s3] =	ssyncadd.s32 $0xFFFF8000  }
0x45: {  	[tilespmem:s2], [sflag:$0x2] =	stream.linear.gather [hbm4b:s4+s2], $0x200, $0x38;
	[tilespmem:$0x10400] =	vst v63  }
0x46: {  	_ =	swait.ge [sflag:s3], $0x200  }
0x47: {  	[sflag:s3] =	ssyncset.done $0x0  }
0x48: {  	[sflag:s3] =	ssyncadd.s32 $0xFFFFFE00  }
0x49: {  	[tilespmem:s6], [sflag:$0x2] =	stream.linear.gather [hbm4b:s5+s2], $0x200, $0x38;
	[tilespmem:$0x10400] =	vst v63  }
0x4a: {  	_ =	swait.ge [sflag:s3], $0x200  }
0x4b: {  	[sflag:s3] =	ssyncset.done $0x0  }
0x4c: {  	[sflag:s3] =	ssyncadd.s32 $0xFFFFFE00  }
0x4d: {  	[tilespmem:s9], [sflag:$0x1] =	stream.indirect.gather [hbm4b:s7+s8], $0x80, s2, s8, $0xb8;
	[tilespmem:$0x10400] =	vst v63  }
0x4e: {  	_ = 	snop  }
0x4f: {  	[tilespmem:s10], [sflag:$0x1] =	stream.indirect.gather [hbm4b:s7+s8], $0x80, s6, s8, $0xb8;
	[tilespmem:$0x10400] =	vst v63  }
0x50: {  	_ = 	snop  }
0x51: {  	[tilespmem:s11], [sflag:$0x1] =	stream.indirect.gather [hbm4b:s7+s8], $0x80, s8, s8, $0xb8;
	[tilespmem:$0x10400] =	vst v63  }
0x52: {  	_ = 	snop  }
0x53: {  	[tilespmem:s13], [sflag:$0x1] =	stream.indirect.gather [hbm4b:s7+s8], $0x80, s12, s8, $0xb8;
	[tilespmem:$0x10400] =	vst v63  }
0x54: {  	_ =	swait.ge [sflag:s14], $0x4000  }
0x55: {  	[sflag:s14] =	ssyncset.done $0x0  }
0x56: {  	[sflag:s14] =	ssyncadd.s32 $0xFFFFC000  }
0x57: {  	_ =	swait.ge [sflag:s14], $0x4000  }
0x58: {  	[sflag:s14] =	ssyncset.done $0x0  }
0x59: {  	[sflag:s14] =	ssyncadd.s32 $0xFFFFC000  }
0x5a: {  	_ =	swait.ge [sflag:s14], $0x4000  }
0x5b: {  	[sflag:s14] =	ssyncset.done $0x0  }
0x5c: {  	[sflag:s14] =	ssyncadd.s32 $0xFFFFC000  }
0x5d: {  	_ =	swait.ge [sflag:s14], $0x4000  }
0x5e: {  	[sflag:s14] =	ssyncset.done $0x0  }
0x5f: {  	[sflag:s14] =	ssyncadd.s32 $0xFFFFC000  }
0x60: {  	[hbm4b:s15+s2] =	stream.linear.scatter [tilespmem:s9], [sflag:$0x2], $0x8000, $0x38;
	[tilespmem:$0x10400] =	vst v63  }
0x61: {  	_ =	swait.ge [sflag:s3], $0x8000  }
0x62: {  	[sflag:s3] =	ssyncset.done $0x0  }
0x63: {  	[sflag:s3] =	ssyncadd.s32 $0xFFFF8000  }
0x64: {  	[hbm4b:s16+s2] =	stream.linear.scatter [tilespmem:s10], [sflag:$0x2], $0x8000, $0x38;
	[tilespmem:$0x10400] =	vst v63  }
0x65: {  	_ =	swait.ge [sflag:s3], $0x8000  }
0x66: {  	[sflag:s3] =	ssyncset.done $0x0  }
0x67: {  	[sflag:s3] =	ssyncadd.s32 $0xFFFF8000  }
0x68: {  	[tilespmem:s9], [sflag:$0x1] =	stream.indirect.gather [hbm4b:s7+s8], $0x80, s17, s8, $0xb8;
	[tilespmem:$0x10400] =	vst v63  }
0x69: {  	_ = 	snop  }
0x6a: {  	[tilespmem:s10], [sflag:$0x1] =	stream.indirect.gather [hbm4b:s7+s8], $0x80, s18, s8, $0xb8;
	[tilespmem:$0x10400] =	vst v63  }
0x6b: {  	_ = 	snop  }
0x6c: {  	[tilespmem:s11], [sflag:$0x1] =	stream.indirect.gather [hbm4b:s7+s8], $0x80, s19, s8, $0xb8;
	[tilespmem:$0x10400] =	vst v63  }
0x6d: {  	_ = 	snop  }
0x6e: {  	[tilespmem:s13], [sflag:$0x1] =	stream.indirect.gather [hbm4b:s7+s8], $0x80, s20, s8, $0xb8;
	[tilespmem:$0x10400] =	vst v63  }
0x6f: {  	_ =	swait.ge [sflag:s14], $0x4000  }
0x70: {  	[sflag:s14] =	ssyncset.done $0x0  }
0x71: {  	[sflag:s14] =	ssyncadd.s32 $0xFFFFC000  }
0x72: {  	_ =	swait.ge [sflag:s14], $0x4000  }
0x73: {  	[sflag:s14] =	ssyncset.done $0x0  }
0x74: {  	[sflag:s14] =	ssyncadd.s32 $0xFFFFC000  }
0x75: {  	_ =	swait.ge [sflag:s14], $0x4000  }
0x76: {  	[sflag:s14] =	ssyncset.done $0x0  }
0x77: {  	[sflag:s14] =	ssyncadd.s32 $0xFFFFC000  }
0x78: {  	_ =	swait.ge [sflag:s14], $0x4000  }
0x79: {  	[sflag:s14] =	ssyncset.done $0x0  }
0x7a: {  	[sflag:s14] =	ssyncadd.s32 $0xFFFFC000  }
0x7b: {  	[hbm4b:s21+s2] =	stream.linear.scatter [tilespmem:s9], [sflag:$0x2], $0x8000, $0x38;
	[tilespmem:$0x10400] =	vst v63  }
0x7c: {  	_ =	swait.ge [sflag:s3], $0x8000  }
.Ltmp1:
0x7d: {  	[sflag:s3] =	ssyncset.done $0x0;
	(pc) =	sbr.rel @p0 .LBB2_1-.Ltmp1, $4  }
0x7e: {  	[sflag:s3] =	ssyncadd.s32 $0xFFFF8000  }
0x7f: {  	[hbm4b:s22+s2] =	stream.linear.scatter [tilespmem:s10], [sflag:$0x2], $0x8000, $0x38;
	[tilespmem:$0x10400] =	vst v63  }
0x80: {  	_ =	swait.ge [sflag:s3], $0x8000  }
0x81: {  	[sflag:s3] =	ssyncset.done $0x0  }
.LBB2_2:
0x82: {  	[sflag:s3] =	ssyncadd.s32 $0xFFFF8000  }
0x83: {  	_ =	sfence.sel $0x180000  }
0x84: {  	[bflag:$0x0] =	sbarrier.arrive $0xFFFF  }
0x85: {  	p0 =	sne.s32 s0, $0x0;
	_ =	strace $0x90000053  }
0x86: {  	s0 =	sadd.s32 @!p0 $0x100000, s1;
	[bflag:$0x2] =	sbarrier.arrive $0xFFFF  }
0x87: {  	[sflag:s0] =	ssyncadd.tile.s32 @!p0 $0x1;
	_ =	shalt  }
.Lfunc_end2:
_tile_overlayer_lowered:
.L_overlay_start_2:
0x88: {  	(tag) =	ssettag $0x2  }
0x89: {  	s0 =	rddreg [dreg:$0x0];
	s2 =	stileid.u32  }
0x8a: {  	s1 =	rddreg [dreg:$0x1];
	p0 =	sne.s32 s2, $0x0  }
0x8b: {  	s3 =	rddreg [dreg:$0x2];
	[bflag:$0x3] =	sbarrier.arrive $0xFFFF;
	s2 =	simm.s32 @!p0 $0x1C02  }
0x8c: {  	[timem:s3], [sflag:s2] =	dma.local @!p0 [hbm:s0], s1  }
0x8d: {  	s0 =	simm.s32 @!p0 $0x2  }
0x8e: {  	_ =	swait.ge @!p0 [sflag:s0], s1  }
0x8f: {  	s1 =	ssub.s32 @!p0 $0x0, s1;
	[sflag:s0] =	ssyncset.done @!p0 $0x0  }
0x90: {  	[sflag:s0] =	ssyncadd.s32 @!p0 s1  }
0x91: {  	[bflag:$0x3] =	sbarrier.arrive $0xFFFF  }
0x92: {  	_ =	shalt  }

// kernel: kernel.34.cloned.1.call-start
scs
__scs_entry_jumppad:
0x0: {  	(pc) =	sbr.rel $0x88, $3  }
0x1: {  	(tag) =	ssettag $0x0;
	lr =	simm.s32 $0x1  }
0x2: {  	[smem:$0x3F8F] =	sst lr;
	_ =	strace $0xD0000000  }
0x3: {  	_ = 	snop  }
0x4: {  	_ = 	snop  }
0x5: {  	_ = 	snop  }
0x6: {  	_ = 	snop  }
0x7: {  	_ = 	snop  }
__scs_overlays_trampoline_lowered:
0x8: {  	[smem:$0x3F9E] =	sst s0  }
0x9: {  	[smem:$0x3F9F] =	sst s1  }
0xa: {  	[smem:$0x3FA0] =	sst s2  }
0xb: {  	[smem:$0x3FA1] =	sst s3  }
0xc: {  	[smem:$0x3FA2] =	sst s4  }
0xd: {  	[smem:$0x3FA3] =	sst s5  }
0xe: {  	[smem:$0x3FA4] =	sst s6  }
0xf: {  	[smem:$0x3FA5] =	sst s7  }
0x10: {  	[smem:$0x3FA6] =	sst s8  }
0x11: {  	[smem:$0x3FA7] =	sst s9;
	s0 =	simm.s32 @!p0 $0x0  }
0x12: {  	s1 =	sld [smem:$0x3F8D];
	s0 =	simm.s32 @p0 $0x1  }
0x13: {  	[smem:$0x3FA8] =	sst s0;
	s0 =	simm.s32 @!p1 $0x0  }
0x14: {  	s2 =	sld [smem:$0x3F8C];
	s0 =	simm.s32 @p1 $0x1  }
0x15: {  	[smem:$0x3FA9] =	sst s0;
	s0 =	simm.s32 @!p2 $0x0  }
0x16: {  	s3 =	sld [smem:$0x3FDB];
	s0 =	simm.s32 @p2 $0x1  }
0x17: {  	s4 =	simm.s32 $0x1BF5;
	[smem:$0x3FAB] =	sst s0  }
0x18: {  	s0 =	sld [smem:$0x3F8E];
	_ =	swait.ge [sflag:s4], $0x0  }
0x19: {  	s7 =	sld [smem:$0x3F8F]  }
0x1a: {  	s8 =	sadd.s32 $0xFFFFE003, lr  }
0x1b: {  	s9 =	sadd.s32 $0xFFFFFEF7, lr;
	s5 =	simm.s32 $0xFFFFFFFF;
	p2 =	slt.u32 s8, $0xFFFFF086  }
0x1c: {  	p1 =	slt.u32 s9, $0xF7A;
	s5 =	simm.s32 @!p2 $0x0  }
0x1d: {  	s5 =	simm.s32 @p1 $0x1;
	p0 =	seq.s32 s7, s2  }
0x1e: {  	s7 =	smul.u32 @!p0 $0xF7A, s2;
	p2 =	seq.s32 @!p0 s5, $0x0  }
0x1f: {  	s9 =	smul.u32 $0xF7A, s1;
	s8 =	simm.s32 @!p0 $0x1BF5;
	p2 =	por !p2, p0  }
0x20: {  	[sflag:s8] =	ssyncset.s32 @!p0 $0xFFFFF086;
	s6 =	sadd.s32 @!p0 s3, s7;
	s7 =	simm.s32 @!p0 $0x108  }
0x21: {  	s3 =	sadd.s32 s3, s9;
	s6 =	sadd.s32 @!p0 $0x88, s6;
	s7 =	simm.s32 @p2 $0x1082  }
0x22: {  	[simem:s7], [sflag:s8] =	dma.local @!p0 [hbm:s6], $0xF7A  }
0x23: {  	s9 =	sor.u32 $0xD0000000, s2;
	s6 =	simm.s32 $0x108;
	_ =	swait.ge @!p0 [sflag:s8], $0x0  }
0x24: {  	s3 =	sadd.s32 $0x88, s3;
	s6 =	simm.s32 @!p1 $0x1082;
	[sflag:s4] =	ssyncset.s32 $0xFFFFF086  }
0x25: {  	[simem:s6], [sflag:s4] =	dma.local [hbm:s3], $0xF7A  }
0x26: {  	[smem:$0x3F8F] =	sst s1;
	(tag) =	ssettag s2;
	_ =	strace s9  }
0x27: {  	s1 =	sld [smem:$0x3F9F]  }
0x28: {  	s2 =	sld [smem:$0x3FA0]  }
0x29: {  	s4 =	sld [smem:$0x3FA2]  }
0x2a: {  	p0 =	seq.s32 s5, $0x0;
	s5 =	sld [smem:$0x3FA3]  }
0x2b: {  	s6 =	sld [smem:$0x3FA4]  }
0x2c: {  	s7 =	sld [smem:$0x3FA5]  }
0x2d: {  	s3 =	simm.s32 $0x108;
	s8 =	sld [smem:$0x3FA6]  }
0x2e: {  	s3 =	simm.s32 @!p0 $0x1082;
	s9 =	sld [smem:$0x3FA7]  }
0x2f: {  	lr =	sadd.s32 s0, s3;
	s0 =	sld [smem:$0x3F9E]  }
0x30: {  	s3 =	sld [smem:$0x3FA1]  }
0x31: {  	[smem:$0x3FAA] =	sst s10  }
0x32: {  	s10 =	sld [smem:$0x3FA8];
	_ =	sdelay $0x3  }
0x33: {  	p0 =	seq.s32 s10, $0x1;
	s10 =	sld [smem:$0x3FAA];
	_ =	sdelay $0x3  }
0x34: {  	[smem:$0x3FAA] =	sst s10  }
0x35: {  	s10 =	sld [smem:$0x3FA9];
	_ =	sdelay $0x3  }
0x36: {  	p1 =	seq.s32 s10, $0x1;
	s10 =	sld [smem:$0x3FAA];
	_ =	sdelay $0x3  }
0x37: {  	[smem:$0x3FAA] =	sst s10  }
0x38: {  	s10 =	sld [smem:$0x3FAB]  }
0x39: {  	_ = 	snop;
	(pc) =	sbr.ind lr, $3  }
0x3a: {  	_ = 	snop  }
0x3b: {  	_ = 	snop  }
0x3c: {  	p2 =	seq.s32 s10, $0x1;
	s10 =	sld [smem:$0x3FAA]  }
0x3d: {  	_ =	shalt  }
0x3e: {  	_ =	shalt  }
0x3f: {  	_ =	shalt  }
0x40: {  	_ =	shalt  }
0x41: {  	_ =	shalt  }
0x42: {  	_ =	shalt  }
0x43: {  	_ =	shalt  }
0x44: {  	_ =	shalt  }
0x45: {  	_ =	shalt  }
0x46: {  	_ =	shalt  }
0x47: {  	_ =	shalt  }
0x48: {  	_ =	shalt  }
0x49: {  	_ =	shalt  }
0x4a: {  	_ =	shalt  }
0x4b: {  	_ =	shalt  }
0x4c: {  	_ =	shalt  }
0x4d: {  	_ =	shalt  }
0x4e: {  	_ =	shalt  }
0x4f: {  	_ =	shalt  }
0x50: {  	_ =	shalt  }
0x51: {  	_ =	shalt  }
0x52: {  	_ =	shalt  }
0x53: {  	_ =	shalt  }
0x54: {  	_ =	shalt  }
0x55: {  	_ =	shalt  }
0x56: {  	_ =	shalt  }
0x57: {  	_ =	shalt  }
0x58: {  	_ =	shalt  }
0x59: {  	_ =	shalt  }
0x5a: {  	_ =	shalt  }
0x5b: {  	_ =	shalt  }
0x5c: {  	_ =	shalt  }
0x5d: {  	_ =	shalt  }
0x5e: {  	_ =	shalt  }
0x5f: {  	_ =	shalt  }
0x60: {  	_ =	shalt  }
0x61: {  	_ =	shalt  }
0x62: {  	_ =	shalt  }
0x63: {  	_ =	shalt  }
0x64: {  	_ =	shalt  }
0x65: {  	_ =	shalt  }
0x66: {  	_ =	shalt  }
0x67: {  	_ =	shalt  }
0x68: {  	_ =	shalt  }
0x69: {  	_ =	shalt  }
0x6a: {  	_ =	shalt  }
0x6b: {  	_ =	shalt  }
0x6c: {  	_ =	shalt  }
0x6d: {  	_ =	shalt  }
0x6e: {  	_ =	shalt  }
0x6f: {  	_ =	shalt  }
0x70: {  	_ =	shalt  }
0x71: {  	_ =	shalt  }
0x72: {  	_ =	shalt  }
0x73: {  	_ =	shalt  }
0x74: {  	_ =	shalt  }
0x75: {  	_ =	shalt  }
0x76: {  	_ =	shalt  }
0x77: {  	_ =	shalt  }
0x78: {  	_ =	shalt  }
0x79: {  	_ =	shalt  }
0x7a: {  	_ =	shalt  }
0x7b: {  	_ =	shalt  }
0x7c: {  	_ =	shalt  }
0x7d: {  	_ =	shalt  }
0x7e: {  	_ =	shalt  }
0x7f: {  	_ =	shalt  }
0x80: {  	_ =	shalt  }
0x81: {  	_ =	shalt  }
0x82: {  	_ =	shalt  }
0x83: {  	_ =	shalt  }
0x84: {  	_ =	shalt  }
0x85: {  	_ =	shalt  }
0x86: {  	_ =	shalt  }
0x87: {  	_ =	shalt  }
.Lfunc_end0:
.L_simem_size_0:
called_computation.5_lowered:
.L_overlay_start_0:
0x88: {  	s2 =	sld [smem:$0x3FD9]  }
0x89: {  	s3 =	sld [smem:$0x3FFE];
	_ =	sdelay $0x1  }
0x8a: {  	s1 =	srdreg.scid  }
0x8b: {  	s0 =	sand.u32 $0x1, s1  }
0x8c: {  	s17 =	sshll.u32 s0, $0xA;
	s2 =	sadd.s32 s3, s2  }
0x8d: {  	s2 =	sadd.s32 s2, s17  }
0x8e: {  	[smem:$0x3FB6] =	sst s2  }
0x8f: {  	_ = 	snop  }
0x90: {  	s2 =	sld [smem:$0x3FC6];
	(tm) =	ssettm $0x1  }
0x91: {  	s18 =	sld [smem:$0x3FFB];
	_ =	sdelay $0x3  }
0x92: {  	_ =	strace s18  }
0x93: {  	s3 =	sld [smem:$0x3FFC];
	_ =	sdelay $0x3  }
0x94: {  	_ =	strace s3  }
0x95: {  	s3 =	sld [smem:$0x3FFD];
	_ =	sdelay $0x3  }
0x96: {  	_ =	strace s3  }
0x97: {  	_ =	strace $0x8FFFFFFF  }
0x98: {  	s19 =	sld [smem:$0x3FDB];
	_ =	sdelay $0x1  }
0x99: {  	s4 =	simm.s32 $_scs_section_size  }
0x9a: {  	s5 =	simm.s32 $_size__tile_overlayer_lowered;
	s6 =	simm.s32 $_tile_overlayer_lowered  }
0x9b: {  	s22 =	simm.s32 $0x1BFF;
	s21 =	sshll.u32 s6, $0x1;
	s3 =	sadd.s32 s4, s19  }
0x9c: {  	s7 =	simm.s32 $0x0;
	s20 =	sshll.u32 s5, $0x1;
	s5 =	sadd.s32 s21, s3  }
0x9d: {  	[timem:s7], [sflag:s22] =	dma.local [hbm:s5], s20  }
0x9e: {  	_ =	swait.ge [sflag:s22], s20  }
0x9f: {  	s4 =	ssub.s32 $0x0, s20;
	[sflag:s22] =	ssyncset.done $0x0  }
0xa0: {  	[sflag:s22] =	ssyncadd.s32 s4;
	_ =	sdelay $0x1  }
0xa1: {  	s23 =	simm.s32 $0x1B8B  }
0xa2: {  	_ =	swait.ge [sflag:s23], $0x1  }
0xa3: {  	[sflag:s23] =	ssyncset.done $0x0  }
0xa4: {  	s25 =	simm.s32 $0x1B8E;
	s24 =	sld [smem:$0x3FFE];
	[sflag:s23] =	ssyncadd.s32 $0xFFFFFFFF  }
0xa5: {  	s26 =	simm.s32 $execute0_lowered;
	[smem:$0x3FD2] =	sst s25  }
0xa6: {  	s5 =	sshll.u32 s26, $0x1;
	_ =	strace $0x80000055;
	[dreg:$0x1] =	wrdreg $0xFFFFFFFF  }
0xa7: {  	s28 =	simm.s32 $_size_execute0_lowered;
	s3 =	sadd.s32 s3, s5;
	[dreg:$0x0] =	wrdreg $0x0  }
0xa8: {  	s5 =	sshll.u32 s28, $0x1;
	[dreg:$0x2] =	wrdreg s3  }
0xa9: {  	[dreg:$0x3] =	wrdreg s5  }
0xaa: {  	[dreg:$0x4] =	wrdreg $0xC0  }
0xab: {  	_ =	task [dreg:s7], $0x5FFFF  }
0xac: {  	[dreg:$0x1] =	wrdreg $0xFFFFFFFF  }
0xad: {  	[dreg:$0x0] =	wrdreg $0x60  }
0xae: {  	[dreg:$0x2] =	wrdreg s24  }
0xaf: {  	[dreg:$0x3] =	wrdreg s2  }
0xb0: {  	[dreg:$0x4] =	wrdreg $0x102000  }
0xb1: {  	[dreg:$0x5] =	wrdreg $0x9  }
0xb2: {  	_ =	task.clear_ibuf [dreg:s7], $0x6FFFF;
	_ =	strace $0x90000055  }
0xb3: {  	s29 =	simm.s32 $0x9;
	_ =	strace $0x80000057  }
0xb4: {  	_ =	swait.ge [sflag:s29], $0x1  }
0xb5: {  	[sflag:s29] =	ssyncadd.s32 $0xFFFFFFFF  }
0xb6: {  	_ =	strace $0x90000057  }
0xb7: {  	_ =	sfence  }
0xb8: {  	s30 =	sld [smem:$0x0];
	_ =	sdelay $0x2  }
0xb9: {  	s31 =	sshll.u32 s1, $0xD;
	s1 =	sshrl.u32 s1, $0x2  }
0xba: {  	s3 =	sand.u32 $0x4000, s31;
	s1 =	sadd.s32 s1, s30  }
0xbb: {  	s0 =	sor.u32 s3, s0;
	s1 =	sshll.u32 s1, $0x11  }
0xbc: {  	s0 =	sor.u32 s1, s0  }
0xbd: {  	s0 =	sadd.s32 $0x8F2B, s0  }
0xbe: {  	[sflag:s0] =	ssyncadd.remote.s32 $0x1  }
0xbf: {  	_ =	sfence.sel $0xFFFF  }
0xc0: {  	[dreg:$0x0] =	wrdreg $0xFFFFFFFF;
	(pc) =	sbr.abs _section_cstart, $3  }
0xc1: {  	[dreg:$0x1] =	wrdreg $0xFFFFFFFF  }
0xc2: {  	_ =	task.clear_ibuf [dreg:s7], $0x2FFFF;
	_ =	strace $0x9FFFFFFF  }
0xc3: {  	(tm) =	ssettm $0x7FFFFFFF  }
tec
execute0_lowered:
.L_overlay_start_1:
0x0: {  	(tag) =	ssettag $0x1  }
0x1: {  	s8 =	rddreg [dreg:$0x0]  }
0x2: {  	s4 =	rddreg [dreg:$0x1]  }
0x3: {  	s2 =	rddreg [dreg:$0x2]  }
0x4: {  	s5 =	srdreg.scid;
	s1 =	stileid.u32  }
0x5: {  	s3 =	simm.s32 $0x0;
	s17 =	sand.u32 $0x1, s5;
	s28 =	sshll.u32 s1, $0x1  }
0x6: {  	[smem:$0x7FF] =	sst s3;
	s5 =	sor.u32 s17, s28  }
0x7: {  	s0 =	rddreg [dreg:$0x3];
	_ =	strace $0x80000056;
	s6 =	sshll.u32 s5, $0x6  }
0x8: {  	s7 =	sshll.u32 s5, $0xD;
	s5 =	sadd.s32 s4, s6;
	s4 =	simm.s32 $0x1  }
0x9: {  	[tilespmem:s3], [sflag:$0x1] =	stream.linear.gather [hbm4b:s5+s3], $0x200, $0x38;
	[tilespmem:$0x14200] =	vst v63  }
0xa: {  	s9 =	sshll.u32 s1, $0xB;
	_ =	swait.ge [sflag:s4], $0x200  }
0xb: {  	s10 =	sshll.u32 s1, $0xE;
	s29 =	sadd.s32 s7, s8;
	[sflag:s4] =	ssyncset.done $0x0  }
0xc: {  	s7 =	simm.s32 $0x200;
	s6 =	sadd.s32 $0x8A00, s29;
	[sflag:s4] =	ssyncadd.s32 $0xFFFFFE00  }
0xd: {  	[tilespmem:s7], [sflag:$0x1] =	stream.linear.gather [hbm4b:s6+s3], $0x10000, $0x38;
	[tilespmem:$0x14200] =	vst v63  }
0xe: {  	s30 =	sshll.u32 s1, $0x6;
	s18 =	sadd.s32 s9, s8;
	_ =	swait.ge [sflag:s4], $0x10000  }
0xf: {  	s10 =	sadd.s32 s10, s2;
	s9 =	sor.u32 $0x1C01, s30;
	[sflag:s4] =	ssyncset.done $0x0  }
0x10: {  	s10 =	sshrl.u32 s10, $0x3;
	s8 =	sadd.s32 $0x88A00, s18;
	[sflag:s4] =	ssyncadd.s32 $0xFFFF0000  }
0x11: {  	[spmem:s10], [sflag:s9] =	dma.local [hbm:s8], $0x800  }
0x12: {  	_ =	swait.ge [sflag:s4], $0x800  }
0x13: {  	[sflag:s4] =	ssyncset.done $0x0  }
0x14: {  	[sflag:s4] =	ssyncadd.s32 $0xFFFFF800  }
0x15: {  	s11 =	simm.s32 $0x80;
	[bflag:$0x0] =	sbarrier.arrive $0xFFFF  }
0x16: {  	[spmem:s2] =	stream.indirect.scatter.add.f32 [tilespmem:s7], [sflag:$0x1], $0x80, s3, s11, $0xb8;
	[tilespmem:$0x14200] =	vst v63  }
0x17: {  	_ =	swait.ge [sflag:s4], $0x4000  }
0x18: {  	[sflag:s4] =	ssyncset.done $0x0  }
0x19: {  	s12 =	simm.s32 $0x4200;
	[sflag:s4] =	ssyncadd.s32 $0xFFFFC000  }
0x1a: {  	[spmem:s2] =	stream.indirect.scatter.add.f32 [tilespmem:s12], [sflag:$0x1], $0x80, s11, s11, $0xb8;
	[tilespmem:$0x14200] =	vst v63  }
0x1b: {  	_ =	swait.ge [sflag:s4], $0x4000  }
0x1c: {  	[sflag:s4] =	ssyncset.done $0x0  }
0x1d: {  	s13 =	simm.s32 $0x100;
	s14 =	simm.s32 $0x8200;
	[sflag:s4] =	ssyncadd.s32 $0xFFFFC000  }
0x1e: {  	[spmem:s2] =	stream.indirect.scatter.add.f32 [tilespmem:s14], [sflag:$0x1], $0x80, s13, s11, $0xb8;
	[tilespmem:$0x14200] =	vst v63  }
0x1f: {  	s19 =	ssub.s32 $0x2, s17;
	_ =	swait.ge [sflag:s4], $0x4000  }
0x20: {  	s15 =	simm.s32 $0x180;
	s20 =	sshrl.u32 s19, $0x1;
	[sflag:s4] =	ssyncset.done $0x0  }
0x21: {  	s16 =	simm.s32 $0xC200;
	s19 =	ssub.s32 s19, s20;
	[sflag:s4] =	ssyncadd.s32 $0xFFFFC000  }
0x22: {  	[spmem:s2] =	stream.indirect.scatter.add.f32 [tilespmem:s16], [sflag:$0x1], $0x80, s15, s11, $0xb8;
	[tilespmem:$0x14200] =	vst v63  }
0x23: {  	s31 =	smax.u32 s19, $0x1;
	_ =	swait.ge [sflag:s4], $0x4000  }
0x24: {  	s17 =	sshll.u32 s17, $0xF;
	p0 =	sne.s32 s31, $0x1;
	[sflag:s4] =	ssyncset.done $0x0  }
.Ltmp0:
0x25: {  	s17 =	sadd.s32 s17, s18;
	[sflag:s4] =	ssyncadd.s32 $0xFFFFC000;
	(pc) =	sbr.rel @!p0 .LBB2_2-.Ltmp0, $4  }
0x26: {  	s17 =	sadd.s32 $0x90A00, s17;
	[bflag:$0x0] =	sbarrier.arrive $0xFFFF  }
0x27: {  	[hbm:s17], [sflag:s9] =	dma.local [spmem:s10], $0x800  }
0x28: {  	_ =	swait.ge [sflag:s4], $0x800  }
0x29: {  	s18 =	sadd.s32 $0xFFFFFFFF, s31;
	[sflag:s4] =	ssyncset.done $0x0  }
.LBB2_1:
0x2a: {  	p0 =	sne.s32 s18, $0x1;
	s18 =	sadd.s32 $0xFFFFFFFF, s18;
	[sflag:s4] =	ssyncadd.s32 $0xFFFFF800  }
0x2b: {  	[tilespmem:s3], [sflag:$0x1] =	stream.linear.gather [hbm4b:s5+s3], $0x200, $0x38;
	[tilespmem:$0x14200] =	vst v63  }
0x2c: {  	_ =	swait.ge [sflag:s4], $0x200  }
0x2d: {  	[sflag:s4] =	ssyncset.done $0x0  }
0x2e: {  	[sflag:s4] =	ssyncadd.s32 $0xFFFFFE00  }
0x2f: {  	[tilespmem:s7], [sflag:$0x1] =	stream.linear.gather [hbm4b:s6+s3], $0x10000, $0x38;
	[tilespmem:$0x14200] =	vst v63  }
0x30: {  	_ =	swait.ge [sflag:s4], $0x10000  }
0x31: {  	[sflag:s4] =	ssyncset.done $0x0  }
0x32: {  	[sflag:s4] =	ssyncadd.s32 $0xFFFF0000  }
0x33: {  	[spmem:s10], [sflag:s9] =	dma.local [hbm:s8], $0x800  }
0x34: {  	_ =	swait.ge [sflag:s4], $0x800  }
0x35: {  	[sflag:s4] =	ssyncset.done $0x0  }
0x36: {  	[sflag:s4] =	ssyncadd.s32 $0xFFFFF800  }
0x37: {  	[bflag:$0x0] =	sbarrier.arrive $0xFFFF  }
0x38: {  	[spmem:s2] =	stream.indirect.scatter.add.f32 [tilespmem:s7], [sflag:$0x1], $0x80, s3, s11, $0xb8;
	[tilespmem:$0x14200] =	vst v63  }
0x39: {  	_ =	swait.ge [sflag:s4], $0x4000  }
0x3a: {  	[sflag:s4] =	ssyncset.done $0x0  }
0x3b: {  	[sflag:s4] =	ssyncadd.s32 $0xFFFFC000  }
0x3c: {  	[spmem:s2] =	stream.indirect.scatter.add.f32 [tilespmem:s12], [sflag:$0x1], $0x80, s11, s11, $0xb8;
	[tilespmem:$0x14200] =	vst v63  }
0x3d: {  	_ =	swait.ge [sflag:s4], $0x4000  }
0x3e: {  	[sflag:s4] =	ssyncset.done $0x0  }
0x3f: {  	[sflag:s4] =	ssyncadd.s32 $0xFFFFC000  }
0x40: {  	[spmem:s2] =	stream.indirect.scatter.add.f32 [tilespmem:s14], [sflag:$0x1], $0x80, s13, s11, $0xb8;
	[tilespmem:$0x14200] =	vst v63  }
0x41: {  	_ =	swait.ge [sflag:s4], $0x4000  }
0x42: {  	[sflag:s4] =	ssyncset.done $0x0  }
0x43: {  	[sflag:s4] =	ssyncadd.s32 $0xFFFFC000  }
0x44: {  	[spmem:s2] =	stream.indirect.scatter.add.f32 [tilespmem:s16], [sflag:$0x1], $0x80, s15, s11, $0xb8;
	[tilespmem:$0x14200] =	vst v63  }
0x45: {  	_ =	swait.ge [sflag:s4], $0x4000  }
0x46: {  	[sflag:s4] =	ssyncset.done $0x0  }
.Ltmp1:
0x47: {  	[sflag:s4] =	ssyncadd.s32 $0xFFFFC000;
	(pc) =	sbr.rel @p0 .LBB2_1-.Ltmp1, $4  }
0x48: {  	[bflag:$0x0] =	sbarrier.arrive $0xFFFF  }
0x49: {  	[hbm:s17], [sflag:s9] =	dma.local [spmem:s10], $0x800  }
0x4a: {  	_ =	swait.ge [sflag:s4], $0x800  }
0x4b: {  	[sflag:s4] =	ssyncset.done $0x0  }
.LBB2_2:
0x4c: {  	[sflag:s4] =	ssyncadd.s32 $0xFFFFF800  }
0x4d: {  	_ =	sfence.sel $0x180000  }
0x4e: {  	[bflag:$0x0] =	sbarrier.arrive $0xFFFF  }
0x4f: {  	p0 =	sne.s32 s1, $0x0;
	_ =	strace $0x90000056  }
0x50: {  	s0 =	sadd.s32 @!p0 $0x100000, s0;
	[bflag:$0x2] =	sbarrier.arrive $0xFFFF  }
0x51: {  	[sflag:s0] =	ssyncadd.tile.s32 @!p0 $0x1;
	_ =	shalt  }
.Lfunc_end2:
_tile_overlayer_lowered:
.L_overlay_start_2:
0x52: {  	(tag) =	ssettag $0x2  }
0x53: {  	s0 =	rddreg [dreg:$0x0];
	s2 =	stileid.u32  }
0x54: {  	s1 =	rddreg [dreg:$0x1];
	p0 =	sne.s32 s2, $0x0  }
0x55: {  	s3 =	rddreg [dreg:$0x2];
	[bflag:$0x3] =	sbarrier.arrive $0xFFFF;
	s2 =	simm.s32 @!p0 $0x1C01  }
0x56: {  	[timem:s3], [sflag:s2] =	dma.local @!p0 [hbm:s0], s1  }
0x57: {  	s0 =	simm.s32 @!p0 $0x1  }
0x58: {  	_ =	swait.ge @!p0 [sflag:s0], s1  }
0x59: {  	s1 =	ssub.s32 @!p0 $0x0, s1;
	[sflag:s0] =	ssyncset.done @!p0 $0x0  }
0x5a: {  	[sflag:s0] =	ssyncadd.s32 @!p0 s1  }
0x5b: {  	[bflag:$0x3] =	sbarrier.arrive $0xFFFF  }
0x5c: {  	_ =	shalt  }

// kernel: kernel.37.cloned.1.call-start
scs
__scs_entry_jumppad:
0x0: {  	(pc) =	sbr.rel $0x88, $3  }
0x1: {  	(tag) =	ssettag $0x0;
	lr =	simm.s32 $0x1  }
0x2: {  	[smem:$0x3F8F] =	sst lr;
	_ =	strace $0xD0000000  }
0x3: {  	_ = 	snop  }
0x4: {  	_ = 	snop  }
0x5: {  	_ = 	snop  }
0x6: {  	_ = 	snop  }
0x7: {  	_ = 	snop  }
__scs_overlays_trampoline_lowered:
0x8: {  	[smem:$0x3F9E] =	sst s0  }
0x9: {  	[smem:$0x3F9F] =	sst s1  }
0xa: {  	[smem:$0x3FA0] =	sst s2  }
0xb: {  	[smem:$0x3FA1] =	sst s3  }
0xc: {  	[smem:$0x3FA2] =	sst s4  }
0xd: {  	[smem:$0x3FA3] =	sst s5  }
0xe: {  	[smem:$0x3FA4] =	sst s6  }
0xf: {  	[smem:$0x3FA5] =	sst s7  }
0x10: {  	[smem:$0x3FA6] =	sst s8  }
0x11: {  	[smem:$0x3FA7] =	sst s9;
	s0 =	simm.s32 @!p0 $0x0  }
0x12: {  	s1 =	sld [smem:$0x3F8D];
	s0 =	simm.s32 @p0 $0x1  }
0x13: {  	[smem:$0x3FA8] =	sst s0;
	s0 =	simm.s32 @!p1 $0x0  }
0x14: {  	s2 =	sld [smem:$0x3F8C];
	s0 =	simm.s32 @p1 $0x1  }
0x15: {  	[smem:$0x3FA9] =	sst s0;
	s0 =	simm.s32 @!p2 $0x0  }
0x16: {  	s3 =	sld [smem:$0x3FDB];
	s0 =	simm.s32 @p2 $0x1  }
0x17: {  	s4 =	simm.s32 $0x1BF5;
	[smem:$0x3FAB] =	sst s0  }
0x18: {  	s0 =	sld [smem:$0x3F8E];
	_ =	swait.ge [sflag:s4], $0x0  }
0x19: {  	s7 =	sld [smem:$0x3F8F]  }
0x1a: {  	s8 =	sadd.s32 $0xFFFFE003, lr  }
0x1b: {  	s9 =	sadd.s32 $0xFFFFFEF7, lr;
	s5 =	simm.s32 $0xFFFFFFFF;
	p2 =	slt.u32 s8, $0xFFFFF086  }
0x1c: {  	p1 =	slt.u32 s9, $0xF7A;
	s5 =	simm.s32 @!p2 $0x0  }
0x1d: {  	s5 =	simm.s32 @p1 $0x1;
	p0 =	seq.s32 s7, s2  }
0x1e: {  	s7 =	smul.u32 @!p0 $0xF7A, s2;
	p2 =	seq.s32 @!p0 s5, $0x0  }
0x1f: {  	s9 =	smul.u32 $0xF7A, s1;
	s8 =	simm.s32 @!p0 $0x1BF5;
	p2 =	por !p2, p0  }
0x20: {  	[sflag:s8] =	ssyncset.s32 @!p0 $0xFFFFF086;
	s6 =	sadd.s32 @!p0 s3, s7;
	s7 =	simm.s32 @!p0 $0x108  }
0x21: {  	s3 =	sadd.s32 s3, s9;
	s6 =	sadd.s32 @!p0 $0x88, s6;
	s7 =	simm.s32 @p2 $0x1082  }
0x22: {  	[simem:s7], [sflag:s8] =	dma.local @!p0 [hbm:s6], $0xF7A  }
0x23: {  	s9 =	sor.u32 $0xD0000000, s2;
	s6 =	simm.s32 $0x108;
	_ =	swait.ge @!p0 [sflag:s8], $0x0  }
0x24: {  	s3 =	sadd.s32 $0x88, s3;
	s6 =	simm.s32 @!p1 $0x1082;
	[sflag:s4] =	ssyncset.s32 $0xFFFFF086  }
0x25: {  	[simem:s6], [sflag:s4] =	dma.local [hbm:s3], $0xF7A  }
0x26: {  	[smem:$0x3F8F] =	sst s1;
	(tag) =	ssettag s2;
	_ =	strace s9  }
0x27: {  	s1 =	sld [smem:$0x3F9F]  }
0x28: {  	s2 =	sld [smem:$0x3FA0]  }
0x29: {  	s4 =	sld [smem:$0x3FA2]  }
0x2a: {  	p0 =	seq.s32 s5, $0x0;
	s5 =	sld [smem:$0x3FA3]  }
0x2b: {  	s6 =	sld [smem:$0x3FA4]  }
0x2c: {  	s7 =	sld [smem:$0x3FA5]  }
0x2d: {  	s3 =	simm.s32 $0x108;
	s8 =	sld [smem:$0x3FA6]  }
0x2e: {  	s3 =	simm.s32 @!p0 $0x1082;
	s9 =	sld [smem:$0x3FA7]  }
0x2f: {  	lr =	sadd.s32 s0, s3;
	s0 =	sld [smem:$0x3F9E]  }
0x30: {  	s3 =	sld [smem:$0x3FA1]  }
0x31: {  	[smem:$0x3FAA] =	sst s10  }
0x32: {  	s10 =	sld [smem:$0x3FA8];
	_ =	sdelay $0x3  }
0x33: {  	p0 =	seq.s32 s10, $0x1;
	s10 =	sld [smem:$0x3FAA];
	_ =	sdelay $0x3  }
0x34: {  	[smem:$0x3FAA] =	sst s10  }
0x35: {  	s10 =	sld [smem:$0x3FA9];
	_ =	sdelay $0x3  }
0x36: {  	p1 =	seq.s32 s10, $0x1;
	s10 =	sld [smem:$0x3FAA];
	_ =	sdelay $0x3  }
0x37: {  	[smem:$0x3FAA] =	sst s10  }
0x38: {  	s10 =	sld [smem:$0x3FAB]  }
0x39: {  	_ = 	snop;
	(pc) =	sbr.ind lr, $3  }
0x3a: {  	_ = 	snop  }
0x3b: {  	_ = 	snop  }
0x3c: {  	p2 =	seq.s32 s10, $0x1;
	s10 =	sld [smem:$0x3FAA]  }
0x3d: {  	_ =	shalt  }
0x3e: {  	_ =	shalt  }
0x3f: {  	_ =	shalt  }
0x40: {  	_ =	shalt  }
0x41: {  	_ =	shalt  }
0x42: {  	_ =	shalt  }
0x43: {  	_ =	shalt  }
0x44: {  	_ =	shalt  }
0x45: {  	_ =	shalt  }
0x46: {  	_ =	shalt  }
0x47: {  	_ =	shalt  }
0x48: {  	_ =	shalt  }
0x49: {  	_ =	shalt  }
0x4a: {  	_ =	shalt  }
0x4b: {  	_ =	shalt  }
0x4c: {  	_ =	shalt  }
0x4d: {  	_ =	shalt  }
0x4e: {  	_ =	shalt  }
0x4f: {  	_ =	shalt  }
0x50: {  	_ =	shalt  }
0x51: {  	_ =	shalt  }
0x52: {  	_ =	shalt  }
0x53: {  	_ =	shalt  }
0x54: {  	_ =	shalt  }
0x55: {  	_ =	shalt  }
0x56: {  	_ =	shalt  }
0x57: {  	_ =	shalt  }
0x58: {  	_ =	shalt  }
0x59: {  	_ =	shalt  }
0x5a: {  	_ =	shalt  }
0x5b: {  	_ =	shalt  }
0x5c: {  	_ =	shalt  }
0x5d: {  	_ =	shalt  }
0x5e: {  	_ =	shalt  }
0x5f: {  	_ =	shalt  }
0x60: {  	_ =	shalt  }
0x61: {  	_ =	shalt  }
0x62: {  	_ =	shalt  }
0x63: {  	_ =	shalt  }
0x64: {  	_ =	shalt  }
0x65: {  	_ =	shalt  }
0x66: {  	_ =	shalt  }
0x67: {  	_ =	shalt  }
0x68: {  	_ =	shalt  }
0x69: {  	_ =	shalt  }
0x6a: {  	_ =	shalt  }
0x6b: {  	_ =	shalt  }
0x6c: {  	_ =	shalt  }
0x6d: {  	_ =	shalt  }
0x6e: {  	_ =	shalt  }
0x6f: {  	_ =	shalt  }
0x70: {  	_ =	shalt  }
0x71: {  	_ =	shalt  }
0x72: {  	_ =	shalt  }
0x73: {  	_ =	shalt  }
0x74: {  	_ =	shalt  }
0x75: {  	_ =	shalt  }
0x76: {  	_ =	shalt  }
0x77: {  	_ =	shalt  }
0x78: {  	_ =	shalt  }
0x79: {  	_ =	shalt  }
0x7a: {  	_ =	shalt  }
0x7b: {  	_ =	shalt  }
0x7c: {  	_ =	shalt  }
0x7d: {  	_ =	shalt  }
0x7e: {  	_ =	shalt  }
0x7f: {  	_ =	shalt  }
0x80: {  	_ =	shalt  }
0x81: {  	_ =	shalt  }
0x82: {  	_ =	shalt  }
0x83: {  	_ =	shalt  }
0x84: {  	_ =	shalt  }
0x85: {  	_ =	shalt  }
0x86: {  	_ =	shalt  }
0x87: {  	_ =	shalt  }
.Lfunc_end0:
.L_simem_size_0:
called_computation.6_lowered:
.L_overlay_start_0:
0x88: {  	s2 =	sld [smem:$0x3FD9]  }
0x89: {  	s3 =	sld [smem:$0x3FFE];
	_ =	sdelay $0x1  }
0x8a: {  	s1 =	srdreg.scid  }
0x8b: {  	s0 =	sand.u32 $0x1, s1  }
0x8c: {  	s17 =	sshll.u32 s0, $0xA;
	s2 =	sadd.s32 s3, s2  }
0x8d: {  	s2 =	sadd.s32 s2, s17  }
0x8e: {  	[smem:$0x3FB6] =	sst s2  }
0x8f: {  	_ = 	snop  }
0x90: {  	s2 =	sld [smem:$0x3FC7]  }
0x91: {  	s18 =	sld [smem:$0x3FC6];
	(tm) =	ssettm $0x1  }
0x92: {  	s4 =	sld [smem:$0x3FFB];
	_ =	sdelay $0x3  }
0x93: {  	_ =	strace s4  }
0x94: {  	s4 =	sld [smem:$0x3FFC];
	_ =	sdelay $0x3  }
0x95: {  	_ =	strace s4  }
0x96: {  	s4 =	sld [smem:$0x3FFD];
	_ =	sdelay $0x3  }
0x97: {  	_ =	strace s4  }
0x98: {  	_ =	strace $0x8FFFFFFF  }
0x99: {  	s19 =	sld [smem:$0x3FDB];
	_ =	sdelay $0x1  }
0x9a: {  	s5 =	simm.s32 $_scs_section_size  }
0x9b: {  	s6 =	simm.s32 $_size__tile_overlayer_lowered;
	s7 =	simm.s32 $_tile_overlayer_lowered  }
0x9c: {  	s22 =	simm.s32 $0x1BFF;
	s21 =	sshll.u32 s7, $0x1;
	s4 =	sadd.s32 s5, s19  }
0x9d: {  	s8 =	simm.s32 $0x0;
	s20 =	sshll.u32 s6, $0x1;
	s6 =	sadd.s32 s21, s4  }
0x9e: {  	[timem:s8], [sflag:s22] =	dma.local [hbm:s6], s20  }
0x9f: {  	_ =	swait.ge [sflag:s22], s20  }
0xa0: {  	s5 =	ssub.s32 $0x0, s20;
	[sflag:s22] =	ssyncset.done $0x0  }
0xa1: {  	[sflag:s22] =	ssyncadd.s32 s5;
	_ =	sdelay $0x1  }
0xa2: {  	s23 =	simm.s32 $0x1B8B  }
0xa3: {  	_ =	swait.ge [sflag:s23], $0x1  }
0xa4: {  	[sflag:s23] =	ssyncset.done $0x0  }
0xa5: {  	s25 =	simm.s32 $0x1B8E;
	s24 =	sld [smem:$0x3FFE];
	[sflag:s23] =	ssyncadd.s32 $0xFFFFFFFF  }
0xa6: {  	s26 =	simm.s32 $execute0_lowered;
	[smem:$0x3FD2] =	sst s25  }
0xa7: {  	s6 =	sshll.u32 s26, $0x1;
	_ =	strace $0x80000058;
	[dreg:$0x1] =	wrdreg $0xFFFFFFFF  }
0xa8: {  	s28 =	simm.s32 $_size_execute0_lowered;
	s4 =	sadd.s32 s4, s6;
	[dreg:$0x0] =	wrdreg $0x0  }
0xa9: {  	s6 =	sshll.u32 s28, $0x1;
	[dreg:$0x2] =	wrdreg s4  }
0xaa: {  	[dreg:$0x3] =	wrdreg s6  }
0xab: {  	[dreg:$0x4] =	wrdreg $0xC0  }
0xac: {  	_ =	task [dreg:s8], $0x5FFFF  }
0xad: {  	[dreg:$0x1] =	wrdreg $0xFFFFFFFF  }
0xae: {  	[dreg:$0x0] =	wrdreg $0x60  }
0xaf: {  	[dreg:$0x2] =	wrdreg s24  }
0xb0: {  	[dreg:$0x3] =	wrdreg s2  }
0xb1: {  	[dreg:$0x4] =	wrdreg s18  }
0xb2: {  	[dreg:$0x5] =	wrdreg $0x9  }
0xb3: {  	_ =	task.clear_ibuf [dreg:s8], $0x6FFFF;
	_ =	strace $0x90000058  }
0xb4: {  	s29 =	simm.s32 $0x9;
	_ =	strace $0x8000005A  }
0xb5: {  	_ =	swait.ge [sflag:s29], $0x1  }
0xb6: {  	[sflag:s29] =	ssyncadd.s32 $0xFFFFFFFF  }
0xb7: {  	_ =	strace $0x9000005A  }
0xb8: {  	_ =	sfence  }
0xb9: {  	s30 =	sld [smem:$0x0];
	_ =	sdelay $0x2  }
0xba: {  	s31 =	sshll.u32 s1, $0xD;
	s1 =	sshrl.u32 s1, $0x2  }
0xbb: {  	s3 =	sand.u32 $0x4000, s31;
	s1 =	sadd.s32 s1, s30  }
0xbc: {  	s0 =	sor.u32 s3, s0;
	s1 =	sshll.u32 s1, $0x11  }
0xbd: {  	s0 =	sor.u32 s1, s0  }
0xbe: {  	s0 =	sadd.s32 $0x8F2B, s0  }
0xbf: {  	[sflag:s0] =	ssyncadd.remote.s32 $0x1  }
0xc0: {  	_ =	sfence.sel $0xFFFF  }
0xc1: {  	[dreg:$0x0] =	wrdreg $0xFFFFFFFF;
	(pc) =	sbr.abs _section_cstart, $3  }
0xc2: {  	[dreg:$0x1] =	wrdreg $0xFFFFFFFF  }
0xc3: {  	_ =	task.clear_ibuf [dreg:s8], $0x2FFFF;
	_ =	strace $0x9FFFFFFF  }
0xc4: {  	(tm) =	ssettm $0x7FFFFFFF  }
0xc5: {  	_ =	shalt  }
tec
execute0_lowered:
.L_overlay_start_1:
0x0: {  	(tag) =	ssettag $0x1  }
0x1: {  	s16 =	rddreg [dreg:$0x0];
	s1 =	srdreg.scid  }
0x2: {  	s3 =	rddreg [dreg:$0x1];
	s0 =	stileid.u32;
	s21 =	sand.u32 $0x1, s1  }
0x3: {  	s5 =	rddreg [dreg:$0x2];
	s4 =	sshll.u32 s0, $0xA;
	s6 =	sshll.u32 s21, $0x9  }
0x4: {  	s2 =	simm.s32 $0x0;
	s1 =	rddreg [dreg:$0x3];
	s15 =	sor.u32 s6, s4  }
0x5: {  	[smem:$0x7FF] =	sst s2;
	s6 =	sshrl.u32 s15, $0x3  }
0x6: {  	_ =	strace $0x80000059;
	s4 =	sadd.s32 s3, s6;
	s3 =	simm.s32 $0x2  }
0x7: {  	[tilespmem:s2], [sflag:$0x2] =	stream.linear.gather [hbm4b:s4+s2], $0x200, $0x38;
	[tilespmem:$0x10400] =	vst v63  }
0x8: {  	_ =	swait.ge [sflag:s3], $0x200  }
0x9: {  	[sflag:s3] =	ssyncset.done $0x0  }
0xa: {  	s5 =	sadd.s32 s5, s6;
	s6 =	simm.s32 $0x200;
	[sflag:s3] =	ssyncadd.s32 $0xFFFFFE00  }
0xb: {  	[tilespmem:s6], [sflag:$0x2] =	stream.linear.gather [hbm4b:s5+s2], $0x200, $0x38;
	[tilespmem:$0x10400] =	vst v63  }
0xc: {  	_ =	swait.ge [sflag:s3], $0x200  }
0xd: {  	s8 =	simm.s32 $0x80;
	[sflag:s3] =	ssyncset.done $0x0  }
0xe: {  	s9 =	simm.s32 $0x400;
	s7 =	sadd.s32 $0x8A00, s16;
	[sflag:s3] =	ssyncadd.s32 $0xFFFFFE00  }
0xf: {  	[tilespmem:s9], [sflag:$0x1] =	stream.indirect.gather [hbm4b:s7+s8], $0x80, s2, s8, $0xb8;
	[tilespmem:$0x10400] =	vst v63  }
0x10: {  	s10 =	simm.s32 $0x8400  }
0x11: {  	[tilespmem:s10], [sflag:$0x1] =	stream.indirect.gather [hbm4b:s7+s8], $0x80, s6, s8, $0xb8;
	[tilespmem:$0x10400] =	vst v63  }
0x12: {  	s11 =	simm.s32 $0x4400  }
0x13: {  	[tilespmem:s11], [sflag:$0x1] =	stream.indirect.gather [hbm4b:s7+s8], $0x80, s8, s8, $0xb8;
	[tilespmem:$0x10400] =	vst v63  }
0x14: {  	s12 =	simm.s32 $0x280;
	s13 =	simm.s32 $0xC400;
	s14 =	simm.s32 $0x1  }
0x15: {  	[tilespmem:s13], [sflag:$0x1] =	stream.indirect.gather [hbm4b:s7+s8], $0x80, s12, s8, $0xb8;
	[tilespmem:$0x10400] =	vst v63  }
0x16: {  	_ =	swait.ge [sflag:s14], $0x4000  }
0x17: {  	[sflag:s14] =	ssyncset.done $0x0  }
0x18: {  	[sflag:s14] =	ssyncadd.s32 $0xFFFFC000  }
0x19: {  	_ =	swait.ge [sflag:s14], $0x4000  }
0x1a: {  	[sflag:s14] =	ssyncset.done $0x0  }
0x1b: {  	[sflag:s14] =	ssyncadd.s32 $0xFFFFC000  }
0x1c: {  	_ =	swait.ge [sflag:s14], $0x4000  }
0x1d: {  	[sflag:s14] =	ssyncset.done $0x0  }
0x1e: {  	[sflag:s14] =	ssyncadd.s32 $0xFFFFC000  }
0x1f: {  	_ =	swait.ge [sflag:s14], $0x4000  }
0x20: {  	s22 =	sadd.s32 $0x90A00, s16;
	s23 =	sshll.u32 s15, $0x4;
	[sflag:s14] =	ssyncset.done $0x0  }
0x21: {  	s15 =	sadd.s32 s22, s23;
	[sflag:s14] =	ssyncadd.s32 $0xFFFFC000  }
0x22: {  	[hbm4b:s15+s2] =	stream.linear.scatter [tilespmem:s9], [sflag:$0x2], $0x8000, $0x38;
	[tilespmem:$0x10400] =	vst v63  }
0x23: {  	_ =	swait.ge [sflag:s3], $0x8000  }
0x24: {  	s24 =	sadd.s32 $0xD0A00, s16;
	[sflag:s3] =	ssyncset.done $0x0  }
0x25: {  	s16 =	sadd.s32 s24, s23;
	[sflag:s3] =	ssyncadd.s32 $0xFFFF8000  }
0x26: {  	[hbm4b:s16+s2] =	stream.linear.scatter [tilespmem:s10], [sflag:$0x2], $0x8000, $0x38;
	[tilespmem:$0x10400] =	vst v63  }
0x27: {  	_ =	swait.ge [sflag:s3], $0x8000  }
0x28: {  	[sflag:s3] =	ssyncset.done $0x0  }
0x29: {  	s17 =	simm.s32 $0x100;
	[sflag:s3] =	ssyncadd.s32 $0xFFFF8000  }
0x2a: {  	[tilespmem:s9], [sflag:$0x1] =	stream.indirect.gather [hbm4b:s7+s8], $0x80, s17, s8, $0xb8;
	[tilespmem:$0x10400] =	vst v63  }
0x2b: {  	s18 =	simm.s32 $0x300  }
0x2c: {  	[tilespmem:s10], [sflag:$0x1] =	stream.indirect.gather [hbm4b:s7+s8], $0x80, s18, s8, $0xb8;
	[tilespmem:$0x10400] =	vst v63  }
0x2d: {  	s19 =	simm.s32 $0x180  }
0x2e: {  	[tilespmem:s11], [sflag:$0x1] =	stream.indirect.gather [hbm4b:s7+s8], $0x80, s19, s8, $0xb8;
	[tilespmem:$0x10400] =	vst v63  }
0x2f: {  	s20 =	simm.s32 $0x380  }
0x30: {  	[tilespmem:s13], [sflag:$0x1] =	stream.indirect.gather [hbm4b:s7+s8], $0x80, s20, s8, $0xb8;
	[tilespmem:$0x10400] =	vst v63  }
0x31: {  	_ =	swait.ge [sflag:s14], $0x4000  }
0x32: {  	[sflag:s14] =	ssyncset.done $0x0  }
0x33: {  	[sflag:s14] =	ssyncadd.s32 $0xFFFFC000  }
0x34: {  	_ =	swait.ge [sflag:s14], $0x4000  }
0x35: {  	[sflag:s14] =	ssyncset.done $0x0  }
0x36: {  	[sflag:s14] =	ssyncadd.s32 $0xFFFFC000  }
0x37: {  	_ =	swait.ge [sflag:s14], $0x4000  }
0x38: {  	[sflag:s14] =	ssyncset.done $0x0  }
0x39: {  	s25 =	ssub.s32 $0x2, s21;
	[sflag:s14] =	ssyncadd.s32 $0xFFFFC000  }
0x3a: {  	s30 =	sshrl.u32 s25, $0x1;
	_ =	swait.ge [sflag:s14], $0x4000  }
0x3b: {  	s25 =	ssub.s32 s25, s30;
	s23 =	sor.u32 $0x1000, s23;
	[sflag:s14] =	ssyncset.done $0x0  }
0x3c: {  	s31 =	smax.u32 s25, $0x1;
	s21 =	sadd.s32 s22, s23;
	[sflag:s14] =	ssyncadd.s32 $0xFFFFC000  }
0x3d: {  	[hbm4b:s21+s2] =	stream.linear.scatter [tilespmem:s9], [sflag:$0x2], $0x8000, $0x38;
	[tilespmem:$0x10400] =	vst v63  }
0x3e: {  	p0 =	sne.s32 s31, $0x1;
	_ =	swait.ge [sflag:s3], $0x8000  }
.Ltmp0:
0x3f: {  	[sflag:s3] =	ssyncset.done $0x0;
	(pc) =	sbr.rel @!p0 .LBB2_2-.Ltmp0, $4  }
0x40: {  	s22 =	sadd.s32 s24, s23;
	[sflag:s3] =	ssyncadd.s32 $0xFFFF8000  }
0x41: {  	[hbm4b:s22+s2] =	stream.linear.scatter [tilespmem:s10], [sflag:$0x2], $0x8000, $0x38;
	[tilespmem:$0x10400] =	vst v63  }
0x42: {  	_ =	swait.ge [sflag:s3], $0x8000  }
0x43: {  	s23 =	sadd.s32 $0xFFFFFFFF, s31;
	[sflag:s3] =	ssyncset.done $0x0  }
.LBB2_1:
0x44: {  	p0 =	sne.s32 s23, $0x1;
	s23 =	sadd.s32 $0xFFFFFFFF, s23;
	[sflag:s3] =	ssyncadd.s32 $0xFFFF8000  }
0x45: {  	[tilespmem:s2], [sflag:$0x2] =	stream.linear.gather [hbm4b:s4+s2], $0x200, $0x38;
	[tilespmem:$0x10400] =	vst v63  }
0x46: {  	_ =	swait.ge [sflag:s3], $0x200  }
0x47: {  	[sflag:s3] =	ssyncset.done $0x0  }
0x48: {  	[sflag:s3] =	ssyncadd.s32 $0xFFFFFE00  }
0x49: {  	[tilespmem:s6], [sflag:$0x2] =	stream.linear.gather [hbm4b:s5+s2], $0x200, $0x38;
	[tilespmem:$0x10400] =	vst v63  }
0x4a: {  	_ =	swait.ge [sflag:s3], $0x200  }
0x4b: {  	[sflag:s3] =	ssyncset.done $0x0  }
0x4c: {  	[sflag:s3] =	ssyncadd.s32 $0xFFFFFE00  }
0x4d: {  	[tilespmem:s9], [sflag:$0x1] =	stream.indirect.gather [hbm4b:s7+s8], $0x80, s2, s8, $0xb8;
	[tilespmem:$0x10400] =	vst v63  }
0x4e: {  	_ = 	snop  }
0x4f: {  	[tilespmem:s10], [sflag:$0x1] =	stream.indirect.gather [hbm4b:s7+s8], $0x80, s6, s8, $0xb8;
	[tilespmem:$0x10400] =	vst v63  }
0x50: {  	_ = 	snop  }
0x51: {  	[tilespmem:s11], [sflag:$0x1] =	stream.indirect.gather [hbm4b:s7+s8], $0x80, s8, s8, $0xb8;
	[tilespmem:$0x10400] =	vst v63  }
0x52: {  	_ = 	snop  }
0x53: {  	[tilespmem:s13], [sflag:$0x1] =	stream.indirect.gather [hbm4b:s7+s8], $0x80, s12, s8, $0xb8;
	[tilespmem:$0x10400] =	vst v63  }
0x54: {  	_ =	swait.ge [sflag:s14], $0x4000  }
0x55: {  	[sflag:s14] =	ssyncset.done $0x0  }
0x56: {  	[sflag:s14] =	ssyncadd.s32 $0xFFFFC000  }
0x57: {  	_ =	swait.ge [sflag:s14], $0x4000  }
0x58: {  	[sflag:s14] =	ssyncset.done $0x0  }
0x59: {  	[sflag:s14] =	ssyncadd.s32 $0xFFFFC000  }
0x5a: {  	_ =	swait.ge [sflag:s14], $0x4000  }
0x5b: {  	[sflag:s14] =	ssyncset.done $0x0  }
0x5c: {  	[sflag:s14] =	ssyncadd.s32 $0xFFFFC000  }
0x5d: {  	_ =	swait.ge [sflag:s14], $0x4000  }
0x5e: {  	[sflag:s14] =	ssyncset.done $0x0  }
0x5f: {  	[sflag:s14] =	ssyncadd.s32 $0xFFFFC000  }
0x60: {  	[hbm4b:s15+s2] =	stream.linear.scatter [tilespmem:s9], [sflag:$0x2], $0x8000, $0x38;
	[tilespmem:$0x10400] =	vst v63  }
0x61: {  	_ =	swait.ge [sflag:s3], $0x8000  }
0x62: {  	[sflag:s3] =	ssyncset.done $0x0  }
0x63: {  	[sflag:s3] =	ssyncadd.s32 $0xFFFF8000  }
0x64: {  	[hbm4b:s16+s2] =	stream.linear.scatter [tilespmem:s10], [sflag:$0x2], $0x8000, $0x38;
	[tilespmem:$0x10400] =	vst v63  }
0x65: {  	_ =	swait.ge [sflag:s3], $0x8000  }
0x66: {  	[sflag:s3] =	ssyncset.done $0x0  }
0x67: {  	[sflag:s3] =	ssyncadd.s32 $0xFFFF8000  }
0x68: {  	[tilespmem:s9], [sflag:$0x1] =	stream.indirect.gather [hbm4b:s7+s8], $0x80, s17, s8, $0xb8;
	[tilespmem:$0x10400] =	vst v63  }
0x69: {  	_ = 	snop  }
0x6a: {  	[tilespmem:s10], [sflag:$0x1] =	stream.indirect.gather [hbm4b:s7+s8], $0x80, s18, s8, $0xb8;
	[tilespmem:$0x10400] =	vst v63  }
0x6b: {  	_ = 	snop  }
0x6c: {  	[tilespmem:s11], [sflag:$0x1] =	stream.indirect.gather [hbm4b:s7+s8], $0x80, s19, s8, $0xb8;
	[tilespmem:$0x10400] =	vst v63  }
0x6d: {  	_ = 	snop  }
0x6e: {  	[tilespmem:s13], [sflag:$0x1] =	stream.indirect.gather [hbm4b:s7+s8], $0x80, s20, s8, $0xb8;
	[tilespmem:$0x10400] =	vst v63  }
0x6f: {  	_ =	swait.ge [sflag:s14], $0x4000  }
0x70: {  	[sflag:s14] =	ssyncset.done $0x0  }
0x71: {  	[sflag:s14] =	ssyncadd.s32 $0xFFFFC000  }
0x72: {  	_ =	swait.ge [sflag:s14], $0x4000  }
0x73: {  	[sflag:s14] =	ssyncset.done $0x0  }
0x74: {  	[sflag:s14] =	ssyncadd.s32 $0xFFFFC000  }
0x75: {  	_ =	swait.ge [sflag:s14], $0x4000  }
0x76: {  	[sflag:s14] =	ssyncset.done $0x0  }
0x77: {  	[sflag:s14] =	ssyncadd.s32 $0xFFFFC000  }
0x78: {  	_ =	swait.ge [sflag:s14], $0x4000  }
0x79: {  	[sflag:s14] =	ssyncset.done $0x0  }
0x7a: {  	[sflag:s14] =	ssyncadd.s32 $0xFFFFC000  }
0x7b: {  	[hbm4b:s21+s2] =	stream.linear.scatter [tilespmem:s9], [sflag:$0x2], $0x8000, $0x38;
	[tilespmem:$0x10400] =	vst v63  }
0x7c: {  	_ =	swait.ge [sflag:s3], $0x8000  }
.Ltmp1:
0x7d: {  	[sflag:s3] =	ssyncset.done $0x0;
	(pc) =	sbr.rel @p0 .LBB2_1-.Ltmp1, $4  }
0x7e: {  	[sflag:s3] =	ssyncadd.s32 $0xFFFF8000  }
0x7f: {  	[hbm4b:s22+s2] =	stream.linear.scatter [tilespmem:s10], [sflag:$0x2], $0x8000, $0x38;
	[tilespmem:$0x10400] =	vst v63  }
0x80: {  	_ =	swait.ge [sflag:s3], $0x8000  }
0x81: {  	[sflag:s3] =	ssyncset.done $0x0  }
.LBB2_2:
0x82: {  	[sflag:s3] =	ssyncadd.s32 $0xFFFF8000  }
0x83: {  	_ =	sfence.sel $0x180000  }
0x84: {  	[bflag:$0x0] =	sbarrier.arrive $0xFFFF  }
0x85: {  	p0 =	sne.s32 s0, $0x0;
	_ =	strace $0x90000059  }
0x86: {  	s0 =	sadd.s32 @!p0 $0x100000, s1;
	[bflag:$0x2] =	sbarrier.arrive $0xFFFF  }
0x87: {  	[sflag:s0] =	ssyncadd.tile.s32 @!p0 $0x1;
	_ =	shalt  }
.Lfunc_end2:
_tile_overlayer_lowered:
.L_overlay_start_2:
0x88: {  	(tag) =	ssettag $0x2  }
0x89: {  	s0 =	rddreg [dreg:$0x0];
	s2 =	stileid.u32  }
0x8a: {  	s1 =	rddreg [dreg:$0x1];
	p0 =	sne.s32 s2, $0x0  }
0x8b: {  	s3 =	rddreg [dreg:$0x2];
	[bflag:$0x3] =	sbarrier.arrive $0xFFFF;
	s2 =	simm.s32 @!p0 $0x1C02  }
0x8c: {  	[timem:s3], [sflag:s2] =	dma.local @!p0 [hbm:s0], s1  }
0x8d: {  	s0 =	simm.s32 @!p0 $0x2  }
0x8e: {  	_ =	swait.ge @!p0 [sflag:s0], s1  }
0x8f: {  	s1 =	ssub.s32 @!p0 $0x0, s1;
	[sflag:s0] =	ssyncset.done @!p0 $0x0  }
0x90: {  	[sflag:s0] =	ssyncadd.s32 @!p0 s1  }
0x91: {  	[bflag:$0x3] =	sbarrier.arrive $0xFFFF  }
0x92: {  	_ =	shalt  }

// kernel: kernel.40.cloned.1.call-start
scs
__scs_entry_jumppad:
0x0: {  	(pc) =	sbr.rel $0x88, $3  }
0x1: {  	(tag) =	ssettag $0x0;
	lr =	simm.s32 $0x1  }
0x2: {  	[smem:$0x3F8F] =	sst lr;
	_ =	strace $0xD0000000  }
0x3: {  	_ = 	snop  }
0x4: {  	_ = 	snop  }
0x5: {  	_ = 	snop  }
0x6: {  	_ = 	snop  }
0x7: {  	_ = 	snop  }
__scs_overlays_trampoline_lowered:
0x8: {  	[smem:$0x3F9E] =	sst s0  }
0x9: {  	[smem:$0x3F9F] =	sst s1  }
0xa: {  	[smem:$0x3FA0] =	sst s2  }
0xb: {  	[smem:$0x3FA1] =	sst s3  }
0xc: {  	[smem:$0x3FA2] =	sst s4  }
0xd: {  	[smem:$0x3FA3] =	sst s5  }
0xe: {  	[smem:$0x3FA4] =	sst s6  }
0xf: {  	[smem:$0x3FA5] =	sst s7  }
0x10: {  	[smem:$0x3FA6] =	sst s8  }
0x11: {  	[smem:$0x3FA7] =	sst s9;
	s0 =	simm.s32 @!p0 $0x0  }
0x12: {  	s1 =	sld [smem:$0x3F8D];
	s0 =	simm.s32 @p0 $0x1  }
0x13: {  	[smem:$0x3FA8] =	sst s0;
	s0 =	simm.s32 @!p1 $0x0  }
0x14: {  	s2 =	sld [smem:$0x3F8C];
	s0 =	simm.s32 @p1 $0x1  }
0x15: {  	[smem:$0x3FA9] =	sst s0;
	s0 =	simm.s32 @!p2 $0x0  }
0x16: {  	s3 =	sld [smem:$0x3FDB];
	s0 =	simm.s32 @p2 $0x1  }
0x17: {  	s4 =	simm.s32 $0x1BF5;
	[smem:$0x3FAB] =	sst s0  }
0x18: {  	s0 =	sld [smem:$0x3F8E];
	_ =	swait.ge [sflag:s4], $0x0  }
0x19: {  	s7 =	sld [smem:$0x3F8F]  }
0x1a: {  	s8 =	sadd.s32 $0xFFFFE003, lr  }
0x1b: {  	s9 =	sadd.s32 $0xFFFFFEF7, lr;
	s5 =	simm.s32 $0xFFFFFFFF;
	p2 =	slt.u32 s8, $0xFFFFF086  }
0x1c: {  	p1 =	slt.u32 s9, $0xF7A;
	s5 =	simm.s32 @!p2 $0x0  }
0x1d: {  	s5 =	simm.s32 @p1 $0x1;
	p0 =	seq.s32 s7, s2  }
0x1e: {  	s7 =	smul.u32 @!p0 $0xF7A, s2;
	p2 =	seq.s32 @!p0 s5, $0x0  }
0x1f: {  	s9 =	smul.u32 $0xF7A, s1;
	s8 =	simm.s32 @!p0 $0x1BF5;
	p2 =	por !p2, p0  }
0x20: {  	[sflag:s8] =	ssyncset.s32 @!p0 $0xFFFFF086;
	s6 =	sadd.s32 @!p0 s3, s7;
	s7 =	simm.s32 @!p0 $0x108  }
0x21: {  	s3 =	sadd.s32 s3, s9;
	s6 =	sadd.s32 @!p0 $0x88, s6;
	s7 =	simm.s32 @p2 $0x1082  }
0x22: {  	[simem:s7], [sflag:s8] =	dma.local @!p0 [hbm:s6], $0xF7A  }
0x23: {  	s9 =	sor.u32 $0xD0000000, s2;
	s6 =	simm.s32 $0x108;
	_ =	swait.ge @!p0 [sflag:s8], $0x0  }
0x24: {  	s3 =	sadd.s32 $0x88, s3;
	s6 =	simm.s32 @!p1 $0x1082;
	[sflag:s4] =	ssyncset.s32 $0xFFFFF086  }
0x25: {  	[simem:s6], [sflag:s4] =	dma.local [hbm:s3], $0xF7A  }
0x26: {  	[smem:$0x3F8F] =	sst s1;
	(tag) =	ssettag s2;
	_ =	strace s9  }
0x27: {  	s1 =	sld [smem:$0x3F9F]  }
0x28: {  	s2 =	sld [smem:$0x3FA0]  }
0x29: {  	s4 =	sld [smem:$0x3FA2]  }
0x2a: {  	p0 =	seq.s32 s5, $0x0;
	s5 =	sld [smem:$0x3FA3]  }
0x2b: {  	s6 =	sld [smem:$0x3FA4]  }
0x2c: {  	s7 =	sld [smem:$0x3FA5]  }
0x2d: {  	s3 =	simm.s32 $0x108;
	s8 =	sld [smem:$0x3FA6]  }
0x2e: {  	s3 =	simm.s32 @!p0 $0x1082;
	s9 =	sld [smem:$0x3FA7]  }
0x2f: {  	lr =	sadd.s32 s0, s3;
	s0 =	sld [smem:$0x3F9E]  }
0x30: {  	s3 =	sld [smem:$0x3FA1]  }
0x31: {  	[smem:$0x3FAA] =	sst s10  }
0x32: {  	s10 =	sld [smem:$0x3FA8];
	_ =	sdelay $0x3  }
0x33: {  	p0 =	seq.s32 s10, $0x1;
	s10 =	sld [smem:$0x3FAA];
	_ =	sdelay $0x3  }
0x34: {  	[smem:$0x3FAA] =	sst s10  }
0x35: {  	s10 =	sld [smem:$0x3FA9];
	_ =	sdelay $0x3  }
0x36: {  	p1 =	seq.s32 s10, $0x1;
	s10 =	sld [smem:$0x3FAA];
	_ =	sdelay $0x3  }
0x37: {  	[smem:$0x3FAA] =	sst s10  }
0x38: {  	s10 =	sld [smem:$0x3FAB]  }
0x39: {  	_ = 	snop;
	(pc) =	sbr.ind lr, $3  }
0x3a: {  	_ = 	snop  }
0x3b: {  	_ = 	snop  }
0x3c: {  	p2 =	seq.s32 s10, $0x1;
	s10 =	sld [smem:$0x3FAA]  }
0x3d: {  	_ =	shalt  }
0x3e: {  	_ =	shalt  }
0x3f: {  	_ =	shalt  }
0x40: {  	_ =	shalt  }
0x41: {  	_ =	shalt  }
0x42: {  	_ =	shalt  }
0x43: {  	_ =	shalt  }
0x44: {  	_ =	shalt  }
0x45: {  	_ =	shalt  }
0x46: {  	_ =	shalt  }
0x47: {  	_ =	shalt  }
0x48: {  	_ =	shalt  }
0x49: {  	_ =	shalt  }
0x4a: {  	_ =	shalt  }
0x4b: {  	_ =	shalt  }
0x4c: {  	_ =	shalt  }
0x4d: {  	_ =	shalt  }
0x4e: {  	_ =	shalt  }
0x4f: {  	_ =	shalt  }
0x50: {  	_ =	shalt  }
0x51: {  	_ =	shalt  }
0x52: {  	_ =	shalt  }
0x53: {  	_ =	shalt  }
0x54: {  	_ =	shalt  }
0x55: {  	_ =	shalt  }
0x56: {  	_ =	shalt  }
0x57: {  	_ =	shalt  }
0x58: {  	_ =	shalt  }
0x59: {  	_ =	shalt  }
0x5a: {  	_ =	shalt  }
0x5b: {  	_ =	shalt  }
0x5c: {  	_ =	shalt  }
0x5d: {  	_ =	shalt  }
0x5e: {  	_ =	shalt  }
0x5f: {  	_ =	shalt  }
0x60: {  	_ =	shalt  }
0x61: {  	_ =	shalt  }
0x62: {  	_ =	shalt  }
0x63: {  	_ =	shalt  }
0x64: {  	_ =	shalt  }
0x65: {  	_ =	shalt  }
0x66: {  	_ =	shalt  }
0x67: {  	_ =	shalt  }
0x68: {  	_ =	shalt  }
0x69: {  	_ =	shalt  }
0x6a: {  	_ =	shalt  }
0x6b: {  	_ =	shalt  }
0x6c: {  	_ =	shalt  }
0x6d: {  	_ =	shalt  }
0x6e: {  	_ =	shalt  }
0x6f: {  	_ =	shalt  }
0x70: {  	_ =	shalt  }
0x71: {  	_ =	shalt  }
0x72: {  	_ =	shalt  }
0x73: {  	_ =	shalt  }
0x74: {  	_ =	shalt  }
0x75: {  	_ =	shalt  }
0x76: {  	_ =	shalt  }
0x77: {  	_ =	shalt  }
0x78: {  	_ =	shalt  }
0x79: {  	_ =	shalt  }
0x7a: {  	_ =	shalt  }
0x7b: {  	_ =	shalt  }
0x7c: {  	_ =	shalt  }
0x7d: {  	_ =	shalt  }
0x7e: {  	_ =	shalt  }
0x7f: {  	_ =	shalt  }
0x80: {  	_ =	shalt  }
0x81: {  	_ =	shalt  }
0x82: {  	_ =	shalt  }
0x83: {  	_ =	shalt  }
0x84: {  	_ =	shalt  }
0x85: {  	_ =	shalt  }
0x86: {  	_ =	shalt  }
0x87: {  	_ =	shalt  }
.Lfunc_end0:
.L_simem_size_0:
called_computation.7_lowered:
.L_overlay_start_0:
0x88: {  	s2 =	sld [smem:$0x3FD9]  }
0x89: {  	s3 =	sld [smem:$0x3FFE];
	_ =	sdelay $0x1  }
0x8a: {  	s1 =	srdreg.scid  }
0x8b: {  	s0 =	sand.u32 $0x1, s1  }
0x8c: {  	s17 =	sshll.u32 s0, $0xA;
	s2 =	sadd.s32 s3, s2  }
0x8d: {  	s2 =	sadd.s32 s2, s17  }
0x8e: {  	[smem:$0x3FB6] =	sst s2  }
0x8f: {  	_ = 	snop  }
0x90: {  	s2 =	sld [smem:$0x3FC6];
	(tm) =	ssettm $0x1  }
0x91: {  	s18 =	sld [smem:$0x3FFB];
	_ =	sdelay $0x3  }
0x92: {  	_ =	strace s18  }
0x93: {  	s3 =	sld [smem:$0x3FFC];
	_ =	sdelay $0x3  }
0x94: {  	_ =	strace s3  }
0x95: {  	s3 =	sld [smem:$0x3FFD];
	_ =	sdelay $0x3  }
0x96: {  	_ =	strace s3  }
0x97: {  	_ =	strace $0x8FFFFFFF  }
0x98: {  	s19 =	sld [smem:$0x3FDB];
	_ =	sdelay $0x1  }
0x99: {  	s4 =	simm.s32 $_scs_section_size  }
0x9a: {  	s5 =	simm.s32 $_size__tile_overlayer_lowered;
	s6 =	simm.s32 $_tile_overlayer_lowered  }
0x9b: {  	s22 =	simm.s32 $0x1BFF;
	s21 =	sshll.u32 s6, $0x1;
	s3 =	sadd.s32 s4, s19  }
0x9c: {  	s7 =	simm.s32 $0x0;
	s20 =	sshll.u32 s5, $0x1;
	s5 =	sadd.s32 s21, s3  }
0x9d: {  	[timem:s7], [sflag:s22] =	dma.local [hbm:s5], s20  }
0x9e: {  	_ =	swait.ge [sflag:s22], s20  }
0x9f: {  	s4 =	ssub.s32 $0x0, s20;
	[sflag:s22] =	ssyncset.done $0x0  }
0xa0: {  	[sflag:s22] =	ssyncadd.s32 s4;
	_ =	sdelay $0x1  }
0xa1: {  	s23 =	simm.s32 $0x1B8B  }
0xa2: {  	_ =	swait.ge [sflag:s23], $0x1  }
0xa3: {  	[sflag:s23] =	ssyncset.done $0x0  }
0xa4: {  	s25 =	simm.s32 $0x1B8E;
	s24 =	sld [smem:$0x3FFE];
	[sflag:s23] =	ssyncadd.s32 $0xFFFFFFFF  }
0xa5: {  	s26 =	simm.s32 $execute0_lowered;
	[smem:$0x3FD2] =	sst s25  }
0xa6: {  	s5 =	sshll.u32 s26, $0x1;
	_ =	strace $0x8000005B;
	[dreg:$0x1] =	wrdreg $0xFFFFFFFF  }
0xa7: {  	s28 =	simm.s32 $_size_execute0_lowered;
	s3 =	sadd.s32 s3, s5;
	[dreg:$0x0] =	wrdreg $0x0  }
0xa8: {  	s5 =	sshll.u32 s28, $0x1;
	[dreg:$0x2] =	wrdreg s3  }
0xa9: {  	[dreg:$0x3] =	wrdreg s5  }
0xaa: {  	[dreg:$0x4] =	wrdreg $0xC0  }
0xab: {  	_ =	task [dreg:s7], $0x5FFFF  }
0xac: {  	[dreg:$0x1] =	wrdreg $0xFFFFFFFF  }
0xad: {  	[dreg:$0x0] =	wrdreg $0x60  }
0xae: {  	[dreg:$0x2] =	wrdreg s24  }
0xaf: {  	[dreg:$0x3] =	wrdreg s2  }
0xb0: {  	[dreg:$0x4] =	wrdreg $0x102000  }
0xb1: {  	[dreg:$0x5] =	wrdreg $0x9  }
0xb2: {  	_ =	task.clear_ibuf [dreg:s7], $0x6FFFF;
	_ =	strace $0x9000005B  }
0xb3: {  	s29 =	simm.s32 $0x9;
	_ =	strace $0x8000005D  }
0xb4: {  	_ =	swait.ge [sflag:s29], $0x1  }
0xb5: {  	[sflag:s29] =	ssyncadd.s32 $0xFFFFFFFF  }
0xb6: {  	_ =	strace $0x9000005D  }
0xb7: {  	_ =	sfence  }
0xb8: {  	s30 =	sld [smem:$0x0];
	_ =	sdelay $0x2  }
0xb9: {  	s31 =	sshll.u32 s1, $0xD;
	s1 =	sshrl.u32 s1, $0x2  }
0xba: {  	s3 =	sand.u32 $0x4000, s31;
	s1 =	sadd.s32 s1, s30  }
0xbb: {  	s0 =	sor.u32 s3, s0;
	s1 =	sshll.u32 s1, $0x11  }
0xbc: {  	s0 =	sor.u32 s1, s0  }
0xbd: {  	s0 =	sadd.s32 $0x8F2B, s0  }
0xbe: {  	[sflag:s0] =	ssyncadd.remote.s32 $0x1  }
0xbf: {  	_ =	sfence.sel $0xFFFF  }
0xc0: {  	[dreg:$0x0] =	wrdreg $0xFFFFFFFF;
	(pc) =	sbr.abs _section_cstart, $3  }
0xc1: {  	[dreg:$0x1] =	wrdreg $0xFFFFFFFF  }
0xc2: {  	_ =	task.clear_ibuf [dreg:s7], $0x2FFFF;
	_ =	strace $0x9FFFFFFF  }
0xc3: {  	(tm) =	ssettm $0x7FFFFFFF  }
tec
execute0_lowered:
.L_overlay_start_1:
0x0: {  	(tag) =	ssettag $0x1  }
0x1: {  	s8 =	rddreg [dreg:$0x0]  }
0x2: {  	s4 =	rddreg [dreg:$0x1]  }
0x3: {  	s2 =	rddreg [dreg:$0x2]  }
0x4: {  	s5 =	srdreg.scid;
	s1 =	stileid.u32  }
0x5: {  	s3 =	simm.s32 $0x0;
	s17 =	sand.u32 $0x1, s5;
	s28 =	sshll.u32 s1, $0x1  }
0x6: {  	[smem:$0x7FF] =	sst s3;
	s5 =	sor.u32 s17, s28  }
0x7: {  	s0 =	rddreg [dreg:$0x3];
	_ =	strace $0x8000005C;
	s6 =	sshll.u32 s5, $0x6  }
0x8: {  	s7 =	sshll.u32 s5, $0xD;
	s5 =	sadd.s32 s4, s6;
	s4 =	simm.s32 $0x1  }
0x9: {  	[tilespmem:s3], [sflag:$0x1] =	stream.linear.gather [hbm4b:s5+s3], $0x200, $0x38;
	[tilespmem:$0x14200] =	vst v63  }
0xa: {  	s9 =	sshll.u32 s1, $0xB;
	_ =	swait.ge [sflag:s4], $0x200  }
0xb: {  	s10 =	sshll.u32 s1, $0xE;
	s29 =	sadd.s32 s7, s8;
	[sflag:s4] =	ssyncset.done $0x0  }
0xc: {  	s7 =	simm.s32 $0x200;
	s6 =	sadd.s32 $0x8A00, s29;
	[sflag:s4] =	ssyncadd.s32 $0xFFFFFE00  }
0xd: {  	[tilespmem:s7], [sflag:$0x1] =	stream.linear.gather [hbm4b:s6+s3], $0x10000, $0x38;
	[tilespmem:$0x14200] =	vst v63  }
0xe: {  	s30 =	sshll.u32 s1, $0x6;
	s18 =	sadd.s32 s9, s8;
	_ =	swait.ge [sflag:s4], $0x10000  }
0xf: {  	s10 =	sadd.s32 s10, s2;
	s9 =	sor.u32 $0x1C01, s30;
	[sflag:s4] =	ssyncset.done $0x0  }
0x10: {  	s10 =	sshrl.u32 s10, $0x3;
	s8 =	sadd.s32 $0x88A00, s18;
	[sflag:s4] =	ssyncadd.s32 $0xFFFF0000  }
0x11: {  	[spmem:s10], [sflag:s9] =	dma.local [hbm:s8], $0x800  }
0x12: {  	_ =	swait.ge [sflag:s4], $0x800  }
0x13: {  	[sflag:s4] =	ssyncset.done $0x0  }
0x14: {  	[sflag:s4] =	ssyncadd.s32 $0xFFFFF800  }
0x15: {  	s11 =	simm.s32 $0x80;
	[bflag:$0x0] =	sbarrier.arrive $0xFFFF  }
0x16: {  	[spmem:s2] =	stream.indirect.scatter.add.f32 [tilespmem:s7], [sflag:$0x1], $0x80, s3, s11, $0xb8;
	[tilespmem:$0x14200] =	vst v63  }
0x17: {  	_ =	swait.ge [sflag:s4], $0x4000  }
0x18: {  	[sflag:s4] =	ssyncset.done $0x0  }
0x19: {  	s12 =	simm.s32 $0x4200;
	[sflag:s4] =	ssyncadd.s32 $0xFFFFC000  }
0x1a: {  	[spmem:s2] =	stream.indirect.scatter.add.f32 [tilespmem:s12], [sflag:$0x1], $0x80, s11, s11, $0xb8;
	[tilespmem:$0x14200] =	vst v63  }
0x1b: {  	_ =	swait.ge [sflag:s4], $0x4000  }
0x1c: {  	[sflag:s4] =	ssyncset.done $0x0  }
0x1d: {  	s13 =	simm.s32 $0x100;
	s14 =	simm.s32 $0x8200;
	[sflag:s4] =	ssyncadd.s32 $0xFFFFC000  }
0x1e: {  	[spmem:s2] =	stream.indirect.scatter.add.f32 [tilespmem:s14], [sflag:$0x1], $0x80, s13, s11, $0xb8;
	[tilespmem:$0x14200] =	vst v63  }
0x1f: {  	s19 =	ssub.s32 $0x2, s17;
	_ =	swait.ge [sflag:s4], $0x4000  }
0x20: {  	s15 =	simm.s32 $0x180;
	s20 =	sshrl.u32 s19, $0x1;
	[sflag:s4] =	ssyncset.done $0x0  }
0x21: {  	s16 =	simm.s32 $0xC200;
	s19 =	ssub.s32 s19, s20;
	[sflag:s4] =	ssyncadd.s32 $0xFFFFC000  }
0x22: {  	[spmem:s2] =	stream.indirect.scatter.add.f32 [tilespmem:s16], [sflag:$0x1], $0x80, s15, s11, $0xb8;
	[tilespmem:$0x14200] =	vst v63  }
0x23: {  	s31 =	smax.u32 s19, $0x1;
	_ =	swait.ge [sflag:s4], $0x4000  }
0x24: {  	s17 =	sshll.u32 s17, $0xF;
	p0 =	sne.s32 s31, $0x1;
	[sflag:s4] =	ssyncset.done $0x0  }
.Ltmp0:
0x25: {  	s17 =	sadd.s32 s17, s18;
	[sflag:s4] =	ssyncadd.s32 $0xFFFFC000;
	(pc) =	sbr.rel @!p0 .LBB2_2-.Ltmp0, $4  }
0x26: {  	s17 =	sadd.s32 $0x48A00, s17;
	[bflag:$0x0] =	sbarrier.arrive $0xFFFF  }
0x27: {  	[hbm:s17], [sflag:s9] =	dma.local [spmem:s10], $0x800  }
0x28: {  	_ =	swait.ge [sflag:s4], $0x800  }
0x29: {  	s18 =	sadd.s32 $0xFFFFFFFF, s31;
	[sflag:s4] =	ssyncset.done $0x0  }
.LBB2_1:
0x2a: {  	p0 =	sne.s32 s18, $0x1;
	s18 =	sadd.s32 $0xFFFFFFFF, s18;
	[sflag:s4] =	ssyncadd.s32 $0xFFFFF800  }
0x2b: {  	[tilespmem:s3], [sflag:$0x1] =	stream.linear.gather [hbm4b:s5+s3], $0x200, $0x38;
	[tilespmem:$0x14200] =	vst v63  }
0x2c: {  	_ =	swait.ge [sflag:s4], $0x200  }
0x2d: {  	[sflag:s4] =	ssyncset.done $0x0  }
0x2e: {  	[sflag:s4] =	ssyncadd.s32 $0xFFFFFE00  }
0x2f: {  	[tilespmem:s7], [sflag:$0x1] =	stream.linear.gather [hbm4b:s6+s3], $0x10000, $0x38;
	[tilespmem:$0x14200] =	vst v63  }
0x30: {  	_ =	swait.ge [sflag:s4], $0x10000  }
0x31: {  	[sflag:s4] =	ssyncset.done $0x0  }
0x32: {  	[sflag:s4] =	ssyncadd.s32 $0xFFFF0000  }
0x33: {  	[spmem:s10], [sflag:s9] =	dma.local [hbm:s8], $0x800  }
0x34: {  	_ =	swait.ge [sflag:s4], $0x800  }
0x35: {  	[sflag:s4] =	ssyncset.done $0x0  }
0x36: {  	[sflag:s4] =	ssyncadd.s32 $0xFFFFF800  }
0x37: {  	[bflag:$0x0] =	sbarrier.arrive $0xFFFF  }
0x38: {  	[spmem:s2] =	stream.indirect.scatter.add.f32 [tilespmem:s7], [sflag:$0x1], $0x80, s3, s11, $0xb8;
	[tilespmem:$0x14200] =	vst v63  }
0x39: {  	_ =	swait.ge [sflag:s4], $0x4000  }
0x3a: {  	[sflag:s4] =	ssyncset.done $0x0  }
0x3b: {  	[sflag:s4] =	ssyncadd.s32 $0xFFFFC000  }
0x3c: {  	[spmem:s2] =	stream.indirect.scatter.add.f32 [tilespmem:s12], [sflag:$0x1], $0x80, s11, s11, $0xb8;
	[tilespmem:$0x14200] =	vst v63  }
0x3d: {  	_ =	swait.ge [sflag:s4], $0x4000  }
0x3e: {  	[sflag:s4] =	ssyncset.done $0x0  }
0x3f: {  	[sflag:s4] =	ssyncadd.s32 $0xFFFFC000  }
0x40: {  	[spmem:s2] =	stream.indirect.scatter.add.f32 [tilespmem:s14], [sflag:$0x1], $0x80, s13, s11, $0xb8;
	[tilespmem:$0x14200] =	vst v63  }
0x41: {  	_ =	swait.ge [sflag:s4], $0x4000  }
0x42: {  	[sflag:s4] =	ssyncset.done $0x0  }
0x43: {  	[sflag:s4] =	ssyncadd.s32 $0xFFFFC000  }
0x44: {  	[spmem:s2] =	stream.indirect.scatter.add.f32 [tilespmem:s16], [sflag:$0x1], $0x80, s15, s11, $0xb8;
	[tilespmem:$0x14200] =	vst v63  }
0x45: {  	_ =	swait.ge [sflag:s4], $0x4000  }
0x46: {  	[sflag:s4] =	ssyncset.done $0x0  }
.Ltmp1:
0x47: {  	[sflag:s4] =	ssyncadd.s32 $0xFFFFC000;
	(pc) =	sbr.rel @p0 .LBB2_1-.Ltmp1, $4  }
0x48: {  	[bflag:$0x0] =	sbarrier.arrive $0xFFFF  }
0x49: {  	[hbm:s17], [sflag:s9] =	dma.local [spmem:s10], $0x800  }
0x4a: {  	_ =	swait.ge [sflag:s4], $0x800  }
0x4b: {  	[sflag:s4] =	ssyncset.done $0x0  }
.LBB2_2:
0x4c: {  	[sflag:s4] =	ssyncadd.s32 $0xFFFFF800  }
0x4d: {  	_ =	sfence.sel $0x180000  }
0x4e: {  	[bflag:$0x0] =	sbarrier.arrive $0xFFFF  }
0x4f: {  	p0 =	sne.s32 s1, $0x0;
	_ =	strace $0x9000005C  }
0x50: {  	s0 =	sadd.s32 @!p0 $0x100000, s0;
	[bflag:$0x2] =	sbarrier.arrive $0xFFFF  }
0x51: {  	[sflag:s0] =	ssyncadd.tile.s32 @!p0 $0x1;
	_ =	shalt  }
.Lfunc_end2:
_tile_overlayer_lowered:
.L_overlay_start_2:
0x52: {  	(tag) =	ssettag $0x2  }
0x53: {  	s0 =	rddreg [dreg:$0x0];
	s2 =	stileid.u32  }
0x54: {  	s1 =	rddreg [dreg:$0x1];
	p0 =	sne.s32 s2, $0x0  }
0x55: {  	s3 =	rddreg [dreg:$0x2];
	[bflag:$0x3] =	sbarrier.arrive $0xFFFF;
	s2 =	simm.s32 @!p0 $0x1C01  }
0x56: {  	[timem:s3], [sflag:s2] =	dma.local @!p0 [hbm:s0], s1  }
0x57: {  	s0 =	simm.s32 @!p0 $0x1  }
0x58: {  	_ =	swait.ge @!p0 [sflag:s0], s1  }
0x59: {  	s1 =	ssub.s32 @!p0 $0x0, s1;
	[sflag:s0] =	ssyncset.done @!p0 $0x0  }
0x5a: {  	[sflag:s0] =	ssyncadd.s32 @!p0 s1  }
0x5b: {  	[bflag:$0x3] =	sbarrier.arrive $0xFFFF  }
0x5c: {  	_ =	shalt  }

</sc_bundles>
